<compile_context>
chip_gen: v7x
topology: tpu7x:2x2x1
jax: 0.10.2.dev20260603
libtpu: 0.0.44.dev20260713+nightly
codegen_flags: <defaults>
</compile_context>

<pallas_src>
import functools

import jax
import jax.numpy as jnp
from jax import lax
from jax.experimental import pallas as pl
from jax.experimental.pallas import tpu as pltpu
from jax.experimental.pallas import tpu_sc as plsc

N = 10000
E = 320000
D = 128
H = 64

NC = 2
NS = 16
NW = NC * NS
CHUNK = 80
NCH = -(-E // (NW * CHUNK))
EPT = NCH * CHUNK
EPAD = NW * EPT
NPAD = 10240
RPT = NPAD // NS
ZROWS = RPT // 8

W1 = H + 16

DEPTH = 4
NBUF = 2 * DEPTH


def _make_seg_sum(width):
  mesh = plsc.VectorSubcoreMesh(core_axis_name="c", subcore_axis_name="s")

  @functools.partial(
      pl.kernel,
      out_type=jax.ShapeDtypeStruct((NC, NPAD, width), jnp.float32),
      mesh=mesh,
      scratch_types=[
          pltpu.VMEM_SHARED((NPAD, width), jnp.float32),
          pltpu.VMEM((NCH, CHUNK), jnp.int32),
          pltpu.VMEM((NCH, CHUNK), jnp.int32),
          [pltpu.VMEM((CHUNK, width), jnp.float32) for _ in range(NBUF)],
          pltpu.VMEM((ZROWS, width), jnp.float32),
          [pltpu.SemaphoreType.DMA for _ in range(NBUF)],
          [pltpu.SemaphoreType.DMA for _ in range(NBUF)],
          pltpu.SemaphoreType.DMA,
          pltpu.SemaphoreType.DMA,
      ],
      compiler_params=pltpu.CompilerParams(use_tc_tiling_on_sc=False),
  )
  def seg_sum(tab_hbm, ei_hbm, out_hbm, acc_sh, srcv, dstv,
              rows, zbuf, gsem, ssem, isem, zsem):
    c = lax.axis_index("c")
    s = lax.axis_index("s")
    wid = c * NS + s

    pltpu.async_copy(ei_hbm.at[0, wid], srcv, isem)
    pltpu.async_copy(ei_hbm.at[1, wid], dstv, isem)

    def zrow(r, carry):
      for j in range(width // 16):
        zbuf[r, pl.ds(j * 16, 16)] = jnp.zeros((16,), jnp.float32)
      return carry

    lax.fori_loop(0, ZROWS, zrow, 0)
    for b in range(RPT // ZROWS):
      pltpu.async_copy(zbuf, acc_sh.at[pl.ds(s * RPT + b * ZROWS, ZROWS)],
                       zsem)
    for b in range(RPT // ZROWS):
      pltpu.make_async_copy(zbuf, acc_sh.at[pl.ds(s * RPT, ZROWS)],
                            zsem).wait()
    pltpu.make_async_copy(ei_hbm.at[0, wid], srcv, isem).wait()
    pltpu.make_async_copy(ei_hbm.at[1, wid], dstv, isem).wait()
    plsc.subcore_barrier()

    def gather(ch, b):
      pltpu.async_copy(tab_hbm.at[srcv.at[ch]], rows[b], gsem[b])

    def gwait(b):
      pltpu.make_async_copy(tab_hbm.at[srcv.at[0]], rows[b], gsem[b]).wait()

    def scat(ch, b):
      pltpu.async_copy(rows[b], acc_sh.at[dstv.at[ch]], ssem[b], add=True)

    def swait(b):
      pltpu.make_async_copy(rows[b], acc_sh.at[dstv.at[0]], ssem[b]).wait()

    for ch0 in range(DEPTH):
      gather(ch0, ch0)

    def body(i, carry):
      for b in range(NBUF):
        ch = NBUF * i + b

        @pl.when(ch < NCH)
        def _():
          nb = (b + DEPTH) % NBUF

          @pl.when(ch + DEPTH < NCH)
          def _():
            @pl.when(ch >= DEPTH)
            def _():
              swait(nb)
            gather(ch + DEPTH, nb)

          gwait(b)
          scat(ch, b)

      return carry

    lax.fori_loop(0, -(-NCH // NBUF), body, 0)
    for ch in range(max(0, NCH - NBUF), NCH):
      swait(ch % NBUF)
    plsc.subcore_barrier()
    pltpu.sync_copy(acc_sh.at[pl.ds(s * RPT, RPT)],
                    out_hbm.at[c, pl.ds(s * RPT, RPT)])

  return seg_sum


_seg_sum_w = _make_seg_sum(W1)
_seg_sum_h = _make_seg_sum(H)


def _dotT(a, b):
  return lax.dot_general(a, b, (((1,), (1,)), ((), ())),
                         preferred_element_type=jnp.float32)


def _tc0_body(x_ref, wl_ref, wr_ref, tab_ref, q_ref):
  x = x_ref[...]
  p = _dotT(x, wl_ref[...])
  ones_col = (lax.broadcasted_iota(jnp.int32, (N, W1 - H), 1) == 0)
  tab_ref[...] = jnp.concatenate([p, ones_col.astype(jnp.float32)], axis=1)
  q_ref[...] = _dotT(x, wr_ref[...])


_tc0 = pl.pallas_call(
    _tc0_body,
    out_shape=[
        jax.ShapeDtypeStruct((N, W1), jnp.float32),
        jax.ShapeDtypeStruct((N, H), jnp.float32),
    ],
)


def _tc1_body(parts_ref, q_ref, b_ref, wl_ref, wr_ref,
              tab_ref, q2_ref, deg_ref):
  m = parts_ref[0, :N, :] + parts_ref[1, :N, :]
  agg = m[:, :H]
  deg = jnp.maximum(jnp.sum(m[:, H:], axis=1, keepdims=True), 1.0)
  h = jnp.maximum(agg / deg + b_ref[...] + q_ref[...], 0.0)
  tab_ref[...] = _dotT(h, wl_ref[...])
  q2_ref[...] = _dotT(h, wr_ref[...])
  deg_ref[...] = deg


_tc1 = pl.pallas_call(
    _tc1_body,
    out_shape=[
        jax.ShapeDtypeStruct((N, H), jnp.float32),
        jax.ShapeDtypeStruct((N, H), jnp.float32),
        jax.ShapeDtypeStruct((N, 1), jnp.float32),
    ],
)


def _tc2_body(parts_ref, q_ref, deg_ref, b_ref, wl_ref, wr_ref,
              tab_ref, q2_ref):
  m = parts_ref[0, :N, :] + parts_ref[1, :N, :]
  h = jnp.maximum(m / deg_ref[...] + b_ref[...] + q_ref[...], 0.0)
  tab_ref[...] = _dotT(h, wl_ref[...])
  q2_ref[...] = _dotT(h, wr_ref[...])


_tc2 = pl.pallas_call(
    _tc2_body,
    out_shape=[
        jax.ShapeDtypeStruct((N, H), jnp.float32),
        jax.ShapeDtypeStruct((N, H), jnp.float32),
    ],
)


def _tc3_body(parts_ref, q_ref, deg_ref, b_ref, wc_ref, bc_ref, out_ref):
  m = parts_ref[0, :N, :] + parts_ref[1, :N, :]
  h = jnp.maximum(m / deg_ref[...] + b_ref[...] + q_ref[...], 0.0)
  out_ref[...] = _dotT(h, wc_ref[...])[:, :1] + bc_ref[0]


_tc3 = pl.pallas_call(
    _tc3_body,
    in_specs=[
        pl.BlockSpec(memory_space=pltpu.VMEM),
        pl.BlockSpec(memory_space=pltpu.VMEM),
        pl.BlockSpec(memory_space=pltpu.VMEM),
        pl.BlockSpec(memory_space=pltpu.VMEM),
        pl.BlockSpec(memory_space=pltpu.VMEM),
        pl.BlockSpec(memory_space=pltpu.SMEM),
    ],
    out_shape=jax.ShapeDtypeStruct((N, 1), jnp.float32),
)


@jax.jit
def kernel(x, edge_index, W1a_l, b1a, W1a_r, W1b_l, b1b, W1b_r,
           W2_l, b2, W2_r, Wc, bc):
  pad = jnp.tile(jnp.array([[0], [NPAD - 1]], jnp.int32), (1, EPAD - E))
  ei_flat = jnp.concatenate([edge_index, pad], axis=1).reshape(2, NW, NCH, CHUNK)
  tab1, q1 = _tc0(x, W1a_l, W1a_r)
  parts1 = _seg_sum_w(tab1, ei_flat)
  tab2, q2, deg = _tc1(parts1, q1, b1a.reshape(1, H), W1b_l, W1b_r)
  parts2 = _seg_sum_h(tab2, ei_flat)
  tab3, q3 = _tc2(parts2, q2, deg, b1b.reshape(1, H), W2_l, W2_r)
  parts3 = _seg_sum_h(tab3, ei_flat)
  wc_pad = jnp.zeros((128, H), jnp.float32).at[0].set(Wc[0])
  out = _tc3(parts3, q3, deg, b2.reshape(1, H), wc_pad, bc)
  return out[:, 0]

# --- scband reference (transcript-rebuilt; emitter-appended) ---
"""Pipeline reference for scband-fraud-gnn-91018946937012 (READ-ONLY COPY).

The authoritative reference and input builder live on the scoring server;
editing this copy changes nothing except your own understanding.
"""

import jax, jax.numpy as jnp
import numpy as np

N = 10000
E = 320000
D = 128
H = 64


def setup_inputs(seed: int = 0) -> dict:
    key = jax.random.key(seed)
    ks = jax.random.split(key, 16)
    x = jax.random.normal(ks[0], (N, D), dtype=jnp.float32)
    edge_index = jax.random.randint(ks[1], (2, E), 0, N, dtype=jnp.int32)
    s = 0.05
    # GraphSAGE #1 (2 layers of SAGEConv: lin_l on mean-aggregated neighbors with bias, lin_r on root)
    W1a_l = jax.random.normal(ks[2], (H, D), dtype=jnp.float32) * s
    b1a = jnp.zeros((H,), dtype=jnp.float32)
    W1a_r = jax.random.normal(ks[3], (H, D), dtype=jnp.float32) * s
    W1b_l = jax.random.normal(ks[4], (H, H), dtype=jnp.float32) * s
    b1b = jnp.zeros((H,), dtype=jnp.float32)
    W1b_r = jax.random.normal(ks[5], (H, H), dtype=jnp.float32) * s
    # GraphSAGE #2 (1 layer)
    W2_l = jax.random.normal(ks[6], (H, H), dtype=jnp.float32) * s
    b2 = jnp.zeros((H,), dtype=jnp.float32)
    W2_r = jax.random.normal(ks[7], (H, H), dtype=jnp.float32) * s
    # classifier
    Wc = jax.random.normal(ks[8], (1, H), dtype=jnp.float32) * s
    bc = jnp.zeros((1,), dtype=jnp.float32)
    return {
        "x": x, "edge_index": edge_index,
        "W1a_l": W1a_l, "b1a": b1a, "W1a_r": W1a_r,
        "W1b_l": W1b_l, "b1b": b1b, "W1b_r": W1b_r,
        "W2_l": W2_l, "b2": b2, "W2_r": W2_r,
        "Wc": Wc, "bc": bc,
    }


def _sage_conv(h, src, dst, W_l, b_l, W_r):
    # mean aggregation of neighbor messages at dst
    msg = h[src]
    agg = jax.ops.segment_sum(msg, dst, num_segments=N)
    deg = jax.ops.segment_sum(jnp.ones((src.shape[0],), dtype=h.dtype), dst, num_segments=N)
    mean = agg / jnp.maximum(deg, 1.0)[:, None]
    return mean @ W_l.T + b_l + h @ W_r.T


def reference(x, edge_index, W1a_l, b1a, W1a_r, W1b_l, b1b, W1b_r, W2_l, b2, W2_r, Wc, bc):
    src = edge_index[0]
    dst = edge_index[1]
    # conv1 = GraphSAGE(num_layers=2): SAGEConv -> ReLU -> SAGEConv
    h = _sage_conv(x, src, dst, W1a_l, b1a, W1a_r)
    h = jax.nn.relu(h)
    h = _sage_conv(h, src, dst, W1b_l, b1b, W1b_r)
    # outer relu in FraudGNN.forward
    h = jax.nn.relu(h)
    # conv2 = GraphSAGE(num_layers=1): single SAGEConv
    h = _sage_conv(h, src, dst, W2_l, b2, W2_r)
    h = jax.nn.relu(h)
    out = h @ Wc.T + bc
    return out.squeeze(-1)

if __name__ == "__main__":
    import jax
    _d = setup_inputs()
    print(jax.jit(kernel)(*tuple(_d.values())))

</pallas_src>

<mosaic_0001>
#map = affine_map<(d0, d1) -> (0, 0)>
#map1 = affine_map<(d0, d1) -> (0, 0, 0, 0)>
#map2 = affine_map<(d0, d1) -> (0, 0, 0)>
module attributes {stable_mosaic.version = 14 : i64} {
  func.func @seg_sum(%arg0: i32, %arg1: i32, %arg2: memref<10000x80xf32, #tpu.memory_space<hbm>>, %arg3: memref<2x32x125x80xi32, #tpu.memory_space<hbm>>, %arg4: memref<2x10240x80xf32, #tpu.memory_space<hbm>>, %arg5: memref<10240x80xf32, #tpu.memory_space<vmem_shared>>, %arg6: memref<125x80xi32, #tpu.memory_space<vmem>>, %arg7: memref<125x80xi32, #tpu.memory_space<vmem>>, %arg8: memref<80x80xf32, #tpu.memory_space<vmem>>, %arg9: memref<80x80xf32, #tpu.memory_space<vmem>>, %arg10: memref<80x80xf32, #tpu.memory_space<vmem>>, %arg11: memref<80x80xf32, #tpu.memory_space<vmem>>, %arg12: memref<80x80xf32, #tpu.memory_space<vmem>>, %arg13: memref<80x80xf32, #tpu.memory_space<vmem>>, %arg14: memref<80x80xf32, #tpu.memory_space<vmem>>, %arg15: memref<80x80xf32, #tpu.memory_space<vmem>>, %arg16: memref<80x80xf32, #tpu.memory_space<vmem>>, %arg17: memref<!tpu.dma_semaphore, #tpu.memory_space<semaphore_mem>>, %arg18: memref<!tpu.dma_semaphore, #tpu.memory_space<semaphore_mem>>, %arg19: memref<!tpu.dma_semaphore, #tpu.memory_space<semaphore_mem>>, %arg20: memref<!tpu.dma_semaphore, #tpu.memory_space<semaphore_mem>>, %arg21: memref<!tpu.dma_semaphore, #tpu.memory_space<semaphore_mem>>, %arg22: memref<!tpu.dma_semaphore, #tpu.memory_space<semaphore_mem>>, %arg23: memref<!tpu.dma_semaphore, #tpu.memory_space<semaphore_mem>>, %arg24: memref<!tpu.dma_semaphore, #tpu.memory_space<semaphore_mem>>, %arg25: memref<!tpu.dma_semaphore, #tpu.memory_space<semaphore_mem>>, %arg26: memref<!tpu.dma_semaphore, #tpu.memory_space<semaphore_mem>>, %arg27: memref<!tpu.dma_semaphore, #tpu.memory_space<semaphore_mem>>, %arg28: memref<!tpu.dma_semaphore, #tpu.memory_space<semaphore_mem>>, %arg29: memref<!tpu.dma_semaphore, #tpu.memory_space<semaphore_mem>>, %arg30: memref<!tpu.dma_semaphore, #tpu.memory_space<semaphore_mem>>, %arg31: memref<!tpu.dma_semaphore, #tpu.memory_space<semaphore_mem>>, %arg32: memref<!tpu.dma_semaphore, #tpu.memory_space<semaphore_mem>>, %arg33: memref<!tpu.dma_semaphore, #tpu.memory_space<semaphore_mem>>, %arg34: memref<!tpu.dma_semaphore, #tpu.memory_space<semaphore_mem>>) attributes {dimension_semantics = [#tpu.dimension_semantics<core_parallel>, #tpu.dimension_semantics<subcore_parallel>], iteration_bounds = array<i64: 2, 16>, scalar_prefetch = 0 : i64, scratch_operands = 30 : i64, tpu.core_type = #tpu.core_type<sc_vector_subcore>, window_params = [{transform_indices = #map}, {transform_indices = #map1}, {transform_indices = #map2}]} {
    %mul3A = arith.constant 16 : i32
    %mul3A_0 = arith.muli %arg0, %mul3A : i32
    %add3A = arith.addi %mul3A_0, %arg1 : i32
    %dma_start3A = arith.constant 0 : i32
    %dma_start3A_1 = arith.constant 0 : i32
    %dma_start3A_2 = arith.constant 0 : i32
    %dma_start3A_3 = tpu.memref_slice %arg3[%dma_start3A, %add3A, %dma_start3A_1, %dma_start3A_2] : memref<2x32x125x80xi32, #tpu.memory_space<hbm>> -> memref<1x1x125x80xi32, #tpu.memory_space<hbm>>
    %dma_start3A_4 = tpu.memref_squeeze %dma_start3A_3 : memref<1x1x125x80xi32, #tpu.memory_space<hbm>> -> memref<125x80xi32, #tpu.memory_space<hbm>>
    %dma_start3A_5 = arith.constant 0 : i32
    %dma_start3A_6 = arith.constant 0 : i32
    %dma_start3A_7 = tpu.memref_slice %arg3[%dma_start3A, %add3A, %dma_start3A_5, %dma_start3A_6] : memref<2x32x125x80xi32, #tpu.memory_space<hbm>> -> memref<1x1x125x80xi32, #tpu.memory_space<hbm>>
    %dma_start3A_8 = tpu.memref_squeeze %dma_start3A_7 : memref<1x1x125x80xi32, #tpu.memory_space<hbm>> -> memref<125x80xi32, #tpu.memory_space<hbm>>
    tpu.enqueue_dma source(%dma_start3A_8 : memref<125x80xi32, #tpu.memory_space<hbm>>) target(%arg6 : memref<125x80xi32, #tpu.memory_space<vmem>>) target_semaphore(%arg33 : memref<!tpu.dma_semaphore, #tpu.memory_space<semaphore_mem>>)
    %dma_start3A_9 = arith.constant 1 : i32
    %dma_start3A_10 = arith.constant 0 : i32
    %dma_start3A_11 = arith.constant 0 : i32
    %dma_start3A_12 = tpu.memref_slice %arg3[%dma_start3A_9, %add3A, %dma_start3A_10, %dma_start3A_11] : memref<2x32x125x80xi32, #tpu.memory_space<hbm>> -> memref<1x1x125x80xi32, #tpu.memory_space<hbm>>
    %dma_start3A_13 = tpu.memref_squeeze %dma_start3A_12 : memref<1x1x125x80xi32, #tpu.memory_space<hbm>> -> memref<125x80xi32, #tpu.memory_space<hbm>>
    %dma_start3A_14 = arith.constant 0 : i32
    %dma_start3A_15 = arith.constant 0 : i32
    %dma_start3A_16 = tpu.memref_slice %arg3[%dma_start3A_9, %add3A, %dma_start3A_14, %dma_start3A_15] : memref<2x32x125x80xi32, #tpu.memory_space<hbm>> -> memref<1x1x125x80xi32, #tpu.memory_space<hbm>>
    %dma_start3A_17 = tpu.memref_squeeze %dma_start3A_16 : memref<1x1x125x80xi32, #tpu.memory_space<hbm>> -> memref<125x80xi32, #tpu.memory_space<hbm>>
    tpu.enqueue_dma source(%dma_start3A_17 : memref<125x80xi32, #tpu.memory_space<hbm>>) target(%arg7 : memref<125x80xi32, #tpu.memory_space<vmem>>) target_semaphore(%arg33 : memref<!tpu.dma_semaphore, #tpu.memory_space<semaphore_mem>>)
    %scan3A = arith.constant 0 : i32
    %scan3A_18 = arith.constant 0 : i32
    %scan3A_19 = arith.constant 80 : i32
    %scan3A_20 = arith.addi %scan3A_18, %scan3A_19 : i32
    %scan3A_21 = arith.constant 1 : i32
    scf.for %scan3A_247 = %scan3A_18 to %scan3A_20 step %scan3A_21  : i32 {
      %broadcast_in_dim3A = arith.constant 0.000000e+00 : f32
      %broadcast_in_dim3A_248 = vector.broadcast %broadcast_in_dim3A : f32 to vector<16xf32>
      %swap3A = arith.index_cast %scan3A_247 : i32 to index
      %swap3A_249 = arith.constant 0 : index
      %swap3A_250 = tpu.vector_load %arg16[%swap3A, %swap3A_249] {strides = array<i32>} : memref<80x80xf32, #tpu.memory_space<vmem>>, vector<1x16xf32>,
      %swap3A_251 = vector.shape_cast %swap3A_250 : vector<1x16xf32> to vector<16xf32>
      %swap3A_252 = vector.shape_cast %broadcast_in_dim3A_248 : vector<16xf32> to vector<1x16xf32>
      tpu.vector_store %arg16[%swap3A, %swap3A_249], %swap3A_252 {strides = array<i32>} : memref<80x80xf32, #tpu.memory_space<vmem>>, vector<1x16xf32>,
      %broadcast_in_dim3A_253 = arith.constant 0.000000e+00 : f32
      %broadcast_in_dim3A_254 = vector.broadcast %broadcast_in_dim3A_253 : f32 to vector<16xf32>
      %swap3A_255 = arith.index_cast %scan3A_247 : i32 to index
      %swap3A_256 = arith.constant 16 : index
      %swap3A_257 = tpu.vector_load %arg16[%swap3A_255, %swap3A_256] {strides = array<i32>} : memref<80x80xf32, #tpu.memory_space<vmem>>, vector<1x16xf32>,
      %swap3A_258 = vector.shape_cast %swap3A_257 : vector<1x16xf32> to vector<16xf32>
      %swap3A_259 = vector.shape_cast %broadcast_in_dim3A_254 : vector<16xf32> to vector<1x16xf32>
      tpu.vector_store %arg16[%swap3A_255, %swap3A_256], %swap3A_259 {strides = array<i32>} : memref<80x80xf32, #tpu.memory_space<vmem>>, vector<1x16xf32>,
      %broadcast_in_dim3A_260 = arith.constant 0.000000e+00 : f32
      %broadcast_in_dim3A_261 = vector.broadcast %broadcast_in_dim3A_260 : f32 to vector<16xf32>
      %swap3A_262 = arith.index_cast %scan3A_247 : i32 to index
      %swap3A_263 = arith.constant 32 : index
      %swap3A_264 = tpu.vector_load %arg16[%swap3A_262, %swap3A_263] {strides = array<i32>} : memref<80x80xf32, #tpu.memory_space<vmem>>, vector<1x16xf32>,
      %swap3A_265 = vector.shape_cast %swap3A_264 : vector<1x16xf32> to vector<16xf32>
      %swap3A_266 = vector.shape_cast %broadcast_in_dim3A_261 : vector<16xf32> to vector<1x16xf32>
      tpu.vector_store %arg16[%swap3A_262, %swap3A_263], %swap3A_266 {strides = array<i32>} : memref<80x80xf32, #tpu.memory_space<vmem>>, vector<1x16xf32>,
      %broadcast_in_dim3A_267 = arith.constant 0.000000e+00 : f32
      %broadcast_in_dim3A_268 = vector.broadcast %broadcast_in_dim3A_267 : f32 to vector<16xf32>
      %swap3A_269 = arith.index_cast %scan3A_247 : i32 to index
      %swap3A_270 = arith.constant 48 : index
      %swap3A_271 = tpu.vector_load %arg16[%swap3A_269, %swap3A_270] {strides = array<i32>} : memref<80x80xf32, #tpu.memory_space<vmem>>, vector<1x16xf32>,
      %swap3A_272 = vector.shape_cast %swap3A_271 : vector<1x16xf32> to vector<16xf32>
      %swap3A_273 = vector.shape_cast %broadcast_in_dim3A_268 : vector<16xf32> to vector<1x16xf32>
      tpu.vector_store %arg16[%swap3A_269, %swap3A_270], %swap3A_273 {strides = array<i32>} : memref<80x80xf32, #tpu.memory_space<vmem>>, vector<1x16xf32>,
      %broadcast_in_dim3A_274 = arith.constant 0.000000e+00 : f32
      %broadcast_in_dim3A_275 = vector.broadcast %broadcast_in_dim3A_274 : f32 to vector<16xf32>
      %swap3A_276 = arith.index_cast %scan3A_247 : i32 to index
      %swap3A_277 = arith.constant 64 : index
      %swap3A_278 = tpu.vector_load %arg16[%swap3A_276, %swap3A_277] {strides = array<i32>} : memref<80x80xf32, #tpu.memory_space<vmem>>, vector<1x16xf32>,
      %swap3A_279 = vector.shape_cast %swap3A_278 : vector<1x16xf32> to vector<16xf32>
      %swap3A_280 = vector.shape_cast %broadcast_in_dim3A_275 : vector<16xf32> to vector<1x16xf32>
      tpu.vector_store %arg16[%swap3A_276, %swap3A_277], %swap3A_280 {strides = array<i32>} : memref<80x80xf32, #tpu.memory_space<vmem>>, vector<1x16xf32>,
    }
    %scan3A_22 = arith.constant 80 : i32
    %mul3A_23 = arith.constant 640 : i32
    %mul3A_24 = arith.muli %arg1, %mul3A_23 : i32
    %add3A_25 = arith.constant 0 : i32
    %add3A_26 = arith.addi %mul3A_24, %add3A_25 : i32
    %dma_start3A_27 = arith.constant 0 : i32
    %dma_start3A_28 = tpu.memref_slice %arg5[%add3A_26, %dma_start3A_27] : memref<10240x80xf32, #tpu.memory_space<vmem_shared>> -> memref<80x80xf32, #tpu.memory_space<vmem_shared>>
    %dma_start3A_29 = arith.constant 0 : i32
    %dma_start3A_30 = tpu.memref_slice %arg5[%add3A_26, %dma_start3A_29] : memref<10240x80xf32, #tpu.memory_space<vmem_shared>> -> memref<80x80xf32, #tpu.memory_space<vmem_shared>>
    tpu.enqueue_dma source(%arg16 : memref<80x80xf32, #tpu.memory_space<vmem>>) target(%dma_start3A_30 : memref<80x80xf32, #tpu.memory_space<vmem_shared>>) target_semaphore(%arg34 : memref<!tpu.dma_semaphore, #tpu.memory_space<semaphore_mem>>)
    %mul3A_31 = arith.constant 640 : i32
    %mul3A_32 = arith.muli %arg1, %mul3A_31 : i32
    %add3A_33 = arith.constant 80 : i32
    %add3A_34 = arith.addi %mul3A_32, %add3A_33 : i32
    %dma_start3A_35 = arith.constant 0 : i32
    %dma_start3A_36 = tpu.memref_slice %arg5[%add3A_34, %dma_start3A_35] : memref<10240x80xf32, #tpu.memory_space<vmem_shared>> -> memref<80x80xf32, #tpu.memory_space<vmem_shared>>
    %dma_start3A_37 = arith.constant 0 : i32
    %dma_start3A_38 = tpu.memref_slice %arg5[%add3A_34, %dma_start3A_37] : memref<10240x80xf32, #tpu.memory_space<vmem_shared>> -> memref<80x80xf32, #tpu.memory_space<vmem_shared>>
    tpu.enqueue_dma source(%arg16 : memref<80x80xf32, #tpu.memory_space<vmem>>) target(%dma_start3A_38 : memref<80x80xf32, #tpu.memory_space<vmem_shared>>) target_semaphore(%arg34 : memref<!tpu.dma_semaphore, #tpu.memory_space<semaphore_mem>>)
    %mul3A_39 = arith.constant 640 : i32
    %mul3A_40 = arith.muli %arg1, %mul3A_39 : i32
    %add3A_41 = arith.constant 160 : i32
    %add3A_42 = arith.addi %mul3A_40, %add3A_41 : i32
    %dma_start3A_43 = arith.constant 0 : i32
    %dma_start3A_44 = tpu.memref_slice %arg5[%add3A_42, %dma_start3A_43] : memref<10240x80xf32, #tpu.memory_space<vmem_shared>> -> memref<80x80xf32, #tpu.memory_space<vmem_shared>>
    %dma_start3A_45 = arith.constant 0 : i32
    %dma_start3A_46 = tpu.memref_slice %arg5[%add3A_42, %dma_start3A_45] : memref<10240x80xf32, #tpu.memory_space<vmem_shared>> -> memref<80x80xf32, #tpu.memory_space<vmem_shared>>
    tpu.enqueue_dma source(%arg16 : memref<80x80xf32, #tpu.memory_space<vmem>>) target(%dma_start3A_46 : memref<80x80xf32, #tpu.memory_space<vmem_shared>>) target_semaphore(%arg34 : memref<!tpu.dma_semaphore, #tpu.memory_space<semaphore_mem>>)
    %mul3A_47 = arith.constant 640 : i32
    %mul3A_48 = arith.muli %arg1, %mul3A_47 : i32
    %add3A_49 = arith.constant 240 : i32
    %add3A_50 = arith.addi %mul3A_48, %add3A_49 : i32
    %dma_start3A_51 = arith.constant 0 : i32
    %dma_start3A_52 = tpu.memref_slice %arg5[%add3A_50, %dma_start3A_51] : memref<10240x80xf32, #tpu.memory_space<vmem_shared>> -> memref<80x80xf32, #tpu.memory_space<vmem_shared>>
    %dma_start3A_53 = arith.constant 0 : i32
    %dma_start3A_54 = tpu.memref_slice %arg5[%add3A_50, %dma_start3A_53] : memref<10240x80xf32, #tpu.memory_space<vmem_shared>> -> memref<80x80xf32, #tpu.memory_space<vmem_shared>>
    tpu.enqueue_dma source(%arg16 : memref<80x80xf32, #tpu.memory_space<vmem>>) target(%dma_start3A_54 : memref<80x80xf32, #tpu.memory_space<vmem_shared>>) target_semaphore(%arg34 : memref<!tpu.dma_semaphore, #tpu.memory_space<semaphore_mem>>)
    %mul3A_55 = arith.constant 640 : i32
    %mul3A_56 = arith.muli %arg1, %mul3A_55 : i32
    %add3A_57 = arith.constant 320 : i32
    %add3A_58 = arith.addi %mul3A_56, %add3A_57 : i32
    %dma_start3A_59 = arith.constant 0 : i32
    %dma_start3A_60 = tpu.memref_slice %arg5[%add3A_58, %dma_start3A_59] : memref<10240x80xf32, #tpu.memory_space<vmem_shared>> -> memref<80x80xf32, #tpu.memory_space<vmem_shared>>
    %dma_start3A_61 = arith.constant 0 : i32
    %dma_start3A_62 = tpu.memref_slice %arg5[%add3A_58, %dma_start3A_61] : memref<10240x80xf32, #tpu.memory_space<vmem_shared>> -> memref<80x80xf32, #tpu.memory_space<vmem_shared>>
    tpu.enqueue_dma source(%arg16 : memref<80x80xf32, #tpu.memory_space<vmem>>) target(%dma_start3A_62 : memref<80x80xf32, #tpu.memory_space<vmem_shared>>) target_semaphore(%arg34 : memref<!tpu.dma_semaphore, #tpu.memory_space<semaphore_mem>>)
    %mul3A_63 = arith.constant 640 : i32
    %mul3A_64 = arith.muli %arg1, %mul3A_63 : i32
    %add3A_65 = arith.constant 400 : i32
    %add3A_66 = arith.addi %mul3A_64, %add3A_65 : i32
    %dma_start3A_67 = arith.constant 0 : i32
    %dma_start3A_68 = tpu.memref_slice %arg5[%add3A_66, %dma_start3A_67] : memref<10240x80xf32, #tpu.memory_space<vmem_shared>> -> memref<80x80xf32, #tpu.memory_space<vmem_shared>>
    %dma_start3A_69 = arith.constant 0 : i32
    %dma_start3A_70 = tpu.memref_slice %arg5[%add3A_66, %dma_start3A_69] : memref<10240x80xf32, #tpu.memory_space<vmem_shared>> -> memref<80x80xf32, #tpu.memory_space<vmem_shared>>
    tpu.enqueue_dma source(%arg16 : memref<80x80xf32, #tpu.memory_space<vmem>>) target(%dma_start3A_70 : memref<80x80xf32, #tpu.memory_space<vmem_shared>>) target_semaphore(%arg34 : memref<!tpu.dma_semaphore, #tpu.memory_space<semaphore_mem>>)
    %mul3A_71 = arith.constant 640 : i32
    %mul3A_72 = arith.muli %arg1, %mul3A_71 : i32
    %add3A_73 = arith.constant 480 : i32
    %add3A_74 = arith.addi %mul3A_72, %add3A_73 : i32
    %dma_start3A_75 = arith.constant 0 : i32
    %dma_start3A_76 = tpu.memref_slice %arg5[%add3A_74, %dma_start3A_75] : memref<10240x80xf32, #tpu.memory_space<vmem_shared>> -> memref<80x80xf32, #tpu.memory_space<vmem_shared>>
    %dma_start3A_77 = arith.constant 0 : i32
    %dma_start3A_78 = tpu.memref_slice %arg5[%add3A_74, %dma_start3A_77] : memref<10240x80xf32, #tpu.memory_space<vmem_shared>> -> memref<80x80xf32, #tpu.memory_space<vmem_shared>>
    tpu.enqueue_dma source(%arg16 : memref<80x80xf32, #tpu.memory_space<vmem>>) target(%dma_start3A_78 : memref<80x80xf32, #tpu.memory_space<vmem_shared>>) target_semaphore(%arg34 : memref<!tpu.dma_semaphore, #tpu.memory_space<semaphore_mem>>)
    %mul3A_79 = arith.constant 640 : i32
    %mul3A_80 = arith.muli %arg1, %mul3A_79 : i32
    %add3A_81 = arith.constant 560 : i32
    %add3A_82 = arith.addi %mul3A_80, %add3A_81 : i32
    %dma_start3A_83 = arith.constant 0 : i32
    %dma_start3A_84 = tpu.memref_slice %arg5[%add3A_82, %dma_start3A_83] : memref<10240x80xf32, #tpu.memory_space<vmem_shared>> -> memref<80x80xf32, #tpu.memory_space<vmem_shared>>
    %dma_start3A_85 = arith.constant 0 : i32
    %dma_start3A_86 = tpu.memref_slice %arg5[%add3A_82, %dma_start3A_85] : memref<10240x80xf32, #tpu.memory_space<vmem_shared>> -> memref<80x80xf32, #tpu.memory_space<vmem_shared>>
    tpu.enqueue_dma source(%arg16 : memref<80x80xf32, #tpu.memory_space<vmem>>) target(%dma_start3A_86 : memref<80x80xf32, #tpu.memory_space<vmem_shared>>) target_semaphore(%arg34 : memref<!tpu.dma_semaphore, #tpu.memory_space<semaphore_mem>>)
    %mul3A_87 = arith.constant 640 : i32
    %mul3A_88 = arith.muli %arg1, %mul3A_87 : i32
    %dma_wait3A = arith.constant 0 : i32
    %dma_wait3A_89 = tpu.memref_slice %arg5[%mul3A_88, %dma_wait3A] : memref<10240x80xf32, #tpu.memory_space<vmem_shared>> -> memref<80x80xf32, #tpu.memory_space<vmem_shared>>
    %dma_wait3A_90 = arith.constant 0 : i32
    %dma_wait3A_91 = tpu.memref_slice %arg5[%mul3A_88, %dma_wait3A_90] : memref<10240x80xf32, #tpu.memory_space<vmem_shared>> -> memref<80x80xf32, #tpu.memory_space<vmem_shared>>
    tpu.wait_dma2 semaphore(%arg34 : memref<!tpu.dma_semaphore, #tpu.memory_space<semaphore_mem>>) src(%arg16 : memref<80x80xf32, #tpu.memory_space<vmem>>) dst(%dma_wait3A_91 : memref<80x80xf32, #tpu.memory_space<vmem_shared>>)
    %mul3A_92 = arith.constant 640 : i32
    %mul3A_93 = arith.muli %arg1, %mul3A_92 : i32
    %dma_wait3A_94 = arith.constant 0 : i32
    %dma_wait3A_95 = tpu.memref_slice %arg5[%mul3A_93, %dma_wait3A_94] : memref<10240x80xf32, #tpu.memory_space<vmem_shared>> -> memref<80x80xf32, #tpu.memory_space<vmem_shared>>
    %dma_wait3A_96 = arith.constant 0 : i32
    %dma_wait3A_97 = tpu.memref_slice %arg5[%mul3A_93, %dma_wait3A_96] : memref<10240x80xf32, #tpu.memory_space<vmem_shared>> -> memref<80x80xf32, #tpu.memory_space<vmem_shared>>
    tpu.wait_dma2 semaphore(%arg34 : memref<!tpu.dma_semaphore, #tpu.memory_space<semaphore_mem>>) src(%arg16 : memref<80x80xf32, #tpu.memory_space<vmem>>) dst(%dma_wait3A_97 : memref<80x80xf32, #tpu.memory_space<vmem_shared>>)
    %mul3A_98 = arith.constant 640 : i32
    %mul3A_99 = arith.muli %arg1, %mul3A_98 : i32
    %dma_wait3A_100 = arith.constant 0 : i32
    %dma_wait3A_101 = tpu.memref_slice %arg5[%mul3A_99, %dma_wait3A_100] : memref<10240x80xf32, #tpu.memory_space<vmem_shared>> -> memref<80x80xf32, #tpu.memory_space<vmem_shared>>
    %dma_wait3A_102 = arith.constant 0 : i32
    %dma_wait3A_103 = tpu.memref_slice %arg5[%mul3A_99, %dma_wait3A_102] : memref<10240x80xf32, #tpu.memory_space<vmem_shared>> -> memref<80x80xf32, #tpu.memory_space<vmem_shared>>
    tpu.wait_dma2 semaphore(%arg34 : memref<!tpu.dma_semaphore, #tpu.memory_space<semaphore_mem>>) src(%arg16 : memref<80x80xf32, #tpu.memory_space<vmem>>) dst(%dma_wait3A_103 : memref<80x80xf32, #tpu.memory_space<vmem_shared>>)
    %mul3A_104 = arith.constant 640 : i32
    %mul3A_105 = arith.muli %arg1, %mul3A_104 : i32
    %dma_wait3A_106 = arith.constant 0 : i32
    %dma_wait3A_107 = tpu.memref_slice %arg5[%mul3A_105, %dma_wait3A_106] : memref<10240x80xf32, #tpu.memory_space<vmem_shared>> -> memref<80x80xf32, #tpu.memory_space<vmem_shared>>
    %dma_wait3A_108 = arith.constant 0 : i32
    %dma_wait3A_109 = tpu.memref_slice %arg5[%mul3A_105, %dma_wait3A_108] : memref<10240x80xf32, #tpu.memory_space<vmem_shared>> -> memref<80x80xf32, #tpu.memory_space<vmem_shared>>
    tpu.wait_dma2 semaphore(%arg34 : memref<!tpu.dma_semaphore, #tpu.memory_space<semaphore_mem>>) src(%arg16 : memref<80x80xf32, #tpu.memory_space<vmem>>) dst(%dma_wait3A_109 : memref<80x80xf32, #tpu.memory_space<vmem_shared>>)
    %mul3A_110 = arith.constant 640 : i32
    %mul3A_111 = arith.muli %arg1, %mul3A_110 : i32
    %dma_wait3A_112 = arith.constant 0 : i32
    %dma_wait3A_113 = tpu.memref_slice %arg5[%mul3A_111, %dma_wait3A_112] : memref<10240x80xf32, #tpu.memory_space<vmem_shared>> -> memref<80x80xf32, #tpu.memory_space<vmem_shared>>
    %dma_wait3A_114 = arith.constant 0 : i32
    %dma_wait3A_115 = tpu.memref_slice %arg5[%mul3A_111, %dma_wait3A_114] : memref<10240x80xf32, #tpu.memory_space<vmem_shared>> -> memref<80x80xf32, #tpu.memory_space<vmem_shared>>
    tpu.wait_dma2 semaphore(%arg34 : memref<!tpu.dma_semaphore, #tpu.memory_space<semaphore_mem>>) src(%arg16 : memref<80x80xf32, #tpu.memory_space<vmem>>) dst(%dma_wait3A_115 : memref<80x80xf32, #tpu.memory_space<vmem_shared>>)
    %mul3A_116 = arith.constant 640 : i32
    %mul3A_117 = arith.muli %arg1, %mul3A_116 : i32
    %dma_wait3A_118 = arith.constant 0 : i32
    %dma_wait3A_119 = tpu.memref_slice %arg5[%mul3A_117, %dma_wait3A_118] : memref<10240x80xf32, #tpu.memory_space<vmem_shared>> -> memref<80x80xf32, #tpu.memory_space<vmem_shared>>
    %dma_wait3A_120 = arith.constant 0 : i32
    %dma_wait3A_121 = tpu.memref_slice %arg5[%mul3A_117, %dma_wait3A_120] : memref<10240x80xf32, #tpu.memory_space<vmem_shared>> -> memref<80x80xf32, #tpu.memory_space<vmem_shared>>
    tpu.wait_dma2 semaphore(%arg34 : memref<!tpu.dma_semaphore, #tpu.memory_space<semaphore_mem>>) src(%arg16 : memref<80x80xf32, #tpu.memory_space<vmem>>) dst(%dma_wait3A_121 : memref<80x80xf32, #tpu.memory_space<vmem_shared>>)
    %mul3A_122 = arith.constant 640 : i32
    %mul3A_123 = arith.muli %arg1, %mul3A_122 : i32
    %dma_wait3A_124 = arith.constant 0 : i32
    %dma_wait3A_125 = tpu.memref_slice %arg5[%mul3A_123, %dma_wait3A_124] : memref<10240x80xf32, #tpu.memory_space<vmem_shared>> -> memref<80x80xf32, #tpu.memory_space<vmem_shared>>
    %dma_wait3A_126 = arith.constant 0 : i32
    %dma_wait3A_127 = tpu.memref_slice %arg5[%mul3A_123, %dma_wait3A_126] : memref<10240x80xf32, #tpu.memory_space<vmem_shared>> -> memref<80x80xf32, #tpu.memory_space<vmem_shared>>
    tpu.wait_dma2 semaphore(%arg34 : memref<!tpu.dma_semaphore, #tpu.memory_space<semaphore_mem>>) src(%arg16 : memref<80x80xf32, #tpu.memory_space<vmem>>) dst(%dma_wait3A_127 : memref<80x80xf32, #tpu.memory_space<vmem_shared>>)
    %mul3A_128 = arith.constant 640 : i32
    %mul3A_129 = arith.muli %arg1, %mul3A_128 : i32
    %dma_wait3A_130 = arith.constant 0 : i32
    %dma_wait3A_131 = tpu.memref_slice %arg5[%mul3A_129, %dma_wait3A_130] : memref<10240x80xf32, #tpu.memory_space<vmem_shared>> -> memref<80x80xf32, #tpu.memory_space<vmem_shared>>
    %dma_wait3A_132 = arith.constant 0 : i32
    %dma_wait3A_133 = tpu.memref_slice %arg5[%mul3A_129, %dma_wait3A_132] : memref<10240x80xf32, #tpu.memory_space<vmem_shared>> -> memref<80x80xf32, #tpu.memory_space<vmem_shared>>
    tpu.wait_dma2 semaphore(%arg34 : memref<!tpu.dma_semaphore, #tpu.memory_space<semaphore_mem>>) src(%arg16 : memref<80x80xf32, #tpu.memory_space<vmem>>) dst(%dma_wait3A_133 : memref<80x80xf32, #tpu.memory_space<vmem_shared>>)
    %dma_wait3A_134 = arith.constant 0 : i32
    %dma_wait3A_135 = arith.constant 0 : i32
    %dma_wait3A_136 = arith.constant 0 : i32
    %dma_wait3A_137 = tpu.memref_slice %arg3[%dma_wait3A_134, %add3A, %dma_wait3A_135, %dma_wait3A_136] : memref<2x32x125x80xi32, #tpu.memory_space<hbm>> -> memref<1x1x125x80xi32, #tpu.memory_space<hbm>>
    %dma_wait3A_138 = tpu.memref_squeeze %dma_wait3A_137 : memref<1x1x125x80xi32, #tpu.memory_space<hbm>> -> memref<125x80xi32, #tpu.memory_space<hbm>>
    %dma_wait3A_139 = arith.constant 0 : i32
    %dma_wait3A_140 = arith.constant 0 : i32
    %dma_wait3A_141 = tpu.memref_slice %arg3[%dma_wait3A_134, %add3A, %dma_wait3A_139, %dma_wait3A_140] : memref<2x32x125x80xi32, #tpu.memory_space<hbm>> -> memref<1x1x125x80xi32, #tpu.memory_space<hbm>>
    %dma_wait3A_142 = tpu.memref_squeeze %dma_wait3A_141 : memref<1x1x125x80xi32, #tpu.memory_space<hbm>> -> memref<125x80xi32, #tpu.memory_space<hbm>>
    tpu.wait_dma2 semaphore(%arg33 : memref<!tpu.dma_semaphore, #tpu.memory_space<semaphore_mem>>) src(%dma_wait3A_142 : memref<125x80xi32, #tpu.memory_space<hbm>>) dst(%arg6 : memref<125x80xi32, #tpu.memory_space<vmem>>)
    %dma_wait3A_143 = arith.constant 1 : i32
    %dma_wait3A_144 = arith.constant 0 : i32
    %dma_wait3A_145 = arith.constant 0 : i32
    %dma_wait3A_146 = tpu.memref_slice %arg3[%dma_wait3A_143, %add3A, %dma_wait3A_144, %dma_wait3A_145] : memref<2x32x125x80xi32, #tpu.memory_space<hbm>> -> memref<1x1x125x80xi32, #tpu.memory_space<hbm>>
    %dma_wait3A_147 = tpu.memref_squeeze %dma_wait3A_146 : memref<1x1x125x80xi32, #tpu.memory_space<hbm>> -> memref<125x80xi32, #tpu.memory_space<hbm>>
    %dma_wait3A_148 = arith.constant 0 : i32
    %dma_wait3A_149 = arith.constant 0 : i32
    %dma_wait3A_150 = tpu.memref_slice %arg3[%dma_wait3A_143, %add3A, %dma_wait3A_148, %dma_wait3A_149] : memref<2x32x125x80xi32, #tpu.memory_space<hbm>> -> memref<1x1x125x80xi32, #tpu.memory_space<hbm>>
    %dma_wait3A_151 = tpu.memref_squeeze %dma_wait3A_150 : memref<1x1x125x80xi32, #tpu.memory_space<hbm>> -> memref<125x80xi32, #tpu.memory_space<hbm>>
    tpu.wait_dma2 semaphore(%arg33 : memref<!tpu.dma_semaphore, #tpu.memory_space<semaphore_mem>>) src(%dma_wait3A_151 : memref<125x80xi32, #tpu.memory_space<hbm>>) dst(%arg7 : memref<125x80xi32, #tpu.memory_space<vmem>>)
    %barrier3A = arith.constant 0 : index
    tpu.barrier barrier_id(%barrier3A)
    %dma_start3A_152 = arith.constant 0 : i32
    %dma_start3A_153 = arith.constant 0 : i32
    %dma_start3A_154 = tpu.memref_slice %arg6[%dma_start3A_152, %dma_start3A_153] : memref<125x80xi32, #tpu.memory_space<vmem>> -> memref<1x80xi32, #tpu.memory_space<vmem>>
    %dma_start3A_155 = tpu.memref_squeeze %dma_start3A_154 : memref<1x80xi32, #tpu.memory_space<vmem>> -> memref<80xi32, #tpu.memory_space<vmem>>
    %dma_start3A_156 = arith.constant 0 : i32
    %dma_start3A_157 = arith.constant 0 : i32
    %dma_start3A_158 = tpu.memref_slice %arg2[%dma_start3A_156, %dma_start3A_157] : memref<10000x80xf32, #tpu.memory_space<hbm>> -> memref<10000x80xf32, #tpu.memory_space<hbm>>
    tpu.enqueue_indirect_dma source(%dma_start3A_158 : memref<10000x80xf32, #tpu.memory_space<hbm>>) target(%arg8 : memref<80x80xf32, #tpu.memory_space<vmem>>) offsets(%dma_start3A_155 : memref<80xi32, #tpu.memory_space<vmem>>) semaphore(%arg17 : memref<!tpu.dma_semaphore, #tpu.memory_space<semaphore_mem>>)
    %dma_start3A_159 = arith.constant 1 : i32
    %dma_start3A_160 = arith.constant 0 : i32
    %dma_start3A_161 = tpu.memref_slice %arg6[%dma_start3A_159, %dma_start3A_160] : memref<125x80xi32, #tpu.memory_space<vmem>> -> memref<1x80xi32, #tpu.memory_space<vmem>>
    %dma_start3A_162 = tpu.memref_squeeze %dma_start3A_161 : memref<1x80xi32, #tpu.memory_space<vmem>> -> memref<80xi32, #tpu.memory_space<vmem>>
    %dma_start3A_163 = arith.constant 0 : i32
    %dma_start3A_164 = arith.constant 0 : i32
    %dma_start3A_165 = tpu.memref_slice %arg2[%dma_start3A_163, %dma_start3A_164] : memref<10000x80xf32, #tpu.memory_space<hbm>> -> memref<10000x80xf32, #tpu.memory_space<hbm>>
    tpu.enqueue_indirect_dma source(%dma_start3A_165 : memref<10000x80xf32, #tpu.memory_space<hbm>>) target(%arg9 : memref<80x80xf32, #tpu.memory_space<vmem>>) offsets(%dma_start3A_162 : memref<80xi32, #tpu.memory_space<vmem>>) semaphore(%arg18 : memref<!tpu.dma_semaphore, #tpu.memory_space<semaphore_mem>>)
    %dma_start3A_166 = arith.constant 2 : i32
    %dma_start3A_167 = arith.constant 0 : i32
    %dma_start3A_168 = tpu.memref_slice %arg6[%dma_start3A_166, %dma_start3A_167] : memref<125x80xi32, #tpu.memory_space<vmem>> -> memref<1x80xi32, #tpu.memory_space<vmem>>
    %dma_start3A_169 = tpu.memref_squeeze %dma_start3A_168 : memref<1x80xi32, #tpu.memory_space<vmem>> -> memref<80xi32, #tpu.memory_space<vmem>>
    %dma_start3A_170 = arith.constant 0 : i32
    %dma_start3A_171 = arith.constant 0 : i32
    %dma_start3A_172 = tpu.memref_slice %arg2[%dma_start3A_170, %dma_start3A_171] : memref<10000x80xf32, #tpu.memory_space<hbm>> -> memref<10000x80xf32, #tpu.memory_space<hbm>>
    tpu.enqueue_indirect_dma source(%dma_start3A_172 : memref<10000x80xf32, #tpu.memory_space<hbm>>) target(%arg10 : memref<80x80xf32, #tpu.memory_space<vmem>>) offsets(%dma_start3A_169 : memref<80xi32, #tpu.memory_space<vmem>>) semaphore(%arg19 : memref<!tpu.dma_semaphore, #tpu.memory_space<semaphore_mem>>)
    %dma_start3A_173 = arith.constant 3 : i32
    %dma_start3A_174 = arith.constant 0 : i32
    %dma_start3A_175 = tpu.memref_slice %arg6[%dma_start3A_173, %dma_start3A_174] : memref<125x80xi32, #tpu.memory_space<vmem>> -> memref<1x80xi32, #tpu.memory_space<vmem>>
    %dma_start3A_176 = tpu.memref_squeeze %dma_start3A_175 : memref<1x80xi32, #tpu.memory_space<vmem>> -> memref<80xi32, #tpu.memory_space<vmem>>
    %dma_start3A_177 = arith.constant 0 : i32
    %dma_start3A_178 = arith.constant 0 : i32
    %dma_start3A_179 = tpu.memref_slice %arg2[%dma_start3A_177, %dma_start3A_178] : memref<10000x80xf32, #tpu.memory_space<hbm>> -> memref<10000x80xf32, #tpu.memory_space<hbm>>
    tpu.enqueue_indirect_dma source(%dma_start3A_179 : memref<10000x80xf32, #tpu.memory_space<hbm>>) target(%arg11 : memref<80x80xf32, #tpu.memory_space<vmem>>) offsets(%dma_start3A_176 : memref<80xi32, #tpu.memory_space<vmem>>) semaphore(%arg20 : memref<!tpu.dma_semaphore, #tpu.memory_space<semaphore_mem>>)
    %scan3A_180 = arith.constant 0 : i32
    %scan3A_181 = arith.constant 0 : i32
    %scan3A_182 = arith.constant 16 : i32
    %scan3A_183 = arith.addi %scan3A_181, %scan3A_182 : i32
    %scan3A_184 = arith.constant 1 : i32
    scf.for %scan3A_247 = %scan3A_181 to %scan3A_183 step %scan3A_184  : i32 {
      %mul3A_248 = arith.constant 8 : i32
      %mul3A_249 = arith.muli %mul3A_248, %scan3A_247 : i32
      %add3A_250 = arith.constant 0 : i32
      %add3A_251 = arith.addi %mul3A_249, %add3A_250 : i32
      %lt3A = arith.constant 125 : i32
      %lt3A_252 = arith.cmpi slt, %add3A_251, %lt3A : i32
      %convert_element_type3A = arith.extui %lt3A_252 : i1 to i32
      %cond3A = arith.constant 0 : i32
      %cond3A_253 = arith.cmpi ne, %convert_element_type3A, %cond3A : i32
      scf.if %cond3A_253 {
        %add3A_317 = arith.constant 4 : i32
        %add3A_318 = arith.addi %add3A_251, %add3A_317 : i32
        %lt3A_319 = arith.constant 125 : i32
        %lt3A_320 = arith.cmpi slt, %add3A_318, %lt3A_319 : i32
        %convert_element_type3A_321 = arith.extui %lt3A_320 : i1 to i32
        %cond3A_322 = arith.constant 0 : i32
        %cond3A_323 = arith.cmpi ne, %convert_element_type3A_321, %cond3A_322 : i32
        scf.if %cond3A_323 {
          %ge3A = arith.constant 4 : i32
          %ge3A_337 = arith.cmpi sge, %add3A_251, %ge3A : i32
          %convert_element_type3A_338 = arith.extui %ge3A_337 : i1 to i32
          %cond3A_339 = arith.constant 0 : i32
          %cond3A_340 = arith.cmpi ne, %convert_element_type3A_338, %cond3A_339 : i32
          scf.if %cond3A_340 {
            %dma_wait3A_349 = arith.constant 0 : i32
            %dma_wait3A_350 = arith.constant 0 : i32
            %dma_wait3A_351 = tpu.memref_slice %arg7[%dma_wait3A_349, %dma_wait3A_350] : memref<125x80xi32, #tpu.memory_space<vmem>> -> memref<1x80xi32, #tpu.memory_space<vmem>>
            %dma_wait3A_352 = tpu.memref_squeeze %dma_wait3A_351 : memref<1x80xi32, #tpu.memory_space<vmem>> -> memref<80xi32, #tpu.memory_space<vmem>>
            %dma_wait3A_353 = arith.constant 0 : i32
            %dma_wait3A_354 = arith.constant 0 : i32
            %dma_wait3A_355 = tpu.memref_slice %arg5[%dma_wait3A_353, %dma_wait3A_354] : memref<10240x80xf32, #tpu.memory_space<vmem_shared>> -> memref<10240x80xf32, #tpu.memory_space<vmem_shared>>
            tpu.wait_indirect_dma semaphore(%arg29 : memref<!tpu.dma_semaphore, #tpu.memory_space<semaphore_mem>>) src(%arg12 : memref<80x80xf32, #tpu.memory_space<vmem>>) dst(%dma_wait3A_355 : memref<10240x80xf32, #tpu.memory_space<vmem_shared>>)
          } else {
          }
          %add3A_341 = arith.constant 4 : i32
          %add3A_342 = arith.addi %add3A_251, %add3A_341 : i32
          %dma_start3A_343 = arith.constant 0 : i32
          %dma_start3A_344 = tpu.memref_slice %arg6[%add3A_342, %dma_start3A_343] : memref<125x80xi32, #tpu.memory_space<vmem>> -> memref<1x80xi32, #tpu.memory_space<vmem>>
          %dma_start3A_345 = tpu.memref_squeeze %dma_start3A_344 : memref<1x80xi32, #tpu.memory_space<vmem>> -> memref<80xi32, #tpu.memory_space<vmem>>
          %dma_start3A_346 = arith.constant 0 : i32
          %dma_start3A_347 = arith.constant 0 : i32
          %dma_start3A_348 = tpu.memref_slice %arg2[%dma_start3A_346, %dma_start3A_347] : memref<10000x80xf32, #tpu.memory_space<hbm>> -> memref<10000x80xf32, #tpu.memory_space<hbm>>
          tpu.enqueue_indirect_dma source(%dma_start3A_348 : memref<10000x80xf32, #tpu.memory_space<hbm>>) target(%arg12 : memref<80x80xf32, #tpu.memory_space<vmem>>) offsets(%dma_start3A_345 : memref<80xi32, #tpu.memory_space<vmem>>) semaphore(%arg21 : memref<!tpu.dma_semaphore, #tpu.memory_space<semaphore_mem>>)
        } else {
        }
        %dma_wait3A_324 = arith.constant 0 : i32
        %dma_wait3A_325 = arith.constant 0 : i32
        %dma_wait3A_326 = tpu.memref_slice %arg6[%dma_wait3A_324, %dma_wait3A_325] : memref<125x80xi32, #tpu.memory_space<vmem>> -> memref<1x80xi32, #tpu.memory_space<vmem>>
        %dma_wait3A_327 = tpu.memref_squeeze %dma_wait3A_326 : memref<1x80xi32, #tpu.memory_space<vmem>> -> memref<80xi32, #tpu.memory_space<vmem>>
        %dma_wait3A_328 = arith.constant 0 : i32
        %dma_wait3A_329 = arith.constant 0 : i32
        %dma_wait3A_330 = tpu.memref_slice %arg2[%dma_wait3A_328, %dma_wait3A_329] : memref<10000x80xf32, #tpu.memory_space<hbm>> -> memref<10000x80xf32, #tpu.memory_space<hbm>>
        tpu.wait_indirect_dma semaphore(%arg17 : memref<!tpu.dma_semaphore, #tpu.memory_space<semaphore_mem>>) src(%dma_wait3A_330 : memref<10000x80xf32, #tpu.memory_space<hbm>>) dst(%arg8 : memref<80x80xf32, #tpu.memory_space<vmem>>)
        %dma_start3A_331 = arith.constant 0 : i32
        %dma_start3A_332 = tpu.memref_slice %arg7[%add3A_251, %dma_start3A_331] : memref<125x80xi32, #tpu.memory_space<vmem>> -> memref<1x80xi32, #tpu.memory_space<vmem>>
        %dma_start3A_333 = tpu.memref_squeeze %dma_start3A_332 : memref<1x80xi32, #tpu.memory_space<vmem>> -> memref<80xi32, #tpu.memory_space<vmem>>
        %dma_start3A_334 = arith.constant 0 : i32
        %dma_start3A_335 = arith.constant 0 : i32
        %dma_start3A_336 = tpu.memref_slice %arg5[%dma_start3A_334, %dma_start3A_335] : memref<10240x80xf32, #tpu.memory_space<vmem_shared>> -> memref<10240x80xf32, #tpu.memory_space<vmem_shared>>
        tpu.enqueue_indirect_dma source(%arg8 : memref<80x80xf32, #tpu.memory_space<vmem>>) target(%dma_start3A_336 : memref<10240x80xf32, #tpu.memory_space<vmem_shared>>) offsets(%dma_start3A_333 : memref<80xi32, #tpu.memory_space<vmem>>) semaphore(%arg25 : memref<!tpu.dma_semaphore, #tpu.memory_space<semaphore_mem>>) {add = true}
      } else {
      }
      %mul3A_254 = arith.constant 8 : i32
      %mul3A_255 = arith.muli %mul3A_254, %scan3A_247 : i32
      %add3A_256 = arith.constant 1 : i32
      %add3A_257 = arith.addi %mul3A_255, %add3A_256 : i32
      %lt3A_258 = arith.constant 125 : i32
      %lt3A_259 = arith.cmpi slt, %add3A_257, %lt3A_258 : i32
      %convert_element_type3A_260 = arith.extui %lt3A_259 : i1 to i32
      %cond3A_261 = arith.constant 0 : i32
      %cond3A_262 = arith.cmpi ne, %convert_element_type3A_260, %cond3A_261 : i32
      scf.if %cond3A_262 {
        %add3A_317 = arith.constant 4 : i32
        %add3A_318 = arith.addi %add3A_257, %add3A_317 : i32
        %lt3A_319 = arith.constant 125 : i32
        %lt3A_320 = arith.cmpi slt, %add3A_318, %lt3A_319 : i32
        %convert_element_type3A_321 = arith.extui %lt3A_320 : i1 to i32
        %cond3A_322 = arith.constant 0 : i32
        %cond3A_323 = arith.cmpi ne, %convert_element_type3A_321, %cond3A_322 : i32
        scf.if %cond3A_323 {
          %ge3A = arith.constant 4 : i32
          %ge3A_337 = arith.cmpi sge, %add3A_257, %ge3A : i32
          %convert_element_type3A_338 = arith.extui %ge3A_337 : i1 to i32
          %cond3A_339 = arith.constant 0 : i32
          %cond3A_340 = arith.cmpi ne, %convert_element_type3A_338, %cond3A_339 : i32
          scf.if %cond3A_340 {
            %dma_wait3A_349 = arith.constant 0 : i32
            %dma_wait3A_350 = arith.constant 0 : i32
            %dma_wait3A_351 = tpu.memref_slice %arg7[%dma_wait3A_349, %dma_wait3A_350] : memref<125x80xi32, #tpu.memory_space<vmem>> -> memref<1x80xi32, #tpu.memory_space<vmem>>
            %dma_wait3A_352 = tpu.memref_squeeze %dma_wait3A_351 : memref<1x80xi32, #tpu.memory_space<vmem>> -> memref<80xi32, #tpu.memory_space<vmem>>
            %dma_wait3A_353 = arith.constant 0 : i32
            %dma_wait3A_354 = arith.constant 0 : i32
            %dma_wait3A_355 = tpu.memref_slice %arg5[%dma_wait3A_353, %dma_wait3A_354] : memref<10240x80xf32, #tpu.memory_space<vmem_shared>> -> memref<10240x80xf32, #tpu.memory_space<vmem_shared>>
            tpu.wait_indirect_dma semaphore(%arg30 : memref<!tpu.dma_semaphore, #tpu.memory_space<semaphore_mem>>) src(%arg13 : memref<80x80xf32, #tpu.memory_space<vmem>>) dst(%dma_wait3A_355 : memref<10240x80xf32, #tpu.memory_space<vmem_shared>>)
          } else {
          }
          %add3A_341 = arith.constant 4 : i32
          %add3A_342 = arith.addi %add3A_257, %add3A_341 : i32
          %dma_start3A_343 = arith.constant 0 : i32
          %dma_start3A_344 = tpu.memref_slice %arg6[%add3A_342, %dma_start3A_343] : memref<125x80xi32, #tpu.memory_space<vmem>> -> memref<1x80xi32, #tpu.memory_space<vmem>>
          %dma_start3A_345 = tpu.memref_squeeze %dma_start3A_344 : memref<1x80xi32, #tpu.memory_space<vmem>> -> memref<80xi32, #tpu.memory_space<vmem>>
          %dma_start3A_346 = arith.constant 0 : i32
          %dma_start3A_347 = arith.constant 0 : i32
          %dma_start3A_348 = tpu.memref_slice %arg2[%dma_start3A_346, %dma_start3A_347] : memref<10000x80xf32, #tpu.memory_space<hbm>> -> memref<10000x80xf32, #tpu.memory_space<hbm>>
          tpu.enqueue_indirect_dma source(%dma_start3A_348 : memref<10000x80xf32, #tpu.memory_space<hbm>>) target(%arg13 : memref<80x80xf32, #tpu.memory_space<vmem>>) offsets(%dma_start3A_345 : memref<80xi32, #tpu.memory_space<vmem>>) semaphore(%arg22 : memref<!tpu.dma_semaphore, #tpu.memory_space<semaphore_mem>>)
        } else {
        }
        %dma_wait3A_324 = arith.constant 0 : i32
        %dma_wait3A_325 = arith.constant 0 : i32
        %dma_wait3A_326 = tpu.memref_slice %arg6[%dma_wait3A_324, %dma_wait3A_325] : memref<125x80xi32, #tpu.memory_space<vmem>> -> memref<1x80xi32, #tpu.memory_space<vmem>>
        %dma_wait3A_327 = tpu.memref_squeeze %dma_wait3A_326 : memref<1x80xi32, #tpu.memory_space<vmem>> -> memref<80xi32, #tpu.memory_space<vmem>>
        %dma_wait3A_328 = arith.constant 0 : i32
        %dma_wait3A_329 = arith.constant 0 : i32
        %dma_wait3A_330 = tpu.memref_slice %arg2[%dma_wait3A_328, %dma_wait3A_329] : memref<10000x80xf32, #tpu.memory_space<hbm>> -> memref<10000x80xf32, #tpu.memory_space<hbm>>
        tpu.wait_indirect_dma semaphore(%arg18 : memref<!tpu.dma_semaphore, #tpu.memory_space<semaphore_mem>>) src(%dma_wait3A_330 : memref<10000x80xf32, #tpu.memory_space<hbm>>) dst(%arg9 : memref<80x80xf32, #tpu.memory_space<vmem>>)
        %dma_start3A_331 = arith.constant 0 : i32
        %dma_start3A_332 = tpu.memref_slice %arg7[%add3A_257, %dma_start3A_331] : memref<125x80xi32, #tpu.memory_space<vmem>> -> memref<1x80xi32, #tpu.memory_space<vmem>>
        %dma_start3A_333 = tpu.memref_squeeze %dma_start3A_332 : memref<1x80xi32, #tpu.memory_space<vmem>> -> memref<80xi32, #tpu.memory_space<vmem>>
        %dma_start3A_334 = arith.constant 0 : i32
        %dma_start3A_335 = arith.constant 0 : i32
        %dma_start3A_336 = tpu.memref_slice %arg5[%dma_start3A_334, %dma_start3A_335] : memref<10240x80xf32, #tpu.memory_space<vmem_shared>> -> memref<10240x80xf32, #tpu.memory_space<vmem_shared>>
        tpu.enqueue_indirect_dma source(%arg9 : memref<80x80xf32, #tpu.memory_space<vmem>>) target(%dma_start3A_336 : memref<10240x80xf32, #tpu.memory_space<vmem_shared>>) offsets(%dma_start3A_333 : memref<80xi32, #tpu.memory_space<vmem>>) semaphore(%arg26 : memref<!tpu.dma_semaphore, #tpu.memory_space<semaphore_mem>>) {add = true}
      } else {
      }
      %mul3A_263 = arith.constant 8 : i32
      %mul3A_264 = arith.muli %mul3A_263, %scan3A_247 : i32
      %add3A_265 = arith.constant 2 : i32
      %add3A_266 = arith.addi %mul3A_264, %add3A_265 : i32
      %lt3A_267 = arith.constant 125 : i32
      %lt3A_268 = arith.cmpi slt, %add3A_266, %lt3A_267 : i32
      %convert_element_type3A_269 = arith.extui %lt3A_268 : i1 to i32
      %cond3A_270 = arith.constant 0 : i32
      %cond3A_271 = arith.cmpi ne, %convert_element_type3A_269, %cond3A_270 : i32
      scf.if %cond3A_271 {
        %add3A_317 = arith.constant 4 : i32
        %add3A_318 = arith.addi %add3A_266, %add3A_317 : i32
        %lt3A_319 = arith.constant 125 : i32
        %lt3A_320 = arith.cmpi slt, %add3A_318, %lt3A_319 : i32
        %convert_element_type3A_321 = arith.extui %lt3A_320 : i1 to i32
        %cond3A_322 = arith.constant 0 : i32
        %cond3A_323 = arith.cmpi ne, %convert_element_type3A_321, %cond3A_322 : i32
        scf.if %cond3A_323 {
          %ge3A = arith.constant 4 : i32
          %ge3A_337 = arith.cmpi sge, %add3A_266, %ge3A : i32
          %convert_element_type3A_338 = arith.extui %ge3A_337 : i1 to i32
          %cond3A_339 = arith.constant 0 : i32
          %cond3A_340 = arith.cmpi ne, %convert_element_type3A_338, %cond3A_339 : i32
          scf.if %cond3A_340 {
            %dma_wait3A_349 = arith.constant 0 : i32
            %dma_wait3A_350 = arith.constant 0 : i32
            %dma_wait3A_351 = tpu.memref_slice %arg7[%dma_wait3A_349, %dma_wait3A_350] : memref<125x80xi32, #tpu.memory_space<vmem>> -> memref<1x80xi32, #tpu.memory_space<vmem>>
            %dma_wait3A_352 = tpu.memref_squeeze %dma_wait3A_351 : memref<1x80xi32, #tpu.memory_space<vmem>> -> memref<80xi32, #tpu.memory_space<vmem>>
            %dma_wait3A_353 = arith.constant 0 : i32
            %dma_wait3A_354 = arith.constant 0 : i32
            %dma_wait3A_355 = tpu.memref_slice %arg5[%dma_wait3A_353, %dma_wait3A_354] : memref<10240x80xf32, #tpu.memory_space<vmem_shared>> -> memref<10240x80xf32, #tpu.memory_space<vmem_shared>>
            tpu.wait_indirect_dma semaphore(%arg31 : memref<!tpu.dma_semaphore, #tpu.memory_space<semaphore_mem>>) src(%arg14 : memref<80x80xf32, #tpu.memory_space<vmem>>) dst(%dma_wait3A_355 : memref<10240x80xf32, #tpu.memory_space<vmem_shared>>)
          } else {
          }
          %add3A_341 = arith.constant 4 : i32
          %add3A_342 = arith.addi %add3A_266, %add3A_341 : i32
          %dma_start3A_343 = arith.constant 0 : i32
          %dma_start3A_344 = tpu.memref_slice %arg6[%add3A_342, %dma_start3A_343] : memref<125x80xi32, #tpu.memory_space<vmem>> -> memref<1x80xi32, #tpu.memory_space<vmem>>
          %dma_start3A_345 = tpu.memref_squeeze %dma_start3A_344 : memref<1x80xi32, #tpu.memory_space<vmem>> -> memref<80xi32, #tpu.memory_space<vmem>>
          %dma_start3A_346 = arith.constant 0 : i32
          %dma_start3A_347 = arith.constant 0 : i32
          %dma_start3A_348 = tpu.memref_slice %arg2[%dma_start3A_346, %dma_start3A_347] : memref<10000x80xf32, #tpu.memory_space<hbm>> -> memref<10000x80xf32, #tpu.memory_space<hbm>>
          tpu.enqueue_indirect_dma source(%dma_start3A_348 : memref<10000x80xf32, #tpu.memory_space<hbm>>) target(%arg14 : memref<80x80xf32, #tpu.memory_space<vmem>>) offsets(%dma_start3A_345 : memref<80xi32, #tpu.memory_space<vmem>>) semaphore(%arg23 : memref<!tpu.dma_semaphore, #tpu.memory_space<semaphore_mem>>)
        } else {
        }
        %dma_wait3A_324 = arith.constant 0 : i32
        %dma_wait3A_325 = arith.constant 0 : i32
        %dma_wait3A_326 = tpu.memref_slice %arg6[%dma_wait3A_324, %dma_wait3A_325] : memref<125x80xi32, #tpu.memory_space<vmem>> -> memref<1x80xi32, #tpu.memory_space<vmem>>
        %dma_wait3A_327 = tpu.memref_squeeze %dma_wait3A_326 : memref<1x80xi32, #tpu.memory_space<vmem>> -> memref<80xi32, #tpu.memory_space<vmem>>
        %dma_wait3A_328 = arith.constant 0 : i32
        %dma_wait3A_329 = arith.constant 0 : i32
        %dma_wait3A_330 = tpu.memref_slice %arg2[%dma_wait3A_328, %dma_wait3A_329] : memref<10000x80xf32, #tpu.memory_space<hbm>> -> memref<10000x80xf32, #tpu.memory_space<hbm>>
        tpu.wait_indirect_dma semaphore(%arg19 : memref<!tpu.dma_semaphore, #tpu.memory_space<semaphore_mem>>) src(%dma_wait3A_330 : memref<10000x80xf32, #tpu.memory_space<hbm>>) dst(%arg10 : memref<80x80xf32, #tpu.memory_space<vmem>>)
        %dma_start3A_331 = arith.constant 0 : i32
        %dma_start3A_332 = tpu.memref_slice %arg7[%add3A_266, %dma_start3A_331] : memref<125x80xi32, #tpu.memory_space<vmem>> -> memref<1x80xi32, #tpu.memory_space<vmem>>
        %dma_start3A_333 = tpu.memref_squeeze %dma_start3A_332 : memref<1x80xi32, #tpu.memory_space<vmem>> -> memref<80xi32, #tpu.memory_space<vmem>>
        %dma_start3A_334 = arith.constant 0 : i32
        %dma_start3A_335 = arith.constant 0 : i32
        %dma_start3A_336 = tpu.memref_slice %arg5[%dma_start3A_334, %dma_start3A_335] : memref<10240x80xf32, #tpu.memory_space<vmem_shared>> -> memref<10240x80xf32, #tpu.memory_space<vmem_shared>>
        tpu.enqueue_indirect_dma source(%arg10 : memref<80x80xf32, #tpu.memory_space<vmem>>) target(%dma_start3A_336 : memref<10240x80xf32, #tpu.memory_space<vmem_shared>>) offsets(%dma_start3A_333 : memref<80xi32, #tpu.memory_space<vmem>>) semaphore(%arg27 : memref<!tpu.dma_semaphore, #tpu.memory_space<semaphore_mem>>) {add = true}
      } else {
      }
      %mul3A_272 = arith.constant 8 : i32
      %mul3A_273 = arith.muli %mul3A_272, %scan3A_247 : i32
      %add3A_274 = arith.constant 3 : i32
      %add3A_275 = arith.addi %mul3A_273, %add3A_274 : i32
      %lt3A_276 = arith.constant 125 : i32
      %lt3A_277 = arith.cmpi slt, %add3A_275, %lt3A_276 : i32
      %convert_element_type3A_278 = arith.extui %lt3A_277 : i1 to i32
      %cond3A_279 = arith.constant 0 : i32
      %cond3A_280 = arith.cmpi ne, %convert_element_type3A_278, %cond3A_279 : i32
      scf.if %cond3A_280 {
        %add3A_317 = arith.constant 4 : i32
        %add3A_318 = arith.addi %add3A_275, %add3A_317 : i32
        %lt3A_319 = arith.constant 125 : i32
        %lt3A_320 = arith.cmpi slt, %add3A_318, %lt3A_319 : i32
        %convert_element_type3A_321 = arith.extui %lt3A_320 : i1 to i32
        %cond3A_322 = arith.constant 0 : i32
        %cond3A_323 = arith.cmpi ne, %convert_element_type3A_321, %cond3A_322 : i32
        scf.if %cond3A_323 {
          %ge3A = arith.constant 4 : i32
          %ge3A_337 = arith.cmpi sge, %add3A_275, %ge3A : i32
          %convert_element_type3A_338 = arith.extui %ge3A_337 : i1 to i32
          %cond3A_339 = arith.constant 0 : i32
          %cond3A_340 = arith.cmpi ne, %convert_element_type3A_338, %cond3A_339 : i32
          scf.if %cond3A_340 {
            %dma_wait3A_349 = arith.constant 0 : i32
            %dma_wait3A_350 = arith.constant 0 : i32
            %dma_wait3A_351 = tpu.memref_slice %arg7[%dma_wait3A_349, %dma_wait3A_350] : memref<125x80xi32, #tpu.memory_space<vmem>> -> memref<1x80xi32, #tpu.memory_space<vmem>>
            %dma_wait3A_352 = tpu.memref_squeeze %dma_wait3A_351 : memref<1x80xi32, #tpu.memory_space<vmem>> -> memref<80xi32, #tpu.memory_space<vmem>>
            %dma_wait3A_353 = arith.constant 0 : i32
            %dma_wait3A_354 = arith.constant 0 : i32
            %dma_wait3A_355 = tpu.memref_slice %arg5[%dma_wait3A_353, %dma_wait3A_354] : memref<10240x80xf32, #tpu.memory_space<vmem_shared>> -> memref<10240x80xf32, #tpu.memory_space<vmem_shared>>
            tpu.wait_indirect_dma semaphore(%arg32 : memref<!tpu.dma_semaphore, #tpu.memory_space<semaphore_mem>>) src(%arg15 : memref<80x80xf32, #tpu.memory_space<vmem>>) dst(%dma_wait3A_355 : memref<10240x80xf32, #tpu.memory_space<vmem_shared>>)
          } else {
          }
          %add3A_341 = arith.constant 4 : i32
          %add3A_342 = arith.addi %add3A_275, %add3A_341 : i32
          %dma_start3A_343 = arith.constant 0 : i32
          %dma_start3A_344 = tpu.memref_slice %arg6[%add3A_342, %dma_start3A_343] : memref<125x80xi32, #tpu.memory_space<vmem>> -> memref<1x80xi32, #tpu.memory_space<vmem>>
          %dma_start3A_345 = tpu.memref_squeeze %dma_start3A_344 : memref<1x80xi32, #tpu.memory_space<vmem>> -> memref<80xi32, #tpu.memory_space<vmem>>
          %dma_start3A_346 = arith.constant 0 : i32
          %dma_start3A_347 = arith.constant 0 : i32
          %dma_start3A_348 = tpu.memref_slice %arg2[%dma_start3A_346, %dma_start3A_347] : memref<10000x80xf32, #tpu.memory_space<hbm>> -> memref<10000x80xf32, #tpu.memory_space<hbm>>
          tpu.enqueue_indirect_dma source(%dma_start3A_348 : memref<10000x80xf32, #tpu.memory_space<hbm>>) target(%arg15 : memref<80x80xf32, #tpu.memory_space<vmem>>) offsets(%dma_start3A_345 : memref<80xi32, #tpu.memory_space<vmem>>) semaphore(%arg24 : memref<!tpu.dma_semaphore, #tpu.memory_space<semaphore_mem>>)
        } else {
        }
        %dma_wait3A_324 = arith.constant 0 : i32
        %dma_wait3A_325 = arith.constant 0 : i32
        %dma_wait3A_326 = tpu.memref_slice %arg6[%dma_wait3A_324, %dma_wait3A_325] : memref<125x80xi32, #tpu.memory_space<vmem>> -> memref<1x80xi32, #tpu.memory_space<vmem>>
        %dma_wait3A_327 = tpu.memref_squeeze %dma_wait3A_326 : memref<1x80xi32, #tpu.memory_space<vmem>> -> memref<80xi32, #tpu.memory_space<vmem>>
        %dma_wait3A_328 = arith.constant 0 : i32
        %dma_wait3A_329 = arith.constant 0 : i32
        %dma_wait3A_330 = tpu.memref_slice %arg2[%dma_wait3A_328, %dma_wait3A_329] : memref<10000x80xf32, #tpu.memory_space<hbm>> -> memref<10000x80xf32, #tpu.memory_space<hbm>>
        tpu.wait_indirect_dma semaphore(%arg20 : memref<!tpu.dma_semaphore, #tpu.memory_space<semaphore_mem>>) src(%dma_wait3A_330 : memref<10000x80xf32, #tpu.memory_space<hbm>>) dst(%arg11 : memref<80x80xf32, #tpu.memory_space<vmem>>)
        %dma_start3A_331 = arith.constant 0 : i32
        %dma_start3A_332 = tpu.memref_slice %arg7[%add3A_275, %dma_start3A_331] : memref<125x80xi32, #tpu.memory_space<vmem>> -> memref<1x80xi32, #tpu.memory_space<vmem>>
        %dma_start3A_333 = tpu.memref_squeeze %dma_start3A_332 : memref<1x80xi32, #tpu.memory_space<vmem>> -> memref<80xi32, #tpu.memory_space<vmem>>
        %dma_start3A_334 = arith.constant 0 : i32
        %dma_start3A_335 = arith.constant 0 : i32
        %dma_start3A_336 = tpu.memref_slice %arg5[%dma_start3A_334, %dma_start3A_335] : memref<10240x80xf32, #tpu.memory_space<vmem_shared>> -> memref<10240x80xf32, #tpu.memory_space<vmem_shared>>
        tpu.enqueue_indirect_dma source(%arg11 : memref<80x80xf32, #tpu.memory_space<vmem>>) target(%dma_start3A_336 : memref<10240x80xf32, #tpu.memory_space<vmem_shared>>) offsets(%dma_start3A_333 : memref<80xi32, #tpu.memory_space<vmem>>) semaphore(%arg28 : memref<!tpu.dma_semaphore, #tpu.memory_space<semaphore_mem>>) {add = true}
      } else {
      }
      %mul3A_281 = arith.constant 8 : i32
      %mul3A_282 = arith.muli %mul3A_281, %scan3A_247 : i32
      %add3A_283 = arith.constant 4 : i32
      %add3A_284 = arith.addi %mul3A_282, %add3A_283 : i32
      %lt3A_285 = arith.constant 125 : i32
      %lt3A_286 = arith.cmpi slt, %add3A_284, %lt3A_285 : i32
      %convert_element_type3A_287 = arith.extui %lt3A_286 : i1 to i32
      %cond3A_288 = arith.constant 0 : i32
      %cond3A_289 = arith.cmpi ne, %convert_element_type3A_287, %cond3A_288 : i32
      scf.if %cond3A_289 {
        %add3A_317 = arith.constant 4 : i32
        %add3A_318 = arith.addi %add3A_284, %add3A_317 : i32
        %lt3A_319 = arith.constant 125 : i32
        %lt3A_320 = arith.cmpi slt, %add3A_318, %lt3A_319 : i32
        %convert_element_type3A_321 = arith.extui %lt3A_320 : i1 to i32
        %cond3A_322 = arith.constant 0 : i32
        %cond3A_323 = arith.cmpi ne, %convert_element_type3A_321, %cond3A_322 : i32
        scf.if %cond3A_323 {
          %ge3A = arith.constant 4 : i32
          %ge3A_337 = arith.cmpi sge, %add3A_284, %ge3A : i32
          %convert_element_type3A_338 = arith.extui %ge3A_337 : i1 to i32
          %cond3A_339 = arith.constant 0 : i32
          %cond3A_340 = arith.cmpi ne, %convert_element_type3A_338, %cond3A_339 : i32
          scf.if %cond3A_340 {
            %dma_wait3A_349 = arith.constant 0 : i32
            %dma_wait3A_350 = arith.constant 0 : i32
            %dma_wait3A_351 = tpu.memref_slice %arg7[%dma_wait3A_349, %dma_wait3A_350] : memref<125x80xi32, #tpu.memory_space<vmem>> -> memref<1x80xi32, #tpu.memory_space<vmem>>
            %dma_wait3A_352 = tpu.memref_squeeze %dma_wait3A_351 : memref<1x80xi32, #tpu.memory_space<vmem>> -> memref<80xi32, #tpu.memory_space<vmem>>
            %dma_wait3A_353 = arith.constant 0 : i32
            %dma_wait3A_354 = arith.constant 0 : i32
            %dma_wait3A_355 = tpu.memref_slice %arg5[%dma_wait3A_353, %dma_wait3A_354] : memref<10240x80xf32, #tpu.memory_space<vmem_shared>> -> memref<10240x80xf32, #tpu.memory_space<vmem_shared>>
            tpu.wait_indirect_dma semaphore(%arg25 : memref<!tpu.dma_semaphore, #tpu.memory_space<semaphore_mem>>) src(%arg8 : memref<80x80xf32, #tpu.memory_space<vmem>>) dst(%dma_wait3A_355 : memref<10240x80xf32, #tpu.memory_space<vmem_shared>>)
          } else {
          }
          %add3A_341 = arith.constant 4 : i32
          %add3A_342 = arith.addi %add3A_284, %add3A_341 : i32
          %dma_start3A_343 = arith.constant 0 : i32
          %dma_start3A_344 = tpu.memref_slice %arg6[%add3A_342, %dma_start3A_343] : memref<125x80xi32, #tpu.memory_space<vmem>> -> memref<1x80xi32, #tpu.memory_space<vmem>>
          %dma_start3A_345 = tpu.memref_squeeze %dma_start3A_344 : memref<1x80xi32, #tpu.memory_space<vmem>> -> memref<80xi32, #tpu.memory_space<vmem>>
          %dma_start3A_346 = arith.constant 0 : i32
          %dma_start3A_347 = arith.constant 0 : i32
          %dma_start3A_348 = tpu.memref_slice %arg2[%dma_start3A_346, %dma_start3A_347] : memref<10000x80xf32, #tpu.memory_space<hbm>> -> memref<10000x80xf32, #tpu.memory_space<hbm>>
          tpu.enqueue_indirect_dma source(%dma_start3A_348 : memref<10000x80xf32, #tpu.memory_space<hbm>>) target(%arg8 : memref<80x80xf32, #tpu.memory_space<vmem>>) offsets(%dma_start3A_345 : memref<80xi32, #tpu.memory_space<vmem>>) semaphore(%arg17 : memref<!tpu.dma_semaphore, #tpu.memory_space<semaphore_mem>>)
        } else {
        }
        %dma_wait3A_324 = arith.constant 0 : i32
        %dma_wait3A_325 = arith.constant 0 : i32
        %dma_wait3A_326 = tpu.memref_slice %arg6[%dma_wait3A_324, %dma_wait3A_325] : memref<125x80xi32, #tpu.memory_space<vmem>> -> memref<1x80xi32, #tpu.memory_space<vmem>>
        %dma_wait3A_327 = tpu.memref_squeeze %dma_wait3A_326 : memref<1x80xi32, #tpu.memory_space<vmem>> -> memref<80xi32, #tpu.memory_space<vmem>>
        %dma_wait3A_328 = arith.constant 0 : i32
        %dma_wait3A_329 = arith.constant 0 : i32
        %dma_wait3A_330 = tpu.memref_slice %arg2[%dma_wait3A_328, %dma_wait3A_329] : memref<10000x80xf32, #tpu.memory_space<hbm>> -> memref<10000x80xf32, #tpu.memory_space<hbm>>
        tpu.wait_indirect_dma semaphore(%arg21 : memref<!tpu.dma_semaphore, #tpu.memory_space<semaphore_mem>>) src(%dma_wait3A_330 : memref<10000x80xf32, #tpu.memory_space<hbm>>) dst(%arg12 : memref<80x80xf32, #tpu.memory_space<vmem>>)
        %dma_start3A_331 = arith.constant 0 : i32
        %dma_start3A_332 = tpu.memref_slice %arg7[%add3A_284, %dma_start3A_331] : memref<125x80xi32, #tpu.memory_space<vmem>> -> memref<1x80xi32, #tpu.memory_space<vmem>>
        %dma_start3A_333 = tpu.memref_squeeze %dma_start3A_332 : memref<1x80xi32, #tpu.memory_space<vmem>> -> memref<80xi32, #tpu.memory_space<vmem>>
        %dma_start3A_334 = arith.constant 0 : i32
        %dma_start3A_335 = arith.constant 0 : i32
        %dma_start3A_336 = tpu.memref_slice %arg5[%dma_start3A_334, %dma_start3A_335] : memref<10240x80xf32, #tpu.memory_space<vmem_shared>> -> memref<10240x80xf32, #tpu.memory_space<vmem_shared>>
        tpu.enqueue_indirect_dma source(%arg12 : memref<80x80xf32, #tpu.memory_space<vmem>>) target(%dma_start3A_336 : memref<10240x80xf32, #tpu.memory_space<vmem_shared>>) offsets(%dma_start3A_333 : memref<80xi32, #tpu.memory_space<vmem>>) semaphore(%arg29 : memref<!tpu.dma_semaphore, #tpu.memory_space<semaphore_mem>>) {add = true}
      } else {
      }
      %mul3A_290 = arith.constant 8 : i32
      %mul3A_291 = arith.muli %mul3A_290, %scan3A_247 : i32
      %add3A_292 = arith.constant 5 : i32
      %add3A_293 = arith.addi %mul3A_291, %add3A_292 : i32
      %lt3A_294 = arith.constant 125 : i32
      %lt3A_295 = arith.cmpi slt, %add3A_293, %lt3A_294 : i32
      %convert_element_type3A_296 = arith.extui %lt3A_295 : i1 to i32
      %cond3A_297 = arith.constant 0 : i32
      %cond3A_298 = arith.cmpi ne, %convert_element_type3A_296, %cond3A_297 : i32
      scf.if %cond3A_298 {
        %add3A_317 = arith.constant 4 : i32
        %add3A_318 = arith.addi %add3A_293, %add3A_317 : i32
        %lt3A_319 = arith.constant 125 : i32
        %lt3A_320 = arith.cmpi slt, %add3A_318, %lt3A_319 : i32
        %convert_element_type3A_321 = arith.extui %lt3A_320 : i1 to i32
        %cond3A_322 = arith.constant 0 : i32
        %cond3A_323 = arith.cmpi ne, %convert_element_type3A_321, %cond3A_322 : i32
        scf.if %cond3A_323 {
          %ge3A = arith.constant 4 : i32
          %ge3A_337 = arith.cmpi sge, %add3A_293, %ge3A : i32
          %convert_element_type3A_338 = arith.extui %ge3A_337 : i1 to i32
          %cond3A_339 = arith.constant 0 : i32
          %cond3A_340 = arith.cmpi ne, %convert_element_type3A_338, %cond3A_339 : i32
          scf.if %cond3A_340 {
            %dma_wait3A_349 = arith.constant 0 : i32
            %dma_wait3A_350 = arith.constant 0 : i32
            %dma_wait3A_351 = tpu.memref_slice %arg7[%dma_wait3A_349, %dma_wait3A_350] : memref<125x80xi32, #tpu.memory_space<vmem>> -> memref<1x80xi32, #tpu.memory_space<vmem>>
            %dma_wait3A_352 = tpu.memref_squeeze %dma_wait3A_351 : memref<1x80xi32, #tpu.memory_space<vmem>> -> memref<80xi32, #tpu.memory_space<vmem>>
            %dma_wait3A_353 = arith.constant 0 : i32
            %dma_wait3A_354 = arith.constant 0 : i32
            %dma_wait3A_355 = tpu.memref_slice %arg5[%dma_wait3A_353, %dma_wait3A_354] : memref<10240x80xf32, #tpu.memory_space<vmem_shared>> -> memref<10240x80xf32, #tpu.memory_space<vmem_shared>>
            tpu.wait_indirect_dma semaphore(%arg26 : memref<!tpu.dma_semaphore, #tpu.memory_space<semaphore_mem>>) src(%arg9 : memref<80x80xf32, #tpu.memory_space<vmem>>) dst(%dma_wait3A_355 : memref<10240x80xf32, #tpu.memory_space<vmem_shared>>)
          } else {
          }
          %add3A_341 = arith.constant 4 : i32
          %add3A_342 = arith.addi %add3A_293, %add3A_341 : i32
          %dma_start3A_343 = arith.constant 0 : i32
          %dma_start3A_344 = tpu.memref_slice %arg6[%add3A_342, %dma_start3A_343] : memref<125x80xi32, #tpu.memory_space<vmem>> -> memref<1x80xi32, #tpu.memory_space<vmem>>
          %dma_start3A_345 = tpu.memref_squeeze %dma_start3A_344 : memref<1x80xi32, #tpu.memory_space<vmem>> -> memref<80xi32, #tpu.memory_space<vmem>>
          %dma_start3A_346 = arith.constant 0 : i32
          %dma_start3A_347 = arith.constant 0 : i32
          %dma_start3A_348 = tpu.memref_slice %arg2[%dma_start3A_346, %dma_start3A_347] : memref<10000x80xf32, #tpu.memory_space<hbm>> -> memref<10000x80xf32, #tpu.memory_space<hbm>>
          tpu.enqueue_indirect_dma source(%dma_start3A_348 : memref<10000x80xf32, #tpu.memory_space<hbm>>) target(%arg9 : memref<80x80xf32, #tpu.memory_space<vmem>>) offsets(%dma_start3A_345 : memref<80xi32, #tpu.memory_space<vmem>>) semaphore(%arg18 : memref<!tpu.dma_semaphore, #tpu.memory_space<semaphore_mem>>)
        } else {
        }
        %dma_wait3A_324 = arith.constant 0 : i32
        %dma_wait3A_325 = arith.constant 0 : i32
        %dma_wait3A_326 = tpu.memref_slice %arg6[%dma_wait3A_324, %dma_wait3A_325] : memref<125x80xi32, #tpu.memory_space<vmem>> -> memref<1x80xi32, #tpu.memory_space<vmem>>
        %dma_wait3A_327 = tpu.memref_squeeze %dma_wait3A_326 : memref<1x80xi32, #tpu.memory_space<vmem>> -> memref<80xi32, #tpu.memory_space<vmem>>
        %dma_wait3A_328 = arith.constant 0 : i32
        %dma_wait3A_329 = arith.constant 0 : i32
        %dma_wait3A_330 = tpu.memref_slice %arg2[%dma_wait3A_328, %dma_wait3A_329] : memref<10000x80xf32, #tpu.memory_space<hbm>> -> memref<10000x80xf32, #tpu.memory_space<hbm>>
        tpu.wait_indirect_dma semaphore(%arg22 : memref<!tpu.dma_semaphore, #tpu.memory_space<semaphore_mem>>) src(%dma_wait3A_330 : memref<10000x80xf32, #tpu.memory_space<hbm>>) dst(%arg13 : memref<80x80xf32, #tpu.memory_space<vmem>>)
        %dma_start3A_331 = arith.constant 0 : i32
        %dma_start3A_332 = tpu.memref_slice %arg7[%add3A_293, %dma_start3A_331] : memref<125x80xi32, #tpu.memory_space<vmem>> -> memref<1x80xi32, #tpu.memory_space<vmem>>
        %dma_start3A_333 = tpu.memref_squeeze %dma_start3A_332 : memref<1x80xi32, #tpu.memory_space<vmem>> -> memref<80xi32, #tpu.memory_space<vmem>>
        %dma_start3A_334 = arith.constant 0 : i32
        %dma_start3A_335 = arith.constant 0 : i32
        %dma_start3A_336 = tpu.memref_slice %arg5[%dma_start3A_334, %dma_start3A_335] : memref<10240x80xf32, #tpu.memory_space<vmem_shared>> -> memref<10240x80xf32, #tpu.memory_space<vmem_shared>>
        tpu.enqueue_indirect_dma source(%arg13 : memref<80x80xf32, #tpu.memory_space<vmem>>) target(%dma_start3A_336 : memref<10240x80xf32, #tpu.memory_space<vmem_shared>>) offsets(%dma_start3A_333 : memref<80xi32, #tpu.memory_space<vmem>>) semaphore(%arg30 : memref<!tpu.dma_semaphore, #tpu.memory_space<semaphore_mem>>) {add = true}
      } else {
      }
      %mul3A_299 = arith.constant 8 : i32
      %mul3A_300 = arith.muli %mul3A_299, %scan3A_247 : i32
      %add3A_301 = arith.constant 6 : i32
      %add3A_302 = arith.addi %mul3A_300, %add3A_301 : i32
      %lt3A_303 = arith.constant 125 : i32
      %lt3A_304 = arith.cmpi slt, %add3A_302, %lt3A_303 : i32
      %convert_element_type3A_305 = arith.extui %lt3A_304 : i1 to i32
      %cond3A_306 = arith.constant 0 : i32
      %cond3A_307 = arith.cmpi ne, %convert_element_type3A_305, %cond3A_306 : i32
      scf.if %cond3A_307 {
        %add3A_317 = arith.constant 4 : i32
        %add3A_318 = arith.addi %add3A_302, %add3A_317 : i32
        %lt3A_319 = arith.constant 125 : i32
        %lt3A_320 = arith.cmpi slt, %add3A_318, %lt3A_319 : i32
        %convert_element_type3A_321 = arith.extui %lt3A_320 : i1 to i32
        %cond3A_322 = arith.constant 0 : i32
        %cond3A_323 = arith.cmpi ne, %convert_element_type3A_321, %cond3A_322 : i32
        scf.if %cond3A_323 {
          %ge3A = arith.constant 4 : i32
          %ge3A_337 = arith.cmpi sge, %add3A_302, %ge3A : i32
          %convert_element_type3A_338 = arith.extui %ge3A_337 : i1 to i32
          %cond3A_339 = arith.constant 0 : i32
          %cond3A_340 = arith.cmpi ne, %convert_element_type3A_338, %cond3A_339 : i32
          scf.if %cond3A_340 {
            %dma_wait3A_349 = arith.constant 0 : i32
            %dma_wait3A_350 = arith.constant 0 : i32
            %dma_wait3A_351 = tpu.memref_slice %arg7[%dma_wait3A_349, %dma_wait3A_350] : memref<125x80xi32, #tpu.memory_space<vmem>> -> memref<1x80xi32, #tpu.memory_space<vmem>>
            %dma_wait3A_352 = tpu.memref_squeeze %dma_wait3A_351 : memref<1x80xi32, #tpu.memory_space<vmem>> -> memref<80xi32, #tpu.memory_space<vmem>>
            %dma_wait3A_353 = arith.constant 0 : i32
            %dma_wait3A_354 = arith.constant 0 : i32
            %dma_wait3A_355 = tpu.memref_slice %arg5[%dma_wait3A_353, %dma_wait3A_354] : memref<10240x80xf32, #tpu.memory_space<vmem_shared>> -> memref<10240x80xf32, #tpu.memory_space<vmem_shared>>
            tpu.wait_indirect_dma semaphore(%arg27 : memref<!tpu.dma_semaphore, #tpu.memory_space<semaphore_mem>>) src(%arg10 : memref<80x80xf32, #tpu.memory_space<vmem>>) dst(%dma_wait3A_355 : memref<10240x80xf32, #tpu.memory_space<vmem_shared>>)
          } else {
          }
          %add3A_341 = arith.constant 4 : i32
          %add3A_342 = arith.addi %add3A_302, %add3A_341 : i32
          %dma_start3A_343 = arith.constant 0 : i32
          %dma_start3A_344 = tpu.memref_slice %arg6[%add3A_342, %dma_start3A_343] : memref<125x80xi32, #tpu.memory_space<vmem>> -> memref<1x80xi32, #tpu.memory_space<vmem>>
          %dma_start3A_345 = tpu.memref_squeeze %dma_start3A_344 : memref<1x80xi32, #tpu.memory_space<vmem>> -> memref<80xi32, #tpu.memory_space<vmem>>
          %dma_start3A_346 = arith.constant 0 : i32
          %dma_start3A_347 = arith.constant 0 : i32
          %dma_start3A_348 = tpu.memref_slice %arg2[%dma_start3A_346, %dma_start3A_347] : memref<10000x80xf32, #tpu.memory_space<hbm>> -> memref<10000x80xf32, #tpu.memory_space<hbm>>
          tpu.enqueue_indirect_dma source(%dma_start3A_348 : memref<10000x80xf32, #tpu.memory_space<hbm>>) target(%arg10 : memref<80x80xf32, #tpu.memory_space<vmem>>) offsets(%dma_start3A_345 : memref<80xi32, #tpu.memory_space<vmem>>) semaphore(%arg19 : memref<!tpu.dma_semaphore, #tpu.memory_space<semaphore_mem>>)
        } else {
        }
        %dma_wait3A_324 = arith.constant 0 : i32
        %dma_wait3A_325 = arith.constant 0 : i32
        %dma_wait3A_326 = tpu.memref_slice %arg6[%dma_wait3A_324, %dma_wait3A_325] : memref<125x80xi32, #tpu.memory_space<vmem>> -> memref<1x80xi32, #tpu.memory_space<vmem>>
        %dma_wait3A_327 = tpu.memref_squeeze %dma_wait3A_326 : memref<1x80xi32, #tpu.memory_space<vmem>> -> memref<80xi32, #tpu.memory_space<vmem>>
        %dma_wait3A_328 = arith.constant 0 : i32
        %dma_wait3A_329 = arith.constant 0 : i32
        %dma_wait3A_330 = tpu.memref_slice %arg2[%dma_wait3A_328, %dma_wait3A_329] : memref<10000x80xf32, #tpu.memory_space<hbm>> -> memref<10000x80xf32, #tpu.memory_space<hbm>>
        tpu.wait_indirect_dma semaphore(%arg23 : memref<!tpu.dma_semaphore, #tpu.memory_space<semaphore_mem>>) src(%dma_wait3A_330 : memref<10000x80xf32, #tpu.memory_space<hbm>>) dst(%arg14 : memref<80x80xf32, #tpu.memory_space<vmem>>)
        %dma_start3A_331 = arith.constant 0 : i32
        %dma_start3A_332 = tpu.memref_slice %arg7[%add3A_302, %dma_start3A_331] : memref<125x80xi32, #tpu.memory_space<vmem>> -> memref<1x80xi32, #tpu.memory_space<vmem>>
        %dma_start3A_333 = tpu.memref_squeeze %dma_start3A_332 : memref<1x80xi32, #tpu.memory_space<vmem>> -> memref<80xi32, #tpu.memory_space<vmem>>
        %dma_start3A_334 = arith.constant 0 : i32
        %dma_start3A_335 = arith.constant 0 : i32
        %dma_start3A_336 = tpu.memref_slice %arg5[%dma_start3A_334, %dma_start3A_335] : memref<10240x80xf32, #tpu.memory_space<vmem_shared>> -> memref<10240x80xf32, #tpu.memory_space<vmem_shared>>
        tpu.enqueue_indirect_dma source(%arg14 : memref<80x80xf32, #tpu.memory_space<vmem>>) target(%dma_start3A_336 : memref<10240x80xf32, #tpu.memory_space<vmem_shared>>) offsets(%dma_start3A_333 : memref<80xi32, #tpu.memory_space<vmem>>) semaphore(%arg31 : memref<!tpu.dma_semaphore, #tpu.memory_space<semaphore_mem>>) {add = true}
      } else {
      }
      %mul3A_308 = arith.constant 8 : i32
      %mul3A_309 = arith.muli %mul3A_308, %scan3A_247 : i32
      %add3A_310 = arith.constant 7 : i32
      %add3A_311 = arith.addi %mul3A_309, %add3A_310 : i32
      %lt3A_312 = arith.constant 125 : i32
      %lt3A_313 = arith.cmpi slt, %add3A_311, %lt3A_312 : i32
      %convert_element_type3A_314 = arith.extui %lt3A_313 : i1 to i32
      %cond3A_315 = arith.constant 0 : i32
      %cond3A_316 = arith.cmpi ne, %convert_element_type3A_314, %cond3A_315 : i32
      scf.if %cond3A_316 {
        %add3A_317 = arith.constant 4 : i32
        %add3A_318 = arith.addi %add3A_311, %add3A_317 : i32
        %lt3A_319 = arith.constant 125 : i32
        %lt3A_320 = arith.cmpi slt, %add3A_318, %lt3A_319 : i32
        %convert_element_type3A_321 = arith.extui %lt3A_320 : i1 to i32
        %cond3A_322 = arith.constant 0 : i32
        %cond3A_323 = arith.cmpi ne, %convert_element_type3A_321, %cond3A_322 : i32
        scf.if %cond3A_323 {
          %ge3A = arith.constant 4 : i32
          %ge3A_337 = arith.cmpi sge, %add3A_311, %ge3A : i32
          %convert_element_type3A_338 = arith.extui %ge3A_337 : i1 to i32
          %cond3A_339 = arith.constant 0 : i32
          %cond3A_340 = arith.cmpi ne, %convert_element_type3A_338, %cond3A_339 : i32
          scf.if %cond3A_340 {
            %dma_wait3A_349 = arith.constant 0 : i32
            %dma_wait3A_350 = arith.constant 0 : i32
            %dma_wait3A_351 = tpu.memref_slice %arg7[%dma_wait3A_349, %dma_wait3A_350] : memref<125x80xi32, #tpu.memory_space<vmem>> -> memref<1x80xi32, #tpu.memory_space<vmem>>
            %dma_wait3A_352 = tpu.memref_squeeze %dma_wait3A_351 : memref<1x80xi32, #tpu.memory_space<vmem>> -> memref<80xi32, #tpu.memory_space<vmem>>
            %dma_wait3A_353 = arith.constant 0 : i32
            %dma_wait3A_354 = arith.constant 0 : i32
            %dma_wait3A_355 = tpu.memref_slice %arg5[%dma_wait3A_353, %dma_wait3A_354] : memref<10240x80xf32, #tpu.memory_space<vmem_shared>> -> memref<10240x80xf32, #tpu.memory_space<vmem_shared>>
            tpu.wait_indirect_dma semaphore(%arg28 : memref<!tpu.dma_semaphore, #tpu.memory_space<semaphore_mem>>) src(%arg11 : memref<80x80xf32, #tpu.memory_space<vmem>>) dst(%dma_wait3A_355 : memref<10240x80xf32, #tpu.memory_space<vmem_shared>>)
          } else {
          }
          %add3A_341 = arith.constant 4 : i32
          %add3A_342 = arith.addi %add3A_311, %add3A_341 : i32
          %dma_start3A_343 = arith.constant 0 : i32
          %dma_start3A_344 = tpu.memref_slice %arg6[%add3A_342, %dma_start3A_343] : memref<125x80xi32, #tpu.memory_space<vmem>> -> memref<1x80xi32, #tpu.memory_space<vmem>>
          %dma_start3A_345 = tpu.memref_squeeze %dma_start3A_344 : memref<1x80xi32, #tpu.memory_space<vmem>> -> memref<80xi32, #tpu.memory_space<vmem>>
          %dma_start3A_346 = arith.constant 0 : i32
          %dma_start3A_347 = arith.constant 0 : i32
          %dma_start3A_348 = tpu.memref_slice %arg2[%dma_start3A_346, %dma_start3A_347] : memref<10000x80xf32, #tpu.memory_space<hbm>> -> memref<10000x80xf32, #tpu.memory_space<hbm>>
          tpu.enqueue_indirect_dma source(%dma_start3A_348 : memref<10000x80xf32, #tpu.memory_space<hbm>>) target(%arg11 : memref<80x80xf32, #tpu.memory_space<vmem>>) offsets(%dma_start3A_345 : memref<80xi32, #tpu.memory_space<vmem>>) semaphore(%arg20 : memref<!tpu.dma_semaphore, #tpu.memory_space<semaphore_mem>>)
        } else {
        }
        %dma_wait3A_324 = arith.constant 0 : i32
        %dma_wait3A_325 = arith.constant 0 : i32
        %dma_wait3A_326 = tpu.memref_slice %arg6[%dma_wait3A_324, %dma_wait3A_325] : memref<125x80xi32, #tpu.memory_space<vmem>> -> memref<1x80xi32, #tpu.memory_space<vmem>>
        %dma_wait3A_327 = tpu.memref_squeeze %dma_wait3A_326 : memref<1x80xi32, #tpu.memory_space<vmem>> -> memref<80xi32, #tpu.memory_space<vmem>>
        %dma_wait3A_328 = arith.constant 0 : i32
        %dma_wait3A_329 = arith.constant 0 : i32
        %dma_wait3A_330 = tpu.memref_slice %arg2[%dma_wait3A_328, %dma_wait3A_329] : memref<10000x80xf32, #tpu.memory_space<hbm>> -> memref<10000x80xf32, #tpu.memory_space<hbm>>
        tpu.wait_indirect_dma semaphore(%arg24 : memref<!tpu.dma_semaphore, #tpu.memory_space<semaphore_mem>>) src(%dma_wait3A_330 : memref<10000x80xf32, #tpu.memory_space<hbm>>) dst(%arg15 : memref<80x80xf32, #tpu.memory_space<vmem>>)
        %dma_start3A_331 = arith.constant 0 : i32
        %dma_start3A_332 = tpu.memref_slice %arg7[%add3A_311, %dma_start3A_331] : memref<125x80xi32, #tpu.memory_space<vmem>> -> memref<1x80xi32, #tpu.memory_space<vmem>>
        %dma_start3A_333 = tpu.memref_squeeze %dma_start3A_332 : memref<1x80xi32, #tpu.memory_space<vmem>> -> memref<80xi32, #tpu.memory_space<vmem>>
        %dma_start3A_334 = arith.constant 0 : i32
        %dma_start3A_335 = arith.constant 0 : i32
        %dma_start3A_336 = tpu.memref_slice %arg5[%dma_start3A_334, %dma_start3A_335] : memref<10240x80xf32, #tpu.memory_space<vmem_shared>> -> memref<10240x80xf32, #tpu.memory_space<vmem_shared>>
        tpu.enqueue_indirect_dma source(%arg15 : memref<80x80xf32, #tpu.memory_space<vmem>>) target(%dma_start3A_336 : memref<10240x80xf32, #tpu.memory_space<vmem_shared>>) offsets(%dma_start3A_333 : memref<80xi32, #tpu.memory_space<vmem>>) semaphore(%arg32 : memref<!tpu.dma_semaphore, #tpu.memory_space<semaphore_mem>>) {add = true}
      } else {
      }
    }
    %scan3A_185 = arith.constant 16 : i32
    %dma_wait3A_186 = arith.constant 0 : i32
    %dma_wait3A_187 = arith.constant 0 : i32
    %dma_wait3A_188 = tpu.memref_slice %arg7[%dma_wait3A_186, %dma_wait3A_187] : memref<125x80xi32, #tpu.memory_space<vmem>> -> memref<1x80xi32, #tpu.memory_space<vmem>>
    %dma_wait3A_189 = tpu.memref_squeeze %dma_wait3A_188 : memref<1x80xi32, #tpu.memory_space<vmem>> -> memref<80xi32, #tpu.memory_space<vmem>>
    %dma_wait3A_190 = arith.constant 0 : i32
    %dma_wait3A_191 = arith.constant 0 : i32
    %dma_wait3A_192 = tpu.memref_slice %arg5[%dma_wait3A_190, %dma_wait3A_191] : memref<10240x80xf32, #tpu.memory_space<vmem_shared>> -> memref<10240x80xf32, #tpu.memory_space<vmem_shared>>
    tpu.wait_indirect_dma semaphore(%arg30 : memref<!tpu.dma_semaphore, #tpu.memory_space<semaphore_mem>>) src(%arg13 : memref<80x80xf32, #tpu.memory_space<vmem>>) dst(%dma_wait3A_192 : memref<10240x80xf32, #tpu.memory_space<vmem_shared>>)
    %dma_wait3A_193 = arith.constant 0 : i32
    %dma_wait3A_194 = arith.constant 0 : i32
    %dma_wait3A_195 = tpu.memref_slice %arg7[%dma_wait3A_193, %dma_wait3A_194] : memref<125x80xi32, #tpu.memory_space<vmem>> -> memref<1x80xi32, #tpu.memory_space<vmem>>
    %dma_wait3A_196 = tpu.memref_squeeze %dma_wait3A_195 : memref<1x80xi32, #tpu.memory_space<vmem>> -> memref<80xi32, #tpu.memory_space<vmem>>
    %dma_wait3A_197 = arith.constant 0 : i32
    %dma_wait3A_198 = arith.constant 0 : i32
    %dma_wait3A_199 = tpu.memref_slice %arg5[%dma_wait3A_197, %dma_wait3A_198] : memref<10240x80xf32, #tpu.memory_space<vmem_shared>> -> memref<10240x80xf32, #tpu.memory_space<vmem_shared>>
    tpu.wait_indirect_dma semaphore(%arg31 : memref<!tpu.dma_semaphore, #tpu.memory_space<semaphore_mem>>) src(%arg14 : memref<80x80xf32, #tpu.memory_space<vmem>>) dst(%dma_wait3A_199 : memref<10240x80xf32, #tpu.memory_space<vmem_shared>>)
    %dma_wait3A_200 = arith.constant 0 : i32
    %dma_wait3A_201 = arith.constant 0 : i32
    %dma_wait3A_202 = tpu.memref_slice %arg7[%dma_wait3A_200, %dma_wait3A_201] : memref<125x80xi32, #tpu.memory_space<vmem>> -> memref<1x80xi32, #tpu.memory_space<vmem>>
    %dma_wait3A_203 = tpu.memref_squeeze %dma_wait3A_202 : memref<1x80xi32, #tpu.memory_space<vmem>> -> memref<80xi32, #tpu.memory_space<vmem>>
    %dma_wait3A_204 = arith.constant 0 : i32
    %dma_wait3A_205 = arith.constant 0 : i32
    %dma_wait3A_206 = tpu.memref_slice %arg5[%dma_wait3A_204, %dma_wait3A_205] : memref<10240x80xf32, #tpu.memory_space<vmem_shared>> -> memref<10240x80xf32, #tpu.memory_space<vmem_shared>>
    tpu.wait_indirect_dma semaphore(%arg32 : memref<!tpu.dma_semaphore, #tpu.memory_space<semaphore_mem>>) src(%arg15 : memref<80x80xf32, #tpu.memory_space<vmem>>) dst(%dma_wait3A_206 : memref<10240x80xf32, #tpu.memory_space<vmem_shared>>)
    %dma_wait3A_207 = arith.constant 0 : i32
    %dma_wait3A_208 = arith.constant 0 : i32
    %dma_wait3A_209 = tpu.memref_slice %arg7[%dma_wait3A_207, %dma_wait3A_208] : memref<125x80xi32, #tpu.memory_space<vmem>> -> memref<1x80xi32, #tpu.memory_space<vmem>>
    %dma_wait3A_210 = tpu.memref_squeeze %dma_wait3A_209 : memref<1x80xi32, #tpu.memory_space<vmem>> -> memref<80xi32, #tpu.memory_space<vmem>>
    %dma_wait3A_211 = arith.constant 0 : i32
    %dma_wait3A_212 = arith.constant 0 : i32
    %dma_wait3A_213 = tpu.memref_slice %arg5[%dma_wait3A_211, %dma_wait3A_212] : memref<10240x80xf32, #tpu.memory_space<vmem_shared>> -> memref<10240x80xf32, #tpu.memory_space<vmem_shared>>
    tpu.wait_indirect_dma semaphore(%arg25 : memref<!tpu.dma_semaphore, #tpu.memory_space<semaphore_mem>>) src(%arg8 : memref<80x80xf32, #tpu.memory_space<vmem>>) dst(%dma_wait3A_213 : memref<10240x80xf32, #tpu.memory_space<vmem_shared>>)
    %dma_wait3A_214 = arith.constant 0 : i32
    %dma_wait3A_215 = arith.constant 0 : i32
    %dma_wait3A_216 = tpu.memref_slice %arg7[%dma_wait3A_214, %dma_wait3A_215] : memref<125x80xi32, #tpu.memory_space<vmem>> -> memref<1x80xi32, #tpu.memory_space<vmem>>
    %dma_wait3A_217 = tpu.memref_squeeze %dma_wait3A_216 : memref<1x80xi32, #tpu.memory_space<vmem>> -> memref<80xi32, #tpu.memory_space<vmem>>
    %dma_wait3A_218 = arith.constant 0 : i32
    %dma_wait3A_219 = arith.constant 0 : i32
    %dma_wait3A_220 = tpu.memref_slice %arg5[%dma_wait3A_218, %dma_wait3A_219] : memref<10240x80xf32, #tpu.memory_space<vmem_shared>> -> memref<10240x80xf32, #tpu.memory_space<vmem_shared>>
    tpu.wait_indirect_dma semaphore(%arg26 : memref<!tpu.dma_semaphore, #tpu.memory_space<semaphore_mem>>) src(%arg9 : memref<80x80xf32, #tpu.memory_space<vmem>>) dst(%dma_wait3A_220 : memref<10240x80xf32, #tpu.memory_space<vmem_shared>>)
    %dma_wait3A_221 = arith.constant 0 : i32
    %dma_wait3A_222 = arith.constant 0 : i32
    %dma_wait3A_223 = tpu.memref_slice %arg7[%dma_wait3A_221, %dma_wait3A_222] : memref<125x80xi32, #tpu.memory_space<vmem>> -> memref<1x80xi32, #tpu.memory_space<vmem>>
    %dma_wait3A_224 = tpu.memref_squeeze %dma_wait3A_223 : memref<1x80xi32, #tpu.memory_space<vmem>> -> memref<80xi32, #tpu.memory_space<vmem>>
    %dma_wait3A_225 = arith.constant 0 : i32
    %dma_wait3A_226 = arith.constant 0 : i32
    %dma_wait3A_227 = tpu.memref_slice %arg5[%dma_wait3A_225, %dma_wait3A_226] : memref<10240x80xf32, #tpu.memory_space<vmem_shared>> -> memref<10240x80xf32, #tpu.memory_space<vmem_shared>>
    tpu.wait_indirect_dma semaphore(%arg27 : memref<!tpu.dma_semaphore, #tpu.memory_space<semaphore_mem>>) src(%arg10 : memref<80x80xf32, #tpu.memory_space<vmem>>) dst(%dma_wait3A_227 : memref<10240x80xf32, #tpu.memory_space<vmem_shared>>)
    %dma_wait3A_228 = arith.constant 0 : i32
    %dma_wait3A_229 = arith.constant 0 : i32
    %dma_wait3A_230 = tpu.memref_slice %arg7[%dma_wait3A_228, %dma_wait3A_229] : memref<125x80xi32, #tpu.memory_space<vmem>> -> memref<1x80xi32, #tpu.memory_space<vmem>>
    %dma_wait3A_231 = tpu.memref_squeeze %dma_wait3A_230 : memref<1x80xi32, #tpu.memory_space<vmem>> -> memref<80xi32, #tpu.memory_space<vmem>>
    %dma_wait3A_232 = arith.constant 0 : i32
    %dma_wait3A_233 = arith.constant 0 : i32
    %dma_wait3A_234 = tpu.memref_slice %arg5[%dma_wait3A_232, %dma_wait3A_233] : memref<10240x80xf32, #tpu.memory_space<vmem_shared>> -> memref<10240x80xf32, #tpu.memory_space<vmem_shared>>
    tpu.wait_indirect_dma semaphore(%arg28 : memref<!tpu.dma_semaphore, #tpu.memory_space<semaphore_mem>>) src(%arg11 : memref<80x80xf32, #tpu.memory_space<vmem>>) dst(%dma_wait3A_234 : memref<10240x80xf32, #tpu.memory_space<vmem_shared>>)
    %dma_wait3A_235 = arith.constant 0 : i32
    %dma_wait3A_236 = arith.constant 0 : i32
    %dma_wait3A_237 = tpu.memref_slice %arg7[%dma_wait3A_235, %dma_wait3A_236] : memref<125x80xi32, #tpu.memory_space<vmem>> -> memref<1x80xi32, #tpu.memory_space<vmem>>
    %dma_wait3A_238 = tpu.memref_squeeze %dma_wait3A_237 : memref<1x80xi32, #tpu.memory_space<vmem>> -> memref<80xi32, #tpu.memory_space<vmem>>
    %dma_wait3A_239 = arith.constant 0 : i32
    %dma_wait3A_240 = arith.constant 0 : i32
    %dma_wait3A_241 = tpu.memref_slice %arg5[%dma_wait3A_239, %dma_wait3A_240] : memref<10240x80xf32, #tpu.memory_space<vmem_shared>> -> memref<10240x80xf32, #tpu.memory_space<vmem_shared>>
    tpu.wait_indirect_dma semaphore(%arg29 : memref<!tpu.dma_semaphore, #tpu.memory_space<semaphore_mem>>) src(%arg12 : memref<80x80xf32, #tpu.memory_space<vmem>>) dst(%dma_wait3A_241 : memref<10240x80xf32, #tpu.memory_space<vmem_shared>>)
    %barrier3A_242 = arith.constant 0 : index
    tpu.barrier barrier_id(%barrier3A_242)
    %mul3A_243 = arith.constant 640 : i32
    %mul3A_244 = arith.muli %arg1, %mul3A_243 : i32
    %mul3A_245 = arith.constant 640 : i32
    %mul3A_246 = arith.muli %arg1, %mul3A_245 : i32
    "tpu.region"() ({
      %run_scoped3A = tpu.sem_alloc : memref<!tpu.dma_semaphore, #tpu.memory_space<semaphore_mem>>
      %dma_start3A_247 = arith.constant 0 : i32
      %dma_start3A_248 = tpu.memref_slice %arg4[%arg0, %mul3A_246, %dma_start3A_247] : memref<2x10240x80xf32, #tpu.memory_space<hbm>> -> memref<1x640x80xf32, #tpu.memory_space<hbm>>
      %dma_start3A_249 = tpu.memref_squeeze %dma_start3A_248 : memref<1x640x80xf32, #tpu.memory_space<hbm>> -> memref<640x80xf32, #tpu.memory_space<hbm>>
      %dma_start3A_250 = arith.constant 0 : i32
      %dma_start3A_251 = tpu.memref_slice %arg5[%mul3A_244, %dma_start3A_250] : memref<10240x80xf32, #tpu.memory_space<vmem_shared>> -> memref<640x80xf32, #tpu.memory_space<vmem_shared>>
      tpu.enqueue_dma source(%dma_start3A_251 : memref<640x80xf32, #tpu.memory_space<vmem_shared>>) target(%dma_start3A_249 : memref<640x80xf32, #tpu.memory_space<hbm>>) target_semaphore(%run_scoped3A : memref<!tpu.dma_semaphore, #tpu.memory_space<semaphore_mem>>)
      %dma_wait3A_252 = arith.constant 0 : i32
      %dma_wait3A_253 = tpu.memref_slice %arg4[%arg0, %mul3A_246, %dma_wait3A_252] : memref<2x10240x80xf32, #tpu.memory_space<hbm>> -> memref<1x640x80xf32, #tpu.memory_space<hbm>>
      %dma_wait3A_254 = tpu.memref_squeeze %dma_wait3A_253 : memref<1x640x80xf32, #tpu.memory_space<hbm>> -> memref<640x80xf32, #tpu.memory_space<hbm>>
      %dma_wait3A_255 = arith.constant 0 : i32
      %dma_wait3A_256 = tpu.memref_slice %arg5[%mul3A_244, %dma_wait3A_255] : memref<10240x80xf32, #tpu.memory_space<vmem_shared>> -> memref<640x80xf32, #tpu.memory_space<vmem_shared>>
      tpu.wait_dma2 semaphore(%run_scoped3A : memref<!tpu.dma_semaphore, #tpu.memory_space<semaphore_mem>>) src(%dma_wait3A_256 : memref<640x80xf32, #tpu.memory_space<vmem_shared>>) dst(%dma_wait3A_254 : memref<640x80xf32, #tpu.memory_space<hbm>>)
      tpu.yield
    }) : () -> ()
    return
  }
}

#map = affine_map<(d0, d1) -> (0, 0)>
#map1 = affine_map<(d0, d1) -> (0, 0, 0, 0)>
#map2 = affine_map<(d0, d1) -> (0, 0, 0)>
module attributes {stable_mosaic.version = 14 : i64} {
  func.func @seg_sum(%arg0: i32, %arg1: i32, %arg2: memref<10000x64xf32, #tpu.memory_space<hbm>>, %arg3: memref<2x32x125x80xi32, #tpu.memory_space<hbm>>, %arg4: memref<2x10240x64xf32, #tpu.memory_space<hbm>>, %arg5: memref<10240x64xf32, #tpu.memory_space<vmem_shared>>, %arg6: memref<125x80xi32, #tpu.memory_space<vmem>>, %arg7: memref<125x80xi32, #tpu.memory_space<vmem>>, %arg8: memref<80x64xf32, #tpu.memory_space<vmem>>, %arg9: memref<80x64xf32, #tpu.memory_space<vmem>>, %arg10: memref<80x64xf32, #tpu.memory_space<vmem>>, %arg11: memref<80x64xf32, #tpu.memory_space<vmem>>, %arg12: memref<80x64xf32, #tpu.memory_space<vmem>>, %arg13: memref<80x64xf32, #tpu.memory_space<vmem>>, %arg14: memref<80x64xf32, #tpu.memory_space<vmem>>, %arg15: memref<80x64xf32, #tpu.memory_space<vmem>>, %arg16: memref<80x64xf32, #tpu.memory_space<vmem>>, %arg17: memref<!tpu.dma_semaphore, #tpu.memory_space<semaphore_mem>>, %arg18: memref<!tpu.dma_semaphore, #tpu.memory_space<semaphore_mem>>, %arg19: memref<!tpu.dma_semaphore, #tpu.memory_space<semaphore_mem>>, %arg20: memref<!tpu.dma_semaphore, #tpu.memory_space<semaphore_mem>>, %arg21: memref<!tpu.dma_semaphore, #tpu.memory_space<semaphore_mem>>, %arg22: memref<!tpu.dma_semaphore, #tpu.memory_space<semaphore_mem>>, %arg23: memref<!tpu.dma_semaphore, #tpu.memory_space<semaphore_mem>>, %arg24: memref<!tpu.dma_semaphore, #tpu.memory_space<semaphore_mem>>, %arg25: memref<!tpu.dma_semaphore, #tpu.memory_space<semaphore_mem>>, %arg26: memref<!tpu.dma_semaphore, #tpu.memory_space<semaphore_mem>>, %arg27: memref<!tpu.dma_semaphore, #tpu.memory_space<semaphore_mem>>, %arg28: memref<!tpu.dma_semaphore, #tpu.memory_space<semaphore_mem>>, %arg29: memref<!tpu.dma_semaphore, #tpu.memory_space<semaphore_mem>>, %arg30: memref<!tpu.dma_semaphore, #tpu.memory_space<semaphore_mem>>, %arg31: memref<!tpu.dma_semaphore, #tpu.memory_space<semaphore_mem>>, %arg32: memref<!tpu.dma_semaphore, #tpu.memory_space<semaphore_mem>>, %arg33: memref<!tpu.dma_semaphore, #tpu.memory_space<semaphore_mem>>, %arg34: memref<!tpu.dma_semaphore, #tpu.memory_space<semaphore_mem>>) attributes {dimension_semantics = [#tpu.dimension_semantics<core_parallel>, #tpu.dimension_semantics<subcore_parallel>], iteration_bounds = array<i64: 2, 16>, scalar_prefetch = 0 : i64, scratch_operands = 30 : i64, tpu.core_type = #tpu.core_type<sc_vector_subcore>, window_params = [{transform_indices = #map}, {transform_indices = #map1}, {transform_indices = #map2}]} {
    %mul3A = arith.constant 16 : i32
    %mul3A_0 = arith.muli %arg0, %mul3A : i32
    %add3A = arith.addi %mul3A_0, %arg1 : i32
    %dma_start3A = arith.constant 0 : i32
    %dma_start3A_1 = arith.constant 0 : i32
    %dma_start3A_2 = arith.constant 0 : i32
    %dma_start3A_3 = tpu.memref_slice %arg3[%dma_start3A, %add3A, %dma_start3A_1, %dma_start3A_2] : memref<2x32x125x80xi32, #tpu.memory_space<hbm>> -> memref<1x1x125x80xi32, #tpu.memory_space<hbm>>
    %dma_start3A_4 = tpu.memref_squeeze %dma_start3A_3 : memref<1x1x125x80xi32, #tpu.memory_space<hbm>> -> memref<125x80xi32, #tpu.memory_space<hbm>>
    %dma_start3A_5 = arith.constant 0 : i32
    %dma_start3A_6 = arith.constant 0 : i32
    %dma_start3A_7 = tpu.memref_slice %arg3[%dma_start3A, %add3A, %dma_start3A_5, %dma_start3A_6] : memref<2x32x125x80xi32, #tpu.memory_space<hbm>> -> memref<1x1x125x80xi32, #tpu.memory_space<hbm>>
    %dma_start3A_8 = tpu.memref_squeeze %dma_start3A_7 : memref<1x1x125x80xi32, #tpu.memory_space<hbm>> -> memref<125x80xi32, #tpu.memory_space<hbm>>
    tpu.enqueue_dma source(%dma_start3A_8 : memref<125x80xi32, #tpu.memory_space<hbm>>) target(%arg6 : memref<125x80xi32, #tpu.memory_space<vmem>>) target_semaphore(%arg33 : memref<!tpu.dma_semaphore, #tpu.memory_space<semaphore_mem>>)
    %dma_start3A_9 = arith.constant 1 : i32
    %dma_start3A_10 = arith.constant 0 : i32
    %dma_start3A_11 = arith.constant 0 : i32
    %dma_start3A_12 = tpu.memref_slice %arg3[%dma_start3A_9, %add3A, %dma_start3A_10, %dma_start3A_11] : memref<2x32x125x80xi32, #tpu.memory_space<hbm>> -> memref<1x1x125x80xi32, #tpu.memory_space<hbm>>
    %dma_start3A_13 = tpu.memref_squeeze %dma_start3A_12 : memref<1x1x125x80xi32, #tpu.memory_space<hbm>> -> memref<125x80xi32, #tpu.memory_space<hbm>>
    %dma_start3A_14 = arith.constant 0 : i32
    %dma_start3A_15 = arith.constant 0 : i32
    %dma_start3A_16 = tpu.memref_slice %arg3[%dma_start3A_9, %add3A, %dma_start3A_14, %dma_start3A_15] : memref<2x32x125x80xi32, #tpu.memory_space<hbm>> -> memref<1x1x125x80xi32, #tpu.memory_space<hbm>>
    %dma_start3A_17 = tpu.memref_squeeze %dma_start3A_16 : memref<1x1x125x80xi32, #tpu.memory_space<hbm>> -> memref<125x80xi32, #tpu.memory_space<hbm>>
    tpu.enqueue_dma source(%dma_start3A_17 : memref<125x80xi32, #tpu.memory_space<hbm>>) target(%arg7 : memref<125x80xi32, #tpu.memory_space<vmem>>) target_semaphore(%arg33 : memref<!tpu.dma_semaphore, #tpu.memory_space<semaphore_mem>>)
    %scan3A = arith.constant 0 : i32
    %scan3A_18 = arith.constant 0 : i32
    %scan3A_19 = arith.constant 80 : i32
    %scan3A_20 = arith.addi %scan3A_18, %scan3A_19 : i32
    %scan3A_21 = arith.constant 1 : i32
    scf.for %scan3A_247 = %scan3A_18 to %scan3A_20 step %scan3A_21  : i32 {
      %broadcast_in_dim3A = arith.constant 0.000000e+00 : f32
      %broadcast_in_dim3A_248 = vector.broadcast %broadcast_in_dim3A : f32 to vector<16xf32>
      %swap3A = arith.index_cast %scan3A_247 : i32 to index
      %swap3A_249 = arith.constant 0 : index
      %swap3A_250 = tpu.vector_load %arg16[%swap3A, %swap3A_249] {strides = array<i32>} : memref<80x64xf32, #tpu.memory_space<vmem>>, vector<1x16xf32>,
      %swap3A_251 = vector.shape_cast %swap3A_250 : vector<1x16xf32> to vector<16xf32>
      %swap3A_252 = vector.shape_cast %broadcast_in_dim3A_248 : vector<16xf32> to vector<1x16xf32>
      tpu.vector_store %arg16[%swap3A, %swap3A_249], %swap3A_252 {strides = array<i32>} : memref<80x64xf32, #tpu.memory_space<vmem>>, vector<1x16xf32>,
      %broadcast_in_dim3A_253 = arith.constant 0.000000e+00 : f32
      %broadcast_in_dim3A_254 = vector.broadcast %broadcast_in_dim3A_253 : f32 to vector<16xf32>
      %swap3A_255 = arith.index_cast %scan3A_247 : i32 to index
      %swap3A_256 = arith.constant 16 : index
      %swap3A_257 = tpu.vector_load %arg16[%swap3A_255, %swap3A_256] {strides = array<i32>} : memref<80x64xf32, #tpu.memory_space<vmem>>, vector<1x16xf32>,
      %swap3A_258 = vector.shape_cast %swap3A_257 : vector<1x16xf32> to vector<16xf32>
      %swap3A_259 = vector.shape_cast %broadcast_in_dim3A_254 : vector<16xf32> to vector<1x16xf32>
      tpu.vector_store %arg16[%swap3A_255, %swap3A_256], %swap3A_259 {strides = array<i32>} : memref<80x64xf32, #tpu.memory_space<vmem>>, vector<1x16xf32>,
      %broadcast_in_dim3A_260 = arith.constant 0.000000e+00 : f32
      %broadcast_in_dim3A_261 = vector.broadcast %broadcast_in_dim3A_260 : f32 to vector<16xf32>
      %swap3A_262 = arith.index_cast %scan3A_247 : i32 to index
      %swap3A_263 = arith.constant 32 : index
      %swap3A_264 = tpu.vector_load %arg16[%swap3A_262, %swap3A_263] {strides = array<i32>} : memref<80x64xf32, #tpu.memory_space<vmem>>, vector<1x16xf32>,
      %swap3A_265 = vector.shape_cast %swap3A_264 : vector<1x16xf32> to vector<16xf32>
      %swap3A_266 = vector.shape_cast %broadcast_in_dim3A_261 : vector<16xf32> to vector<1x16xf32>
      tpu.vector_store %arg16[%swap3A_262, %swap3A_263], %swap3A_266 {strides = array<i32>} : memref<80x64xf32, #tpu.memory_space<vmem>>, vector<1x16xf32>,
      %broadcast_in_dim3A_267 = arith.constant 0.000000e+00 : f32
      %broadcast_in_dim3A_268 = vector.broadcast %broadcast_in_dim3A_267 : f32 to vector<16xf32>
      %swap3A_269 = arith.index_cast %scan3A_247 : i32 to index
      %swap3A_270 = arith.constant 48 : index
      %swap3A_271 = tpu.vector_load %arg16[%swap3A_269, %swap3A_270] {strides = array<i32>} : memref<80x64xf32, #tpu.memory_space<vmem>>, vector<1x16xf32>,
      %swap3A_272 = vector.shape_cast %swap3A_271 : vector<1x16xf32> to vector<16xf32>
      %swap3A_273 = vector.shape_cast %broadcast_in_dim3A_268 : vector<16xf32> to vector<1x16xf32>
      tpu.vector_store %arg16[%swap3A_269, %swap3A_270], %swap3A_273 {strides = array<i32>} : memref<80x64xf32, #tpu.memory_space<vmem>>, vector<1x16xf32>,
    }
    %scan3A_22 = arith.constant 80 : i32
    %mul3A_23 = arith.constant 640 : i32
    %mul3A_24 = arith.muli %arg1, %mul3A_23 : i32
    %add3A_25 = arith.constant 0 : i32
    %add3A_26 = arith.addi %mul3A_24, %add3A_25 : i32
    %dma_start3A_27 = arith.constant 0 : i32
    %dma_start3A_28 = tpu.memref_slice %arg5[%add3A_26, %dma_start3A_27] : memref<10240x64xf32, #tpu.memory_space<vmem_shared>> -> memref<80x64xf32, #tpu.memory_space<vmem_shared>>
    %dma_start3A_29 = arith.constant 0 : i32
    %dma_start3A_30 = tpu.memref_slice %arg5[%add3A_26, %dma_start3A_29] : memref<10240x64xf32, #tpu.memory_space<vmem_shared>> -> memref<80x64xf32, #tpu.memory_space<vmem_shared>>
    tpu.enqueue_dma source(%arg16 : memref<80x64xf32, #tpu.memory_space<vmem>>) target(%dma_start3A_30 : memref<80x64xf32, #tpu.memory_space<vmem_shared>>) target_semaphore(%arg34 : memref<!tpu.dma_semaphore, #tpu.memory_space<semaphore_mem>>)
    %mul3A_31 = arith.constant 640 : i32
    %mul3A_32 = arith.muli %arg1, %mul3A_31 : i32
    %add3A_33 = arith.constant 80 : i32
    %add3A_34 = arith.addi %mul3A_32, %add3A_33 : i32
    %dma_start3A_35 = arith.constant 0 : i32
    %dma_start3A_36 = tpu.memref_slice %arg5[%add3A_34, %dma_start3A_35] : memref<10240x64xf32, #tpu.memory_space<vmem_shared>> -> memref<80x64xf32, #tpu.memory_space<vmem_shared>>
    %dma_start3A_37 = arith.constant 0 : i32
    %dma_start3A_38 = tpu.memref_slice %arg5[%add3A_34, %dma_start3A_37] : memref<10240x64xf32, #tpu.memory_space<vmem_shared>> -> memref<80x64xf32, #tpu.memory_space<vmem_shared>>
    tpu.enqueue_dma source(%arg16 : memref<80x64xf32, #tpu.memory_space<vmem>>) target(%dma_start3A_38 : memref<80x64xf32, #tpu.memory_space<vmem_shared>>) target_semaphore(%arg34 : memref<!tpu.dma_semaphore, #tpu.memory_space<semaphore_mem>>)
    %mul3A_39 = arith.constant 640 : i32
    %mul3A_40 = arith.muli %arg1, %mul3A_39 : i32
    %add3A_41 = arith.constant 160 : i32
    %add3A_42 = arith.addi %mul3A_40, %add3A_41 : i32
    %dma_start3A_43 = arith.constant 0 : i32
    %dma_start3A_44 = tpu.memref_slice %arg5[%add3A_42, %dma_start3A_43] : memref<10240x64xf32, #tpu.memory_space<vmem_shared>> -> memref<80x64xf32, #tpu.memory_space<vmem_shared>>
    %dma_start3A_45 = arith.constant 0 : i32
    %dma_start3A_46 = tpu.memref_slice %arg5[%add3A_42, %dma_start3A_45] : memref<10240x64xf32, #tpu.memory_space<vmem_shared>> -> memref<80x64xf32, #tpu.memory_space<vmem_shared>>
    tpu.enqueue_dma source(%arg16 : memref<80x64xf32, #tpu.memory_space<vmem>>) target(%dma_start3A_46 : memref<80x64xf32, #tpu.memory_space<vmem_shared>>) target_semaphore(%arg34 : memref<!tpu.dma_semaphore, #tpu.memory_space<semaphore_mem>>)
    %mul3A_47 = arith.constant 640 : i32
    %mul3A_48 = arith.muli %arg1, %mul3A_47 : i32
    %add3A_49 = arith.constant 240 : i32
    %add3A_50 = arith.addi %mul3A_48, %add3A_49 : i32
    %dma_start3A_51 = arith.constant 0 : i32
    %dma_start3A_52 = tpu.memref_slice %arg5[%add3A_50, %dma_start3A_51] : memref<10240x64xf32, #tpu.memory_space<vmem_shared>> -> memref<80x64xf32, #tpu.memory_space<vmem_shared>>
    %dma_start3A_53 = arith.constant 0 : i32
    %dma_start3A_54 = tpu.memref_slice %arg5[%add3A_50, %dma_start3A_53] : memref<10240x64xf32, #tpu.memory_space<vmem_shared>> -> memref<80x64xf32, #tpu.memory_space<vmem_shared>>
    tpu.enqueue_dma source(%arg16 : memref<80x64xf32, #tpu.memory_space<vmem>>) target(%dma_start3A_54 : memref<80x64xf32, #tpu.memory_space<vmem_shared>>) target_semaphore(%arg34 : memref<!tpu.dma_semaphore, #tpu.memory_space<semaphore_mem>>)
    %mul3A_55 = arith.constant 640 : i32
    %mul3A_56 = arith.muli %arg1, %mul3A_55 : i32
    %add3A_57 = arith.constant 320 : i32
    %add3A_58 = arith.addi %mul3A_56, %add3A_57 : i32
    %dma_start3A_59 = arith.constant 0 : i32
    %dma_start3A_60 = tpu.memref_slice %arg5[%add3A_58, %dma_start3A_59] : memref<10240x64xf32, #tpu.memory_space<vmem_shared>> -> memref<80x64xf32, #tpu.memory_space<vmem_shared>>
    %dma_start3A_61 = arith.constant 0 : i32
    %dma_start3A_62 = tpu.memref_slice %arg5[%add3A_58, %dma_start3A_61] : memref<10240x64xf32, #tpu.memory_space<vmem_shared>> -> memref<80x64xf32, #tpu.memory_space<vmem_shared>>
    tpu.enqueue_dma source(%arg16 : memref<80x64xf32, #tpu.memory_space<vmem>>) target(%dma_start3A_62 : memref<80x64xf32, #tpu.memory_space<vmem_shared>>) target_semaphore(%arg34 : memref<!tpu.dma_semaphore, #tpu.memory_space<semaphore_mem>>)
    %mul3A_63 = arith.constant 640 : i32
    %mul3A_64 = arith.muli %arg1, %mul3A_63 : i32
    %add3A_65 = arith.constant 400 : i32
    %add3A_66 = arith.addi %mul3A_64, %add3A_65 : i32
    %dma_start3A_67 = arith.constant 0 : i32
    %dma_start3A_68 = tpu.memref_slice %arg5[%add3A_66, %dma_start3A_67] : memref<10240x64xf32, #tpu.memory_space<vmem_shared>> -> memref<80x64xf32, #tpu.memory_space<vmem_shared>>
    %dma_start3A_69 = arith.constant 0 : i32
    %dma_start3A_70 = tpu.memref_slice %arg5[%add3A_66, %dma_start3A_69] : memref<10240x64xf32, #tpu.memory_space<vmem_shared>> -> memref<80x64xf32, #tpu.memory_space<vmem_shared>>
    tpu.enqueue_dma source(%arg16 : memref<80x64xf32, #tpu.memory_space<vmem>>) target(%dma_start3A_70 : memref<80x64xf32, #tpu.memory_space<vmem_shared>>) target_semaphore(%arg34 : memref<!tpu.dma_semaphore, #tpu.memory_space<semaphore_mem>>)
    %mul3A_71 = arith.constant 640 : i32
    %mul3A_72 = arith.muli %arg1, %mul3A_71 : i32
    %add3A_73 = arith.constant 480 : i32
    %add3A_74 = arith.addi %mul3A_72, %add3A_73 : i32
    %dma_start3A_75 = arith.constant 0 : i32
    %dma_start3A_76 = tpu.memref_slice %arg5[%add3A_74, %dma_start3A_75] : memref<10240x64xf32, #tpu.memory_space<vmem_shared>> -> memref<80x64xf32, #tpu.memory_space<vmem_shared>>
    %dma_start3A_77 = arith.constant 0 : i32
    %dma_start3A_78 = tpu.memref_slice %arg5[%add3A_74, %dma_start3A_77] : memref<10240x64xf32, #tpu.memory_space<vmem_shared>> -> memref<80x64xf32, #tpu.memory_space<vmem_shared>>
    tpu.enqueue_dma source(%arg16 : memref<80x64xf32, #tpu.memory_space<vmem>>) target(%dma_start3A_78 : memref<80x64xf32, #tpu.memory_space<vmem_shared>>) target_semaphore(%arg34 : memref<!tpu.dma_semaphore, #tpu.memory_space<semaphore_mem>>)
    %mul3A_79 = arith.constant 640 : i32
    %mul3A_80 = arith.muli %arg1, %mul3A_79 : i32
    %add3A_81 = arith.constant 560 : i32
    %add3A_82 = arith.addi %mul3A_80, %add3A_81 : i32
    %dma_start3A_83 = arith.constant 0 : i32
    %dma_start3A_84 = tpu.memref_slice %arg5[%add3A_82, %dma_start3A_83] : memref<10240x64xf32, #tpu.memory_space<vmem_shared>> -> memref<80x64xf32, #tpu.memory_space<vmem_shared>>
    %dma_start3A_85 = arith.constant 0 : i32
    %dma_start3A_86 = tpu.memref_slice %arg5[%add3A_82, %dma_start3A_85] : memref<10240x64xf32, #tpu.memory_space<vmem_shared>> -> memref<80x64xf32, #tpu.memory_space<vmem_shared>>
    tpu.enqueue_dma source(%arg16 : memref<80x64xf32, #tpu.memory_space<vmem>>) target(%dma_start3A_86 : memref<80x64xf32, #tpu.memory_space<vmem_shared>>) target_semaphore(%arg34 : memref<!tpu.dma_semaphore, #tpu.memory_space<semaphore_mem>>)
    %mul3A_87 = arith.constant 640 : i32
    %mul3A_88 = arith.muli %arg1, %mul3A_87 : i32
    %dma_wait3A = arith.constant 0 : i32
    %dma_wait3A_89 = tpu.memref_slice %arg5[%mul3A_88, %dma_wait3A] : memref<10240x64xf32, #tpu.memory_space<vmem_shared>> -> memref<80x64xf32, #tpu.memory_space<vmem_shared>>
    %dma_wait3A_90 = arith.constant 0 : i32
    %dma_wait3A_91 = tpu.memref_slice %arg5[%mul3A_88, %dma_wait3A_90] : memref<10240x64xf32, #tpu.memory_space<vmem_shared>> -> memref<80x64xf32, #tpu.memory_space<vmem_shared>>
    tpu.wait_dma2 semaphore(%arg34 : memref<!tpu.dma_semaphore, #tpu.memory_space<semaphore_mem>>) src(%arg16 : memref<80x64xf32, #tpu.memory_space<vmem>>) dst(%dma_wait3A_91 : memref<80x64xf32, #tpu.memory_space<vmem_shared>>)
    %mul3A_92 = arith.constant 640 : i32
    %mul3A_93 = arith.muli %arg1, %mul3A_92 : i32
    %dma_wait3A_94 = arith.constant 0 : i32
    %dma_wait3A_95 = tpu.memref_slice %arg5[%mul3A_93, %dma_wait3A_94] : memref<10240x64xf32, #tpu.memory_space<vmem_shared>> -> memref<80x64xf32, #tpu.memory_space<vmem_shared>>
    %dma_wait3A_96 = arith.constant 0 : i32
    %dma_wait3A_97 = tpu.memref_slice %arg5[%mul3A_93, %dma_wait3A_96] : memref<10240x64xf32, #tpu.memory_space<vmem_shared>> -> memref<80x64xf32, #tpu.memory_space<vmem_shared>>
    tpu.wait_dma2 semaphore(%arg34 : memref<!tpu.dma_semaphore, #tpu.memory_space<semaphore_mem>>) src(%arg16 : memref<80x64xf32, #tpu.memory_space<vmem>>) dst(%dma_wait3A_97 : memref<80x64xf32, #tpu.memory_space<vmem_shared>>)
    %mul3A_98 = arith.constant 640 : i32
    %mul3A_99 = arith.muli %arg1, %mul3A_98 : i32
    %dma_wait3A_100 = arith.constant 0 : i32
    %dma_wait3A_101 = tpu.memref_slice %arg5[%mul3A_99, %dma_wait3A_100] : memref<10240x64xf32, #tpu.memory_space<vmem_shared>> -> memref<80x64xf32, #tpu.memory_space<vmem_shared>>
    %dma_wait3A_102 = arith.constant 0 : i32
    %dma_wait3A_103 = tpu.memref_slice %arg5[%mul3A_99, %dma_wait3A_102] : memref<10240x64xf32, #tpu.memory_space<vmem_shared>> -> memref<80x64xf32, #tpu.memory_space<vmem_shared>>
    tpu.wait_dma2 semaphore(%arg34 : memref<!tpu.dma_semaphore, #tpu.memory_space<semaphore_mem>>) src(%arg16 : memref<80x64xf32, #tpu.memory_space<vmem>>) dst(%dma_wait3A_103 : memref<80x64xf32, #tpu.memory_space<vmem_shared>>)
    %mul3A_104 = arith.constant 640 : i32
    %mul3A_105 = arith.muli %arg1, %mul3A_104 : i32
    %dma_wait3A_106 = arith.constant 0 : i32
    %dma_wait3A_107 = tpu.memref_slice %arg5[%mul3A_105, %dma_wait3A_106] : memref<10240x64xf32, #tpu.memory_space<vmem_shared>> -> memref<80x64xf32, #tpu.memory_space<vmem_shared>>
    %dma_wait3A_108 = arith.constant 0 : i32
    %dma_wait3A_109 = tpu.memref_slice %arg5[%mul3A_105, %dma_wait3A_108] : memref<10240x64xf32, #tpu.memory_space<vmem_shared>> -> memref<80x64xf32, #tpu.memory_space<vmem_shared>>
    tpu.wait_dma2 semaphore(%arg34 : memref<!tpu.dma_semaphore, #tpu.memory_space<semaphore_mem>>) src(%arg16 : memref<80x64xf32, #tpu.memory_space<vmem>>) dst(%dma_wait3A_109 : memref<80x64xf32, #tpu.memory_space<vmem_shared>>)
    %mul3A_110 = arith.constant 640 : i32
    %mul3A_111 = arith.muli %arg1, %mul3A_110 : i32
    %dma_wait3A_112 = arith.constant 0 : i32
    %dma_wait3A_113 = tpu.memref_slice %arg5[%mul3A_111, %dma_wait3A_112] : memref<10240x64xf32, #tpu.memory_space<vmem_shared>> -> memref<80x64xf32, #tpu.memory_space<vmem_shared>>
    %dma_wait3A_114 = arith.constant 0 : i32
    %dma_wait3A_115 = tpu.memref_slice %arg5[%mul3A_111, %dma_wait3A_114] : memref<10240x64xf32, #tpu.memory_space<vmem_shared>> -> memref<80x64xf32, #tpu.memory_space<vmem_shared>>
    tpu.wait_dma2 semaphore(%arg34 : memref<!tpu.dma_semaphore, #tpu.memory_space<semaphore_mem>>) src(%arg16 : memref<80x64xf32, #tpu.memory_space<vmem>>) dst(%dma_wait3A_115 : memref<80x64xf32, #tpu.memory_space<vmem_shared>>)
    %mul3A_116 = arith.constant 640 : i32
    %mul3A_117 = arith.muli %arg1, %mul3A_116 : i32
    %dma_wait3A_118 = arith.constant 0 : i32
    %dma_wait3A_119 = tpu.memref_slice %arg5[%mul3A_117, %dma_wait3A_118] : memref<10240x64xf32, #tpu.memory_space<vmem_shared>> -> memref<80x64xf32, #tpu.memory_space<vmem_shared>>
    %dma_wait3A_120 = arith.constant 0 : i32
    %dma_wait3A_121 = tpu.memref_slice %arg5[%mul3A_117, %dma_wait3A_120] : memref<10240x64xf32, #tpu.memory_space<vmem_shared>> -> memref<80x64xf32, #tpu.memory_space<vmem_shared>>
    tpu.wait_dma2 semaphore(%arg34 : memref<!tpu.dma_semaphore, #tpu.memory_space<semaphore_mem>>) src(%arg16 : memref<80x64xf32, #tpu.memory_space<vmem>>) dst(%dma_wait3A_121 : memref<80x64xf32, #tpu.memory_space<vmem_shared>>)
    %mul3A_122 = arith.constant 640 : i32
    %mul3A_123 = arith.muli %arg1, %mul3A_122 : i32
    %dma_wait3A_124 = arith.constant 0 : i32
    %dma_wait3A_125 = tpu.memref_slice %arg5[%mul3A_123, %dma_wait3A_124] : memref<10240x64xf32, #tpu.memory_space<vmem_shared>> -> memref<80x64xf32, #tpu.memory_space<vmem_shared>>
    %dma_wait3A_126 = arith.constant 0 : i32
    %dma_wait3A_127 = tpu.memref_slice %arg5[%mul3A_123, %dma_wait3A_126] : memref<10240x64xf32, #tpu.memory_space<vmem_shared>> -> memref<80x64xf32, #tpu.memory_space<vmem_shared>>
    tpu.wait_dma2 semaphore(%arg34 : memref<!tpu.dma_semaphore, #tpu.memory_space<semaphore_mem>>) src(%arg16 : memref<80x64xf32, #tpu.memory_space<vmem>>) dst(%dma_wait3A_127 : memref<80x64xf32, #tpu.memory_space<vmem_shared>>)
    %mul3A_128 = arith.constant 640 : i32
    %mul3A_129 = arith.muli %arg1, %mul3A_128 : i32
    %dma_wait3A_130 = arith.constant 0 : i32
    %dma_wait3A_131 = tpu.memref_slice %arg5[%mul3A_129, %dma_wait3A_130] : memref<10240x64xf32, #tpu.memory_space<vmem_shared>> -> memref<80x64xf32, #tpu.memory_space<vmem_shared>>
    %dma_wait3A_132 = arith.constant 0 : i32
    %dma_wait3A_133 = tpu.memref_slice %arg5[%mul3A_129, %dma_wait3A_132] : memref<10240x64xf32, #tpu.memory_space<vmem_shared>> -> memref<80x64xf32, #tpu.memory_space<vmem_shared>>
    tpu.wait_dma2 semaphore(%arg34 : memref<!tpu.dma_semaphore, #tpu.memory_space<semaphore_mem>>) src(%arg16 : memref<80x64xf32, #tpu.memory_space<vmem>>) dst(%dma_wait3A_133 : memref<80x64xf32, #tpu.memory_space<vmem_shared>>)
    %dma_wait3A_134 = arith.constant 0 : i32
    %dma_wait3A_135 = arith.constant 0 : i32
    %dma_wait3A_136 = arith.constant 0 : i32
    %dma_wait3A_137 = tpu.memref_slice %arg3[%dma_wait3A_134, %add3A, %dma_wait3A_135, %dma_wait3A_136] : memref<2x32x125x80xi32, #tpu.memory_space<hbm>> -> memref<1x1x125x80xi32, #tpu.memory_space<hbm>>
    %dma_wait3A_138 = tpu.memref_squeeze %dma_wait3A_137 : memref<1x1x125x80xi32, #tpu.memory_space<hbm>> -> memref<125x80xi32, #tpu.memory_space<hbm>>
    %dma_wait3A_139 = arith.constant 0 : i32
    %dma_wait3A_140 = arith.constant 0 : i32
    %dma_wait3A_141 = tpu.memref_slice %arg3[%dma_wait3A_134, %add3A, %dma_wait3A_139, %dma_wait3A_140] : memref<2x32x125x80xi32, #tpu.memory_space<hbm>> -> memref<1x1x125x80xi32, #tpu.memory_space<hbm>>
    %dma_wait3A_142 = tpu.memref_squeeze %dma_wait3A_141 : memref<1x1x125x80xi32, #tpu.memory_space<hbm>> -> memref<125x80xi32, #tpu.memory_space<hbm>>
    tpu.wait_dma2 semaphore(%arg33 : memref<!tpu.dma_semaphore, #tpu.memory_space<semaphore_mem>>) src(%dma_wait3A_142 : memref<125x80xi32, #tpu.memory_space<hbm>>) dst(%arg6 : memref<125x80xi32, #tpu.memory_space<vmem>>)
    %dma_wait3A_143 = arith.constant 1 : i32
    %dma_wait3A_144 = arith.constant 0 : i32
    %dma_wait3A_145 = arith.constant 0 : i32
    %dma_wait3A_146 = tpu.memref_slice %arg3[%dma_wait3A_143, %add3A, %dma_wait3A_144, %dma_wait3A_145] : memref<2x32x125x80xi32, #tpu.memory_space<hbm>> -> memref<1x1x125x80xi32, #tpu.memory_space<hbm>>
    %dma_wait3A_147 = tpu.memref_squeeze %dma_wait3A_146 : memref<1x1x125x80xi32, #tpu.memory_space<hbm>> -> memref<125x80xi32, #tpu.memory_space<hbm>>
    %dma_wait3A_148 = arith.constant 0 : i32
    %dma_wait3A_149 = arith.constant 0 : i32
    %dma_wait3A_150 = tpu.memref_slice %arg3[%dma_wait3A_143, %add3A, %dma_wait3A_148, %dma_wait3A_149] : memref<2x32x125x80xi32, #tpu.memory_space<hbm>> -> memref<1x1x125x80xi32, #tpu.memory_space<hbm>>
    %dma_wait3A_151 = tpu.memref_squeeze %dma_wait3A_150 : memref<1x1x125x80xi32, #tpu.memory_space<hbm>> -> memref<125x80xi32, #tpu.memory_space<hbm>>
    tpu.wait_dma2 semaphore(%arg33 : memref<!tpu.dma_semaphore, #tpu.memory_space<semaphore_mem>>) src(%dma_wait3A_151 : memref<125x80xi32, #tpu.memory_space<hbm>>) dst(%arg7 : memref<125x80xi32, #tpu.memory_space<vmem>>)
    %barrier3A = arith.constant 0 : index
    tpu.barrier barrier_id(%barrier3A)
    %dma_start3A_152 = arith.constant 0 : i32
    %dma_start3A_153 = arith.constant 0 : i32
    %dma_start3A_154 = tpu.memref_slice %arg6[%dma_start3A_152, %dma_start3A_153] : memref<125x80xi32, #tpu.memory_space<vmem>> -> memref<1x80xi32, #tpu.memory_space<vmem>>
    %dma_start3A_155 = tpu.memref_squeeze %dma_start3A_154 : memref<1x80xi32, #tpu.memory_space<vmem>> -> memref<80xi32, #tpu.memory_space<vmem>>
    %dma_start3A_156 = arith.constant 0 : i32
    %dma_start3A_157 = arith.constant 0 : i32
    %dma_start3A_158 = tpu.memref_slice %arg2[%dma_start3A_156, %dma_start3A_157] : memref<10000x64xf32, #tpu.memory_space<hbm>> -> memref<10000x64xf32, #tpu.memory_space<hbm>>
    tpu.enqueue_indirect_dma source(%dma_start3A_158 : memref<10000x64xf32, #tpu.memory_space<hbm>>) target(%arg8 : memref<80x64xf32, #tpu.memory_space<vmem>>) offsets(%dma_start3A_155 : memref<80xi32, #tpu.memory_space<vmem>>) semaphore(%arg17 : memref<!tpu.dma_semaphore, #tpu.memory_space<semaphore_mem>>)
    %dma_start3A_159 = arith.constant 1 : i32
    %dma_start3A_160 = arith.constant 0 : i32
    %dma_start3A_161 = tpu.memref_slice %arg6[%dma_start3A_159, %dma_start3A_160] : memref<125x80xi32, #tpu.memory_space<vmem>> -> memref<1x80xi32, #tpu.memory_space<vmem>>
    %dma_start3A_162 = tpu.memref_squeeze %dma_start3A_161 : memref<1x80xi32, #tpu.memory_space<vmem>> -> memref<80xi32, #tpu.memory_space<vmem>>
    %dma_start3A_163 = arith.constant 0 : i32
    %dma_start3A_164 = arith.constant 0 : i32
    %dma_start3A_165 = tpu.memref_slice %arg2[%dma_start3A_163, %dma_start3A_164] : memref<10000x64xf32, #tpu.memory_space<hbm>> -> memref<10000x64xf32, #tpu.memory_space<hbm>>
    tpu.enqueue_indirect_dma source(%dma_start3A_165 : memref<10000x64xf32, #tpu.memory_space<hbm>>) target(%arg9 : memref<80x64xf32, #tpu.memory_space<vmem>>) offsets(%dma_start3A_162 : memref<80xi32, #tpu.memory_space<vmem>>) semaphore(%arg18 : memref<!tpu.dma_semaphore, #tpu.memory_space<semaphore_mem>>)
    %dma_start3A_166 = arith.constant 2 : i32
    %dma_start3A_167 = arith.constant 0 : i32
    %dma_start3A_168 = tpu.memref_slice %arg6[%dma_start3A_166, %dma_start3A_167] : memref<125x80xi32, #tpu.memory_space<vmem>> -> memref<1x80xi32, #tpu.memory_space<vmem>>
    %dma_start3A_169 = tpu.memref_squeeze %dma_start3A_168 : memref<1x80xi32, #tpu.memory_space<vmem>> -> memref<80xi32, #tpu.memory_space<vmem>>
    %dma_start3A_170 = arith.constant 0 : i32
    %dma_start3A_171 = arith.constant 0 : i32
    %dma_start3A_172 = tpu.memref_slice %arg2[%dma_start3A_170, %dma_start3A_171] : memref<10000x64xf32, #tpu.memory_space<hbm>> -> memref<10000x64xf32, #tpu.memory_space<hbm>>
    tpu.enqueue_indirect_dma source(%dma_start3A_172 : memref<10000x64xf32, #tpu.memory_space<hbm>>) target(%arg10 : memref<80x64xf32, #tpu.memory_space<vmem>>) offsets(%dma_start3A_169 : memref<80xi32, #tpu.memory_space<vmem>>) semaphore(%arg19 : memref<!tpu.dma_semaphore, #tpu.memory_space<semaphore_mem>>)
    %dma_start3A_173 = arith.constant 3 : i32
    %dma_start3A_174 = arith.constant 0 : i32
    %dma_start3A_175 = tpu.memref_slice %arg6[%dma_start3A_173, %dma_start3A_174] : memref<125x80xi32, #tpu.memory_space<vmem>> -> memref<1x80xi32, #tpu.memory_space<vmem>>
    %dma_start3A_176 = tpu.memref_squeeze %dma_start3A_175 : memref<1x80xi32, #tpu.memory_space<vmem>> -> memref<80xi32, #tpu.memory_space<vmem>>
    %dma_start3A_177 = arith.constant 0 : i32
    %dma_start3A_178 = arith.constant 0 : i32
    %dma_start3A_179 = tpu.memref_slice %arg2[%dma_start3A_177, %dma_start3A_178] : memref<10000x64xf32, #tpu.memory_space<hbm>> -> memref<10000x64xf32, #tpu.memory_space<hbm>>
    tpu.enqueue_indirect_dma source(%dma_start3A_179 : memref<10000x64xf32, #tpu.memory_space<hbm>>) target(%arg11 : memref<80x64xf32, #tpu.memory_space<vmem>>) offsets(%dma_start3A_176 : memref<80xi32, #tpu.memory_space<vmem>>) semaphore(%arg20 : memref<!tpu.dma_semaphore, #tpu.memory_space<semaphore_mem>>)
    %scan3A_180 = arith.constant 0 : i32
    %scan3A_181 = arith.constant 0 : i32
    %scan3A_182 = arith.constant 16 : i32
    %scan3A_183 = arith.addi %scan3A_181, %scan3A_182 : i32
    %scan3A_184 = arith.constant 1 : i32
    scf.for %scan3A_247 = %scan3A_181 to %scan3A_183 step %scan3A_184  : i32 {
      %mul3A_248 = arith.constant 8 : i32
      %mul3A_249 = arith.muli %mul3A_248, %scan3A_247 : i32
      %add3A_250 = arith.constant 0 : i32
      %add3A_251 = arith.addi %mul3A_249, %add3A_250 : i32
      %lt3A = arith.constant 125 : i32
      %lt3A_252 = arith.cmpi slt, %add3A_251, %lt3A : i32
      %convert_element_type3A = arith.extui %lt3A_252 : i1 to i32
      %cond3A = arith.constant 0 : i32
      %cond3A_253 = arith.cmpi ne, %convert_element_type3A, %cond3A : i32
      scf.if %cond3A_253 {
        %add3A_317 = arith.constant 4 : i32
        %add3A_318 = arith.addi %add3A_251, %add3A_317 : i32
        %lt3A_319 = arith.constant 125 : i32
        %lt3A_320 = arith.cmpi slt, %add3A_318, %lt3A_319 : i32
        %convert_element_type3A_321 = arith.extui %lt3A_320 : i1 to i32
        %cond3A_322 = arith.constant 0 : i32
        %cond3A_323 = arith.cmpi ne, %convert_element_type3A_321, %cond3A_322 : i32
        scf.if %cond3A_323 {
          %ge3A = arith.constant 4 : i32
          %ge3A_337 = arith.cmpi sge, %add3A_251, %ge3A : i32
          %convert_element_type3A_338 = arith.extui %ge3A_337 : i1 to i32
          %cond3A_339 = arith.constant 0 : i32
          %cond3A_340 = arith.cmpi ne, %convert_element_type3A_338, %cond3A_339 : i32
          scf.if %cond3A_340 {
            %dma_wait3A_349 = arith.constant 0 : i32
            %dma_wait3A_350 = arith.constant 0 : i32
            %dma_wait3A_351 = tpu.memref_slice %arg7[%dma_wait3A_349, %dma_wait3A_350] : memref<125x80xi32, #tpu.memory_space<vmem>> -> memref<1x80xi32, #tpu.memory_space<vmem>>
            %dma_wait3A_352 = tpu.memref_squeeze %dma_wait3A_351 : memref<1x80xi32, #tpu.memory_space<vmem>> -> memref<80xi32, #tpu.memory_space<vmem>>
            %dma_wait3A_353 = arith.constant 0 : i32
            %dma_wait3A_354 = arith.constant 0 : i32
            %dma_wait3A_355 = tpu.memref_slice %arg5[%dma_wait3A_353, %dma_wait3A_354] : memref<10240x64xf32, #tpu.memory_space<vmem_shared>> -> memref<10240x64xf32, #tpu.memory_space<vmem_shared>>
            tpu.wait_indirect_dma semaphore(%arg29 : memref<!tpu.dma_semaphore, #tpu.memory_space<semaphore_mem>>) src(%arg12 : memref<80x64xf32, #tpu.memory_space<vmem>>) dst(%dma_wait3A_355 : memref<10240x64xf32, #tpu.memory_space<vmem_shared>>)
          } else {
          }
          %add3A_341 = arith.constant 4 : i32
          %add3A_342 = arith.addi %add3A_251, %add3A_341 : i32
          %dma_start3A_343 = arith.constant 0 : i32
          %dma_start3A_344 = tpu.memref_slice %arg6[%add3A_342, %dma_start3A_343] : memref<125x80xi32, #tpu.memory_space<vmem>> -> memref<1x80xi32, #tpu.memory_space<vmem>>
          %dma_start3A_345 = tpu.memref_squeeze %dma_start3A_344 : memref<1x80xi32, #tpu.memory_space<vmem>> -> memref<80xi32, #tpu.memory_space<vmem>>
          %dma_start3A_346 = arith.constant 0 : i32
          %dma_start3A_347 = arith.constant 0 : i32
          %dma_start3A_348 = tpu.memref_slice %arg2[%dma_start3A_346, %dma_start3A_347] : memref<10000x64xf32, #tpu.memory_space<hbm>> -> memref<10000x64xf32, #tpu.memory_space<hbm>>
          tpu.enqueue_indirect_dma source(%dma_start3A_348 : memref<10000x64xf32, #tpu.memory_space<hbm>>) target(%arg12 : memref<80x64xf32, #tpu.memory_space<vmem>>) offsets(%dma_start3A_345 : memref<80xi32, #tpu.memory_space<vmem>>) semaphore(%arg21 : memref<!tpu.dma_semaphore, #tpu.memory_space<semaphore_mem>>)
        } else {
        }
        %dma_wait3A_324 = arith.constant 0 : i32
        %dma_wait3A_325 = arith.constant 0 : i32
        %dma_wait3A_326 = tpu.memref_slice %arg6[%dma_wait3A_324, %dma_wait3A_325] : memref<125x80xi32, #tpu.memory_space<vmem>> -> memref<1x80xi32, #tpu.memory_space<vmem>>
        %dma_wait3A_327 = tpu.memref_squeeze %dma_wait3A_326 : memref<1x80xi32, #tpu.memory_space<vmem>> -> memref<80xi32, #tpu.memory_space<vmem>>
        %dma_wait3A_328 = arith.constant 0 : i32
        %dma_wait3A_329 = arith.constant 0 : i32
        %dma_wait3A_330 = tpu.memref_slice %arg2[%dma_wait3A_328, %dma_wait3A_329] : memref<10000x64xf32, #tpu.memory_space<hbm>> -> memref<10000x64xf32, #tpu.memory_space<hbm>>
        tpu.wait_indirect_dma semaphore(%arg17 : memref<!tpu.dma_semaphore, #tpu.memory_space<semaphore_mem>>) src(%dma_wait3A_330 : memref<10000x64xf32, #tpu.memory_space<hbm>>) dst(%arg8 : memref<80x64xf32, #tpu.memory_space<vmem>>)
        %dma_start3A_331 = arith.constant 0 : i32
        %dma_start3A_332 = tpu.memref_slice %arg7[%add3A_251, %dma_start3A_331] : memref<125x80xi32, #tpu.memory_space<vmem>> -> memref<1x80xi32, #tpu.memory_space<vmem>>
        %dma_start3A_333 = tpu.memref_squeeze %dma_start3A_332 : memref<1x80xi32, #tpu.memory_space<vmem>> -> memref<80xi32, #tpu.memory_space<vmem>>
        %dma_start3A_334 = arith.constant 0 : i32
        %dma_start3A_335 = arith.constant 0 : i32
        %dma_start3A_336 = tpu.memref_slice %arg5[%dma_start3A_334, %dma_start3A_335] : memref<10240x64xf32, #tpu.memory_space<vmem_shared>> -> memref<10240x64xf32, #tpu.memory_space<vmem_shared>>
        tpu.enqueue_indirect_dma source(%arg8 : memref<80x64xf32, #tpu.memory_space<vmem>>) target(%dma_start3A_336 : memref<10240x64xf32, #tpu.memory_space<vmem_shared>>) offsets(%dma_start3A_333 : memref<80xi32, #tpu.memory_space<vmem>>) semaphore(%arg25 : memref<!tpu.dma_semaphore, #tpu.memory_space<semaphore_mem>>) {add = true}
      } else {
      }
      %mul3A_254 = arith.constant 8 : i32
      %mul3A_255 = arith.muli %mul3A_254, %scan3A_247 : i32
      %add3A_256 = arith.constant 1 : i32
      %add3A_257 = arith.addi %mul3A_255, %add3A_256 : i32
      %lt3A_258 = arith.constant 125 : i32
      %lt3A_259 = arith.cmpi slt, %add3A_257, %lt3A_258 : i32
      %convert_element_type3A_260 = arith.extui %lt3A_259 : i1 to i32
      %cond3A_261 = arith.constant 0 : i32
      %cond3A_262 = arith.cmpi ne, %convert_element_type3A_260, %cond3A_261 : i32
      scf.if %cond3A_262 {
        %add3A_317 = arith.constant 4 : i32
        %add3A_318 = arith.addi %add3A_257, %add3A_317 : i32
        %lt3A_319 = arith.constant 125 : i32
        %lt3A_320 = arith.cmpi slt, %add3A_318, %lt3A_319 : i32
        %convert_element_type3A_321 = arith.extui %lt3A_320 : i1 to i32
        %cond3A_322 = arith.constant 0 : i32
        %cond3A_323 = arith.cmpi ne, %convert_element_type3A_321, %cond3A_322 : i32
        scf.if %cond3A_323 {
          %ge3A = arith.constant 4 : i32
          %ge3A_337 = arith.cmpi sge, %add3A_257, %ge3A : i32
          %convert_element_type3A_338 = arith.extui %ge3A_337 : i1 to i32
          %cond3A_339 = arith.constant 0 : i32
          %cond3A_340 = arith.cmpi ne, %convert_element_type3A_338, %cond3A_339 : i32
          scf.if %cond3A_340 {
            %dma_wait3A_349 = arith.constant 0 : i32
            %dma_wait3A_350 = arith.constant 0 : i32
            %dma_wait3A_351 = tpu.memref_slice %arg7[%dma_wait3A_349, %dma_wait3A_350] : memref<125x80xi32, #tpu.memory_space<vmem>> -> memref<1x80xi32, #tpu.memory_space<vmem>>
            %dma_wait3A_352 = tpu.memref_squeeze %dma_wait3A_351 : memref<1x80xi32, #tpu.memory_space<vmem>> -> memref<80xi32, #tpu.memory_space<vmem>>
            %dma_wait3A_353 = arith.constant 0 : i32
            %dma_wait3A_354 = arith.constant 0 : i32
            %dma_wait3A_355 = tpu.memref_slice %arg5[%dma_wait3A_353, %dma_wait3A_354] : memref<10240x64xf32, #tpu.memory_space<vmem_shared>> -> memref<10240x64xf32, #tpu.memory_space<vmem_shared>>
            tpu.wait_indirect_dma semaphore(%arg30 : memref<!tpu.dma_semaphore, #tpu.memory_space<semaphore_mem>>) src(%arg13 : memref<80x64xf32, #tpu.memory_space<vmem>>) dst(%dma_wait3A_355 : memref<10240x64xf32, #tpu.memory_space<vmem_shared>>)
          } else {
          }
          %add3A_341 = arith.constant 4 : i32
          %add3A_342 = arith.addi %add3A_257, %add3A_341 : i32
          %dma_start3A_343 = arith.constant 0 : i32
          %dma_start3A_344 = tpu.memref_slice %arg6[%add3A_342, %dma_start3A_343] : memref<125x80xi32, #tpu.memory_space<vmem>> -> memref<1x80xi32, #tpu.memory_space<vmem>>
          %dma_start3A_345 = tpu.memref_squeeze %dma_start3A_344 : memref<1x80xi32, #tpu.memory_space<vmem>> -> memref<80xi32, #tpu.memory_space<vmem>>
          %dma_start3A_346 = arith.constant 0 : i32
          %dma_start3A_347 = arith.constant 0 : i32
          %dma_start3A_348 = tpu.memref_slice %arg2[%dma_start3A_346, %dma_start3A_347] : memref<10000x64xf32, #tpu.memory_space<hbm>> -> memref<10000x64xf32, #tpu.memory_space<hbm>>
          tpu.enqueue_indirect_dma source(%dma_start3A_348 : memref<10000x64xf32, #tpu.memory_space<hbm>>) target(%arg13 : memref<80x64xf32, #tpu.memory_space<vmem>>) offsets(%dma_start3A_345 : memref<80xi32, #tpu.memory_space<vmem>>) semaphore(%arg22 : memref<!tpu.dma_semaphore, #tpu.memory_space<semaphore_mem>>)
        } else {
        }
        %dma_wait3A_324 = arith.constant 0 : i32
        %dma_wait3A_325 = arith.constant 0 : i32
        %dma_wait3A_326 = tpu.memref_slice %arg6[%dma_wait3A_324, %dma_wait3A_325] : memref<125x80xi32, #tpu.memory_space<vmem>> -> memref<1x80xi32, #tpu.memory_space<vmem>>
        %dma_wait3A_327 = tpu.memref_squeeze %dma_wait3A_326 : memref<1x80xi32, #tpu.memory_space<vmem>> -> memref<80xi32, #tpu.memory_space<vmem>>
        %dma_wait3A_328 = arith.constant 0 : i32
        %dma_wait3A_329 = arith.constant 0 : i32
        %dma_wait3A_330 = tpu.memref_slice %arg2[%dma_wait3A_328, %dma_wait3A_329] : memref<10000x64xf32, #tpu.memory_space<hbm>> -> memref<10000x64xf32, #tpu.memory_space<hbm>>
        tpu.wait_indirect_dma semaphore(%arg18 : memref<!tpu.dma_semaphore, #tpu.memory_space<semaphore_mem>>) src(%dma_wait3A_330 : memref<10000x64xf32, #tpu.memory_space<hbm>>) dst(%arg9 : memref<80x64xf32, #tpu.memory_space<vmem>>)
        %dma_start3A_331 = arith.constant 0 : i32
        %dma_start3A_332 = tpu.memref_slice %arg7[%add3A_257, %dma_start3A_331] : memref<125x80xi32, #tpu.memory_space<vmem>> -> memref<1x80xi32, #tpu.memory_space<vmem>>
        %dma_start3A_333 = tpu.memref_squeeze %dma_start3A_332 : memref<1x80xi32, #tpu.memory_space<vmem>> -> memref<80xi32, #tpu.memory_space<vmem>>
        %dma_start3A_334 = arith.constant 0 : i32
        %dma_start3A_335 = arith.constant 0 : i32
        %dma_start3A_336 = tpu.memref_slice %arg5[%dma_start3A_334, %dma_start3A_335] : memref<10240x64xf32, #tpu.memory_space<vmem_shared>> -> memref<10240x64xf32, #tpu.memory_space<vmem_shared>>
        tpu.enqueue_indirect_dma source(%arg9 : memref<80x64xf32, #tpu.memory_space<vmem>>) target(%dma_start3A_336 : memref<10240x64xf32, #tpu.memory_space<vmem_shared>>) offsets(%dma_start3A_333 : memref<80xi32, #tpu.memory_space<vmem>>) semaphore(%arg26 : memref<!tpu.dma_semaphore, #tpu.memory_space<semaphore_mem>>) {add = true}
      } else {
      }
      %mul3A_263 = arith.constant 8 : i32
      %mul3A_264 = arith.muli %mul3A_263, %scan3A_247 : i32
      %add3A_265 = arith.constant 2 : i32
      %add3A_266 = arith.addi %mul3A_264, %add3A_265 : i32
      %lt3A_267 = arith.constant 125 : i32
      %lt3A_268 = arith.cmpi slt, %add3A_266, %lt3A_267 : i32
      %convert_element_type3A_269 = arith.extui %lt3A_268 : i1 to i32
      %cond3A_270 = arith.constant 0 : i32
      %cond3A_271 = arith.cmpi ne, %convert_element_type3A_269, %cond3A_270 : i32
      scf.if %cond3A_271 {
        %add3A_317 = arith.constant 4 : i32
        %add3A_318 = arith.addi %add3A_266, %add3A_317 : i32
        %lt3A_319 = arith.constant 125 : i32
        %lt3A_320 = arith.cmpi slt, %add3A_318, %lt3A_319 : i32
        %convert_element_type3A_321 = arith.extui %lt3A_320 : i1 to i32
        %cond3A_322 = arith.constant 0 : i32
        %cond3A_323 = arith.cmpi ne, %convert_element_type3A_321, %cond3A_322 : i32
        scf.if %cond3A_323 {
          %ge3A = arith.constant 4 : i32
          %ge3A_337 = arith.cmpi sge, %add3A_266, %ge3A : i32
          %convert_element_type3A_338 = arith.extui %ge3A_337 : i1 to i32
          %cond3A_339 = arith.constant 0 : i32
          %cond3A_340 = arith.cmpi ne, %convert_element_type3A_338, %cond3A_339 : i32
          scf.if %cond3A_340 {
            %dma_wait3A_349 = arith.constant 0 : i32
            %dma_wait3A_350 = arith.constant 0 : i32
            %dma_wait3A_351 = tpu.memref_slice %arg7[%dma_wait3A_349, %dma_wait3A_350] : memref<125x80xi32, #tpu.memory_space<vmem>> -> memref<1x80xi32, #tpu.memory_space<vmem>>
            %dma_wait3A_352 = tpu.memref_squeeze %dma_wait3A_351 : memref<1x80xi32, #tpu.memory_space<vmem>> -> memref<80xi32, #tpu.memory_space<vmem>>
            %dma_wait3A_353 = arith.constant 0 : i32
            %dma_wait3A_354 = arith.constant 0 : i32
            %dma_wait3A_355 = tpu.memref_slice %arg5[%dma_wait3A_353, %dma_wait3A_354] : memref<10240x64xf32, #tpu.memory_space<vmem_shared>> -> memref<10240x64xf32, #tpu.memory_space<vmem_shared>>
            tpu.wait_indirect_dma semaphore(%arg31 : memref<!tpu.dma_semaphore, #tpu.memory_space<semaphore_mem>>) src(%arg14 : memref<80x64xf32, #tpu.memory_space<vmem>>) dst(%dma_wait3A_355 : memref<10240x64xf32, #tpu.memory_space<vmem_shared>>)
          } else {
          }
          %add3A_341 = arith.constant 4 : i32
          %add3A_342 = arith.addi %add3A_266, %add3A_341 : i32
          %dma_start3A_343 = arith.constant 0 : i32
          %dma_start3A_344 = tpu.memref_slice %arg6[%add3A_342, %dma_start3A_343] : memref<125x80xi32, #tpu.memory_space<vmem>> -> memref<1x80xi32, #tpu.memory_space<vmem>>
          %dma_start3A_345 = tpu.memref_squeeze %dma_start3A_344 : memref<1x80xi32, #tpu.memory_space<vmem>> -> memref<80xi32, #tpu.memory_space<vmem>>
          %dma_start3A_346 = arith.constant 0 : i32
          %dma_start3A_347 = arith.constant 0 : i32
          %dma_start3A_348 = tpu.memref_slice %arg2[%dma_start3A_346, %dma_start3A_347] : memref<10000x64xf32, #tpu.memory_space<hbm>> -> memref<10000x64xf32, #tpu.memory_space<hbm>>
          tpu.enqueue_indirect_dma source(%dma_start3A_348 : memref<10000x64xf32, #tpu.memory_space<hbm>>) target(%arg14 : memref<80x64xf32, #tpu.memory_space<vmem>>) offsets(%dma_start3A_345 : memref<80xi32, #tpu.memory_space<vmem>>) semaphore(%arg23 : memref<!tpu.dma_semaphore, #tpu.memory_space<semaphore_mem>>)
        } else {
        }
        %dma_wait3A_324 = arith.constant 0 : i32
        %dma_wait3A_325 = arith.constant 0 : i32
        %dma_wait3A_326 = tpu.memref_slice %arg6[%dma_wait3A_324, %dma_wait3A_325] : memref<125x80xi32, #tpu.memory_space<vmem>> -> memref<1x80xi32, #tpu.memory_space<vmem>>
        %dma_wait3A_327 = tpu.memref_squeeze %dma_wait3A_326 : memref<1x80xi32, #tpu.memory_space<vmem>> -> memref<80xi32, #tpu.memory_space<vmem>>
        %dma_wait3A_328 = arith.constant 0 : i32
        %dma_wait3A_329 = arith.constant 0 : i32
        %dma_wait3A_330 = tpu.memref_slice %arg2[%dma_wait3A_328, %dma_wait3A_329] : memref<10000x64xf32, #tpu.memory_space<hbm>> -> memref<10000x64xf32, #tpu.memory_space<hbm>>
        tpu.wait_indirect_dma semaphore(%arg19 : memref<!tpu.dma_semaphore, #tpu.memory_space<semaphore_mem>>) src(%dma_wait3A_330 : memref<10000x64xf32, #tpu.memory_space<hbm>>) dst(%arg10 : memref<80x64xf32, #tpu.memory_space<vmem>>)
        %dma_start3A_331 = arith.constant 0 : i32
        %dma_start3A_332 = tpu.memref_slice %arg7[%add3A_266, %dma_start3A_331] : memref<125x80xi32, #tpu.memory_space<vmem>> -> memref<1x80xi32, #tpu.memory_space<vmem>>
        %dma_start3A_333 = tpu.memref_squeeze %dma_start3A_332 : memref<1x80xi32, #tpu.memory_space<vmem>> -> memref<80xi32, #tpu.memory_space<vmem>>
        %dma_start3A_334 = arith.constant 0 : i32
        %dma_start3A_335 = arith.constant 0 : i32
        %dma_start3A_336 = tpu.memref_slice %arg5[%dma_start3A_334, %dma_start3A_335] : memref<10240x64xf32, #tpu.memory_space<vmem_shared>> -> memref<10240x64xf32, #tpu.memory_space<vmem_shared>>
        tpu.enqueue_indirect_dma source(%arg10 : memref<80x64xf32, #tpu.memory_space<vmem>>) target(%dma_start3A_336 : memref<10240x64xf32, #tpu.memory_space<vmem_shared>>) offsets(%dma_start3A_333 : memref<80xi32, #tpu.memory_space<vmem>>) semaphore(%arg27 : memref<!tpu.dma_semaphore, #tpu.memory_space<semaphore_mem>>) {add = true}
      } else {
      }
      %mul3A_272 = arith.constant 8 : i32
      %mul3A_273 = arith.muli %mul3A_272, %scan3A_247 : i32
      %add3A_274 = arith.constant 3 : i32
      %add3A_275 = arith.addi %mul3A_273, %add3A_274 : i32
      %lt3A_276 = arith.constant 125 : i32
      %lt3A_277 = arith.cmpi slt, %add3A_275, %lt3A_276 : i32
      %convert_element_type3A_278 = arith.extui %lt3A_277 : i1 to i32
      %cond3A_279 = arith.constant 0 : i32
      %cond3A_280 = arith.cmpi ne, %convert_element_type3A_278, %cond3A_279 : i32
      scf.if %cond3A_280 {
        %add3A_317 = arith.constant 4 : i32
        %add3A_318 = arith.addi %add3A_275, %add3A_317 : i32
        %lt3A_319 = arith.constant 125 : i32
        %lt3A_320 = arith.cmpi slt, %add3A_318, %lt3A_319 : i32
        %convert_element_type3A_321 = arith.extui %lt3A_320 : i1 to i32
        %cond3A_322 = arith.constant 0 : i32
        %cond3A_323 = arith.cmpi ne, %convert_element_type3A_321, %cond3A_322 : i32
        scf.if %cond3A_323 {
          %ge3A = arith.constant 4 : i32
          %ge3A_337 = arith.cmpi sge, %add3A_275, %ge3A : i32
          %convert_element_type3A_338 = arith.extui %ge3A_337 : i1 to i32
          %cond3A_339 = arith.constant 0 : i32
          %cond3A_340 = arith.cmpi ne, %convert_element_type3A_338, %cond3A_339 : i32
          scf.if %cond3A_340 {
            %dma_wait3A_349 = arith.constant 0 : i32
            %dma_wait3A_350 = arith.constant 0 : i32
            %dma_wait3A_351 = tpu.memref_slice %arg7[%dma_wait3A_349, %dma_wait3A_350] : memref<125x80xi32, #tpu.memory_space<vmem>> -> memref<1x80xi32, #tpu.memory_space<vmem>>
            %dma_wait3A_352 = tpu.memref_squeeze %dma_wait3A_351 : memref<1x80xi32, #tpu.memory_space<vmem>> -> memref<80xi32, #tpu.memory_space<vmem>>
            %dma_wait3A_353 = arith.constant 0 : i32
            %dma_wait3A_354 = arith.constant 0 : i32
            %dma_wait3A_355 = tpu.memref_slice %arg5[%dma_wait3A_353, %dma_wait3A_354] : memref<10240x64xf32, #tpu.memory_space<vmem_shared>> -> memref<10240x64xf32, #tpu.memory_space<vmem_shared>>
            tpu.wait_indirect_dma semaphore(%arg32 : memref<!tpu.dma_semaphore, #tpu.memory_space<semaphore_mem>>) src(%arg15 : memref<80x64xf32, #tpu.memory_space<vmem>>) dst(%dma_wait3A_355 : memref<10240x64xf32, #tpu.memory_space<vmem_shared>>)
          } else {
          }
          %add3A_341 = arith.constant 4 : i32
          %add3A_342 = arith.addi %add3A_275, %add3A_341 : i32
          %dma_start3A_343 = arith.constant 0 : i32
          %dma_start3A_344 = tpu.memref_slice %arg6[%add3A_342, %dma_start3A_343] : memref<125x80xi32, #tpu.memory_space<vmem>> -> memref<1x80xi32, #tpu.memory_space<vmem>>
          %dma_start3A_345 = tpu.memref_squeeze %dma_start3A_344 : memref<1x80xi32, #tpu.memory_space<vmem>> -> memref<80xi32, #tpu.memory_space<vmem>>
          %dma_start3A_346 = arith.constant 0 : i32
          %dma_start3A_347 = arith.constant 0 : i32
          %dma_start3A_348 = tpu.memref_slice %arg2[%dma_start3A_346, %dma_start3A_347] : memref<10000x64xf32, #tpu.memory_space<hbm>> -> memref<10000x64xf32, #tpu.memory_space<hbm>>
          tpu.enqueue_indirect_dma source(%dma_start3A_348 : memref<10000x64xf32, #tpu.memory_space<hbm>>) target(%arg15 : memref<80x64xf32, #tpu.memory_space<vmem>>) offsets(%dma_start3A_345 : memref<80xi32, #tpu.memory_space<vmem>>) semaphore(%arg24 : memref<!tpu.dma_semaphore, #tpu.memory_space<semaphore_mem>>)
        } else {
        }
        %dma_wait3A_324 = arith.constant 0 : i32
        %dma_wait3A_325 = arith.constant 0 : i32
        %dma_wait3A_326 = tpu.memref_slice %arg6[%dma_wait3A_324, %dma_wait3A_325] : memref<125x80xi32, #tpu.memory_space<vmem>> -> memref<1x80xi32, #tpu.memory_space<vmem>>
        %dma_wait3A_327 = tpu.memref_squeeze %dma_wait3A_326 : memref<1x80xi32, #tpu.memory_space<vmem>> -> memref<80xi32, #tpu.memory_space<vmem>>
        %dma_wait3A_328 = arith.constant 0 : i32
        %dma_wait3A_329 = arith.constant 0 : i32
        %dma_wait3A_330 = tpu.memref_slice %arg2[%dma_wait3A_328, %dma_wait3A_329] : memref<10000x64xf32, #tpu.memory_space<hbm>> -> memref<10000x64xf32, #tpu.memory_space<hbm>>
        tpu.wait_indirect_dma semaphore(%arg20 : memref<!tpu.dma_semaphore, #tpu.memory_space<semaphore_mem>>) src(%dma_wait3A_330 : memref<10000x64xf32, #tpu.memory_space<hbm>>) dst(%arg11 : memref<80x64xf32, #tpu.memory_space<vmem>>)
        %dma_start3A_331 = arith.constant 0 : i32
        %dma_start3A_332 = tpu.memref_slice %arg7[%add3A_275, %dma_start3A_331] : memref<125x80xi32, #tpu.memory_space<vmem>> -> memref<1x80xi32, #tpu.memory_space<vmem>>
        %dma_start3A_333 = tpu.memref_squeeze %dma_start3A_332 : memref<1x80xi32, #tpu.memory_space<vmem>> -> memref<80xi32, #tpu.memory_space<vmem>>
        %dma_start3A_334 = arith.constant 0 : i32
        %dma_start3A_335 = arith.constant 0 : i32
        %dma_start3A_336 = tpu.memref_slice %arg5[%dma_start3A_334, %dma_start3A_335] : memref<10240x64xf32, #tpu.memory_space<vmem_shared>> -> memref<10240x64xf32, #tpu.memory_space<vmem_shared>>
        tpu.enqueue_indirect_dma source(%arg11 : memref<80x64xf32, #tpu.memory_space<vmem>>) target(%dma_start3A_336 : memref<10240x64xf32, #tpu.memory_space<vmem_shared>>) offsets(%dma_start3A_333 : memref<80xi32, #tpu.memory_space<vmem>>) semaphore(%arg28 : memref<!tpu.dma_semaphore, #tpu.memory_space<semaphore_mem>>) {add = true}
      } else {
      }
      %mul3A_281 = arith.constant 8 : i32
      %mul3A_282 = arith.muli %mul3A_281, %scan3A_247 : i32
      %add3A_283 = arith.constant 4 : i32
      %add3A_284 = arith.addi %mul3A_282, %add3A_283 : i32
      %lt3A_285 = arith.constant 125 : i32
      %lt3A_286 = arith.cmpi slt, %add3A_284, %lt3A_285 : i32
      %convert_element_type3A_287 = arith.extui %lt3A_286 : i1 to i32
      %cond3A_288 = arith.constant 0 : i32
      %cond3A_289 = arith.cmpi ne, %convert_element_type3A_287, %cond3A_288 : i32
      scf.if %cond3A_289 {
        %add3A_317 = arith.constant 4 : i32
        %add3A_318 = arith.addi %add3A_284, %add3A_317 : i32
        %lt3A_319 = arith.constant 125 : i32
        %lt3A_320 = arith.cmpi slt, %add3A_318, %lt3A_319 : i32
        %convert_element_type3A_321 = arith.extui %lt3A_320 : i1 to i32
        %cond3A_322 = arith.constant 0 : i32
        %cond3A_323 = arith.cmpi ne, %convert_element_type3A_321, %cond3A_322 : i32
        scf.if %cond3A_323 {
          %ge3A = arith.constant 4 : i32
          %ge3A_337 = arith.cmpi sge, %add3A_284, %ge3A : i32
          %convert_element_type3A_338 = arith.extui %ge3A_337 : i1 to i32
          %cond3A_339 = arith.constant 0 : i32
          %cond3A_340 = arith.cmpi ne, %convert_element_type3A_338, %cond3A_339 : i32
          scf.if %cond3A_340 {
            %dma_wait3A_349 = arith.constant 0 : i32
            %dma_wait3A_350 = arith.constant 0 : i32
            %dma_wait3A_351 = tpu.memref_slice %arg7[%dma_wait3A_349, %dma_wait3A_350] : memref<125x80xi32, #tpu.memory_space<vmem>> -> memref<1x80xi32, #tpu.memory_space<vmem>>
            %dma_wait3A_352 = tpu.memref_squeeze %dma_wait3A_351 : memref<1x80xi32, #tpu.memory_space<vmem>> -> memref<80xi32, #tpu.memory_space<vmem>>
            %dma_wait3A_353 = arith.constant 0 : i32
            %dma_wait3A_354 = arith.constant 0 : i32
            %dma_wait3A_355 = tpu.memref_slice %arg5[%dma_wait3A_353, %dma_wait3A_354] : memref<10240x64xf32, #tpu.memory_space<vmem_shared>> -> memref<10240x64xf32, #tpu.memory_space<vmem_shared>>
            tpu.wait_indirect_dma semaphore(%arg25 : memref<!tpu.dma_semaphore, #tpu.memory_space<semaphore_mem>>) src(%arg8 : memref<80x64xf32, #tpu.memory_space<vmem>>) dst(%dma_wait3A_355 : memref<10240x64xf32, #tpu.memory_space<vmem_shared>>)
          } else {
          }
          %add3A_341 = arith.constant 4 : i32
          %add3A_342 = arith.addi %add3A_284, %add3A_341 : i32
          %dma_start3A_343 = arith.constant 0 : i32
          %dma_start3A_344 = tpu.memref_slice %arg6[%add3A_342, %dma_start3A_343] : memref<125x80xi32, #tpu.memory_space<vmem>> -> memref<1x80xi32, #tpu.memory_space<vmem>>
          %dma_start3A_345 = tpu.memref_squeeze %dma_start3A_344 : memref<1x80xi32, #tpu.memory_space<vmem>> -> memref<80xi32, #tpu.memory_space<vmem>>
          %dma_start3A_346 = arith.constant 0 : i32
          %dma_start3A_347 = arith.constant 0 : i32
          %dma_start3A_348 = tpu.memref_slice %arg2[%dma_start3A_346, %dma_start3A_347] : memref<10000x64xf32, #tpu.memory_space<hbm>> -> memref<10000x64xf32, #tpu.memory_space<hbm>>
          tpu.enqueue_indirect_dma source(%dma_start3A_348 : memref<10000x64xf32, #tpu.memory_space<hbm>>) target(%arg8 : memref<80x64xf32, #tpu.memory_space<vmem>>) offsets(%dma_start3A_345 : memref<80xi32, #tpu.memory_space<vmem>>) semaphore(%arg17 : memref<!tpu.dma_semaphore, #tpu.memory_space<semaphore_mem>>)
        } else {
        }
        %dma_wait3A_324 = arith.constant 0 : i32
        %dma_wait3A_325 = arith.constant 0 : i32
        %dma_wait3A_326 = tpu.memref_slice %arg6[%dma_wait3A_324, %dma_wait3A_325] : memref<125x80xi32, #tpu.memory_space<vmem>> -> memref<1x80xi32, #tpu.memory_space<vmem>>
        %dma_wait3A_327 = tpu.memref_squeeze %dma_wait3A_326 : memref<1x80xi32, #tpu.memory_space<vmem>> -> memref<80xi32, #tpu.memory_space<vmem>>
        %dma_wait3A_328 = arith.constant 0 : i32
        %dma_wait3A_329 = arith.constant 0 : i32
        %dma_wait3A_330 = tpu.memref_slice %arg2[%dma_wait3A_328, %dma_wait3A_329] : memref<10000x64xf32, #tpu.memory_space<hbm>> -> memref<10000x64xf32, #tpu.memory_space<hbm>>
        tpu.wait_indirect_dma semaphore(%arg21 : memref<!tpu.dma_semaphore, #tpu.memory_space<semaphore_mem>>) src(%dma_wait3A_330 : memref<10000x64xf32, #tpu.memory_space<hbm>>) dst(%arg12 : memref<80x64xf32, #tpu.memory_space<vmem>>)
        %dma_start3A_331 = arith.constant 0 : i32
        %dma_start3A_332 = tpu.memref_slice %arg7[%add3A_284, %dma_start3A_331] : memref<125x80xi32, #tpu.memory_space<vmem>> -> memref<1x80xi32, #tpu.memory_space<vmem>>
        %dma_start3A_333 = tpu.memref_squeeze %dma_start3A_332 : memref<1x80xi32, #tpu.memory_space<vmem>> -> memref<80xi32, #tpu.memory_space<vmem>>
        %dma_start3A_334 = arith.constant 0 : i32
        %dma_start3A_335 = arith.constant 0 : i32
        %dma_start3A_336 = tpu.memref_slice %arg5[%dma_start3A_334, %dma_start3A_335] : memref<10240x64xf32, #tpu.memory_space<vmem_shared>> -> memref<10240x64xf32, #tpu.memory_space<vmem_shared>>
        tpu.enqueue_indirect_dma source(%arg12 : memref<80x64xf32, #tpu.memory_space<vmem>>) target(%dma_start3A_336 : memref<10240x64xf32, #tpu.memory_space<vmem_shared>>) offsets(%dma_start3A_333 : memref<80xi32, #tpu.memory_space<vmem>>) semaphore(%arg29 : memref<!tpu.dma_semaphore, #tpu.memory_space<semaphore_mem>>) {add = true}
      } else {
      }
      %mul3A_290 = arith.constant 8 : i32
      %mul3A_291 = arith.muli %mul3A_290, %scan3A_247 : i32
      %add3A_292 = arith.constant 5 : i32
      %add3A_293 = arith.addi %mul3A_291, %add3A_292 : i32
      %lt3A_294 = arith.constant 125 : i32
      %lt3A_295 = arith.cmpi slt, %add3A_293, %lt3A_294 : i32
      %convert_element_type3A_296 = arith.extui %lt3A_295 : i1 to i32
      %cond3A_297 = arith.constant 0 : i32
      %cond3A_298 = arith.cmpi ne, %convert_element_type3A_296, %cond3A_297 : i32
      scf.if %cond3A_298 {
        %add3A_317 = arith.constant 4 : i32
        %add3A_318 = arith.addi %add3A_293, %add3A_317 : i32
        %lt3A_319 = arith.constant 125 : i32
        %lt3A_320 = arith.cmpi slt, %add3A_318, %lt3A_319 : i32
        %convert_element_type3A_321 = arith.extui %lt3A_320 : i1 to i32
        %cond3A_322 = arith.constant 0 : i32
        %cond3A_323 = arith.cmpi ne, %convert_element_type3A_321, %cond3A_322 : i32
        scf.if %cond3A_323 {
          %ge3A = arith.constant 4 : i32
          %ge3A_337 = arith.cmpi sge, %add3A_293, %ge3A : i32
          %convert_element_type3A_338 = arith.extui %ge3A_337 : i1 to i32
          %cond3A_339 = arith.constant 0 : i32
          %cond3A_340 = arith.cmpi ne, %convert_element_type3A_338, %cond3A_339 : i32
          scf.if %cond3A_340 {
            %dma_wait3A_349 = arith.constant 0 : i32
            %dma_wait3A_350 = arith.constant 0 : i32
            %dma_wait3A_351 = tpu.memref_slice %arg7[%dma_wait3A_349, %dma_wait3A_350] : memref<125x80xi32, #tpu.memory_space<vmem>> -> memref<1x80xi32, #tpu.memory_space<vmem>>
            %dma_wait3A_352 = tpu.memref_squeeze %dma_wait3A_351 : memref<1x80xi32, #tpu.memory_space<vmem>> -> memref<80xi32, #tpu.memory_space<vmem>>
            %dma_wait3A_353 = arith.constant 0 : i32
            %dma_wait3A_354 = arith.constant 0 : i32
            %dma_wait3A_355 = tpu.memref_slice %arg5[%dma_wait3A_353, %dma_wait3A_354] : memref<10240x64xf32, #tpu.memory_space<vmem_shared>> -> memref<10240x64xf32, #tpu.memory_space<vmem_shared>>
            tpu.wait_indirect_dma semaphore(%arg26 : memref<!tpu.dma_semaphore, #tpu.memory_space<semaphore_mem>>) src(%arg9 : memref<80x64xf32, #tpu.memory_space<vmem>>) dst(%dma_wait3A_355 : memref<10240x64xf32, #tpu.memory_space<vmem_shared>>)
          } else {
          }
          %add3A_341 = arith.constant 4 : i32
          %add3A_342 = arith.addi %add3A_293, %add3A_341 : i32
          %dma_start3A_343 = arith.constant 0 : i32
          %dma_start3A_344 = tpu.memref_slice %arg6[%add3A_342, %dma_start3A_343] : memref<125x80xi32, #tpu.memory_space<vmem>> -> memref<1x80xi32, #tpu.memory_space<vmem>>
          %dma_start3A_345 = tpu.memref_squeeze %dma_start3A_344 : memref<1x80xi32, #tpu.memory_space<vmem>> -> memref<80xi32, #tpu.memory_space<vmem>>
          %dma_start3A_346 = arith.constant 0 : i32
          %dma_start3A_347 = arith.constant 0 : i32
          %dma_start3A_348 = tpu.memref_slice %arg2[%dma_start3A_346, %dma_start3A_347] : memref<10000x64xf32, #tpu.memory_space<hbm>> -> memref<10000x64xf32, #tpu.memory_space<hbm>>
          tpu.enqueue_indirect_dma source(%dma_start3A_348 : memref<10000x64xf32, #tpu.memory_space<hbm>>) target(%arg9 : memref<80x64xf32, #tpu.memory_space<vmem>>) offsets(%dma_start3A_345 : memref<80xi32, #tpu.memory_space<vmem>>) semaphore(%arg18 : memref<!tpu.dma_semaphore, #tpu.memory_space<semaphore_mem>>)
        } else {
        }
        %dma_wait3A_324 = arith.constant 0 : i32
        %dma_wait3A_325 = arith.constant 0 : i32
        %dma_wait3A_326 = tpu.memref_slice %arg6[%dma_wait3A_324, %dma_wait3A_325] : memref<125x80xi32, #tpu.memory_space<vmem>> -> memref<1x80xi32, #tpu.memory_space<vmem>>
        %dma_wait3A_327 = tpu.memref_squeeze %dma_wait3A_326 : memref<1x80xi32, #tpu.memory_space<vmem>> -> memref<80xi32, #tpu.memory_space<vmem>>
        %dma_wait3A_328 = arith.constant 0 : i32
        %dma_wait3A_329 = arith.constant 0 : i32
        %dma_wait3A_330 = tpu.memref_slice %arg2[%dma_wait3A_328, %dma_wait3A_329] : memref<10000x64xf32, #tpu.memory_space<hbm>> -> memref<10000x64xf32, #tpu.memory_space<hbm>>
        tpu.wait_indirect_dma semaphore(%arg22 : memref<!tpu.dma_semaphore, #tpu.memory_space<semaphore_mem>>) src(%dma_wait3A_330 : memref<10000x64xf32, #tpu.memory_space<hbm>>) dst(%arg13 : memref<80x64xf32, #tpu.memory_space<vmem>>)
        %dma_start3A_331 = arith.constant 0 : i32
        %dma_start3A_332 = tpu.memref_slice %arg7[%add3A_293, %dma_start3A_331] : memref<125x80xi32, #tpu.memory_space<vmem>> -> memref<1x80xi32, #tpu.memory_space<vmem>>
        %dma_start3A_333 = tpu.memref_squeeze %dma_start3A_332 : memref<1x80xi32, #tpu.memory_space<vmem>> -> memref<80xi32, #tpu.memory_space<vmem>>
        %dma_start3A_334 = arith.constant 0 : i32
        %dma_start3A_335 = arith.constant 0 : i32
        %dma_start3A_336 = tpu.memref_slice %arg5[%dma_start3A_334, %dma_start3A_335] : memref<10240x64xf32, #tpu.memory_space<vmem_shared>> -> memref<10240x64xf32, #tpu.memory_space<vmem_shared>>
        tpu.enqueue_indirect_dma source(%arg13 : memref<80x64xf32, #tpu.memory_space<vmem>>) target(%dma_start3A_336 : memref<10240x64xf32, #tpu.memory_space<vmem_shared>>) offsets(%dma_start3A_333 : memref<80xi32, #tpu.memory_space<vmem>>) semaphore(%arg30 : memref<!tpu.dma_semaphore, #tpu.memory_space<semaphore_mem>>) {add = true}
      } else {
      }
      %mul3A_299 = arith.constant 8 : i32
      %mul3A_300 = arith.muli %mul3A_299, %scan3A_247 : i32
      %add3A_301 = arith.constant 6 : i32
      %add3A_302 = arith.addi %mul3A_300, %add3A_301 : i32
      %lt3A_303 = arith.constant 125 : i32
      %lt3A_304 = arith.cmpi slt, %add3A_302, %lt3A_303 : i32
      %convert_element_type3A_305 = arith.extui %lt3A_304 : i1 to i32
      %cond3A_306 = arith.constant 0 : i32
      %cond3A_307 = arith.cmpi ne, %convert_element_type3A_305, %cond3A_306 : i32
      scf.if %cond3A_307 {
        %add3A_317 = arith.constant 4 : i32
        %add3A_318 = arith.addi %add3A_302, %add3A_317 : i32
        %lt3A_319 = arith.constant 125 : i32
        %lt3A_320 = arith.cmpi slt, %add3A_318, %lt3A_319 : i32
        %convert_element_type3A_321 = arith.extui %lt3A_320 : i1 to i32
        %cond3A_322 = arith.constant 0 : i32
        %cond3A_323 = arith.cmpi ne, %convert_element_type3A_321, %cond3A_322 : i32
        scf.if %cond3A_323 {
          %ge3A = arith.constant 4 : i32
          %ge3A_337 = arith.cmpi sge, %add3A_302, %ge3A : i32
          %convert_element_type3A_338 = arith.extui %ge3A_337 : i1 to i32
          %cond3A_339 = arith.constant 0 : i32
          %cond3A_340 = arith.cmpi ne, %convert_element_type3A_338, %cond3A_339 : i32
          scf.if %cond3A_340 {
            %dma_wait3A_349 = arith.constant 0 : i32
            %dma_wait3A_350 = arith.constant 0 : i32
            %dma_wait3A_351 = tpu.memref_slice %arg7[%dma_wait3A_349, %dma_wait3A_350] : memref<125x80xi32, #tpu.memory_space<vmem>> -> memref<1x80xi32, #tpu.memory_space<vmem>>
            %dma_wait3A_352 = tpu.memref_squeeze %dma_wait3A_351 : memref<1x80xi32, #tpu.memory_space<vmem>> -> memref<80xi32, #tpu.memory_space<vmem>>
            %dma_wait3A_353 = arith.constant 0 : i32
            %dma_wait3A_354 = arith.constant 0 : i32
            %dma_wait3A_355 = tpu.memref_slice %arg5[%dma_wait3A_353, %dma_wait3A_354] : memref<10240x64xf32, #tpu.memory_space<vmem_shared>> -> memref<10240x64xf32, #tpu.memory_space<vmem_shared>>
            tpu.wait_indirect_dma semaphore(%arg27 : memref<!tpu.dma_semaphore, #tpu.memory_space<semaphore_mem>>) src(%arg10 : memref<80x64xf32, #tpu.memory_space<vmem>>) dst(%dma_wait3A_355 : memref<10240x64xf32, #tpu.memory_space<vmem_shared>>)
          } else {
          }
          %add3A_341 = arith.constant 4 : i32
          %add3A_342 = arith.addi %add3A_302, %add3A_341 : i32
          %dma_start3A_343 = arith.constant 0 : i32
          %dma_start3A_344 = tpu.memref_slice %arg6[%add3A_342, %dma_start3A_343] : memref<125x80xi32, #tpu.memory_space<vmem>> -> memref<1x80xi32, #tpu.memory_space<vmem>>
          %dma_start3A_345 = tpu.memref_squeeze %dma_start3A_344 : memref<1x80xi32, #tpu.memory_space<vmem>> -> memref<80xi32, #tpu.memory_space<vmem>>
          %dma_start3A_346 = arith.constant 0 : i32
          %dma_start3A_347 = arith.constant 0 : i32
          %dma_start3A_348 = tpu.memref_slice %arg2[%dma_start3A_346, %dma_start3A_347] : memref<10000x64xf32, #tpu.memory_space<hbm>> -> memref<10000x64xf32, #tpu.memory_space<hbm>>
          tpu.enqueue_indirect_dma source(%dma_start3A_348 : memref<10000x64xf32, #tpu.memory_space<hbm>>) target(%arg10 : memref<80x64xf32, #tpu.memory_space<vmem>>) offsets(%dma_start3A_345 : memref<80xi32, #tpu.memory_space<vmem>>) semaphore(%arg19 : memref<!tpu.dma_semaphore, #tpu.memory_space<semaphore_mem>>)
        } else {
        }
        %dma_wait3A_324 = arith.constant 0 : i32
        %dma_wait3A_325 = arith.constant 0 : i32
        %dma_wait3A_326 = tpu.memref_slice %arg6[%dma_wait3A_324, %dma_wait3A_325] : memref<125x80xi32, #tpu.memory_space<vmem>> -> memref<1x80xi32, #tpu.memory_space<vmem>>
        %dma_wait3A_327 = tpu.memref_squeeze %dma_wait3A_326 : memref<1x80xi32, #tpu.memory_space<vmem>> -> memref<80xi32, #tpu.memory_space<vmem>>
        %dma_wait3A_328 = arith.constant 0 : i32
        %dma_wait3A_329 = arith.constant 0 : i32
        %dma_wait3A_330 = tpu.memref_slice %arg2[%dma_wait3A_328, %dma_wait3A_329] : memref<10000x64xf32, #tpu.memory_space<hbm>> -> memref<10000x64xf32, #tpu.memory_space<hbm>>
        tpu.wait_indirect_dma semaphore(%arg23 : memref<!tpu.dma_semaphore, #tpu.memory_space<semaphore_mem>>) src(%dma_wait3A_330 : memref<10000x64xf32, #tpu.memory_space<hbm>>) dst(%arg14 : memref<80x64xf32, #tpu.memory_space<vmem>>)
        %dma_start3A_331 = arith.constant 0 : i32
        %dma_start3A_332 = tpu.memref_slice %arg7[%add3A_302, %dma_start3A_331] : memref<125x80xi32, #tpu.memory_space<vmem>> -> memref<1x80xi32, #tpu.memory_space<vmem>>
        %dma_start3A_333 = tpu.memref_squeeze %dma_start3A_332 : memref<1x80xi32, #tpu.memory_space<vmem>> -> memref<80xi32, #tpu.memory_space<vmem>>
        %dma_start3A_334 = arith.constant 0 : i32
        %dma_start3A_335 = arith.constant 0 : i32
        %dma_start3A_336 = tpu.memref_slice %arg5[%dma_start3A_334, %dma_start3A_335] : memref<10240x64xf32, #tpu.memory_space<vmem_shared>> -> memref<10240x64xf32, #tpu.memory_space<vmem_shared>>
        tpu.enqueue_indirect_dma source(%arg14 : memref<80x64xf32, #tpu.memory_space<vmem>>) target(%dma_start3A_336 : memref<10240x64xf32, #tpu.memory_space<vmem_shared>>) offsets(%dma_start3A_333 : memref<80xi32, #tpu.memory_space<vmem>>) semaphore(%arg31 : memref<!tpu.dma_semaphore, #tpu.memory_space<semaphore_mem>>) {add = true}
      } else {
      }
      %mul3A_308 = arith.constant 8 : i32
      %mul3A_309 = arith.muli %mul3A_308, %scan3A_247 : i32
      %add3A_310 = arith.constant 7 : i32
      %add3A_311 = arith.addi %mul3A_309, %add3A_310 : i32
      %lt3A_312 = arith.constant 125 : i32
      %lt3A_313 = arith.cmpi slt, %add3A_311, %lt3A_312 : i32
      %convert_element_type3A_314 = arith.extui %lt3A_313 : i1 to i32
      %cond3A_315 = arith.constant 0 : i32
      %cond3A_316 = arith.cmpi ne, %convert_element_type3A_314, %cond3A_315 : i32
      scf.if %cond3A_316 {
        %add3A_317 = arith.constant 4 : i32
        %add3A_318 = arith.addi %add3A_311, %add3A_317 : i32
        %lt3A_319 = arith.constant 125 : i32
        %lt3A_320 = arith.cmpi slt, %add3A_318, %lt3A_319 : i32
        %convert_element_type3A_321 = arith.extui %lt3A_320 : i1 to i32
        %cond3A_322 = arith.constant 0 : i32
        %cond3A_323 = arith.cmpi ne, %convert_element_type3A_321, %cond3A_322 : i32
        scf.if %cond3A_323 {
          %ge3A = arith.constant 4 : i32
          %ge3A_337 = arith.cmpi sge, %add3A_311, %ge3A : i32
          %convert_element_type3A_338 = arith.extui %ge3A_337 : i1 to i32
          %cond3A_339 = arith.constant 0 : i32
          %cond3A_340 = arith.cmpi ne, %convert_element_type3A_338, %cond3A_339 : i32
          scf.if %cond3A_340 {
            %dma_wait3A_349 = arith.constant 0 : i32
            %dma_wait3A_350 = arith.constant 0 : i32
            %dma_wait3A_351 = tpu.memref_slice %arg7[%dma_wait3A_349, %dma_wait3A_350] : memref<125x80xi32, #tpu.memory_space<vmem>> -> memref<1x80xi32, #tpu.memory_space<vmem>>
            %dma_wait3A_352 = tpu.memref_squeeze %dma_wait3A_351 : memref<1x80xi32, #tpu.memory_space<vmem>> -> memref<80xi32, #tpu.memory_space<vmem>>
            %dma_wait3A_353 = arith.constant 0 : i32
            %dma_wait3A_354 = arith.constant 0 : i32
            %dma_wait3A_355 = tpu.memref_slice %arg5[%dma_wait3A_353, %dma_wait3A_354] : memref<10240x64xf32, #tpu.memory_space<vmem_shared>> -> memref<10240x64xf32, #tpu.memory_space<vmem_shared>>
            tpu.wait_indirect_dma semaphore(%arg28 : memref<!tpu.dma_semaphore, #tpu.memory_space<semaphore_mem>>) src(%arg11 : memref<80x64xf32, #tpu.memory_space<vmem>>) dst(%dma_wait3A_355 : memref<10240x64xf32, #tpu.memory_space<vmem_shared>>)
          } else {
          }
          %add3A_341 = arith.constant 4 : i32
          %add3A_342 = arith.addi %add3A_311, %add3A_341 : i32
          %dma_start3A_343 = arith.constant 0 : i32
          %dma_start3A_344 = tpu.memref_slice %arg6[%add3A_342, %dma_start3A_343] : memref<125x80xi32, #tpu.memory_space<vmem>> -> memref<1x80xi32, #tpu.memory_space<vmem>>
          %dma_start3A_345 = tpu.memref_squeeze %dma_start3A_344 : memref<1x80xi32, #tpu.memory_space<vmem>> -> memref<80xi32, #tpu.memory_space<vmem>>
          %dma_start3A_346 = arith.constant 0 : i32
          %dma_start3A_347 = arith.constant 0 : i32
          %dma_start3A_348 = tpu.memref_slice %arg2[%dma_start3A_346, %dma_start3A_347] : memref<10000x64xf32, #tpu.memory_space<hbm>> -> memref<10000x64xf32, #tpu.memory_space<hbm>>
          tpu.enqueue_indirect_dma source(%dma_start3A_348 : memref<10000x64xf32, #tpu.memory_space<hbm>>) target(%arg11 : memref<80x64xf32, #tpu.memory_space<vmem>>) offsets(%dma_start3A_345 : memref<80xi32, #tpu.memory_space<vmem>>) semaphore(%arg20 : memref<!tpu.dma_semaphore, #tpu.memory_space<semaphore_mem>>)
        } else {
        }
        %dma_wait3A_324 = arith.constant 0 : i32
        %dma_wait3A_325 = arith.constant 0 : i32
        %dma_wait3A_326 = tpu.memref_slice %arg6[%dma_wait3A_324, %dma_wait3A_325] : memref<125x80xi32, #tpu.memory_space<vmem>> -> memref<1x80xi32, #tpu.memory_space<vmem>>
        %dma_wait3A_327 = tpu.memref_squeeze %dma_wait3A_326 : memref<1x80xi32, #tpu.memory_space<vmem>> -> memref<80xi32, #tpu.memory_space<vmem>>
        %dma_wait3A_328 = arith.constant 0 : i32
        %dma_wait3A_329 = arith.constant 0 : i32
        %dma_wait3A_330 = tpu.memref_slice %arg2[%dma_wait3A_328, %dma_wait3A_329] : memref<10000x64xf32, #tpu.memory_space<hbm>> -> memref<10000x64xf32, #tpu.memory_space<hbm>>
        tpu.wait_indirect_dma semaphore(%arg24 : memref<!tpu.dma_semaphore, #tpu.memory_space<semaphore_mem>>) src(%dma_wait3A_330 : memref<10000x64xf32, #tpu.memory_space<hbm>>) dst(%arg15 : memref<80x64xf32, #tpu.memory_space<vmem>>)
        %dma_start3A_331 = arith.constant 0 : i32
        %dma_start3A_332 = tpu.memref_slice %arg7[%add3A_311, %dma_start3A_331] : memref<125x80xi32, #tpu.memory_space<vmem>> -> memref<1x80xi32, #tpu.memory_space<vmem>>
        %dma_start3A_333 = tpu.memref_squeeze %dma_start3A_332 : memref<1x80xi32, #tpu.memory_space<vmem>> -> memref<80xi32, #tpu.memory_space<vmem>>
        %dma_start3A_334 = arith.constant 0 : i32
        %dma_start3A_335 = arith.constant 0 : i32
        %dma_start3A_336 = tpu.memref_slice %arg5[%dma_start3A_334, %dma_start3A_335] : memref<10240x64xf32, #tpu.memory_space<vmem_shared>> -> memref<10240x64xf32, #tpu.memory_space<vmem_shared>>
        tpu.enqueue_indirect_dma source(%arg15 : memref<80x64xf32, #tpu.memory_space<vmem>>) target(%dma_start3A_336 : memref<10240x64xf32, #tpu.memory_space<vmem_shared>>) offsets(%dma_start3A_333 : memref<80xi32, #tpu.memory_space<vmem>>) semaphore(%arg32 : memref<!tpu.dma_semaphore, #tpu.memory_space<semaphore_mem>>) {add = true}
      } else {
      }
    }
    %scan3A_185 = arith.constant 16 : i32
    %dma_wait3A_186 = arith.constant 0 : i32
    %dma_wait3A_187 = arith.constant 0 : i32
    %dma_wait3A_188 = tpu.memref_slice %arg7[%dma_wait3A_186, %dma_wait3A_187] : memref<125x80xi32, #tpu.memory_space<vmem>> -> memref<1x80xi32, #tpu.memory_space<vmem>>
    %dma_wait3A_189 = tpu.memref_squeeze %dma_wait3A_188 : memref<1x80xi32, #tpu.memory_space<vmem>> -> memref<80xi32, #tpu.memory_space<vmem>>
    %dma_wait3A_190 = arith.constant 0 : i32
    %dma_wait3A_191 = arith.constant 0 : i32
    %dma_wait3A_192 = tpu.memref_slice %arg5[%dma_wait3A_190, %dma_wait3A_191] : memref<10240x64xf32, #tpu.memory_space<vmem_shared>> -> memref<10240x64xf32, #tpu.memory_space<vmem_shared>>
    tpu.wait_indirect_dma semaphore(%arg30 : memref<!tpu.dma_semaphore, #tpu.memory_space<semaphore_mem>>) src(%arg13 : memref<80x64xf32, #tpu.memory_space<vmem>>) dst(%dma_wait3A_192 : memref<10240x64xf32, #tpu.memory_space<vmem_shared>>)
    %dma_wait3A_193 = arith.constant 0 : i32
    %dma_wait3A_194 = arith.constant 0 : i32
    %dma_wait3A_195 = tpu.memref_slice %arg7[%dma_wait3A_193, %dma_wait3A_194] : memref<125x80xi32, #tpu.memory_space<vmem>> -> memref<1x80xi32, #tpu.memory_space<vmem>>
    %dma_wait3A_196 = tpu.memref_squeeze %dma_wait3A_195 : memref<1x80xi32, #tpu.memory_space<vmem>> -> memref<80xi32, #tpu.memory_space<vmem>>
    %dma_wait3A_197 = arith.constant 0 : i32
    %dma_wait3A_198 = arith.constant 0 : i32
    %dma_wait3A_199 = tpu.memref_slice %arg5[%dma_wait3A_197, %dma_wait3A_198] : memref<10240x64xf32, #tpu.memory_space<vmem_shared>> -> memref<10240x64xf32, #tpu.memory_space<vmem_shared>>
    tpu.wait_indirect_dma semaphore(%arg31 : memref<!tpu.dma_semaphore, #tpu.memory_space<semaphore_mem>>) src(%arg14 : memref<80x64xf32, #tpu.memory_space<vmem>>) dst(%dma_wait3A_199 : memref<10240x64xf32, #tpu.memory_space<vmem_shared>>)
    %dma_wait3A_200 = arith.constant 0 : i32
    %dma_wait3A_201 = arith.constant 0 : i32
    %dma_wait3A_202 = tpu.memref_slice %arg7[%dma_wait3A_200, %dma_wait3A_201] : memref<125x80xi32, #tpu.memory_space<vmem>> -> memref<1x80xi32, #tpu.memory_space<vmem>>
    %dma_wait3A_203 = tpu.memref_squeeze %dma_wait3A_202 : memref<1x80xi32, #tpu.memory_space<vmem>> -> memref<80xi32, #tpu.memory_space<vmem>>
    %dma_wait3A_204 = arith.constant 0 : i32
    %dma_wait3A_205 = arith.constant 0 : i32
    %dma_wait3A_206 = tpu.memref_slice %arg5[%dma_wait3A_204, %dma_wait3A_205] : memref<10240x64xf32, #tpu.memory_space<vmem_shared>> -> memref<10240x64xf32, #tpu.memory_space<vmem_shared>>
    tpu.wait_indirect_dma semaphore(%arg32 : memref<!tpu.dma_semaphore, #tpu.memory_space<semaphore_mem>>) src(%arg15 : memref<80x64xf32, #tpu.memory_space<vmem>>) dst(%dma_wait3A_206 : memref<10240x64xf32, #tpu.memory_space<vmem_shared>>)
    %dma_wait3A_207 = arith.constant 0 : i32
    %dma_wait3A_208 = arith.constant 0 : i32
    %dma_wait3A_209 = tpu.memref_slice %arg7[%dma_wait3A_207, %dma_wait3A_208] : memref<125x80xi32, #tpu.memory_space<vmem>> -> memref<1x80xi32, #tpu.memory_space<vmem>>
    %dma_wait3A_210 = tpu.memref_squeeze %dma_wait3A_209 : memref<1x80xi32, #tpu.memory_space<vmem>> -> memref<80xi32, #tpu.memory_space<vmem>>
    %dma_wait3A_211 = arith.constant 0 : i32
    %dma_wait3A_212 = arith.constant 0 : i32
    %dma_wait3A_213 = tpu.memref_slice %arg5[%dma_wait3A_211, %dma_wait3A_212] : memref<10240x64xf32, #tpu.memory_space<vmem_shared>> -> memref<10240x64xf32, #tpu.memory_space<vmem_shared>>
    tpu.wait_indirect_dma semaphore(%arg25 : memref<!tpu.dma_semaphore, #tpu.memory_space<semaphore_mem>>) src(%arg8 : memref<80x64xf32, #tpu.memory_space<vmem>>) dst(%dma_wait3A_213 : memref<10240x64xf32, #tpu.memory_space<vmem_shared>>)
    %dma_wait3A_214 = arith.constant 0 : i32
    %dma_wait3A_215 = arith.constant 0 : i32
    %dma_wait3A_216 = tpu.memref_slice %arg7[%dma_wait3A_214, %dma_wait3A_215] : memref<125x80xi32, #tpu.memory_space<vmem>> -> memref<1x80xi32, #tpu.memory_space<vmem>>
    %dma_wait3A_217 = tpu.memref_squeeze %dma_wait3A_216 : memref<1x80xi32, #tpu.memory_space<vmem>> -> memref<80xi32, #tpu.memory_space<vmem>>
    %dma_wait3A_218 = arith.constant 0 : i32
    %dma_wait3A_219 = arith.constant 0 : i32
    %dma_wait3A_220 = tpu.memref_slice %arg5[%dma_wait3A_218, %dma_wait3A_219] : memref<10240x64xf32, #tpu.memory_space<vmem_shared>> -> memref<10240x64xf32, #tpu.memory_space<vmem_shared>>
    tpu.wait_indirect_dma semaphore(%arg26 : memref<!tpu.dma_semaphore, #tpu.memory_space<semaphore_mem>>) src(%arg9 : memref<80x64xf32, #tpu.memory_space<vmem>>) dst(%dma_wait3A_220 : memref<10240x64xf32, #tpu.memory_space<vmem_shared>>)
    %dma_wait3A_221 = arith.constant 0 : i32
    %dma_wait3A_222 = arith.constant 0 : i32
    %dma_wait3A_223 = tpu.memref_slice %arg7[%dma_wait3A_221, %dma_wait3A_222] : memref<125x80xi32, #tpu.memory_space<vmem>> -> memref<1x80xi32, #tpu.memory_space<vmem>>
    %dma_wait3A_224 = tpu.memref_squeeze %dma_wait3A_223 : memref<1x80xi32, #tpu.memory_space<vmem>> -> memref<80xi32, #tpu.memory_space<vmem>>
    %dma_wait3A_225 = arith.constant 0 : i32
    %dma_wait3A_226 = arith.constant 0 : i32
    %dma_wait3A_227 = tpu.memref_slice %arg5[%dma_wait3A_225, %dma_wait3A_226] : memref<10240x64xf32, #tpu.memory_space<vmem_shared>> -> memref<10240x64xf32, #tpu.memory_space<vmem_shared>>
    tpu.wait_indirect_dma semaphore(%arg27 : memref<!tpu.dma_semaphore, #tpu.memory_space<semaphore_mem>>) src(%arg10 : memref<80x64xf32, #tpu.memory_space<vmem>>) dst(%dma_wait3A_227 : memref<10240x64xf32, #tpu.memory_space<vmem_shared>>)
    %dma_wait3A_228 = arith.constant 0 : i32
    %dma_wait3A_229 = arith.constant 0 : i32
    %dma_wait3A_230 = tpu.memref_slice %arg7[%dma_wait3A_228, %dma_wait3A_229] : memref<125x80xi32, #tpu.memory_space<vmem>> -> memref<1x80xi32, #tpu.memory_space<vmem>>
    %dma_wait3A_231 = tpu.memref_squeeze %dma_wait3A_230 : memref<1x80xi32, #tpu.memory_space<vmem>> -> memref<80xi32, #tpu.memory_space<vmem>>
    %dma_wait3A_232 = arith.constant 0 : i32
    %dma_wait3A_233 = arith.constant 0 : i32
    %dma_wait3A_234 = tpu.memref_slice %arg5[%dma_wait3A_232, %dma_wait3A_233] : memref<10240x64xf32, #tpu.memory_space<vmem_shared>> -> memref<10240x64xf32, #tpu.memory_space<vmem_shared>>
    tpu.wait_indirect_dma semaphore(%arg28 : memref<!tpu.dma_semaphore, #tpu.memory_space<semaphore_mem>>) src(%arg11 : memref<80x64xf32, #tpu.memory_space<vmem>>) dst(%dma_wait3A_234 : memref<10240x64xf32, #tpu.memory_space<vmem_shared>>)
    %dma_wait3A_235 = arith.constant 0 : i32
    %dma_wait3A_236 = arith.constant 0 : i32
    %dma_wait3A_237 = tpu.memref_slice %arg7[%dma_wait3A_235, %dma_wait3A_236] : memref<125x80xi32, #tpu.memory_space<vmem>> -> memref<1x80xi32, #tpu.memory_space<vmem>>
    %dma_wait3A_238 = tpu.memref_squeeze %dma_wait3A_237 : memref<1x80xi32, #tpu.memory_space<vmem>> -> memref<80xi32, #tpu.memory_space<vmem>>
    %dma_wait3A_239 = arith.constant 0 : i32
    %dma_wait3A_240 = arith.constant 0 : i32
    %dma_wait3A_241 = tpu.memref_slice %arg5[%dma_wait3A_239, %dma_wait3A_240] : memref<10240x64xf32, #tpu.memory_space<vmem_shared>> -> memref<10240x64xf32, #tpu.memory_space<vmem_shared>>
    tpu.wait_indirect_dma semaphore(%arg29 : memref<!tpu.dma_semaphore, #tpu.memory_space<semaphore_mem>>) src(%arg12 : memref<80x64xf32, #tpu.memory_space<vmem>>) dst(%dma_wait3A_241 : memref<10240x64xf32, #tpu.memory_space<vmem_shared>>)
    %barrier3A_242 = arith.constant 0 : index
    tpu.barrier barrier_id(%barrier3A_242)
    %mul3A_243 = arith.constant 640 : i32
    %mul3A_244 = arith.muli %arg1, %mul3A_243 : i32
    %mul3A_245 = arith.constant 640 : i32
    %mul3A_246 = arith.muli %arg1, %mul3A_245 : i32
    "tpu.region"() ({
      %run_scoped3A = tpu.sem_alloc : memref<!tpu.dma_semaphore, #tpu.memory_space<semaphore_mem>>
      %dma_start3A_247 = arith.constant 0 : i32
      %dma_start3A_248 = tpu.memref_slice %arg4[%arg0, %mul3A_246, %dma_start3A_247] : memref<2x10240x64xf32, #tpu.memory_space<hbm>> -> memref<1x640x64xf32, #tpu.memory_space<hbm>>
      %dma_start3A_249 = tpu.memref_squeeze %dma_start3A_248 : memref<1x640x64xf32, #tpu.memory_space<hbm>> -> memref<640x64xf32, #tpu.memory_space<hbm>>
      %dma_start3A_250 = arith.constant 0 : i32
      %dma_start3A_251 = tpu.memref_slice %arg5[%mul3A_244, %dma_start3A_250] : memref<10240x64xf32, #tpu.memory_space<vmem_shared>> -> memref<640x64xf32, #tpu.memory_space<vmem_shared>>
      tpu.enqueue_dma source(%dma_start3A_251 : memref<640x64xf32, #tpu.memory_space<vmem_shared>>) target(%dma_start3A_249 : memref<640x64xf32, #tpu.memory_space<hbm>>) target_semaphore(%run_scoped3A : memref<!tpu.dma_semaphore, #tpu.memory_space<semaphore_mem>>)
      %dma_wait3A_252 = arith.constant 0 : i32
      %dma_wait3A_253 = tpu.memref_slice %arg4[%arg0, %mul3A_246, %dma_wait3A_252] : memref<2x10240x64xf32, #tpu.memory_space<hbm>> -> memref<1x640x64xf32, #tpu.memory_space<hbm>>
      %dma_wait3A_254 = tpu.memref_squeeze %dma_wait3A_253 : memref<1x640x64xf32, #tpu.memory_space<hbm>> -> memref<640x64xf32, #tpu.memory_space<hbm>>
      %dma_wait3A_255 = arith.constant 0 : i32
      %dma_wait3A_256 = tpu.memref_slice %arg5[%mul3A_244, %dma_wait3A_255] : memref<10240x64xf32, #tpu.memory_space<vmem_shared>> -> memref<640x64xf32, #tpu.memory_space<vmem_shared>>
      tpu.wait_dma2 semaphore(%run_scoped3A : memref<!tpu.dma_semaphore, #tpu.memory_space<semaphore_mem>>) src(%dma_wait3A_256 : memref<640x64xf32, #tpu.memory_space<vmem_shared>>) dst(%dma_wait3A_254 : memref<640x64xf32, #tpu.memory_space<hbm>>)
      tpu.yield
    }) : () -> ()
    return
  }
}

#map = affine_map<(d0, d1) -> (0, 0)>
#map1 = affine_map<(d0, d1) -> (0, 0, 0, 0)>
#map2 = affine_map<(d0, d1) -> (0, 0, 0)>
module attributes {stable_mosaic.version = 14 : i64} {
  func.func @seg_sum(%arg0: i32, %arg1: i32, %arg2: memref<10000x64xf32, #tpu.memory_space<hbm>>, %arg3: memref<2x32x125x80xi32, #tpu.memory_space<hbm>>, %arg4: memref<2x10240x64xf32, #tpu.memory_space<hbm>>, %arg5: memref<10240x64xf32, #tpu.memory_space<vmem_shared>>, %arg6: memref<125x80xi32, #tpu.memory_space<vmem>>, %arg7: memref<125x80xi32, #tpu.memory_space<vmem>>, %arg8: memref<80x64xf32, #tpu.memory_space<vmem>>, %arg9: memref<80x64xf32, #tpu.memory_space<vmem>>, %arg10: memref<80x64xf32, #tpu.memory_space<vmem>>, %arg11: memref<80x64xf32, #tpu.memory_space<vmem>>, %arg12: memref<80x64xf32, #tpu.memory_space<vmem>>, %arg13: memref<80x64xf32, #tpu.memory_space<vmem>>, %arg14: memref<80x64xf32, #tpu.memory_space<vmem>>, %arg15: memref<80x64xf32, #tpu.memory_space<vmem>>, %arg16: memref<80x64xf32, #tpu.memory_space<vmem>>, %arg17: memref<!tpu.dma_semaphore, #tpu.memory_space<semaphore_mem>>, %arg18: memref<!tpu.dma_semaphore, #tpu.memory_space<semaphore_mem>>, %arg19: memref<!tpu.dma_semaphore, #tpu.memory_space<semaphore_mem>>, %arg20: memref<!tpu.dma_semaphore, #tpu.memory_space<semaphore_mem>>, %arg21: memref<!tpu.dma_semaphore, #tpu.memory_space<semaphore_mem>>, %arg22: memref<!tpu.dma_semaphore, #tpu.memory_space<semaphore_mem>>, %arg23: memref<!tpu.dma_semaphore, #tpu.memory_space<semaphore_mem>>, %arg24: memref<!tpu.dma_semaphore, #tpu.memory_space<semaphore_mem>>, %arg25: memref<!tpu.dma_semaphore, #tpu.memory_space<semaphore_mem>>, %arg26: memref<!tpu.dma_semaphore, #tpu.memory_space<semaphore_mem>>, %arg27: memref<!tpu.dma_semaphore, #tpu.memory_space<semaphore_mem>>, %arg28: memref<!tpu.dma_semaphore, #tpu.memory_space<semaphore_mem>>, %arg29: memref<!tpu.dma_semaphore, #tpu.memory_space<semaphore_mem>>, %arg30: memref<!tpu.dma_semaphore, #tpu.memory_space<semaphore_mem>>, %arg31: memref<!tpu.dma_semaphore, #tpu.memory_space<semaphore_mem>>, %arg32: memref<!tpu.dma_semaphore, #tpu.memory_space<semaphore_mem>>, %arg33: memref<!tpu.dma_semaphore, #tpu.memory_space<semaphore_mem>>, %arg34: memref<!tpu.dma_semaphore, #tpu.memory_space<semaphore_mem>>) attributes {dimension_semantics = [#tpu.dimension_semantics<core_parallel>, #tpu.dimension_semantics<subcore_parallel>], iteration_bounds = array<i64: 2, 16>, scalar_prefetch = 0 : i64, scratch_operands = 30 : i64, tpu.core_type = #tpu.core_type<sc_vector_subcore>, window_params = [{transform_indices = #map}, {transform_indices = #map1}, {transform_indices = #map2}]} {
    %mul3A = arith.constant 16 : i32
    %mul3A_0 = arith.muli %arg0, %mul3A : i32
    %add3A = arith.addi %mul3A_0, %arg1 : i32
    %dma_start3A = arith.constant 0 : i32
    %dma_start3A_1 = arith.constant 0 : i32
    %dma_start3A_2 = arith.constant 0 : i32
    %dma_start3A_3 = tpu.memref_slice %arg3[%dma_start3A, %add3A, %dma_start3A_1, %dma_start3A_2] : memref<2x32x125x80xi32, #tpu.memory_space<hbm>> -> memref<1x1x125x80xi32, #tpu.memory_space<hbm>>
    %dma_start3A_4 = tpu.memref_squeeze %dma_start3A_3 : memref<1x1x125x80xi32, #tpu.memory_space<hbm>> -> memref<125x80xi32, #tpu.memory_space<hbm>>
    %dma_start3A_5 = arith.constant 0 : i32
    %dma_start3A_6 = arith.constant 0 : i32
    %dma_start3A_7 = tpu.memref_slice %arg3[%dma_start3A, %add3A, %dma_start3A_5, %dma_start3A_6] : memref<2x32x125x80xi32, #tpu.memory_space<hbm>> -> memref<1x1x125x80xi32, #tpu.memory_space<hbm>>
    %dma_start3A_8 = tpu.memref_squeeze %dma_start3A_7 : memref<1x1x125x80xi32, #tpu.memory_space<hbm>> -> memref<125x80xi32, #tpu.memory_space<hbm>>
    tpu.enqueue_dma source(%dma_start3A_8 : memref<125x80xi32, #tpu.memory_space<hbm>>) target(%arg6 : memref<125x80xi32, #tpu.memory_space<vmem>>) target_semaphore(%arg33 : memref<!tpu.dma_semaphore, #tpu.memory_space<semaphore_mem>>)
    %dma_start3A_9 = arith.constant 1 : i32
    %dma_start3A_10 = arith.constant 0 : i32
    %dma_start3A_11 = arith.constant 0 : i32
    %dma_start3A_12 = tpu.memref_slice %arg3[%dma_start3A_9, %add3A, %dma_start3A_10, %dma_start3A_11] : memref<2x32x125x80xi32, #tpu.memory_space<hbm>> -> memref<1x1x125x80xi32, #tpu.memory_space<hbm>>
    %dma_start3A_13 = tpu.memref_squeeze %dma_start3A_12 : memref<1x1x125x80xi32, #tpu.memory_space<hbm>> -> memref<125x80xi32, #tpu.memory_space<hbm>>
    %dma_start3A_14 = arith.constant 0 : i32
    %dma_start3A_15 = arith.constant 0 : i32
    %dma_start3A_16 = tpu.memref_slice %arg3[%dma_start3A_9, %add3A, %dma_start3A_14, %dma_start3A_15] : memref<2x32x125x80xi32, #tpu.memory_space<hbm>> -> memref<1x1x125x80xi32, #tpu.memory_space<hbm>>
    %dma_start3A_17 = tpu.memref_squeeze %dma_start3A_16 : memref<1x1x125x80xi32, #tpu.memory_space<hbm>> -> memref<125x80xi32, #tpu.memory_space<hbm>>
    tpu.enqueue_dma source(%dma_start3A_17 : memref<125x80xi32, #tpu.memory_space<hbm>>) target(%arg7 : memref<125x80xi32, #tpu.memory_space<vmem>>) target_semaphore(%arg33 : memref<!tpu.dma_semaphore, #tpu.memory_space<semaphore_mem>>)
    %scan3A = arith.constant 0 : i32
    %scan3A_18 = arith.constant 0 : i32
    %scan3A_19 = arith.constant 80 : i32
    %scan3A_20 = arith.addi %scan3A_18, %scan3A_19 : i32
    %scan3A_21 = arith.constant 1 : i32
    scf.for %scan3A_247 = %scan3A_18 to %scan3A_20 step %scan3A_21  : i32 {
      %broadcast_in_dim3A = arith.constant 0.000000e+00 : f32
      %broadcast_in_dim3A_248 = vector.broadcast %broadcast_in_dim3A : f32 to vector<16xf32>
      %swap3A = arith.index_cast %scan3A_247 : i32 to index
      %swap3A_249 = arith.constant 0 : index
      %swap3A_250 = tpu.vector_load %arg16[%swap3A, %swap3A_249] {strides = array<i32>} : memref<80x64xf32, #tpu.memory_space<vmem>>, vector<1x16xf32>,
      %swap3A_251 = vector.shape_cast %swap3A_250 : vector<1x16xf32> to vector<16xf32>
      %swap3A_252 = vector.shape_cast %broadcast_in_dim3A_248 : vector<16xf32> to vector<1x16xf32>
      tpu.vector_store %arg16[%swap3A, %swap3A_249], %swap3A_252 {strides = array<i32>} : memref<80x64xf32, #tpu.memory_space<vmem>>, vector<1x16xf32>,
      %broadcast_in_dim3A_253 = arith.constant 0.000000e+00 : f32
      %broadcast_in_dim3A_254 = vector.broadcast %broadcast_in_dim3A_253 : f32 to vector<16xf32>
      %swap3A_255 = arith.index_cast %scan3A_247 : i32 to index
      %swap3A_256 = arith.constant 16 : index
      %swap3A_257 = tpu.vector_load %arg16[%swap3A_255, %swap3A_256] {strides = array<i32>} : memref<80x64xf32, #tpu.memory_space<vmem>>, vector<1x16xf32>,
      %swap3A_258 = vector.shape_cast %swap3A_257 : vector<1x16xf32> to vector<16xf32>
      %swap3A_259 = vector.shape_cast %broadcast_in_dim3A_254 : vector<16xf32> to vector<1x16xf32>
      tpu.vector_store %arg16[%swap3A_255, %swap3A_256], %swap3A_259 {strides = array<i32>} : memref<80x64xf32, #tpu.memory_space<vmem>>, vector<1x16xf32>,
      %broadcast_in_dim3A_260 = arith.constant 0.000000e+00 : f32
      %broadcast_in_dim3A_261 = vector.broadcast %broadcast_in_dim3A_260 : f32 to vector<16xf32>
      %swap3A_262 = arith.index_cast %scan3A_247 : i32 to index
      %swap3A_263 = arith.constant 32 : index
      %swap3A_264 = tpu.vector_load %arg16[%swap3A_262, %swap3A_263] {strides = array<i32>} : memref<80x64xf32, #tpu.memory_space<vmem>>, vector<1x16xf32>,
      %swap3A_265 = vector.shape_cast %swap3A_264 : vector<1x16xf32> to vector<16xf32>
      %swap3A_266 = vector.shape_cast %broadcast_in_dim3A_261 : vector<16xf32> to vector<1x16xf32>
      tpu.vector_store %arg16[%swap3A_262, %swap3A_263], %swap3A_266 {strides = array<i32>} : memref<80x64xf32, #tpu.memory_space<vmem>>, vector<1x16xf32>,
      %broadcast_in_dim3A_267 = arith.constant 0.000000e+00 : f32
      %broadcast_in_dim3A_268 = vector.broadcast %broadcast_in_dim3A_267 : f32 to vector<16xf32>
      %swap3A_269 = arith.index_cast %scan3A_247 : i32 to index
      %swap3A_270 = arith.constant 48 : index
      %swap3A_271 = tpu.vector_load %arg16[%swap3A_269, %swap3A_270] {strides = array<i32>} : memref<80x64xf32, #tpu.memory_space<vmem>>, vector<1x16xf32>,
      %swap3A_272 = vector.shape_cast %swap3A_271 : vector<1x16xf32> to vector<16xf32>
      %swap3A_273 = vector.shape_cast %broadcast_in_dim3A_268 : vector<16xf32> to vector<1x16xf32>
      tpu.vector_store %arg16[%swap3A_269, %swap3A_270], %swap3A_273 {strides = array<i32>} : memref<80x64xf32, #tpu.memory_space<vmem>>, vector<1x16xf32>,
    }
    %scan3A_22 = arith.constant 80 : i32
    %mul3A_23 = arith.constant 640 : i32
    %mul3A_24 = arith.muli %arg1, %mul3A_23 : i32
    %add3A_25 = arith.constant 0 : i32
    %add3A_26 = arith.addi %mul3A_24, %add3A_25 : i32
    %dma_start3A_27 = arith.constant 0 : i32
    %dma_start3A_28 = tpu.memref_slice %arg5[%add3A_26, %dma_start3A_27] : memref<10240x64xf32, #tpu.memory_space<vmem_shared>> -> memref<80x64xf32, #tpu.memory_space<vmem_shared>>
    %dma_start3A_29 = arith.constant 0 : i32
    %dma_start3A_30 = tpu.memref_slice %arg5[%add3A_26, %dma_start3A_29] : memref<10240x64xf32, #tpu.memory_space<vmem_shared>> -> memref<80x64xf32, #tpu.memory_space<vmem_shared>>
    tpu.enqueue_dma source(%arg16 : memref<80x64xf32, #tpu.memory_space<vmem>>) target(%dma_start3A_30 : memref<80x64xf32, #tpu.memory_space<vmem_shared>>) target_semaphore(%arg34 : memref<!tpu.dma_semaphore, #tpu.memory_space<semaphore_mem>>)
    %mul3A_31 = arith.constant 640 : i32
    %mul3A_32 = arith.muli %arg1, %mul3A_31 : i32
    %add3A_33 = arith.constant 80 : i32
    %add3A_34 = arith.addi %mul3A_32, %add3A_33 : i32
    %dma_start3A_35 = arith.constant 0 : i32
    %dma_start3A_36 = tpu.memref_slice %arg5[%add3A_34, %dma_start3A_35] : memref<10240x64xf32, #tpu.memory_space<vmem_shared>> -> memref<80x64xf32, #tpu.memory_space<vmem_shared>>
    %dma_start3A_37 = arith.constant 0 : i32
    %dma_start3A_38 = tpu.memref_slice %arg5[%add3A_34, %dma_start3A_37] : memref<10240x64xf32, #tpu.memory_space<vmem_shared>> -> memref<80x64xf32, #tpu.memory_space<vmem_shared>>
    tpu.enqueue_dma source(%arg16 : memref<80x64xf32, #tpu.memory_space<vmem>>) target(%dma_start3A_38 : memref<80x64xf32, #tpu.memory_space<vmem_shared>>) target_semaphore(%arg34 : memref<!tpu.dma_semaphore, #tpu.memory_space<semaphore_mem>>)
    %mul3A_39 = arith.constant 640 : i32
    %mul3A_40 = arith.muli %arg1, %mul3A_39 : i32
    %add3A_41 = arith.constant 160 : i32
    %add3A_42 = arith.addi %mul3A_40, %add3A_41 : i32
    %dma_start3A_43 = arith.constant 0 : i32
    %dma_start3A_44 = tpu.memref_slice %arg5[%add3A_42, %dma_start3A_43] : memref<10240x64xf32, #tpu.memory_space<vmem_shared>> -> memref<80x64xf32, #tpu.memory_space<vmem_shared>>
    %dma_start3A_45 = arith.constant 0 : i32
    %dma_start3A_46 = tpu.memref_slice %arg5[%add3A_42, %dma_start3A_45] : memref<10240x64xf32, #tpu.memory_space<vmem_shared>> -> memref<80x64xf32, #tpu.memory_space<vmem_shared>>
    tpu.enqueue_dma source(%arg16 : memref<80x64xf32, #tpu.memory_space<vmem>>) target(%dma_start3A_46 : memref<80x64xf32, #tpu.memory_space<vmem_shared>>) target_semaphore(%arg34 : memref<!tpu.dma_semaphore, #tpu.memory_space<semaphore_mem>>)
    %mul3A_47 = arith.constant 640 : i32
    %mul3A_48 = arith.muli %arg1, %mul3A_47 : i32
    %add3A_49 = arith.constant 240 : i32
    %add3A_50 = arith.addi %mul3A_48, %add3A_49 : i32
    %dma_start3A_51 = arith.constant 0 : i32
    %dma_start3A_52 = tpu.memref_slice %arg5[%add3A_50, %dma_start3A_51] : memref<10240x64xf32, #tpu.memory_space<vmem_shared>> -> memref<80x64xf32, #tpu.memory_space<vmem_shared>>
    %dma_start3A_53 = arith.constant 0 : i32
    %dma_start3A_54 = tpu.memref_slice %arg5[%add3A_50, %dma_start3A_53] : memref<10240x64xf32, #tpu.memory_space<vmem_shared>> -> memref<80x64xf32, #tpu.memory_space<vmem_shared>>
    tpu.enqueue_dma source(%arg16 : memref<80x64xf32, #tpu.memory_space<vmem>>) target(%dma_start3A_54 : memref<80x64xf32, #tpu.memory_space<vmem_shared>>) target_semaphore(%arg34 : memref<!tpu.dma_semaphore, #tpu.memory_space<semaphore_mem>>)
    %mul3A_55 = arith.constant 640 : i32
    %mul3A_56 = arith.muli %arg1, %mul3A_55 : i32
    %add3A_57 = arith.constant 320 : i32
    %add3A_58 = arith.addi %mul3A_56, %add3A_57 : i32
    %dma_start3A_59 = arith.constant 0 : i32
    %dma_start3A_60 = tpu.memref_slice %arg5[%add3A_58, %dma_start3A_59] : memref<10240x64xf32, #tpu.memory_space<vmem_shared>> -> memref<80x64xf32, #tpu.memory_space<vmem_shared>>
    %dma_start3A_61 = arith.constant 0 : i32
    %dma_start3A_62 = tpu.memref_slice %arg5[%add3A_58, %dma_start3A_61] : memref<10240x64xf32, #tpu.memory_space<vmem_shared>> -> memref<80x64xf32, #tpu.memory_space<vmem_shared>>
    tpu.enqueue_dma source(%arg16 : memref<80x64xf32, #tpu.memory_space<vmem>>) target(%dma_start3A_62 : memref<80x64xf32, #tpu.memory_space<vmem_shared>>) target_semaphore(%arg34 : memref<!tpu.dma_semaphore, #tpu.memory_space<semaphore_mem>>)
    %mul3A_63 = arith.constant 640 : i32
    %mul3A_64 = arith.muli %arg1, %mul3A_63 : i32
    %add3A_65 = arith.constant 400 : i32
    %add3A_66 = arith.addi %mul3A_64, %add3A_65 : i32
    %dma_start3A_67 = arith.constant 0 : i32
    %dma_start3A_68 = tpu.memref_slice %arg5[%add3A_66, %dma_start3A_67] : memref<10240x64xf32, #tpu.memory_space<vmem_shared>> -> memref<80x64xf32, #tpu.memory_space<vmem_shared>>
    %dma_start3A_69 = arith.constant 0 : i32
    %dma_start3A_70 = tpu.memref_slice %arg5[%add3A_66, %dma_start3A_69] : memref<10240x64xf32, #tpu.memory_space<vmem_shared>> -> memref<80x64xf32, #tpu.memory_space<vmem_shared>>
    tpu.enqueue_dma source(%arg16 : memref<80x64xf32, #tpu.memory_space<vmem>>) target(%dma_start3A_70 : memref<80x64xf32, #tpu.memory_space<vmem_shared>>) target_semaphore(%arg34 : memref<!tpu.dma_semaphore, #tpu.memory_space<semaphore_mem>>)
    %mul3A_71 = arith.constant 640 : i32
    %mul3A_72 = arith.muli %arg1, %mul3A_71 : i32
    %add3A_73 = arith.constant 480 : i32
    %add3A_74 = arith.addi %mul3A_72, %add3A_73 : i32
    %dma_start3A_75 = arith.constant 0 : i32
    %dma_start3A_76 = tpu.memref_slice %arg5[%add3A_74, %dma_start3A_75] : memref<10240x64xf32, #tpu.memory_space<vmem_shared>> -> memref<80x64xf32, #tpu.memory_space<vmem_shared>>
    %dma_start3A_77 = arith.constant 0 : i32
    %dma_start3A_78 = tpu.memref_slice %arg5[%add3A_74, %dma_start3A_77] : memref<10240x64xf32, #tpu.memory_space<vmem_shared>> -> memref<80x64xf32, #tpu.memory_space<vmem_shared>>
    tpu.enqueue_dma source(%arg16 : memref<80x64xf32, #tpu.memory_space<vmem>>) target(%dma_start3A_78 : memref<80x64xf32, #tpu.memory_space<vmem_shared>>) target_semaphore(%arg34 : memref<!tpu.dma_semaphore, #tpu.memory_space<semaphore_mem>>)
    %mul3A_79 = arith.constant 640 : i32
    %mul3A_80 = arith.muli %arg1, %mul3A_79 : i32
    %add3A_81 = arith.constant 560 : i32
    %add3A_82 = arith.addi %mul3A_80, %add3A_81 : i32
    %dma_start3A_83 = arith.constant 0 : i32
    %dma_start3A_84 = tpu.memref_slice %arg5[%add3A_82, %dma_start3A_83] : memref<10240x64xf32, #tpu.memory_space<vmem_shared>> -> memref<80x64xf32, #tpu.memory_space<vmem_shared>>
    %dma_start3A_85 = arith.constant 0 : i32
    %dma_start3A_86 = tpu.memref_slice %arg5[%add3A_82, %dma_start3A_85] : memref<10240x64xf32, #tpu.memory_space<vmem_shared>> -> memref<80x64xf32, #tpu.memory_space<vmem_shared>>
    tpu.enqueue_dma source(%arg16 : memref<80x64xf32, #tpu.memory_space<vmem>>) target(%dma_start3A_86 : memref<80x64xf32, #tpu.memory_space<vmem_shared>>) target_semaphore(%arg34 : memref<!tpu.dma_semaphore, #tpu.memory_space<semaphore_mem>>)
    %mul3A_87 = arith.constant 640 : i32
    %mul3A_88 = arith.muli %arg1, %mul3A_87 : i32
    %dma_wait3A = arith.constant 0 : i32
    %dma_wait3A_89 = tpu.memref_slice %arg5[%mul3A_88, %dma_wait3A] : memref<10240x64xf32, #tpu.memory_space<vmem_shared>> -> memref<80x64xf32, #tpu.memory_space<vmem_shared>>
    %dma_wait3A_90 = arith.constant 0 : i32
    %dma_wait3A_91 = tpu.memref_slice %arg5[%mul3A_88, %dma_wait3A_90] : memref<10240x64xf32, #tpu.memory_space<vmem_shared>> -> memref<80x64xf32, #tpu.memory_space<vmem_shared>>
    tpu.wait_dma2 semaphore(%arg34 : memref<!tpu.dma_semaphore, #tpu.memory_space<semaphore_mem>>) src(%arg16 : memref<80x64xf32, #tpu.memory_space<vmem>>) dst(%dma_wait3A_91 : memref<80x64xf32, #tpu.memory_space<vmem_shared>>)
    %mul3A_92 = arith.constant 640 : i32
    %mul3A_93 = arith.muli %arg1, %mul3A_92 : i32
    %dma_wait3A_94 = arith.constant 0 : i32
    %dma_wait3A_95 = tpu.memref_slice %arg5[%mul3A_93, %dma_wait3A_94] : memref<10240x64xf32, #tpu.memory_space<vmem_shared>> -> memref<80x64xf32, #tpu.memory_space<vmem_shared>>
    %dma_wait3A_96 = arith.constant 0 : i32
    %dma_wait3A_97 = tpu.memref_slice %arg5[%mul3A_93, %dma_wait3A_96] : memref<10240x64xf32, #tpu.memory_space<vmem_shared>> -> memref<80x64xf32, #tpu.memory_space<vmem_shared>>
    tpu.wait_dma2 semaphore(%arg34 : memref<!tpu.dma_semaphore, #tpu.memory_space<semaphore_mem>>) src(%arg16 : memref<80x64xf32, #tpu.memory_space<vmem>>) dst(%dma_wait3A_97 : memref<80x64xf32, #tpu.memory_space<vmem_shared>>)
    %mul3A_98 = arith.constant 640 : i32
    %mul3A_99 = arith.muli %arg1, %mul3A_98 : i32
    %dma_wait3A_100 = arith.constant 0 : i32
    %dma_wait3A_101 = tpu.memref_slice %arg5[%mul3A_99, %dma_wait3A_100] : memref<10240x64xf32, #tpu.memory_space<vmem_shared>> -> memref<80x64xf32, #tpu.memory_space<vmem_shared>>
    %dma_wait3A_102 = arith.constant 0 : i32
    %dma_wait3A_103 = tpu.memref_slice %arg5[%mul3A_99, %dma_wait3A_102] : memref<10240x64xf32, #tpu.memory_space<vmem_shared>> -> memref<80x64xf32, #tpu.memory_space<vmem_shared>>
    tpu.wait_dma2 semaphore(%arg34 : memref<!tpu.dma_semaphore, #tpu.memory_space<semaphore_mem>>) src(%arg16 : memref<80x64xf32, #tpu.memory_space<vmem>>) dst(%dma_wait3A_103 : memref<80x64xf32, #tpu.memory_space<vmem_shared>>)
    %mul3A_104 = arith.constant 640 : i32
    %mul3A_105 = arith.muli %arg1, %mul3A_104 : i32
    %dma_wait3A_106 = arith.constant 0 : i32
    %dma_wait3A_107 = tpu.memref_slice %arg5[%mul3A_105, %dma_wait3A_106] : memref<10240x64xf32, #tpu.memory_space<vmem_shared>> -> memref<80x64xf32, #tpu.memory_space<vmem_shared>>
    %dma_wait3A_108 = arith.constant 0 : i32
    %dma_wait3A_109 = tpu.memref_slice %arg5[%mul3A_105, %dma_wait3A_108] : memref<10240x64xf32, #tpu.memory_space<vmem_shared>> -> memref<80x64xf32, #tpu.memory_space<vmem_shared>>
    tpu.wait_dma2 semaphore(%arg34 : memref<!tpu.dma_semaphore, #tpu.memory_space<semaphore_mem>>) src(%arg16 : memref<80x64xf32, #tpu.memory_space<vmem>>) dst(%dma_wait3A_109 : memref<80x64xf32, #tpu.memory_space<vmem_shared>>)
    %mul3A_110 = arith.constant 640 : i32
    %mul3A_111 = arith.muli %arg1, %mul3A_110 : i32
    %dma_wait3A_112 = arith.constant 0 : i32
    %dma_wait3A_113 = tpu.memref_slice %arg5[%mul3A_111, %dma_wait3A_112] : memref<10240x64xf32, #tpu.memory_space<vmem_shared>> -> memref<80x64xf32, #tpu.memory_space<vmem_shared>>
    %dma_wait3A_114 = arith.constant 0 : i32
    %dma_wait3A_115 = tpu.memref_slice %arg5[%mul3A_111, %dma_wait3A_114] : memref<10240x64xf32, #tpu.memory_space<vmem_shared>> -> memref<80x64xf32, #tpu.memory_space<vmem_shared>>
    tpu.wait_dma2 semaphore(%arg34 : memref<!tpu.dma_semaphore, #tpu.memory_space<semaphore_mem>>) src(%arg16 : memref<80x64xf32, #tpu.memory_space<vmem>>) dst(%dma_wait3A_115 : memref<80x64xf32, #tpu.memory_space<vmem_shared>>)
    %mul3A_116 = arith.constant 640 : i32
    %mul3A_117 = arith.muli %arg1, %mul3A_116 : i32
    %dma_wait3A_118 = arith.constant 0 : i32
    %dma_wait3A_119 = tpu.memref_slice %arg5[%mul3A_117, %dma_wait3A_118] : memref<10240x64xf32, #tpu.memory_space<vmem_shared>> -> memref<80x64xf32, #tpu.memory_space<vmem_shared>>
    %dma_wait3A_120 = arith.constant 0 : i32
    %dma_wait3A_121 = tpu.memref_slice %arg5[%mul3A_117, %dma_wait3A_120] : memref<10240x64xf32, #tpu.memory_space<vmem_shared>> -> memref<80x64xf32, #tpu.memory_space<vmem_shared>>
    tpu.wait_dma2 semaphore(%arg34 : memref<!tpu.dma_semaphore, #tpu.memory_space<semaphore_mem>>) src(%arg16 : memref<80x64xf32, #tpu.memory_space<vmem>>) dst(%dma_wait3A_121 : memref<80x64xf32, #tpu.memory_space<vmem_shared>>)
    %mul3A_122 = arith.constant 640 : i32
    %mul3A_123 = arith.muli %arg1, %mul3A_122 : i32
    %dma_wait3A_124 = arith.constant 0 : i32
    %dma_wait3A_125 = tpu.memref_slice %arg5[%mul3A_123, %dma_wait3A_124] : memref<10240x64xf32, #tpu.memory_space<vmem_shared>> -> memref<80x64xf32, #tpu.memory_space<vmem_shared>>
    %dma_wait3A_126 = arith.constant 0 : i32
    %dma_wait3A_127 = tpu.memref_slice %arg5[%mul3A_123, %dma_wait3A_126] : memref<10240x64xf32, #tpu.memory_space<vmem_shared>> -> memref<80x64xf32, #tpu.memory_space<vmem_shared>>
    tpu.wait_dma2 semaphore(%arg34 : memref<!tpu.dma_semaphore, #tpu.memory_space<semaphore_mem>>) src(%arg16 : memref<80x64xf32, #tpu.memory_space<vmem>>) dst(%dma_wait3A_127 : memref<80x64xf32, #tpu.memory_space<vmem_shared>>)
    %mul3A_128 = arith.constant 640 : i32
    %mul3A_129 = arith.muli %arg1, %mul3A_128 : i32
    %dma_wait3A_130 = arith.constant 0 : i32
    %dma_wait3A_131 = tpu.memref_slice %arg5[%mul3A_129, %dma_wait3A_130] : memref<10240x64xf32, #tpu.memory_space<vmem_shared>> -> memref<80x64xf32, #tpu.memory_space<vmem_shared>>
    %dma_wait3A_132 = arith.constant 0 : i32
    %dma_wait3A_133 = tpu.memref_slice %arg5[%mul3A_129, %dma_wait3A_132] : memref<10240x64xf32, #tpu.memory_space<vmem_shared>> -> memref<80x64xf32, #tpu.memory_space<vmem_shared>>
    tpu.wait_dma2 semaphore(%arg34 : memref<!tpu.dma_semaphore, #tpu.memory_space<semaphore_mem>>) src(%arg16 : memref<80x64xf32, #tpu.memory_space<vmem>>) dst(%dma_wait3A_133 : memref<80x64xf32, #tpu.memory_space<vmem_shared>>)
    %dma_wait3A_134 = arith.constant 0 : i32
    %dma_wait3A_135 = arith.constant 0 : i32
    %dma_wait3A_136 = arith.constant 0 : i32
    %dma_wait3A_137 = tpu.memref_slice %arg3[%dma_wait3A_134, %add3A, %dma_wait3A_135, %dma_wait3A_136] : memref<2x32x125x80xi32, #tpu.memory_space<hbm>> -> memref<1x1x125x80xi32, #tpu.memory_space<hbm>>
    %dma_wait3A_138 = tpu.memref_squeeze %dma_wait3A_137 : memref<1x1x125x80xi32, #tpu.memory_space<hbm>> -> memref<125x80xi32, #tpu.memory_space<hbm>>
    %dma_wait3A_139 = arith.constant 0 : i32
    %dma_wait3A_140 = arith.constant 0 : i32
    %dma_wait3A_141 = tpu.memref_slice %arg3[%dma_wait3A_134, %add3A, %dma_wait3A_139, %dma_wait3A_140] : memref<2x32x125x80xi32, #tpu.memory_space<hbm>> -> memref<1x1x125x80xi32, #tpu.memory_space<hbm>>
    %dma_wait3A_142 = tpu.memref_squeeze %dma_wait3A_141 : memref<1x1x125x80xi32, #tpu.memory_space<hbm>> -> memref<125x80xi32, #tpu.memory_space<hbm>>
    tpu.wait_dma2 semaphore(%arg33 : memref<!tpu.dma_semaphore, #tpu.memory_space<semaphore_mem>>) src(%dma_wait3A_142 : memref<125x80xi32, #tpu.memory_space<hbm>>) dst(%arg6 : memref<125x80xi32, #tpu.memory_space<vmem>>)
    %dma_wait3A_143 = arith.constant 1 : i32
    %dma_wait3A_144 = arith.constant 0 : i32
    %dma_wait3A_145 = arith.constant 0 : i32
    %dma_wait3A_146 = tpu.memref_slice %arg3[%dma_wait3A_143, %add3A, %dma_wait3A_144, %dma_wait3A_145] : memref<2x32x125x80xi32, #tpu.memory_space<hbm>> -> memref<1x1x125x80xi32, #tpu.memory_space<hbm>>
    %dma_wait3A_147 = tpu.memref_squeeze %dma_wait3A_146 : memref<1x1x125x80xi32, #tpu.memory_space<hbm>> -> memref<125x80xi32, #tpu.memory_space<hbm>>
    %dma_wait3A_148 = arith.constant 0 : i32
    %dma_wait3A_149 = arith.constant 0 : i32
    %dma_wait3A_150 = tpu.memref_slice %arg3[%dma_wait3A_143, %add3A, %dma_wait3A_148, %dma_wait3A_149] : memref<2x32x125x80xi32, #tpu.memory_space<hbm>> -> memref<1x1x125x80xi32, #tpu.memory_space<hbm>>
    %dma_wait3A_151 = tpu.memref_squeeze %dma_wait3A_150 : memref<1x1x125x80xi32, #tpu.memory_space<hbm>> -> memref<125x80xi32, #tpu.memory_space<hbm>>
    tpu.wait_dma2 semaphore(%arg33 : memref<!tpu.dma_semaphore, #tpu.memory_space<semaphore_mem>>) src(%dma_wait3A_151 : memref<125x80xi32, #tpu.memory_space<hbm>>) dst(%arg7 : memref<125x80xi32, #tpu.memory_space<vmem>>)
    %barrier3A = arith.constant 0 : index
    tpu.barrier barrier_id(%barrier3A)
    %dma_start3A_152 = arith.constant 0 : i32
    %dma_start3A_153 = arith.constant 0 : i32
    %dma_start3A_154 = tpu.memref_slice %arg6[%dma_start3A_152, %dma_start3A_153] : memref<125x80xi32, #tpu.memory_space<vmem>> -> memref<1x80xi32, #tpu.memory_space<vmem>>
    %dma_start3A_155 = tpu.memref_squeeze %dma_start3A_154 : memref<1x80xi32, #tpu.memory_space<vmem>> -> memref<80xi32, #tpu.memory_space<vmem>>
    %dma_start3A_156 = arith.constant 0 : i32
    %dma_start3A_157 = arith.constant 0 : i32
    %dma_start3A_158 = tpu.memref_slice %arg2[%dma_start3A_156, %dma_start3A_157] : memref<10000x64xf32, #tpu.memory_space<hbm>> -> memref<10000x64xf32, #tpu.memory_space<hbm>>
    tpu.enqueue_indirect_dma source(%dma_start3A_158 : memref<10000x64xf32, #tpu.memory_space<hbm>>) target(%arg8 : memref<80x64xf32, #tpu.memory_space<vmem>>) offsets(%dma_start3A_155 : memref<80xi32, #tpu.memory_space<vmem>>) semaphore(%arg17 : memref<!tpu.dma_semaphore, #tpu.memory_space<semaphore_mem>>)
    %dma_start3A_159 = arith.constant 1 : i32
    %dma_start3A_160 = arith.constant 0 : i32
    %dma_start3A_161 = tpu.memref_slice %arg6[%dma_start3A_159, %dma_start3A_160] : memref<125x80xi32, #tpu.memory_space<vmem>> -> memref<1x80xi32, #tpu.memory_space<vmem>>
    %dma_start3A_162 = tpu.memref_squeeze %dma_start3A_161 : memref<1x80xi32, #tpu.memory_space<vmem>> -> memref<80xi32, #tpu.memory_space<vmem>>
    %dma_start3A_163 = arith.constant 0 : i32
    %dma_start3A_164 = arith.constant 0 : i32
    %dma_start3A_165 = tpu.memref_slice %arg2[%dma_start3A_163, %dma_start3A_164] : memref<10000x64xf32, #tpu.memory_space<hbm>> -> memref<10000x64xf32, #tpu.memory_space<hbm>>
    tpu.enqueue_indirect_dma source(%dma_start3A_165 : memref<10000x64xf32, #tpu.memory_space<hbm>>) target(%arg9 : memref<80x64xf32, #tpu.memory_space<vmem>>) offsets(%dma_start3A_162 : memref<80xi32, #tpu.memory_space<vmem>>) semaphore(%arg18 : memref<!tpu.dma_semaphore, #tpu.memory_space<semaphore_mem>>)
    %dma_start3A_166 = arith.constant 2 : i32
    %dma_start3A_167 = arith.constant 0 : i32
    %dma_start3A_168 = tpu.memref_slice %arg6[%dma_start3A_166, %dma_start3A_167] : memref<125x80xi32, #tpu.memory_space<vmem>> -> memref<1x80xi32, #tpu.memory_space<vmem>>
    %dma_start3A_169 = tpu.memref_squeeze %dma_start3A_168 : memref<1x80xi32, #tpu.memory_space<vmem>> -> memref<80xi32, #tpu.memory_space<vmem>>
    %dma_start3A_170 = arith.constant 0 : i32
    %dma_start3A_171 = arith.constant 0 : i32
    %dma_start3A_172 = tpu.memref_slice %arg2[%dma_start3A_170, %dma_start3A_171] : memref<10000x64xf32, #tpu.memory_space<hbm>> -> memref<10000x64xf32, #tpu.memory_space<hbm>>
    tpu.enqueue_indirect_dma source(%dma_start3A_172 : memref<10000x64xf32, #tpu.memory_space<hbm>>) target(%arg10 : memref<80x64xf32, #tpu.memory_space<vmem>>) offsets(%dma_start3A_169 : memref<80xi32, #tpu.memory_space<vmem>>) semaphore(%arg19 : memref<!tpu.dma_semaphore, #tpu.memory_space<semaphore_mem>>)
    %dma_start3A_173 = arith.constant 3 : i32
    %dma_start3A_174 = arith.constant 0 : i32
    %dma_start3A_175 = tpu.memref_slice %arg6[%dma_start3A_173, %dma_start3A_174] : memref<125x80xi32, #tpu.memory_space<vmem>> -> memref<1x80xi32, #tpu.memory_space<vmem>>
    %dma_start3A_176 = tpu.memref_squeeze %dma_start3A_175 : memref<1x80xi32, #tpu.memory_space<vmem>> -> memref<80xi32, #tpu.memory_space<vmem>>
    %dma_start3A_177 = arith.constant 0 : i32
    %dma_start3A_178 = arith.constant 0 : i32
    %dma_start3A_179 = tpu.memref_slice %arg2[%dma_start3A_177, %dma_start3A_178] : memref<10000x64xf32, #tpu.memory_space<hbm>> -> memref<10000x64xf32, #tpu.memory_space<hbm>>
    tpu.enqueue_indirect_dma source(%dma_start3A_179 : memref<10000x64xf32, #tpu.memory_space<hbm>>) target(%arg11 : memref<80x64xf32, #tpu.memory_space<vmem>>) offsets(%dma_start3A_176 : memref<80xi32, #tpu.memory_space<vmem>>) semaphore(%arg20 : memref<!tpu.dma_semaphore, #tpu.memory_space<semaphore_mem>>)
    %scan3A_180 = arith.constant 0 : i32
    %scan3A_181 = arith.constant 0 : i32
    %scan3A_182 = arith.constant 16 : i32
    %scan3A_183 = arith.addi %scan3A_181, %scan3A_182 : i32
    %scan3A_184 = arith.constant 1 : i32
    scf.for %scan3A_247 = %scan3A_181 to %scan3A_183 step %scan3A_184  : i32 {
      %mul3A_248 = arith.constant 8 : i32
      %mul3A_249 = arith.muli %mul3A_248, %scan3A_247 : i32
      %add3A_250 = arith.constant 0 : i32
      %add3A_251 = arith.addi %mul3A_249, %add3A_250 : i32
      %lt3A = arith.constant 125 : i32
      %lt3A_252 = arith.cmpi slt, %add3A_251, %lt3A : i32
      %convert_element_type3A = arith.extui %lt3A_252 : i1 to i32
      %cond3A = arith.constant 0 : i32
      %cond3A_253 = arith.cmpi ne, %convert_element_type3A, %cond3A : i32
      scf.if %cond3A_253 {
        %add3A_317 = arith.constant 4 : i32
        %add3A_318 = arith.addi %add3A_251, %add3A_317 : i32
        %lt3A_319 = arith.constant 125 : i32
        %lt3A_320 = arith.cmpi slt, %add3A_318, %lt3A_319 : i32
        %convert_element_type3A_321 = arith.extui %lt3A_320 : i1 to i32
        %cond3A_322 = arith.constant 0 : i32
        %cond3A_323 = arith.cmpi ne, %convert_element_type3A_321, %cond3A_322 : i32
        scf.if %cond3A_323 {
          %ge3A = arith.constant 4 : i32
          %ge3A_337 = arith.cmpi sge, %add3A_251, %ge3A : i32
          %convert_element_type3A_338 = arith.extui %ge3A_337 : i1 to i32
          %cond3A_339 = arith.constant 0 : i32
          %cond3A_340 = arith.cmpi ne, %convert_element_type3A_338, %cond3A_339 : i32
          scf.if %cond3A_340 {
            %dma_wait3A_349 = arith.constant 0 : i32
            %dma_wait3A_350 = arith.constant 0 : i32
            %dma_wait3A_351 = tpu.memref_slice %arg7[%dma_wait3A_349, %dma_wait3A_350] : memref<125x80xi32, #tpu.memory_space<vmem>> -> memref<1x80xi32, #tpu.memory_space<vmem>>
            %dma_wait3A_352 = tpu.memref_squeeze %dma_wait3A_351 : memref<1x80xi32, #tpu.memory_space<vmem>> -> memref<80xi32, #tpu.memory_space<vmem>>
            %dma_wait3A_353 = arith.constant 0 : i32
            %dma_wait3A_354 = arith.constant 0 : i32
            %dma_wait3A_355 = tpu.memref_slice %arg5[%dma_wait3A_353, %dma_wait3A_354] : memref<10240x64xf32, #tpu.memory_space<vmem_shared>> -> memref<10240x64xf32, #tpu.memory_space<vmem_shared>>
            tpu.wait_indirect_dma semaphore(%arg29 : memref<!tpu.dma_semaphore, #tpu.memory_space<semaphore_mem>>) src(%arg12 : memref<80x64xf32, #tpu.memory_space<vmem>>) dst(%dma_wait3A_355 : memref<10240x64xf32, #tpu.memory_space<vmem_shared>>)
          } else {
          }
          %add3A_341 = arith.constant 4 : i32
          %add3A_342 = arith.addi %add3A_251, %add3A_341 : i32
          %dma_start3A_343 = arith.constant 0 : i32
          %dma_start3A_344 = tpu.memref_slice %arg6[%add3A_342, %dma_start3A_343] : memref<125x80xi32, #tpu.memory_space<vmem>> -> memref<1x80xi32, #tpu.memory_space<vmem>>
          %dma_start3A_345 = tpu.memref_squeeze %dma_start3A_344 : memref<1x80xi32, #tpu.memory_space<vmem>> -> memref<80xi32, #tpu.memory_space<vmem>>
          %dma_start3A_346 = arith.constant 0 : i32
          %dma_start3A_347 = arith.constant 0 : i32
          %dma_start3A_348 = tpu.memref_slice %arg2[%dma_start3A_346, %dma_start3A_347] : memref<10000x64xf32, #tpu.memory_space<hbm>> -> memref<10000x64xf32, #tpu.memory_space<hbm>>
          tpu.enqueue_indirect_dma source(%dma_start3A_348 : memref<10000x64xf32, #tpu.memory_space<hbm>>) target(%arg12 : memref<80x64xf32, #tpu.memory_space<vmem>>) offsets(%dma_start3A_345 : memref<80xi32, #tpu.memory_space<vmem>>) semaphore(%arg21 : memref<!tpu.dma_semaphore, #tpu.memory_space<semaphore_mem>>)
        } else {
        }
        %dma_wait3A_324 = arith.constant 0 : i32
        %dma_wait3A_325 = arith.constant 0 : i32
        %dma_wait3A_326 = tpu.memref_slice %arg6[%dma_wait3A_324, %dma_wait3A_325] : memref<125x80xi32, #tpu.memory_space<vmem>> -> memref<1x80xi32, #tpu.memory_space<vmem>>
        %dma_wait3A_327 = tpu.memref_squeeze %dma_wait3A_326 : memref<1x80xi32, #tpu.memory_space<vmem>> -> memref<80xi32, #tpu.memory_space<vmem>>
        %dma_wait3A_328 = arith.constant 0 : i32
        %dma_wait3A_329 = arith.constant 0 : i32
        %dma_wait3A_330 = tpu.memref_slice %arg2[%dma_wait3A_328, %dma_wait3A_329] : memref<10000x64xf32, #tpu.memory_space<hbm>> -> memref<10000x64xf32, #tpu.memory_space<hbm>>
        tpu.wait_indirect_dma semaphore(%arg17 : memref<!tpu.dma_semaphore, #tpu.memory_space<semaphore_mem>>) src(%dma_wait3A_330 : memref<10000x64xf32, #tpu.memory_space<hbm>>) dst(%arg8 : memref<80x64xf32, #tpu.memory_space<vmem>>)
        %dma_start3A_331 = arith.constant 0 : i32
        %dma_start3A_332 = tpu.memref_slice %arg7[%add3A_251, %dma_start3A_331] : memref<125x80xi32, #tpu.memory_space<vmem>> -> memref<1x80xi32, #tpu.memory_space<vmem>>
        %dma_start3A_333 = tpu.memref_squeeze %dma_start3A_332 : memref<1x80xi32, #tpu.memory_space<vmem>> -> memref<80xi32, #tpu.memory_space<vmem>>
        %dma_start3A_334 = arith.constant 0 : i32
        %dma_start3A_335 = arith.constant 0 : i32
        %dma_start3A_336 = tpu.memref_slice %arg5[%dma_start3A_334, %dma_start3A_335] : memref<10240x64xf32, #tpu.memory_space<vmem_shared>> -> memref<10240x64xf32, #tpu.memory_space<vmem_shared>>
        tpu.enqueue_indirect_dma source(%arg8 : memref<80x64xf32, #tpu.memory_space<vmem>>) target(%dma_start3A_336 : memref<10240x64xf32, #tpu.memory_space<vmem_shared>>) offsets(%dma_start3A_333 : memref<80xi32, #tpu.memory_space<vmem>>) semaphore(%arg25 : memref<!tpu.dma_semaphore, #tpu.memory_space<semaphore_mem>>) {add = true}
      } else {
      }
      %mul3A_254 = arith.constant 8 : i32
      %mul3A_255 = arith.muli %mul3A_254, %scan3A_247 : i32
      %add3A_256 = arith.constant 1 : i32
      %add3A_257 = arith.addi %mul3A_255, %add3A_256 : i32
      %lt3A_258 = arith.constant 125 : i32
      %lt3A_259 = arith.cmpi slt, %add3A_257, %lt3A_258 : i32
      %convert_element_type3A_260 = arith.extui %lt3A_259 : i1 to i32
      %cond3A_261 = arith.constant 0 : i32
      %cond3A_262 = arith.cmpi ne, %convert_element_type3A_260, %cond3A_261 : i32
      scf.if %cond3A_262 {
        %add3A_317 = arith.constant 4 : i32
        %add3A_318 = arith.addi %add3A_257, %add3A_317 : i32
        %lt3A_319 = arith.constant 125 : i32
        %lt3A_320 = arith.cmpi slt, %add3A_318, %lt3A_319 : i32
        %convert_element_type3A_321 = arith.extui %lt3A_320 : i1 to i32
        %cond3A_322 = arith.constant 0 : i32
        %cond3A_323 = arith.cmpi ne, %convert_element_type3A_321, %cond3A_322 : i32
        scf.if %cond3A_323 {
          %ge3A = arith.constant 4 : i32
          %ge3A_337 = arith.cmpi sge, %add3A_257, %ge3A : i32
          %convert_element_type3A_338 = arith.extui %ge3A_337 : i1 to i32
          %cond3A_339 = arith.constant 0 : i32
          %cond3A_340 = arith.cmpi ne, %convert_element_type3A_338, %cond3A_339 : i32
          scf.if %cond3A_340 {
            %dma_wait3A_349 = arith.constant 0 : i32
            %dma_wait3A_350 = arith.constant 0 : i32
            %dma_wait3A_351 = tpu.memref_slice %arg7[%dma_wait3A_349, %dma_wait3A_350] : memref<125x80xi32, #tpu.memory_space<vmem>> -> memref<1x80xi32, #tpu.memory_space<vmem>>
            %dma_wait3A_352 = tpu.memref_squeeze %dma_wait3A_351 : memref<1x80xi32, #tpu.memory_space<vmem>> -> memref<80xi32, #tpu.memory_space<vmem>>
            %dma_wait3A_353 = arith.constant 0 : i32
            %dma_wait3A_354 = arith.constant 0 : i32
            %dma_wait3A_355 = tpu.memref_slice %arg5[%dma_wait3A_353, %dma_wait3A_354] : memref<10240x64xf32, #tpu.memory_space<vmem_shared>> -> memref<10240x64xf32, #tpu.memory_space<vmem_shared>>
            tpu.wait_indirect_dma semaphore(%arg30 : memref<!tpu.dma_semaphore, #tpu.memory_space<semaphore_mem>>) src(%arg13 : memref<80x64xf32, #tpu.memory_space<vmem>>) dst(%dma_wait3A_355 : memref<10240x64xf32, #tpu.memory_space<vmem_shared>>)
          } else {
          }
          %add3A_341 = arith.constant 4 : i32
          %add3A_342 = arith.addi %add3A_257, %add3A_341 : i32
          %dma_start3A_343 = arith.constant 0 : i32
          %dma_start3A_344 = tpu.memref_slice %arg6[%add3A_342, %dma_start3A_343] : memref<125x80xi32, #tpu.memory_space<vmem>> -> memref<1x80xi32, #tpu.memory_space<vmem>>
          %dma_start3A_345 = tpu.memref_squeeze %dma_start3A_344 : memref<1x80xi32, #tpu.memory_space<vmem>> -> memref<80xi32, #tpu.memory_space<vmem>>
          %dma_start3A_346 = arith.constant 0 : i32
          %dma_start3A_347 = arith.constant 0 : i32
          %dma_start3A_348 = tpu.memref_slice %arg2[%dma_start3A_346, %dma_start3A_347] : memref<10000x64xf32, #tpu.memory_space<hbm>> -> memref<10000x64xf32, #tpu.memory_space<hbm>>
          tpu.enqueue_indirect_dma source(%dma_start3A_348 : memref<10000x64xf32, #tpu.memory_space<hbm>>) target(%arg13 : memref<80x64xf32, #tpu.memory_space<vmem>>) offsets(%dma_start3A_345 : memref<80xi32, #tpu.memory_space<vmem>>) semaphore(%arg22 : memref<!tpu.dma_semaphore, #tpu.memory_space<semaphore_mem>>)
        } else {
        }
        %dma_wait3A_324 = arith.constant 0 : i32
        %dma_wait3A_325 = arith.constant 0 : i32
        %dma_wait3A_326 = tpu.memref_slice %arg6[%dma_wait3A_324, %dma_wait3A_325] : memref<125x80xi32, #tpu.memory_space<vmem>> -> memref<1x80xi32, #tpu.memory_space<vmem>>
        %dma_wait3A_327 = tpu.memref_squeeze %dma_wait3A_326 : memref<1x80xi32, #tpu.memory_space<vmem>> -> memref<80xi32, #tpu.memory_space<vmem>>
        %dma_wait3A_328 = arith.constant 0 : i32
        %dma_wait3A_329 = arith.constant 0 : i32
        %dma_wait3A_330 = tpu.memref_slice %arg2[%dma_wait3A_328, %dma_wait3A_329] : memref<10000x64xf32, #tpu.memory_space<hbm>> -> memref<10000x64xf32, #tpu.memory_space<hbm>>
        tpu.wait_indirect_dma semaphore(%arg18 : memref<!tpu.dma_semaphore, #tpu.memory_space<semaphore_mem>>) src(%dma_wait3A_330 : memref<10000x64xf32, #tpu.memory_space<hbm>>) dst(%arg9 : memref<80x64xf32, #tpu.memory_space<vmem>>)
        %dma_start3A_331 = arith.constant 0 : i32
        %dma_start3A_332 = tpu.memref_slice %arg7[%add3A_257, %dma_start3A_331] : memref<125x80xi32, #tpu.memory_space<vmem>> -> memref<1x80xi32, #tpu.memory_space<vmem>>
        %dma_start3A_333 = tpu.memref_squeeze %dma_start3A_332 : memref<1x80xi32, #tpu.memory_space<vmem>> -> memref<80xi32, #tpu.memory_space<vmem>>
        %dma_start3A_334 = arith.constant 0 : i32
        %dma_start3A_335 = arith.constant 0 : i32
        %dma_start3A_336 = tpu.memref_slice %arg5[%dma_start3A_334, %dma_start3A_335] : memref<10240x64xf32, #tpu.memory_space<vmem_shared>> -> memref<10240x64xf32, #tpu.memory_space<vmem_shared>>
        tpu.enqueue_indirect_dma source(%arg9 : memref<80x64xf32, #tpu.memory_space<vmem>>) target(%dma_start3A_336 : memref<10240x64xf32, #tpu.memory_space<vmem_shared>>) offsets(%dma_start3A_333 : memref<80xi32, #tpu.memory_space<vmem>>) semaphore(%arg26 : memref<!tpu.dma_semaphore, #tpu.memory_space<semaphore_mem>>) {add = true}
      } else {
      }
      %mul3A_263 = arith.constant 8 : i32
      %mul3A_264 = arith.muli %mul3A_263, %scan3A_247 : i32
      %add3A_265 = arith.constant 2 : i32
      %add3A_266 = arith.addi %mul3A_264, %add3A_265 : i32
      %lt3A_267 = arith.constant 125 : i32
      %lt3A_268 = arith.cmpi slt, %add3A_266, %lt3A_267 : i32
      %convert_element_type3A_269 = arith.extui %lt3A_268 : i1 to i32
      %cond3A_270 = arith.constant 0 : i32
      %cond3A_271 = arith.cmpi ne, %convert_element_type3A_269, %cond3A_270 : i32
      scf.if %cond3A_271 {
        %add3A_317 = arith.constant 4 : i32
        %add3A_318 = arith.addi %add3A_266, %add3A_317 : i32
        %lt3A_319 = arith.constant 125 : i32
        %lt3A_320 = arith.cmpi slt, %add3A_318, %lt3A_319 : i32
        %convert_element_type3A_321 = arith.extui %lt3A_320 : i1 to i32
        %cond3A_322 = arith.constant 0 : i32
        %cond3A_323 = arith.cmpi ne, %convert_element_type3A_321, %cond3A_322 : i32
        scf.if %cond3A_323 {
          %ge3A = arith.constant 4 : i32
          %ge3A_337 = arith.cmpi sge, %add3A_266, %ge3A : i32
          %convert_element_type3A_338 = arith.extui %ge3A_337 : i1 to i32
          %cond3A_339 = arith.constant 0 : i32
          %cond3A_340 = arith.cmpi ne, %convert_element_type3A_338, %cond3A_339 : i32
          scf.if %cond3A_340 {
            %dma_wait3A_349 = arith.constant 0 : i32
            %dma_wait3A_350 = arith.constant 0 : i32
            %dma_wait3A_351 = tpu.memref_slice %arg7[%dma_wait3A_349, %dma_wait3A_350] : memref<125x80xi32, #tpu.memory_space<vmem>> -> memref<1x80xi32, #tpu.memory_space<vmem>>
            %dma_wait3A_352 = tpu.memref_squeeze %dma_wait3A_351 : memref<1x80xi32, #tpu.memory_space<vmem>> -> memref<80xi32, #tpu.memory_space<vmem>>
            %dma_wait3A_353 = arith.constant 0 : i32
            %dma_wait3A_354 = arith.constant 0 : i32
            %dma_wait3A_355 = tpu.memref_slice %arg5[%dma_wait3A_353, %dma_wait3A_354] : memref<10240x64xf32, #tpu.memory_space<vmem_shared>> -> memref<10240x64xf32, #tpu.memory_space<vmem_shared>>
            tpu.wait_indirect_dma semaphore(%arg31 : memref<!tpu.dma_semaphore, #tpu.memory_space<semaphore_mem>>) src(%arg14 : memref<80x64xf32, #tpu.memory_space<vmem>>) dst(%dma_wait3A_355 : memref<10240x64xf32, #tpu.memory_space<vmem_shared>>)
          } else {
          }
          %add3A_341 = arith.constant 4 : i32
          %add3A_342 = arith.addi %add3A_266, %add3A_341 : i32
          %dma_start3A_343 = arith.constant 0 : i32
          %dma_start3A_344 = tpu.memref_slice %arg6[%add3A_342, %dma_start3A_343] : memref<125x80xi32, #tpu.memory_space<vmem>> -> memref<1x80xi32, #tpu.memory_space<vmem>>
          %dma_start3A_345 = tpu.memref_squeeze %dma_start3A_344 : memref<1x80xi32, #tpu.memory_space<vmem>> -> memref<80xi32, #tpu.memory_space<vmem>>
          %dma_start3A_346 = arith.constant 0 : i32
          %dma_start3A_347 = arith.constant 0 : i32
          %dma_start3A_348 = tpu.memref_slice %arg2[%dma_start3A_346, %dma_start3A_347] : memref<10000x64xf32, #tpu.memory_space<hbm>> -> memref<10000x64xf32, #tpu.memory_space<hbm>>
          tpu.enqueue_indirect_dma source(%dma_start3A_348 : memref<10000x64xf32, #tpu.memory_space<hbm>>) target(%arg14 : memref<80x64xf32, #tpu.memory_space<vmem>>) offsets(%dma_start3A_345 : memref<80xi32, #tpu.memory_space<vmem>>) semaphore(%arg23 : memref<!tpu.dma_semaphore, #tpu.memory_space<semaphore_mem>>)
        } else {
        }
        %dma_wait3A_324 = arith.constant 0 : i32
        %dma_wait3A_325 = arith.constant 0 : i32
        %dma_wait3A_326 = tpu.memref_slice %arg6[%dma_wait3A_324, %dma_wait3A_325] : memref<125x80xi32, #tpu.memory_space<vmem>> -> memref<1x80xi32, #tpu.memory_space<vmem>>
        %dma_wait3A_327 = tpu.memref_squeeze %dma_wait3A_326 : memref<1x80xi32, #tpu.memory_space<vmem>> -> memref<80xi32, #tpu.memory_space<vmem>>
        %dma_wait3A_328 = arith.constant 0 : i32
        %dma_wait3A_329 = arith.constant 0 : i32
        %dma_wait3A_330 = tpu.memref_slice %arg2[%dma_wait3A_328, %dma_wait3A_329] : memref<10000x64xf32, #tpu.memory_space<hbm>> -> memref<10000x64xf32, #tpu.memory_space<hbm>>
        tpu.wait_indirect_dma semaphore(%arg19 : memref<!tpu.dma_semaphore, #tpu.memory_space<semaphore_mem>>) src(%dma_wait3A_330 : memref<10000x64xf32, #tpu.memory_space<hbm>>) dst(%arg10 : memref<80x64xf32, #tpu.memory_space<vmem>>)
        %dma_start3A_331 = arith.constant 0 : i32
        %dma_start3A_332 = tpu.memref_slice %arg7[%add3A_266, %dma_start3A_331] : memref<125x80xi32, #tpu.memory_space<vmem>> -> memref<1x80xi32, #tpu.memory_space<vmem>>
        %dma_start3A_333 = tpu.memref_squeeze %dma_start3A_332 : memref<1x80xi32, #tpu.memory_space<vmem>> -> memref<80xi32, #tpu.memory_space<vmem>>
        %dma_start3A_334 = arith.constant 0 : i32
        %dma_start3A_335 = arith.constant 0 : i32
        %dma_start3A_336 = tpu.memref_slice %arg5[%dma_start3A_334, %dma_start3A_335] : memref<10240x64xf32, #tpu.memory_space<vmem_shared>> -> memref<10240x64xf32, #tpu.memory_space<vmem_shared>>
        tpu.enqueue_indirect_dma source(%arg10 : memref<80x64xf32, #tpu.memory_space<vmem>>) target(%dma_start3A_336 : memref<10240x64xf32, #tpu.memory_space<vmem_shared>>) offsets(%dma_start3A_333 : memref<80xi32, #tpu.memory_space<vmem>>) semaphore(%arg27 : memref<!tpu.dma_semaphore, #tpu.memory_space<semaphore_mem>>) {add = true}
      } else {
      }
      %mul3A_272 = arith.constant 8 : i32
      %mul3A_273 = arith.muli %mul3A_272, %scan3A_247 : i32
      %add3A_274 = arith.constant 3 : i32
      %add3A_275 = arith.addi %mul3A_273, %add3A_274 : i32
      %lt3A_276 = arith.constant 125 : i32
      %lt3A_277 = arith.cmpi slt, %add3A_275, %lt3A_276 : i32
      %convert_element_type3A_278 = arith.extui %lt3A_277 : i1 to i32
      %cond3A_279 = arith.constant 0 : i32
      %cond3A_280 = arith.cmpi ne, %convert_element_type3A_278, %cond3A_279 : i32
      scf.if %cond3A_280 {
        %add3A_317 = arith.constant 4 : i32
        %add3A_318 = arith.addi %add3A_275, %add3A_317 : i32
        %lt3A_319 = arith.constant 125 : i32
        %lt3A_320 = arith.cmpi slt, %add3A_318, %lt3A_319 : i32
        %convert_element_type3A_321 = arith.extui %lt3A_320 : i1 to i32
        %cond3A_322 = arith.constant 0 : i32
        %cond3A_323 = arith.cmpi ne, %convert_element_type3A_321, %cond3A_322 : i32
        scf.if %cond3A_323 {
          %ge3A = arith.constant 4 : i32
          %ge3A_337 = arith.cmpi sge, %add3A_275, %ge3A : i32
          %convert_element_type3A_338 = arith.extui %ge3A_337 : i1 to i32
          %cond3A_339 = arith.constant 0 : i32
          %cond3A_340 = arith.cmpi ne, %convert_element_type3A_338, %cond3A_339 : i32
          scf.if %cond3A_340 {
            %dma_wait3A_349 = arith.constant 0 : i32
            %dma_wait3A_350 = arith.constant 0 : i32
            %dma_wait3A_351 = tpu.memref_slice %arg7[%dma_wait3A_349, %dma_wait3A_350] : memref<125x80xi32, #tpu.memory_space<vmem>> -> memref<1x80xi32, #tpu.memory_space<vmem>>
            %dma_wait3A_352 = tpu.memref_squeeze %dma_wait3A_351 : memref<1x80xi32, #tpu.memory_space<vmem>> -> memref<80xi32, #tpu.memory_space<vmem>>
            %dma_wait3A_353 = arith.constant 0 : i32
            %dma_wait3A_354 = arith.constant 0 : i32
            %dma_wait3A_355 = tpu.memref_slice %arg5[%dma_wait3A_353, %dma_wait3A_354] : memref<10240x64xf32, #tpu.memory_space<vmem_shared>> -> memref<10240x64xf32, #tpu.memory_space<vmem_shared>>
            tpu.wait_indirect_dma semaphore(%arg32 : memref<!tpu.dma_semaphore, #tpu.memory_space<semaphore_mem>>) src(%arg15 : memref<80x64xf32, #tpu.memory_space<vmem>>) dst(%dma_wait3A_355 : memref<10240x64xf32, #tpu.memory_space<vmem_shared>>)
          } else {
          }
          %add3A_341 = arith.constant 4 : i32
          %add3A_342 = arith.addi %add3A_275, %add3A_341 : i32
          %dma_start3A_343 = arith.constant 0 : i32
          %dma_start3A_344 = tpu.memref_slice %arg6[%add3A_342, %dma_start3A_343] : memref<125x80xi32, #tpu.memory_space<vmem>> -> memref<1x80xi32, #tpu.memory_space<vmem>>
          %dma_start3A_345 = tpu.memref_squeeze %dma_start3A_344 : memref<1x80xi32, #tpu.memory_space<vmem>> -> memref<80xi32, #tpu.memory_space<vmem>>
          %dma_start3A_346 = arith.constant 0 : i32
          %dma_start3A_347 = arith.constant 0 : i32
          %dma_start3A_348 = tpu.memref_slice %arg2[%dma_start3A_346, %dma_start3A_347] : memref<10000x64xf32, #tpu.memory_space<hbm>> -> memref<10000x64xf32, #tpu.memory_space<hbm>>
          tpu.enqueue_indirect_dma source(%dma_start3A_348 : memref<10000x64xf32, #tpu.memory_space<hbm>>) target(%arg15 : memref<80x64xf32, #tpu.memory_space<vmem>>) offsets(%dma_start3A_345 : memref<80xi32, #tpu.memory_space<vmem>>) semaphore(%arg24 : memref<!tpu.dma_semaphore, #tpu.memory_space<semaphore_mem>>)
        } else {
        }
        %dma_wait3A_324 = arith.constant 0 : i32
        %dma_wait3A_325 = arith.constant 0 : i32
        %dma_wait3A_326 = tpu.memref_slice %arg6[%dma_wait3A_324, %dma_wait3A_325] : memref<125x80xi32, #tpu.memory_space<vmem>> -> memref<1x80xi32, #tpu.memory_space<vmem>>
        %dma_wait3A_327 = tpu.memref_squeeze %dma_wait3A_326 : memref<1x80xi32, #tpu.memory_space<vmem>> -> memref<80xi32, #tpu.memory_space<vmem>>
        %dma_wait3A_328 = arith.constant 0 : i32
        %dma_wait3A_329 = arith.constant 0 : i32
        %dma_wait3A_330 = tpu.memref_slice %arg2[%dma_wait3A_328, %dma_wait3A_329] : memref<10000x64xf32, #tpu.memory_space<hbm>> -> memref<10000x64xf32, #tpu.memory_space<hbm>>
        tpu.wait_indirect_dma semaphore(%arg20 : memref<!tpu.dma_semaphore, #tpu.memory_space<semaphore_mem>>) src(%dma_wait3A_330 : memref<10000x64xf32, #tpu.memory_space<hbm>>) dst(%arg11 : memref<80x64xf32, #tpu.memory_space<vmem>>)
        %dma_start3A_331 = arith.constant 0 : i32
        %dma_start3A_332 = tpu.memref_slice %arg7[%add3A_275, %dma_start3A_331] : memref<125x80xi32, #tpu.memory_space<vmem>> -> memref<1x80xi32, #tpu.memory_space<vmem>>
        %dma_start3A_333 = tpu.memref_squeeze %dma_start3A_332 : memref<1x80xi32, #tpu.memory_space<vmem>> -> memref<80xi32, #tpu.memory_space<vmem>>
        %dma_start3A_334 = arith.constant 0 : i32
        %dma_start3A_335 = arith.constant 0 : i32
        %dma_start3A_336 = tpu.memref_slice %arg5[%dma_start3A_334, %dma_start3A_335] : memref<10240x64xf32, #tpu.memory_space<vmem_shared>> -> memref<10240x64xf32, #tpu.memory_space<vmem_shared>>
        tpu.enqueue_indirect_dma source(%arg11 : memref<80x64xf32, #tpu.memory_space<vmem>>) target(%dma_start3A_336 : memref<10240x64xf32, #tpu.memory_space<vmem_shared>>) offsets(%dma_start3A_333 : memref<80xi32, #tpu.memory_space<vmem>>) semaphore(%arg28 : memref<!tpu.dma_semaphore, #tpu.memory_space<semaphore_mem>>) {add = true}
      } else {
      }
      %mul3A_281 = arith.constant 8 : i32
      %mul3A_282 = arith.muli %mul3A_281, %scan3A_247 : i32
      %add3A_283 = arith.constant 4 : i32
      %add3A_284 = arith.addi %mul3A_282, %add3A_283 : i32
      %lt3A_285 = arith.constant 125 : i32
      %lt3A_286 = arith.cmpi slt, %add3A_284, %lt3A_285 : i32
      %convert_element_type3A_287 = arith.extui %lt3A_286 : i1 to i32
      %cond3A_288 = arith.constant 0 : i32
      %cond3A_289 = arith.cmpi ne, %convert_element_type3A_287, %cond3A_288 : i32
      scf.if %cond3A_289 {
        %add3A_317 = arith.constant 4 : i32
        %add3A_318 = arith.addi %add3A_284, %add3A_317 : i32
        %lt3A_319 = arith.constant 125 : i32
        %lt3A_320 = arith.cmpi slt, %add3A_318, %lt3A_319 : i32
        %convert_element_type3A_321 = arith.extui %lt3A_320 : i1 to i32
        %cond3A_322 = arith.constant 0 : i32
        %cond3A_323 = arith.cmpi ne, %convert_element_type3A_321, %cond3A_322 : i32
        scf.if %cond3A_323 {
          %ge3A = arith.constant 4 : i32
          %ge3A_337 = arith.cmpi sge, %add3A_284, %ge3A : i32
          %convert_element_type3A_338 = arith.extui %ge3A_337 : i1 to i32
          %cond3A_339 = arith.constant 0 : i32
          %cond3A_340 = arith.cmpi ne, %convert_element_type3A_338, %cond3A_339 : i32
          scf.if %cond3A_340 {
            %dma_wait3A_349 = arith.constant 0 : i32
            %dma_wait3A_350 = arith.constant 0 : i32
            %dma_wait3A_351 = tpu.memref_slice %arg7[%dma_wait3A_349, %dma_wait3A_350] : memref<125x80xi32, #tpu.memory_space<vmem>> -> memref<1x80xi32, #tpu.memory_space<vmem>>
            %dma_wait3A_352 = tpu.memref_squeeze %dma_wait3A_351 : memref<1x80xi32, #tpu.memory_space<vmem>> -> memref<80xi32, #tpu.memory_space<vmem>>
            %dma_wait3A_353 = arith.constant 0 : i32
            %dma_wait3A_354 = arith.constant 0 : i32
            %dma_wait3A_355 = tpu.memref_slice %arg5[%dma_wait3A_353, %dma_wait3A_354] : memref<10240x64xf32, #tpu.memory_space<vmem_shared>> -> memref<10240x64xf32, #tpu.memory_space<vmem_shared>>
            tpu.wait_indirect_dma semaphore(%arg25 : memref<!tpu.dma_semaphore, #tpu.memory_space<semaphore_mem>>) src(%arg8 : memref<80x64xf32, #tpu.memory_space<vmem>>) dst(%dma_wait3A_355 : memref<10240x64xf32, #tpu.memory_space<vmem_shared>>)
          } else {
          }
          %add3A_341 = arith.constant 4 : i32
          %add3A_342 = arith.addi %add3A_284, %add3A_341 : i32
          %dma_start3A_343 = arith.constant 0 : i32
          %dma_start3A_344 = tpu.memref_slice %arg6[%add3A_342, %dma_start3A_343] : memref<125x80xi32, #tpu.memory_space<vmem>> -> memref<1x80xi32, #tpu.memory_space<vmem>>
          %dma_start3A_345 = tpu.memref_squeeze %dma_start3A_344 : memref<1x80xi32, #tpu.memory_space<vmem>> -> memref<80xi32, #tpu.memory_space<vmem>>
          %dma_start3A_346 = arith.constant 0 : i32
          %dma_start3A_347 = arith.constant 0 : i32
          %dma_start3A_348 = tpu.memref_slice %arg2[%dma_start3A_346, %dma_start3A_347] : memref<10000x64xf32, #tpu.memory_space<hbm>> -> memref<10000x64xf32, #tpu.memory_space<hbm>>
          tpu.enqueue_indirect_dma source(%dma_start3A_348 : memref<10000x64xf32, #tpu.memory_space<hbm>>) target(%arg8 : memref<80x64xf32, #tpu.memory_space<vmem>>) offsets(%dma_start3A_345 : memref<80xi32, #tpu.memory_space<vmem>>) semaphore(%arg17 : memref<!tpu.dma_semaphore, #tpu.memory_space<semaphore_mem>>)
        } else {
        }
        %dma_wait3A_324 = arith.constant 0 : i32
        %dma_wait3A_325 = arith.constant 0 : i32
        %dma_wait3A_326 = tpu.memref_slice %arg6[%dma_wait3A_324, %dma_wait3A_325] : memref<125x80xi32, #tpu.memory_space<vmem>> -> memref<1x80xi32, #tpu.memory_space<vmem>>
        %dma_wait3A_327 = tpu.memref_squeeze %dma_wait3A_326 : memref<1x80xi32, #tpu.memory_space<vmem>> -> memref<80xi32, #tpu.memory_space<vmem>>
        %dma_wait3A_328 = arith.constant 0 : i32
        %dma_wait3A_329 = arith.constant 0 : i32
        %dma_wait3A_330 = tpu.memref_slice %arg2[%dma_wait3A_328, %dma_wait3A_329] : memref<10000x64xf32, #tpu.memory_space<hbm>> -> memref<10000x64xf32, #tpu.memory_space<hbm>>
        tpu.wait_indirect_dma semaphore(%arg21 : memref<!tpu.dma_semaphore, #tpu.memory_space<semaphore_mem>>) src(%dma_wait3A_330 : memref<10000x64xf32, #tpu.memory_space<hbm>>) dst(%arg12 : memref<80x64xf32, #tpu.memory_space<vmem>>)
        %dma_start3A_331 = arith.constant 0 : i32
        %dma_start3A_332 = tpu.memref_slice %arg7[%add3A_284, %dma_start3A_331] : memref<125x80xi32, #tpu.memory_space<vmem>> -> memref<1x80xi32, #tpu.memory_space<vmem>>
        %dma_start3A_333 = tpu.memref_squeeze %dma_start3A_332 : memref<1x80xi32, #tpu.memory_space<vmem>> -> memref<80xi32, #tpu.memory_space<vmem>>
        %dma_start3A_334 = arith.constant 0 : i32
        %dma_start3A_335 = arith.constant 0 : i32
        %dma_start3A_336 = tpu.memref_slice %arg5[%dma_start3A_334, %dma_start3A_335] : memref<10240x64xf32, #tpu.memory_space<vmem_shared>> -> memref<10240x64xf32, #tpu.memory_space<vmem_shared>>
        tpu.enqueue_indirect_dma source(%arg12 : memref<80x64xf32, #tpu.memory_space<vmem>>) target(%dma_start3A_336 : memref<10240x64xf32, #tpu.memory_space<vmem_shared>>) offsets(%dma_start3A_333 : memref<80xi32, #tpu.memory_space<vmem>>) semaphore(%arg29 : memref<!tpu.dma_semaphore, #tpu.memory_space<semaphore_mem>>) {add = true}
      } else {
      }
      %mul3A_290 = arith.constant 8 : i32
      %mul3A_291 = arith.muli %mul3A_290, %scan3A_247 : i32
      %add3A_292 = arith.constant 5 : i32
      %add3A_293 = arith.addi %mul3A_291, %add3A_292 : i32
      %lt3A_294 = arith.constant 125 : i32
      %lt3A_295 = arith.cmpi slt, %add3A_293, %lt3A_294 : i32
      %convert_element_type3A_296 = arith.extui %lt3A_295 : i1 to i32
      %cond3A_297 = arith.constant 0 : i32
      %cond3A_298 = arith.cmpi ne, %convert_element_type3A_296, %cond3A_297 : i32
      scf.if %cond3A_298 {
        %add3A_317 = arith.constant 4 : i32
        %add3A_318 = arith.addi %add3A_293, %add3A_317 : i32
        %lt3A_319 = arith.constant 125 : i32
        %lt3A_320 = arith.cmpi slt, %add3A_318, %lt3A_319 : i32
        %convert_element_type3A_321 = arith.extui %lt3A_320 : i1 to i32
        %cond3A_322 = arith.constant 0 : i32
        %cond3A_323 = arith.cmpi ne, %convert_element_type3A_321, %cond3A_322 : i32
        scf.if %cond3A_323 {
          %ge3A = arith.constant 4 : i32
          %ge3A_337 = arith.cmpi sge, %add3A_293, %ge3A : i32
          %convert_element_type3A_338 = arith.extui %ge3A_337 : i1 to i32
          %cond3A_339 = arith.constant 0 : i32
          %cond3A_340 = arith.cmpi ne, %convert_element_type3A_338, %cond3A_339 : i32
          scf.if %cond3A_340 {
            %dma_wait3A_349 = arith.constant 0 : i32
            %dma_wait3A_350 = arith.constant 0 : i32
            %dma_wait3A_351 = tpu.memref_slice %arg7[%dma_wait3A_349, %dma_wait3A_350] : memref<125x80xi32, #tpu.memory_space<vmem>> -> memref<1x80xi32, #tpu.memory_space<vmem>>
            %dma_wait3A_352 = tpu.memref_squeeze %dma_wait3A_351 : memref<1x80xi32, #tpu.memory_space<vmem>> -> memref<80xi32, #tpu.memory_space<vmem>>
            %dma_wait3A_353 = arith.constant 0 : i32
            %dma_wait3A_354 = arith.constant 0 : i32
            %dma_wait3A_355 = tpu.memref_slice %arg5[%dma_wait3A_353, %dma_wait3A_354] : memref<10240x64xf32, #tpu.memory_space<vmem_shared>> -> memref<10240x64xf32, #tpu.memory_space<vmem_shared>>
            tpu.wait_indirect_dma semaphore(%arg26 : memref<!tpu.dma_semaphore, #tpu.memory_space<semaphore_mem>>) src(%arg9 : memref<80x64xf32, #tpu.memory_space<vmem>>) dst(%dma_wait3A_355 : memref<10240x64xf32, #tpu.memory_space<vmem_shared>>)
          } else {
          }
          %add3A_341 = arith.constant 4 : i32
          %add3A_342 = arith.addi %add3A_293, %add3A_341 : i32
          %dma_start3A_343 = arith.constant 0 : i32
          %dma_start3A_344 = tpu.memref_slice %arg6[%add3A_342, %dma_start3A_343] : memref<125x80xi32, #tpu.memory_space<vmem>> -> memref<1x80xi32, #tpu.memory_space<vmem>>
          %dma_start3A_345 = tpu.memref_squeeze %dma_start3A_344 : memref<1x80xi32, #tpu.memory_space<vmem>> -> memref<80xi32, #tpu.memory_space<vmem>>
          %dma_start3A_346 = arith.constant 0 : i32
          %dma_start3A_347 = arith.constant 0 : i32
          %dma_start3A_348 = tpu.memref_slice %arg2[%dma_start3A_346, %dma_start3A_347] : memref<10000x64xf32, #tpu.memory_space<hbm>> -> memref<10000x64xf32, #tpu.memory_space<hbm>>
          tpu.enqueue_indirect_dma source(%dma_start3A_348 : memref<10000x64xf32, #tpu.memory_space<hbm>>) target(%arg9 : memref<80x64xf32, #tpu.memory_space<vmem>>) offsets(%dma_start3A_345 : memref<80xi32, #tpu.memory_space<vmem>>) semaphore(%arg18 : memref<!tpu.dma_semaphore, #tpu.memory_space<semaphore_mem>>)
        } else {
        }
        %dma_wait3A_324 = arith.constant 0 : i32
        %dma_wait3A_325 = arith.constant 0 : i32
        %dma_wait3A_326 = tpu.memref_slice %arg6[%dma_wait3A_324, %dma_wait3A_325] : memref<125x80xi32, #tpu.memory_space<vmem>> -> memref<1x80xi32, #tpu.memory_space<vmem>>
        %dma_wait3A_327 = tpu.memref_squeeze %dma_wait3A_326 : memref<1x80xi32, #tpu.memory_space<vmem>> -> memref<80xi32, #tpu.memory_space<vmem>>
        %dma_wait3A_328 = arith.constant 0 : i32
        %dma_wait3A_329 = arith.constant 0 : i32
        %dma_wait3A_330 = tpu.memref_slice %arg2[%dma_wait3A_328, %dma_wait3A_329] : memref<10000x64xf32, #tpu.memory_space<hbm>> -> memref<10000x64xf32, #tpu.memory_space<hbm>>
        tpu.wait_indirect_dma semaphore(%arg22 : memref<!tpu.dma_semaphore, #tpu.memory_space<semaphore_mem>>) src(%dma_wait3A_330 : memref<10000x64xf32, #tpu.memory_space<hbm>>) dst(%arg13 : memref<80x64xf32, #tpu.memory_space<vmem>>)
        %dma_start3A_331 = arith.constant 0 : i32
        %dma_start3A_332 = tpu.memref_slice %arg7[%add3A_293, %dma_start3A_331] : memref<125x80xi32, #tpu.memory_space<vmem>> -> memref<1x80xi32, #tpu.memory_space<vmem>>
        %dma_start3A_333 = tpu.memref_squeeze %dma_start3A_332 : memref<1x80xi32, #tpu.memory_space<vmem>> -> memref<80xi32, #tpu.memory_space<vmem>>
        %dma_start3A_334 = arith.constant 0 : i32
        %dma_start3A_335 = arith.constant 0 : i32
        %dma_start3A_336 = tpu.memref_slice %arg5[%dma_start3A_334, %dma_start3A_335] : memref<10240x64xf32, #tpu.memory_space<vmem_shared>> -> memref<10240x64xf32, #tpu.memory_space<vmem_shared>>
        tpu.enqueue_indirect_dma source(%arg13 : memref<80x64xf32, #tpu.memory_space<vmem>>) target(%dma_start3A_336 : memref<10240x64xf32, #tpu.memory_space<vmem_shared>>) offsets(%dma_start3A_333 : memref<80xi32, #tpu.memory_space<vmem>>) semaphore(%arg30 : memref<!tpu.dma_semaphore, #tpu.memory_space<semaphore_mem>>) {add = true}
      } else {
      }
      %mul3A_299 = arith.constant 8 : i32
      %mul3A_300 = arith.muli %mul3A_299, %scan3A_247 : i32
      %add3A_301 = arith.constant 6 : i32
      %add3A_302 = arith.addi %mul3A_300, %add3A_301 : i32
      %lt3A_303 = arith.constant 125 : i32
      %lt3A_304 = arith.cmpi slt, %add3A_302, %lt3A_303 : i32
      %convert_element_type3A_305 = arith.extui %lt3A_304 : i1 to i32
      %cond3A_306 = arith.constant 0 : i32
      %cond3A_307 = arith.cmpi ne, %convert_element_type3A_305, %cond3A_306 : i32
      scf.if %cond3A_307 {
        %add3A_317 = arith.constant 4 : i32
        %add3A_318 = arith.addi %add3A_302, %add3A_317 : i32
        %lt3A_319 = arith.constant 125 : i32
        %lt3A_320 = arith.cmpi slt, %add3A_318, %lt3A_319 : i32
        %convert_element_type3A_321 = arith.extui %lt3A_320 : i1 to i32
        %cond3A_322 = arith.constant 0 : i32
        %cond3A_323 = arith.cmpi ne, %convert_element_type3A_321, %cond3A_322 : i32
        scf.if %cond3A_323 {
          %ge3A = arith.constant 4 : i32
          %ge3A_337 = arith.cmpi sge, %add3A_302, %ge3A : i32
          %convert_element_type3A_338 = arith.extui %ge3A_337 : i1 to i32
          %cond3A_339 = arith.constant 0 : i32
          %cond3A_340 = arith.cmpi ne, %convert_element_type3A_338, %cond3A_339 : i32
          scf.if %cond3A_340 {
            %dma_wait3A_349 = arith.constant 0 : i32
            %dma_wait3A_350 = arith.constant 0 : i32
            %dma_wait3A_351 = tpu.memref_slice %arg7[%dma_wait3A_349, %dma_wait3A_350] : memref<125x80xi32, #tpu.memory_space<vmem>> -> memref<1x80xi32, #tpu.memory_space<vmem>>
            %dma_wait3A_352 = tpu.memref_squeeze %dma_wait3A_351 : memref<1x80xi32, #tpu.memory_space<vmem>> -> memref<80xi32, #tpu.memory_space<vmem>>
            %dma_wait3A_353 = arith.constant 0 : i32
            %dma_wait3A_354 = arith.constant 0 : i32
            %dma_wait3A_355 = tpu.memref_slice %arg5[%dma_wait3A_353, %dma_wait3A_354] : memref<10240x64xf32, #tpu.memory_space<vmem_shared>> -> memref<10240x64xf32, #tpu.memory_space<vmem_shared>>
            tpu.wait_indirect_dma semaphore(%arg27 : memref<!tpu.dma_semaphore, #tpu.memory_space<semaphore_mem>>) src(%arg10 : memref<80x64xf32, #tpu.memory_space<vmem>>) dst(%dma_wait3A_355 : memref<10240x64xf32, #tpu.memory_space<vmem_shared>>)
          } else {
          }
          %add3A_341 = arith.constant 4 : i32
          %add3A_342 = arith.addi %add3A_302, %add3A_341 : i32
          %dma_start3A_343 = arith.constant 0 : i32
          %dma_start3A_344 = tpu.memref_slice %arg6[%add3A_342, %dma_start3A_343] : memref<125x80xi32, #tpu.memory_space<vmem>> -> memref<1x80xi32, #tpu.memory_space<vmem>>
          %dma_start3A_345 = tpu.memref_squeeze %dma_start3A_344 : memref<1x80xi32, #tpu.memory_space<vmem>> -> memref<80xi32, #tpu.memory_space<vmem>>
          %dma_start3A_346 = arith.constant 0 : i32
          %dma_start3A_347 = arith.constant 0 : i32
          %dma_start3A_348 = tpu.memref_slice %arg2[%dma_start3A_346, %dma_start3A_347] : memref<10000x64xf32, #tpu.memory_space<hbm>> -> memref<10000x64xf32, #tpu.memory_space<hbm>>
          tpu.enqueue_indirect_dma source(%dma_start3A_348 : memref<10000x64xf32, #tpu.memory_space<hbm>>) target(%arg10 : memref<80x64xf32, #tpu.memory_space<vmem>>) offsets(%dma_start3A_345 : memref<80xi32, #tpu.memory_space<vmem>>) semaphore(%arg19 : memref<!tpu.dma_semaphore, #tpu.memory_space<semaphore_mem>>)
        } else {
        }
        %dma_wait3A_324 = arith.constant 0 : i32
        %dma_wait3A_325 = arith.constant 0 : i32
        %dma_wait3A_326 = tpu.memref_slice %arg6[%dma_wait3A_324, %dma_wait3A_325] : memref<125x80xi32, #tpu.memory_space<vmem>> -> memref<1x80xi32, #tpu.memory_space<vmem>>
        %dma_wait3A_327 = tpu.memref_squeeze %dma_wait3A_326 : memref<1x80xi32, #tpu.memory_space<vmem>> -> memref<80xi32, #tpu.memory_space<vmem>>
        %dma_wait3A_328 = arith.constant 0 : i32
        %dma_wait3A_329 = arith.constant 0 : i32
        %dma_wait3A_330 = tpu.memref_slice %arg2[%dma_wait3A_328, %dma_wait3A_329] : memref<10000x64xf32, #tpu.memory_space<hbm>> -> memref<10000x64xf32, #tpu.memory_space<hbm>>
        tpu.wait_indirect_dma semaphore(%arg23 : memref<!tpu.dma_semaphore, #tpu.memory_space<semaphore_mem>>) src(%dma_wait3A_330 : memref<10000x64xf32, #tpu.memory_space<hbm>>) dst(%arg14 : memref<80x64xf32, #tpu.memory_space<vmem>>)
        %dma_start3A_331 = arith.constant 0 : i32
        %dma_start3A_332 = tpu.memref_slice %arg7[%add3A_302, %dma_start3A_331] : memref<125x80xi32, #tpu.memory_space<vmem>> -> memref<1x80xi32, #tpu.memory_space<vmem>>
        %dma_start3A_333 = tpu.memref_squeeze %dma_start3A_332 : memref<1x80xi32, #tpu.memory_space<vmem>> -> memref<80xi32, #tpu.memory_space<vmem>>
        %dma_start3A_334 = arith.constant 0 : i32
        %dma_start3A_335 = arith.constant 0 : i32
        %dma_start3A_336 = tpu.memref_slice %arg5[%dma_start3A_334, %dma_start3A_335] : memref<10240x64xf32, #tpu.memory_space<vmem_shared>> -> memref<10240x64xf32, #tpu.memory_space<vmem_shared>>
        tpu.enqueue_indirect_dma source(%arg14 : memref<80x64xf32, #tpu.memory_space<vmem>>) target(%dma_start3A_336 : memref<10240x64xf32, #tpu.memory_space<vmem_shared>>) offsets(%dma_start3A_333 : memref<80xi32, #tpu.memory_space<vmem>>) semaphore(%arg31 : memref<!tpu.dma_semaphore, #tpu.memory_space<semaphore_mem>>) {add = true}
      } else {
      }
      %mul3A_308 = arith.constant 8 : i32
      %mul3A_309 = arith.muli %mul3A_308, %scan3A_247 : i32
      %add3A_310 = arith.constant 7 : i32
      %add3A_311 = arith.addi %mul3A_309, %add3A_310 : i32
      %lt3A_312 = arith.constant 125 : i32
      %lt3A_313 = arith.cmpi slt, %add3A_311, %lt3A_312 : i32
      %convert_element_type3A_314 = arith.extui %lt3A_313 : i1 to i32
      %cond3A_315 = arith.constant 0 : i32
      %cond3A_316 = arith.cmpi ne, %convert_element_type3A_314, %cond3A_315 : i32
      scf.if %cond3A_316 {
        %add3A_317 = arith.constant 4 : i32
        %add3A_318 = arith.addi %add3A_311, %add3A_317 : i32
        %lt3A_319 = arith.constant 125 : i32
        %lt3A_320 = arith.cmpi slt, %add3A_318, %lt3A_319 : i32
        %convert_element_type3A_321 = arith.extui %lt3A_320 : i1 to i32
        %cond3A_322 = arith.constant 0 : i32
        %cond3A_323 = arith.cmpi ne, %convert_element_type3A_321, %cond3A_322 : i32
        scf.if %cond3A_323 {
          %ge3A = arith.constant 4 : i32
          %ge3A_337 = arith.cmpi sge, %add3A_311, %ge3A : i32
          %convert_element_type3A_338 = arith.extui %ge3A_337 : i1 to i32
          %cond3A_339 = arith.constant 0 : i32
          %cond3A_340 = arith.cmpi ne, %convert_element_type3A_338, %cond3A_339 : i32
          scf.if %cond3A_340 {
            %dma_wait3A_349 = arith.constant 0 : i32
            %dma_wait3A_350 = arith.constant 0 : i32
            %dma_wait3A_351 = tpu.memref_slice %arg7[%dma_wait3A_349, %dma_wait3A_350] : memref<125x80xi32, #tpu.memory_space<vmem>> -> memref<1x80xi32, #tpu.memory_space<vmem>>
            %dma_wait3A_352 = tpu.memref_squeeze %dma_wait3A_351 : memref<1x80xi32, #tpu.memory_space<vmem>> -> memref<80xi32, #tpu.memory_space<vmem>>
            %dma_wait3A_353 = arith.constant 0 : i32
            %dma_wait3A_354 = arith.constant 0 : i32
            %dma_wait3A_355 = tpu.memref_slice %arg5[%dma_wait3A_353, %dma_wait3A_354] : memref<10240x64xf32, #tpu.memory_space<vmem_shared>> -> memref<10240x64xf32, #tpu.memory_space<vmem_shared>>
            tpu.wait_indirect_dma semaphore(%arg28 : memref<!tpu.dma_semaphore, #tpu.memory_space<semaphore_mem>>) src(%arg11 : memref<80x64xf32, #tpu.memory_space<vmem>>) dst(%dma_wait3A_355 : memref<10240x64xf32, #tpu.memory_space<vmem_shared>>)
          } else {
          }
          %add3A_341 = arith.constant 4 : i32
          %add3A_342 = arith.addi %add3A_311, %add3A_341 : i32
          %dma_start3A_343 = arith.constant 0 : i32
          %dma_start3A_344 = tpu.memref_slice %arg6[%add3A_342, %dma_start3A_343] : memref<125x80xi32, #tpu.memory_space<vmem>> -> memref<1x80xi32, #tpu.memory_space<vmem>>
          %dma_start3A_345 = tpu.memref_squeeze %dma_start3A_344 : memref<1x80xi32, #tpu.memory_space<vmem>> -> memref<80xi32, #tpu.memory_space<vmem>>
          %dma_start3A_346 = arith.constant 0 : i32
          %dma_start3A_347 = arith.constant 0 : i32
          %dma_start3A_348 = tpu.memref_slice %arg2[%dma_start3A_346, %dma_start3A_347] : memref<10000x64xf32, #tpu.memory_space<hbm>> -> memref<10000x64xf32, #tpu.memory_space<hbm>>
          tpu.enqueue_indirect_dma source(%dma_start3A_348 : memref<10000x64xf32, #tpu.memory_space<hbm>>) target(%arg11 : memref<80x64xf32, #tpu.memory_space<vmem>>) offsets(%dma_start3A_345 : memref<80xi32, #tpu.memory_space<vmem>>) semaphore(%arg20 : memref<!tpu.dma_semaphore, #tpu.memory_space<semaphore_mem>>)
        } else {
        }
        %dma_wait3A_324 = arith.constant 0 : i32
        %dma_wait3A_325 = arith.constant 0 : i32
        %dma_wait3A_326 = tpu.memref_slice %arg6[%dma_wait3A_324, %dma_wait3A_325] : memref<125x80xi32, #tpu.memory_space<vmem>> -> memref<1x80xi32, #tpu.memory_space<vmem>>
        %dma_wait3A_327 = tpu.memref_squeeze %dma_wait3A_326 : memref<1x80xi32, #tpu.memory_space<vmem>> -> memref<80xi32, #tpu.memory_space<vmem>>
        %dma_wait3A_328 = arith.constant 0 : i32
        %dma_wait3A_329 = arith.constant 0 : i32
        %dma_wait3A_330 = tpu.memref_slice %arg2[%dma_wait3A_328, %dma_wait3A_329] : memref<10000x64xf32, #tpu.memory_space<hbm>> -> memref<10000x64xf32, #tpu.memory_space<hbm>>
        tpu.wait_indirect_dma semaphore(%arg24 : memref<!tpu.dma_semaphore, #tpu.memory_space<semaphore_mem>>) src(%dma_wait3A_330 : memref<10000x64xf32, #tpu.memory_space<hbm>>) dst(%arg15 : memref<80x64xf32, #tpu.memory_space<vmem>>)
        %dma_start3A_331 = arith.constant 0 : i32
        %dma_start3A_332 = tpu.memref_slice %arg7[%add3A_311, %dma_start3A_331] : memref<125x80xi32, #tpu.memory_space<vmem>> -> memref<1x80xi32, #tpu.memory_space<vmem>>
        %dma_start3A_333 = tpu.memref_squeeze %dma_start3A_332 : memref<1x80xi32, #tpu.memory_space<vmem>> -> memref<80xi32, #tpu.memory_space<vmem>>
        %dma_start3A_334 = arith.constant 0 : i32
        %dma_start3A_335 = arith.constant 0 : i32
        %dma_start3A_336 = tpu.memref_slice %arg5[%dma_start3A_334, %dma_start3A_335] : memref<10240x64xf32, #tpu.memory_space<vmem_shared>> -> memref<10240x64xf32, #tpu.memory_space<vmem_shared>>
        tpu.enqueue_indirect_dma source(%arg15 : memref<80x64xf32, #tpu.memory_space<vmem>>) target(%dma_start3A_336 : memref<10240x64xf32, #tpu.memory_space<vmem_shared>>) offsets(%dma_start3A_333 : memref<80xi32, #tpu.memory_space<vmem>>) semaphore(%arg32 : memref<!tpu.dma_semaphore, #tpu.memory_space<semaphore_mem>>) {add = true}
      } else {
      }
    }
    %scan3A_185 = arith.constant 16 : i32
    %dma_wait3A_186 = arith.constant 0 : i32
    %dma_wait3A_187 = arith.constant 0 : i32
    %dma_wait3A_188 = tpu.memref_slice %arg7[%dma_wait3A_186, %dma_wait3A_187] : memref<125x80xi32, #tpu.memory_space<vmem>> -> memref<1x80xi32, #tpu.memory_space<vmem>>
    %dma_wait3A_189 = tpu.memref_squeeze %dma_wait3A_188 : memref<1x80xi32, #tpu.memory_space<vmem>> -> memref<80xi32, #tpu.memory_space<vmem>>
    %dma_wait3A_190 = arith.constant 0 : i32
    %dma_wait3A_191 = arith.constant 0 : i32
    %dma_wait3A_192 = tpu.memref_slice %arg5[%dma_wait3A_190, %dma_wait3A_191] : memref<10240x64xf32, #tpu.memory_space<vmem_shared>> -> memref<10240x64xf32, #tpu.memory_space<vmem_shared>>
    tpu.wait_indirect_dma semaphore(%arg30 : memref<!tpu.dma_semaphore, #tpu.memory_space<semaphore_mem>>) src(%arg13 : memref<80x64xf32, #tpu.memory_space<vmem>>) dst(%dma_wait3A_192 : memref<10240x64xf32, #tpu.memory_space<vmem_shared>>)
    %dma_wait3A_193 = arith.constant 0 : i32
    %dma_wait3A_194 = arith.constant 0 : i32
    %dma_wait3A_195 = tpu.memref_slice %arg7[%dma_wait3A_193, %dma_wait3A_194] : memref<125x80xi32, #tpu.memory_space<vmem>> -> memref<1x80xi32, #tpu.memory_space<vmem>>
    %dma_wait3A_196 = tpu.memref_squeeze %dma_wait3A_195 : memref<1x80xi32, #tpu.memory_space<vmem>> -> memref<80xi32, #tpu.memory_space<vmem>>
    %dma_wait3A_197 = arith.constant 0 : i32
    %dma_wait3A_198 = arith.constant 0 : i32
    %dma_wait3A_199 = tpu.memref_slice %arg5[%dma_wait3A_197, %dma_wait3A_198] : memref<10240x64xf32, #tpu.memory_space<vmem_shared>> -> memref<10240x64xf32, #tpu.memory_space<vmem_shared>>
    tpu.wait_indirect_dma semaphore(%arg31 : memref<!tpu.dma_semaphore, #tpu.memory_space<semaphore_mem>>) src(%arg14 : memref<80x64xf32, #tpu.memory_space<vmem>>) dst(%dma_wait3A_199 : memref<10240x64xf32, #tpu.memory_space<vmem_shared>>)
    %dma_wait3A_200 = arith.constant 0 : i32
    %dma_wait3A_201 = arith.constant 0 : i32
    %dma_wait3A_202 = tpu.memref_slice %arg7[%dma_wait3A_200, %dma_wait3A_201] : memref<125x80xi32, #tpu.memory_space<vmem>> -> memref<1x80xi32, #tpu.memory_space<vmem>>
    %dma_wait3A_203 = tpu.memref_squeeze %dma_wait3A_202 : memref<1x80xi32, #tpu.memory_space<vmem>> -> memref<80xi32, #tpu.memory_space<vmem>>
    %dma_wait3A_204 = arith.constant 0 : i32
    %dma_wait3A_205 = arith.constant 0 : i32
    %dma_wait3A_206 = tpu.memref_slice %arg5[%dma_wait3A_204, %dma_wait3A_205] : memref<10240x64xf32, #tpu.memory_space<vmem_shared>> -> memref<10240x64xf32, #tpu.memory_space<vmem_shared>>
    tpu.wait_indirect_dma semaphore(%arg32 : memref<!tpu.dma_semaphore, #tpu.memory_space<semaphore_mem>>) src(%arg15 : memref<80x64xf32, #tpu.memory_space<vmem>>) dst(%dma_wait3A_206 : memref<10240x64xf32, #tpu.memory_space<vmem_shared>>)
    %dma_wait3A_207 = arith.constant 0 : i32
    %dma_wait3A_208 = arith.constant 0 : i32
    %dma_wait3A_209 = tpu.memref_slice %arg7[%dma_wait3A_207, %dma_wait3A_208] : memref<125x80xi32, #tpu.memory_space<vmem>> -> memref<1x80xi32, #tpu.memory_space<vmem>>
    %dma_wait3A_210 = tpu.memref_squeeze %dma_wait3A_209 : memref<1x80xi32, #tpu.memory_space<vmem>> -> memref<80xi32, #tpu.memory_space<vmem>>
    %dma_wait3A_211 = arith.constant 0 : i32
    %dma_wait3A_212 = arith.constant 0 : i32
    %dma_wait3A_213 = tpu.memref_slice %arg5[%dma_wait3A_211, %dma_wait3A_212] : memref<10240x64xf32, #tpu.memory_space<vmem_shared>> -> memref<10240x64xf32, #tpu.memory_space<vmem_shared>>
    tpu.wait_indirect_dma semaphore(%arg25 : memref<!tpu.dma_semaphore, #tpu.memory_space<semaphore_mem>>) src(%arg8 : memref<80x64xf32, #tpu.memory_space<vmem>>) dst(%dma_wait3A_213 : memref<10240x64xf32, #tpu.memory_space<vmem_shared>>)
    %dma_wait3A_214 = arith.constant 0 : i32
    %dma_wait3A_215 = arith.constant 0 : i32
    %dma_wait3A_216 = tpu.memref_slice %arg7[%dma_wait3A_214, %dma_wait3A_215] : memref<125x80xi32, #tpu.memory_space<vmem>> -> memref<1x80xi32, #tpu.memory_space<vmem>>
    %dma_wait3A_217 = tpu.memref_squeeze %dma_wait3A_216 : memref<1x80xi32, #tpu.memory_space<vmem>> -> memref<80xi32, #tpu.memory_space<vmem>>
    %dma_wait3A_218 = arith.constant 0 : i32
    %dma_wait3A_219 = arith.constant 0 : i32
    %dma_wait3A_220 = tpu.memref_slice %arg5[%dma_wait3A_218, %dma_wait3A_219] : memref<10240x64xf32, #tpu.memory_space<vmem_shared>> -> memref<10240x64xf32, #tpu.memory_space<vmem_shared>>
    tpu.wait_indirect_dma semaphore(%arg26 : memref<!tpu.dma_semaphore, #tpu.memory_space<semaphore_mem>>) src(%arg9 : memref<80x64xf32, #tpu.memory_space<vmem>>) dst(%dma_wait3A_220 : memref<10240x64xf32, #tpu.memory_space<vmem_shared>>)
    %dma_wait3A_221 = arith.constant 0 : i32
    %dma_wait3A_222 = arith.constant 0 : i32
    %dma_wait3A_223 = tpu.memref_slice %arg7[%dma_wait3A_221, %dma_wait3A_222] : memref<125x80xi32, #tpu.memory_space<vmem>> -> memref<1x80xi32, #tpu.memory_space<vmem>>
    %dma_wait3A_224 = tpu.memref_squeeze %dma_wait3A_223 : memref<1x80xi32, #tpu.memory_space<vmem>> -> memref<80xi32, #tpu.memory_space<vmem>>
    %dma_wait3A_225 = arith.constant 0 : i32
    %dma_wait3A_226 = arith.constant 0 : i32
    %dma_wait3A_227 = tpu.memref_slice %arg5[%dma_wait3A_225, %dma_wait3A_226] : memref<10240x64xf32, #tpu.memory_space<vmem_shared>> -> memref<10240x64xf32, #tpu.memory_space<vmem_shared>>
    tpu.wait_indirect_dma semaphore(%arg27 : memref<!tpu.dma_semaphore, #tpu.memory_space<semaphore_mem>>) src(%arg10 : memref<80x64xf32, #tpu.memory_space<vmem>>) dst(%dma_wait3A_227 : memref<10240x64xf32, #tpu.memory_space<vmem_shared>>)
    %dma_wait3A_228 = arith.constant 0 : i32
    %dma_wait3A_229 = arith.constant 0 : i32
    %dma_wait3A_230 = tpu.memref_slice %arg7[%dma_wait3A_228, %dma_wait3A_229] : memref<125x80xi32, #tpu.memory_space<vmem>> -> memref<1x80xi32, #tpu.memory_space<vmem>>
    %dma_wait3A_231 = tpu.memref_squeeze %dma_wait3A_230 : memref<1x80xi32, #tpu.memory_space<vmem>> -> memref<80xi32, #tpu.memory_space<vmem>>
    %dma_wait3A_232 = arith.constant 0 : i32
    %dma_wait3A_233 = arith.constant 0 : i32
    %dma_wait3A_234 = tpu.memref_slice %arg5[%dma_wait3A_232, %dma_wait3A_233] : memref<10240x64xf32, #tpu.memory_space<vmem_shared>> -> memref<10240x64xf32, #tpu.memory_space<vmem_shared>>
    tpu.wait_indirect_dma semaphore(%arg28 : memref<!tpu.dma_semaphore, #tpu.memory_space<semaphore_mem>>) src(%arg11 : memref<80x64xf32, #tpu.memory_space<vmem>>) dst(%dma_wait3A_234 : memref<10240x64xf32, #tpu.memory_space<vmem_shared>>)
    %dma_wait3A_235 = arith.constant 0 : i32
    %dma_wait3A_236 = arith.constant 0 : i32
    %dma_wait3A_237 = tpu.memref_slice %arg7[%dma_wait3A_235, %dma_wait3A_236] : memref<125x80xi32, #tpu.memory_space<vmem>> -> memref<1x80xi32, #tpu.memory_space<vmem>>
    %dma_wait3A_238 = tpu.memref_squeeze %dma_wait3A_237 : memref<1x80xi32, #tpu.memory_space<vmem>> -> memref<80xi32, #tpu.memory_space<vmem>>
    %dma_wait3A_239 = arith.constant 0 : i32
    %dma_wait3A_240 = arith.constant 0 : i32
    %dma_wait3A_241 = tpu.memref_slice %arg5[%dma_wait3A_239, %dma_wait3A_240] : memref<10240x64xf32, #tpu.memory_space<vmem_shared>> -> memref<10240x64xf32, #tpu.memory_space<vmem_shared>>
    tpu.wait_indirect_dma semaphore(%arg29 : memref<!tpu.dma_semaphore, #tpu.memory_space<semaphore_mem>>) src(%arg12 : memref<80x64xf32, #tpu.memory_space<vmem>>) dst(%dma_wait3A_241 : memref<10240x64xf32, #tpu.memory_space<vmem_shared>>)
    %barrier3A_242 = arith.constant 0 : index
    tpu.barrier barrier_id(%barrier3A_242)
    %mul3A_243 = arith.constant 640 : i32
    %mul3A_244 = arith.muli %arg1, %mul3A_243 : i32
    %mul3A_245 = arith.constant 640 : i32
    %mul3A_246 = arith.muli %arg1, %mul3A_245 : i32
    "tpu.region"() ({
      %run_scoped3A = tpu.sem_alloc : memref<!tpu.dma_semaphore, #tpu.memory_space<semaphore_mem>>
      %dma_start3A_247 = arith.constant 0 : i32
      %dma_start3A_248 = tpu.memref_slice %arg4[%arg0, %mul3A_246, %dma_start3A_247] : memref<2x10240x64xf32, #tpu.memory_space<hbm>> -> memref<1x640x64xf32, #tpu.memory_space<hbm>>
      %dma_start3A_249 = tpu.memref_squeeze %dma_start3A_248 : memref<1x640x64xf32, #tpu.memory_space<hbm>> -> memref<640x64xf32, #tpu.memory_space<hbm>>
      %dma_start3A_250 = arith.constant 0 : i32
      %dma_start3A_251 = tpu.memref_slice %arg5[%mul3A_244, %dma_start3A_250] : memref<10240x64xf32, #tpu.memory_space<vmem_shared>> -> memref<640x64xf32, #tpu.memory_space<vmem_shared>>
      tpu.enqueue_dma source(%dma_start3A_251 : memref<640x64xf32, #tpu.memory_space<vmem_shared>>) target(%dma_start3A_249 : memref<640x64xf32, #tpu.memory_space<hbm>>) target_semaphore(%run_scoped3A : memref<!tpu.dma_semaphore, #tpu.memory_space<semaphore_mem>>)
      %dma_wait3A_252 = arith.constant 0 : i32
      %dma_wait3A_253 = tpu.memref_slice %arg4[%arg0, %mul3A_246, %dma_wait3A_252] : memref<2x10240x64xf32, #tpu.memory_space<hbm>> -> memref<1x640x64xf32, #tpu.memory_space<hbm>>
      %dma_wait3A_254 = tpu.memref_squeeze %dma_wait3A_253 : memref<1x640x64xf32, #tpu.memory_space<hbm>> -> memref<640x64xf32, #tpu.memory_space<hbm>>
      %dma_wait3A_255 = arith.constant 0 : i32
      %dma_wait3A_256 = tpu.memref_slice %arg5[%mul3A_244, %dma_wait3A_255] : memref<10240x64xf32, #tpu.memory_space<vmem_shared>> -> memref<640x64xf32, #tpu.memory_space<vmem_shared>>
      tpu.wait_dma2 semaphore(%run_scoped3A : memref<!tpu.dma_semaphore, #tpu.memory_space<semaphore_mem>>) src(%dma_wait3A_256 : memref<640x64xf32, #tpu.memory_space<vmem_shared>>) dst(%dma_wait3A_254 : memref<640x64xf32, #tpu.memory_space<hbm>>)
      tpu.yield
    }) : () -> ()
    return
  }
}

module attributes {stable_mosaic.version = 14 : i64} {
  func.func @_tc0_body(%arg0: memref<10000x128xf32, #tpu.memory_space<vmem>>, %arg1: memref<64x128xf32, #tpu.memory_space<vmem>>, %arg2: memref<64x128xf32, #tpu.memory_space<vmem>>, %arg3: memref<10000x80xf32, #tpu.memory_space<vmem>>, %arg4: memref<10000x64xf32, #tpu.memory_space<vmem>>) attributes {dimension_semantics = [], scalar_prefetch = 0 : i64, scratch_operands = 0 : i64, tpu.core_type = #tpu.core_type<tc>} {
    %get3A = arith.constant 0 : index
    %get3A_0 = arith.constant 0 : index
    %get3A_1 = vector.load %arg0[%get3A, %get3A_0] : memref<10000x128xf32, #tpu.memory_space<vmem>>, vector<10000x128xf32>
    %get3A_2 = arith.constant 0 : index
    %get3A_3 = arith.constant 0 : index
    %get3A_4 = vector.load %arg1[%get3A_2, %get3A_3] : memref<64x128xf32, #tpu.memory_space<vmem>>, vector<64x128xf32>
    %dot_general3A = arith.constant dense<0.000000e+00> : vector<10000x64xf32>
    %dot_general3A_5 = tpu.matmul %get3A_1, %get3A_4, %dot_general3A {dimension_numbers = #tpu.dot_dimension_numbers<[1], [1], [0], [0], [0, 0, 1, 0], [], []>, transpose_lhs_hint = false} : vector<10000x128xf32>, vector<64x128xf32>, vector<10000x64xf32> -> vector<10000x64xf32>
    %iota3A = tpu.iota {dimensions = array<i32: 1>} : vector<10000x16xi32>
    %eq3A = arith.constant 0 : i32
    %eq3A_6 = vector.broadcast %eq3A : i32 to vector<10000x16xi32>
    %eq3A_7 = arith.cmpi eq, %iota3A, %eq3A_6 : vector<10000x16xi32>
    %convert_element_type3A = arith.extui %eq3A_7 : vector<10000x16xi1> to vector<10000x16xi32>
    %convert_element_type3A_8 = arith.sitofp %convert_element_type3A : vector<10000x16xi32> to vector<10000x16xf32>
    %concatenate3A = tpu.concatenate %dot_general3A_5, %convert_element_type3A_8 in 1 : vector<10000x64xf32>, vector<10000x16xf32> -> vector<10000x80xf32>
    %swap3A = arith.constant 0 : index
    %swap3A_9 = arith.constant 0 : index
    %swap3A_10 = vector.load %arg3[%swap3A, %swap3A_9] : memref<10000x80xf32, #tpu.memory_space<vmem>>, vector<10000x80xf32>
    tpu.vector_store %arg3[%swap3A, %swap3A_9], %concatenate3A {strides = array<i32>} : memref<10000x80xf32, #tpu.memory_space<vmem>>, vector<10000x80xf32>,
    %get3A_11 = arith.constant 0 : index
    %get3A_12 = arith.constant 0 : index
    %get3A_13 = vector.load %arg2[%get3A_11, %get3A_12] : memref<64x128xf32, #tpu.memory_space<vmem>>, vector<64x128xf32>
    %dot_general3A_14 = arith.constant dense<0.000000e+00> : vector<10000x64xf32>
    %dot_general3A_15 = tpu.matmul %get3A_1, %get3A_13, %dot_general3A_14 {dimension_numbers = #tpu.dot_dimension_numbers<[1], [1], [0], [0], [0, 0, 1, 0], [], []>, transpose_lhs_hint = false} : vector<10000x128xf32>, vector<64x128xf32>, vector<10000x64xf32> -> vector<10000x64xf32>
    %swap3A_16 = arith.constant 0 : index
    %swap3A_17 = arith.constant 0 : index
    %swap3A_18 = vector.load %arg4[%swap3A_16, %swap3A_17] : memref<10000x64xf32, #tpu.memory_space<vmem>>, vector<10000x64xf32>
    tpu.vector_store %arg4[%swap3A_16, %swap3A_17], %dot_general3A_15 {strides = array<i32>} : memref<10000x64xf32, #tpu.memory_space<vmem>>, vector<10000x64xf32>,
    return
  }
}

module attributes {stable_mosaic.version = 14 : i64} {
  func.func @_tc1_body(%arg0: memref<2x10240x80xf32, #tpu.memory_space<vmem>>, %arg1: memref<10000x64xf32, #tpu.memory_space<vmem>>, %arg2: memref<1x64xf32, #tpu.memory_space<vmem>>, %arg3: memref<64x64xf32, #tpu.memory_space<vmem>>, %arg4: memref<64x64xf32, #tpu.memory_space<vmem>>, %arg5: memref<10000x64xf32, #tpu.memory_space<vmem>>, %arg6: memref<10000x64xf32, #tpu.memory_space<vmem>>, %arg7: memref<10000x1xf32, #tpu.memory_space<vmem>>) attributes {dimension_semantics = [], scalar_prefetch = 0 : i64, scratch_operands = 0 : i64, tpu.core_type = #tpu.core_type<tc>} {
    %get3A = arith.constant 0 : index
    %get3A_0 = arith.constant 0 : index
    %get3A_1 = arith.constant 0 : index
    %get3A_2 = vector.load %arg0[%get3A, %get3A_0, %get3A_1] : memref<2x10240x80xf32, #tpu.memory_space<vmem>>, vector<1x10000x80xf32>
    %get3A_3 = vector.shape_cast %get3A_2 : vector<1x10000x80xf32> to vector<10000x80xf32>
    %get3A_4 = arith.constant 1 : index
    %get3A_5 = arith.constant 0 : index
    %get3A_6 = arith.constant 0 : index
    %get3A_7 = vector.load %arg0[%get3A_4, %get3A_5, %get3A_6] : memref<2x10240x80xf32, #tpu.memory_space<vmem>>, vector<1x10000x80xf32>
    %get3A_8 = vector.shape_cast %get3A_7 : vector<1x10000x80xf32> to vector<10000x80xf32>
    %add3A = arith.addf %get3A_3, %get3A_8 : vector<10000x80xf32>
    %slice3A = vector.extract_strided_slice %add3A {offsets = [0, 0], sizes = [10000, 64], strides = [1, 1]} : vector<10000x80xf32> to vector<10000x64xf32>
    %slice3A_9 = vector.extract_strided_slice %add3A {offsets = [0, 64], sizes = [10000, 16], strides = [1, 1]} : vector<10000x80xf32> to vector<10000x16xf32>
    %reduce_sum3A = arith.constant dense<0.000000e+00> : vector<10000xf32>
    %reduce_sum3A_10 = vector.multi_reduction <add>, %slice3A_9, %reduce_sum3A [1] : vector<10000x16xf32> to vector<10000xf32>
    %broadcast_in_dim3A = vector.shape_cast %reduce_sum3A_10 : vector<10000xf32> to vector<10000x1xf32>
    %max3A = arith.constant 1.000000e+00 : f32
    %max3A_11 = vector.broadcast %max3A : f32 to vector<10000x1xf32>
    %max3A_12 = arith.maximumf %broadcast_in_dim3A, %max3A_11 : vector<10000x1xf32>
    %div3A = vector.broadcast %max3A_12 : vector<10000x1xf32> to vector<10000x64xf32>
    %div3A_13 = arith.divf %slice3A, %div3A : vector<10000x64xf32>
    %get3A_14 = arith.constant 0 : index
    %get3A_15 = arith.constant 0 : index
    %get3A_16 = vector.load %arg2[%get3A_14, %get3A_15] : memref<1x64xf32, #tpu.memory_space<vmem>>, vector<1x64xf32>
    %add3A_17 = vector.broadcast %get3A_16 : vector<1x64xf32> to vector<10000x64xf32>
    %add3A_18 = arith.addf %div3A_13, %add3A_17 : vector<10000x64xf32>
    %get3A_19 = arith.constant 0 : index
    %get3A_20 = arith.constant 0 : index
    %get3A_21 = vector.load %arg1[%get3A_19, %get3A_20] : memref<10000x64xf32, #tpu.memory_space<vmem>>, vector<10000x64xf32>
    %add3A_22 = arith.addf %add3A_18, %get3A_21 : vector<10000x64xf32>
    %max3A_23 = arith.constant 0.000000e+00 : f32
    %max3A_24 = vector.broadcast %max3A_23 : f32 to vector<10000x64xf32>
    %max3A_25 = arith.maximumf %add3A_22, %max3A_24 : vector<10000x64xf32>
    %get3A_26 = arith.constant 0 : index
    %get3A_27 = arith.constant 0 : index
    %get3A_28 = vector.load %arg3[%get3A_26, %get3A_27] : memref<64x64xf32, #tpu.memory_space<vmem>>, vector<64x64xf32>
    %dot_general3A = arith.constant dense<0.000000e+00> : vector<10000x64xf32>
    %dot_general3A_29 = tpu.matmul %max3A_25, %get3A_28, %dot_general3A {dimension_numbers = #tpu.dot_dimension_numbers<[1], [1], [0], [0], [0, 0, 1, 0], [], []>, transpose_lhs_hint = false} : vector<10000x64xf32>, vector<64x64xf32>, vector<10000x64xf32> -> vector<10000x64xf32>
    %swap3A = arith.constant 0 : index
    %swap3A_30 = arith.constant 0 : index
    %swap3A_31 = vector.load %arg5[%swap3A, %swap3A_30] : memref<10000x64xf32, #tpu.memory_space<vmem>>, vector<10000x64xf32>
    tpu.vector_store %arg5[%swap3A, %swap3A_30], %dot_general3A_29 {strides = array<i32>} : memref<10000x64xf32, #tpu.memory_space<vmem>>, vector<10000x64xf32>,
    %get3A_32 = arith.constant 0 : index
    %get3A_33 = arith.constant 0 : index
    %get3A_34 = vector.load %arg4[%get3A_32, %get3A_33] : memref<64x64xf32, #tpu.memory_space<vmem>>, vector<64x64xf32>
    %dot_general3A_35 = arith.constant dense<0.000000e+00> : vector<10000x64xf32>
    %dot_general3A_36 = tpu.matmul %max3A_25, %get3A_34, %dot_general3A_35 {dimension_numbers = #tpu.dot_dimension_numbers<[1], [1], [0], [0], [0, 0, 1, 0], [], []>, transpose_lhs_hint = false} : vector<10000x64xf32>, vector<64x64xf32>, vector<10000x64xf32> -> vector<10000x64xf32>
    %swap3A_37 = arith.constant 0 : index
    %swap3A_38 = arith.constant 0 : index
    %swap3A_39 = vector.load %arg6[%swap3A_37, %swap3A_38] : memref<10000x64xf32, #tpu.memory_space<vmem>>, vector<10000x64xf32>
    tpu.vector_store %arg6[%swap3A_37, %swap3A_38], %dot_general3A_36 {strides = array<i32>} : memref<10000x64xf32, #tpu.memory_space<vmem>>, vector<10000x64xf32>,
    %swap3A_40 = arith.constant 0 : index
    %swap3A_41 = arith.constant 0 : index
    %swap3A_42 = vector.load %arg7[%swap3A_40, %swap3A_41] : memref<10000x1xf32, #tpu.memory_space<vmem>>, vector<10000x1xf32>
    tpu.vector_store %arg7[%swap3A_40, %swap3A_41], %max3A_12 {strides = array<i32>} : memref<10000x1xf32, #tpu.memory_space<vmem>>, vector<10000x1xf32>,
    return
  }
}

module attributes {stable_mosaic.version = 14 : i64} {
  func.func @_tc3_body(%arg0: memref<2x10240x64xf32, #tpu.memory_space<vmem>>, %arg1: memref<10000x64xf32, #tpu.memory_space<vmem>>, %arg2: memref<10000x1xf32, #tpu.memory_space<vmem>>, %arg3: memref<1x64xf32, #tpu.memory_space<vmem>>, %arg4: memref<128x64xf32, #tpu.memory_space<vmem>>, %arg5: memref<1xf32, #tpu.memory_space<smem>>, %arg6: memref<10000x1xf32, #tpu.memory_space<vmem>>) attributes {dimension_semantics = [], scalar_prefetch = 0 : i64, scratch_operands = 0 : i64, tpu.core_type = #tpu.core_type<tc>} {
    %get3A = arith.constant 0 : index
    %get3A_0 = arith.constant 0 : index
    %get3A_1 = arith.constant 0 : index
    %get3A_2 = vector.load %arg0[%get3A, %get3A_0, %get3A_1] : memref<2x10240x64xf32, #tpu.memory_space<vmem>>, vector<1x10000x64xf32>
    %get3A_3 = vector.shape_cast %get3A_2 : vector<1x10000x64xf32> to vector<10000x64xf32>
    %get3A_4 = arith.constant 1 : index
    %get3A_5 = arith.constant 0 : index
    %get3A_6 = arith.constant 0 : index
    %get3A_7 = vector.load %arg0[%get3A_4, %get3A_5, %get3A_6] : memref<2x10240x64xf32, #tpu.memory_space<vmem>>, vector<1x10000x64xf32>
    %get3A_8 = vector.shape_cast %get3A_7 : vector<1x10000x64xf32> to vector<10000x64xf32>
    %add3A = arith.addf %get3A_3, %get3A_8 : vector<10000x64xf32>
    %get3A_9 = arith.constant 0 : index
    %get3A_10 = arith.constant 0 : index
    %get3A_11 = vector.load %arg2[%get3A_9, %get3A_10] : memref<10000x1xf32, #tpu.memory_space<vmem>>, vector<10000x1xf32>
    %div3A = vector.broadcast %get3A_11 : vector<10000x1xf32> to vector<10000x64xf32>
    %div3A_12 = arith.divf %add3A, %div3A : vector<10000x64xf32>
    %get3A_13 = arith.constant 0 : index
    %get3A_14 = arith.constant 0 : index
    %get3A_15 = vector.load %arg3[%get3A_13, %get3A_14] : memref<1x64xf32, #tpu.memory_space<vmem>>, vector<1x64xf32>
    %add3A_16 = vector.broadcast %get3A_15 : vector<1x64xf32> to vector<10000x64xf32>
    %add3A_17 = arith.addf %div3A_12, %add3A_16 : vector<10000x64xf32>
    %get3A_18 = arith.constant 0 : index
    %get3A_19 = arith.constant 0 : index
    %get3A_20 = vector.load %arg1[%get3A_18, %get3A_19] : memref<10000x64xf32, #tpu.memory_space<vmem>>, vector<10000x64xf32>
    %add3A_21 = arith.addf %add3A_17, %get3A_20 : vector<10000x64xf32>
    %max3A = arith.constant 0.000000e+00 : f32
    %max3A_22 = vector.broadcast %max3A : f32 to vector<10000x64xf32>
    %max3A_23 = arith.maximumf %add3A_21, %max3A_22 : vector<10000x64xf32>
    %get3A_24 = arith.constant 0 : index
    %get3A_25 = arith.constant 0 : index
    %get3A_26 = vector.load %arg4[%get3A_24, %get3A_25] : memref<128x64xf32, #tpu.memory_space<vmem>>, vector<128x64xf32>
    %dot_general3A = arith.constant dense<0.000000e+00> : vector<10000x128xf32>
    %dot_general3A_27 = tpu.matmul %max3A_23, %get3A_26, %dot_general3A {dimension_numbers = #tpu.dot_dimension_numbers<[1], [1], [0], [0], [0, 0, 1, 0], [], []>, transpose_lhs_hint = false} : vector<10000x64xf32>, vector<128x64xf32>, vector<10000x128xf32> -> vector<10000x128xf32>
    %slice3A = vector.extract_strided_slice %dot_general3A_27 {offsets = [0, 0], sizes = [10000, 1], strides = [1, 1]} : vector<10000x128xf32> to vector<10000x1xf32>
    %get3A_28 = arith.constant 0 : index
    %get3A_29 = memref.load %arg5[%get3A_28] : memref<1xf32, #tpu.memory_space<smem>>
    %add3A_30 = vector.broadcast %get3A_29 : f32 to vector<10000x1xf32>
    %add3A_31 = arith.addf %slice3A, %add3A_30 : vector<10000x1xf32>
    %swap3A = arith.constant 0 : index
    %swap3A_32 = arith.constant 0 : index
    %swap3A_33 = vector.load %arg6[%swap3A, %swap3A_32] : memref<10000x1xf32, #tpu.memory_space<vmem>>, vector<10000x1xf32>
    tpu.vector_store %arg6[%swap3A, %swap3A_32], %add3A_31 {strides = array<i32>} : memref<10000x1xf32, #tpu.memory_space<vmem>>, vector<10000x1xf32>,
    return
  }
}

module attributes {stable_mosaic.version = 14 : i64} {
  func.func @_tc2_body(%arg0: memref<2x10240x64xf32, #tpu.memory_space<vmem>>, %arg1: memref<10000x64xf32, #tpu.memory_space<vmem>>, %arg2: memref<10000x1xf32, #tpu.memory_space<vmem>>, %arg3: memref<1x64xf32, #tpu.memory_space<vmem>>, %arg4: memref<64x64xf32, #tpu.memory_space<vmem>>, %arg5: memref<64x64xf32, #tpu.memory_space<vmem>>, %arg6: memref<10000x64xf32, #tpu.memory_space<vmem>>, %arg7: memref<10000x64xf32, #tpu.memory_space<vmem>>) attributes {dimension_semantics = [], scalar_prefetch = 0 : i64, scratch_operands = 0 : i64, tpu.core_type = #tpu.core_type<tc>} {
    %get3A = arith.constant 0 : index
    %get3A_0 = arith.constant 0 : index
    %get3A_1 = arith.constant 0 : index
    %get3A_2 = vector.load %arg0[%get3A, %get3A_0, %get3A_1] : memref<2x10240x64xf32, #tpu.memory_space<vmem>>, vector<1x10000x64xf32>
    %get3A_3 = vector.shape_cast %get3A_2 : vector<1x10000x64xf32> to vector<10000x64xf32>
    %get3A_4 = arith.constant 1 : index
    %get3A_5 = arith.constant 0 : index
    %get3A_6 = arith.constant 0 : index
    %get3A_7 = vector.load %arg0[%get3A_4, %get3A_5, %get3A_6] : memref<2x10240x64xf32, #tpu.memory_space<vmem>>, vector<1x10000x64xf32>
    %get3A_8 = vector.shape_cast %get3A_7 : vector<1x10000x64xf32> to vector<10000x64xf32>
    %add3A = arith.addf %get3A_3, %get3A_8 : vector<10000x64xf32>
    %get3A_9 = arith.constant 0 : index
    %get3A_10 = arith.constant 0 : index
    %get3A_11 = vector.load %arg2[%get3A_9, %get3A_10] : memref<10000x1xf32, #tpu.memory_space<vmem>>, vector<10000x1xf32>
    %div3A = vector.broadcast %get3A_11 : vector<10000x1xf32> to vector<10000x64xf32>
    %div3A_12 = arith.divf %add3A, %div3A : vector<10000x64xf32>
    %get3A_13 = arith.constant 0 : index
    %get3A_14 = arith.constant 0 : index
    %get3A_15 = vector.load %arg3[%get3A_13, %get3A_14] : memref<1x64xf32, #tpu.memory_space<vmem>>, vector<1x64xf32>
    %add3A_16 = vector.broadcast %get3A_15 : vector<1x64xf32> to vector<10000x64xf32>
    %add3A_17 = arith.addf %div3A_12, %add3A_16 : vector<10000x64xf32>
    %get3A_18 = arith.constant 0 : index
    %get3A_19 = arith.constant 0 : index
    %get3A_20 = vector.load %arg1[%get3A_18, %get3A_19] : memref<10000x64xf32, #tpu.memory_space<vmem>>, vector<10000x64xf32>
    %add3A_21 = arith.addf %add3A_17, %get3A_20 : vector<10000x64xf32>
    %max3A = arith.constant 0.000000e+00 : f32
    %max3A_22 = vector.broadcast %max3A : f32 to vector<10000x64xf32>
    %max3A_23 = arith.maximumf %add3A_21, %max3A_22 : vector<10000x64xf32>
    %get3A_24 = arith.constant 0 : index
    %get3A_25 = arith.constant 0 : index
    %get3A_26 = vector.load %arg4[%get3A_24, %get3A_25] : memref<64x64xf32, #tpu.memory_space<vmem>>, vector<64x64xf32>
    %dot_general3A = arith.constant dense<0.000000e+00> : vector<10000x64xf32>
    %dot_general3A_27 = tpu.matmul %max3A_23, %get3A_26, %dot_general3A {dimension_numbers = #tpu.dot_dimension_numbers<[1], [1], [0], [0], [0, 0, 1, 0], [], []>, transpose_lhs_hint = false} : vector<10000x64xf32>, vector<64x64xf32>, vector<10000x64xf32> -> vector<10000x64xf32>
    %swap3A = arith.constant 0 : index
    %swap3A_28 = arith.constant 0 : index
    %swap3A_29 = vector.load %arg6[%swap3A, %swap3A_28] : memref<10000x64xf32, #tpu.memory_space<vmem>>, vector<10000x64xf32>
    tpu.vector_store %arg6[%swap3A, %swap3A_28], %dot_general3A_27 {strides = array<i32>} : memref<10000x64xf32, #tpu.memory_space<vmem>>, vector<10000x64xf32>,
    %get3A_30 = arith.constant 0 : index
    %get3A_31 = arith.constant 0 : index
    %get3A_32 = vector.load %arg5[%get3A_30, %get3A_31] : memref<64x64xf32, #tpu.memory_space<vmem>>, vector<64x64xf32>
    %dot_general3A_33 = arith.constant dense<0.000000e+00> : vector<10000x64xf32>
    %dot_general3A_34 = tpu.matmul %max3A_23, %get3A_32, %dot_general3A_33 {dimension_numbers = #tpu.dot_dimension_numbers<[1], [1], [0], [0], [0, 0, 1, 0], [], []>, transpose_lhs_hint = false} : vector<10000x64xf32>, vector<64x64xf32>, vector<10000x64xf32> -> vector<10000x64xf32>
    %swap3A_35 = arith.constant 0 : index
    %swap3A_36 = arith.constant 0 : index
    %swap3A_37 = vector.load %arg7[%swap3A_35, %swap3A_36] : memref<10000x64xf32, #tpu.memory_space<vmem>>, vector<10000x64xf32>
    tpu.vector_store %arg7[%swap3A_35, %swap3A_36], %dot_general3A_34 {strides = array<i32>} : memref<10000x64xf32, #tpu.memory_space<vmem>>, vector<10000x64xf32>,
    return
  }
}

</mosaic_0001>

<sc_bundles>
// kernel: kernel.12.cloned.1.call-start
scs
__scs_entry_jumppad:
0x0: {  	(pc) =	sbr.rel $0x88, $3  }
0x1: {  	(tag) =	ssettag $0x0;
	lr =	simm.s32 $0x1  }
0x2: {  	[smem:$0x3F94] =	sst lr;
	_ =	strace $0xD0000000  }
0x3: {  	_ = 	snop  }
0x4: {  	_ = 	snop  }
0x5: {  	_ = 	snop  }
0x6: {  	_ = 	snop  }
0x7: {  	_ = 	snop  }
__scs_overlays_trampoline_lowered:
0x8: {  	[smem:$0x3FA3] =	sst s0  }
0x9: {  	[smem:$0x3FA4] =	sst s1  }
0xa: {  	[smem:$0x3FA5] =	sst s2  }
0xb: {  	[smem:$0x3FA6] =	sst s3  }
0xc: {  	[smem:$0x3FA7] =	sst s4  }
0xd: {  	[smem:$0x3FA8] =	sst s5  }
0xe: {  	[smem:$0x3FA9] =	sst s6  }
0xf: {  	[smem:$0x3FAA] =	sst s7  }
0x10: {  	[smem:$0x3FAB] =	sst s8  }
0x11: {  	[smem:$0x3FAC] =	sst s9;
	s0 =	simm.s32 @!p0 $0x0  }
0x12: {  	s1 =	sld [smem:$0x3F92];
	s0 =	simm.s32 @p0 $0x1  }
0x13: {  	[smem:$0x3FAD] =	sst s0;
	s0 =	simm.s32 @!p1 $0x0  }
0x14: {  	s2 =	sld [smem:$0x3F91];
	s0 =	simm.s32 @p1 $0x1  }
0x15: {  	[smem:$0x3FAE] =	sst s0;
	s0 =	simm.s32 @!p2 $0x0  }
0x16: {  	s3 =	sld [smem:$0x3FDB];
	s0 =	simm.s32 @p2 $0x1  }
0x17: {  	s4 =	simm.s32 $0x1BF5;
	[smem:$0x3FB0] =	sst s0  }
0x18: {  	s0 =	sld [smem:$0x3F93];
	_ =	swait.ge [sflag:s4], $0x0  }
0x19: {  	s7 =	sld [smem:$0x3F94]  }
0x1a: {  	s8 =	sadd.s32 $0xFFFFE003, lr  }
0x1b: {  	s9 =	sadd.s32 $0xFFFFFEF7, lr;
	s5 =	simm.s32 $0xFFFFFFFF;
	p2 =	slt.u32 s8, $0xFFFFF086  }
0x1c: {  	p1 =	slt.u32 s9, $0xF7A;
	s5 =	simm.s32 @!p2 $0x0  }
0x1d: {  	s5 =	simm.s32 @p1 $0x1;
	p0 =	seq.s32 s7, s2  }
0x1e: {  	s7 =	smul.u32 @!p0 $0xF7A, s2;
	p2 =	seq.s32 @!p0 s5, $0x0  }
0x1f: {  	s9 =	smul.u32 $0xF7A, s1;
	s8 =	simm.s32 @!p0 $0x1BF5;
	p2 =	por !p2, p0  }
0x20: {  	[sflag:s8] =	ssyncset.s32 @!p0 $0xFFFFF086;
	s6 =	sadd.s32 @!p0 s3, s7;
	s7 =	simm.s32 @!p0 $0x108  }
0x21: {  	s3 =	sadd.s32 s3, s9;
	s6 =	sadd.s32 @!p0 $0x88, s6;
	s7 =	simm.s32 @p2 $0x1082  }
0x22: {  	[simem:s7], [sflag:s8] =	dma.local @!p0 [hbm:s6], $0xF7A  }
0x23: {  	s9 =	sor.u32 $0xD0000000, s2;
	s6 =	simm.s32 $0x108;
	_ =	swait.ge @!p0 [sflag:s8], $0x0  }
0x24: {  	s3 =	sadd.s32 $0x88, s3;
	s6 =	simm.s32 @!p1 $0x1082;
	[sflag:s4] =	ssyncset.s32 $0xFFFFF086  }
0x25: {  	[simem:s6], [sflag:s4] =	dma.local [hbm:s3], $0xF7A  }
0x26: {  	[smem:$0x3F94] =	sst s1;
	(tag) =	ssettag s2;
	_ =	strace s9  }
0x27: {  	s1 =	sld [smem:$0x3FA4]  }
0x28: {  	s2 =	sld [smem:$0x3FA5]  }
0x29: {  	s4 =	sld [smem:$0x3FA7]  }
0x2a: {  	p0 =	seq.s32 s5, $0x0;
	s5 =	sld [smem:$0x3FA8]  }
0x2b: {  	s6 =	sld [smem:$0x3FA9]  }
0x2c: {  	s7 =	sld [smem:$0x3FAA]  }
0x2d: {  	s3 =	simm.s32 $0x108;
	s8 =	sld [smem:$0x3FAB]  }
0x2e: {  	s3 =	simm.s32 @!p0 $0x1082;
	s9 =	sld [smem:$0x3FAC]  }
0x2f: {  	lr =	sadd.s32 s0, s3;
	s0 =	sld [smem:$0x3FA3]  }
0x30: {  	s3 =	sld [smem:$0x3FA6]  }
0x31: {  	[smem:$0x3FAF] =	sst s10  }
0x32: {  	s10 =	sld [smem:$0x3FAD];
	_ =	sdelay $0x3  }
0x33: {  	p0 =	seq.s32 s10, $0x1;
	s10 =	sld [smem:$0x3FAF];
	_ =	sdelay $0x3  }
0x34: {  	[smem:$0x3FAF] =	sst s10  }
0x35: {  	s10 =	sld [smem:$0x3FAE];
	_ =	sdelay $0x3  }
0x36: {  	p1 =	seq.s32 s10, $0x1;
	s10 =	sld [smem:$0x3FAF];
	_ =	sdelay $0x3  }
0x37: {  	[smem:$0x3FAF] =	sst s10  }
0x38: {  	s10 =	sld [smem:$0x3FB0]  }
0x39: {  	_ = 	snop;
	(pc) =	sbr.ind lr, $3  }
0x3a: {  	_ = 	snop  }
0x3b: {  	_ = 	snop  }
0x3c: {  	p2 =	seq.s32 s10, $0x1;
	s10 =	sld [smem:$0x3FAF]  }
0x3d: {  	_ =	shalt  }
0x3e: {  	_ =	shalt  }
0x3f: {  	_ =	shalt  }
0x40: {  	_ =	shalt  }
0x41: {  	_ =	shalt  }
0x42: {  	_ =	shalt  }
0x43: {  	_ =	shalt  }
0x44: {  	_ =	shalt  }
0x45: {  	_ =	shalt  }
0x46: {  	_ =	shalt  }
0x47: {  	_ =	shalt  }
0x48: {  	_ =	shalt  }
0x49: {  	_ =	shalt  }
0x4a: {  	_ =	shalt  }
0x4b: {  	_ =	shalt  }
0x4c: {  	_ =	shalt  }
0x4d: {  	_ =	shalt  }
0x4e: {  	_ =	shalt  }
0x4f: {  	_ =	shalt  }
0x50: {  	_ =	shalt  }
0x51: {  	_ =	shalt  }
0x52: {  	_ =	shalt  }
0x53: {  	_ =	shalt  }
0x54: {  	_ =	shalt  }
0x55: {  	_ =	shalt  }
0x56: {  	_ =	shalt  }
0x57: {  	_ =	shalt  }
0x58: {  	_ =	shalt  }
0x59: {  	_ =	shalt  }
0x5a: {  	_ =	shalt  }
0x5b: {  	_ =	shalt  }
0x5c: {  	_ =	shalt  }
0x5d: {  	_ =	shalt  }
0x5e: {  	_ =	shalt  }
0x5f: {  	_ =	shalt  }
0x60: {  	_ =	shalt  }
0x61: {  	_ =	shalt  }
0x62: {  	_ =	shalt  }
0x63: {  	_ =	shalt  }
0x64: {  	_ =	shalt  }
0x65: {  	_ =	shalt  }
0x66: {  	_ =	shalt  }
0x67: {  	_ =	shalt  }
0x68: {  	_ =	shalt  }
0x69: {  	_ =	shalt  }
0x6a: {  	_ =	shalt  }
0x6b: {  	_ =	shalt  }
0x6c: {  	_ =	shalt  }
0x6d: {  	_ =	shalt  }
0x6e: {  	_ =	shalt  }
0x6f: {  	_ =	shalt  }
0x70: {  	_ =	shalt  }
0x71: {  	_ =	shalt  }
0x72: {  	_ =	shalt  }
0x73: {  	_ =	shalt  }
0x74: {  	_ =	shalt  }
0x75: {  	_ =	shalt  }
0x76: {  	_ =	shalt  }
0x77: {  	_ =	shalt  }
0x78: {  	_ =	shalt  }
0x79: {  	_ =	shalt  }
0x7a: {  	_ =	shalt  }
0x7b: {  	_ =	shalt  }
0x7c: {  	_ =	shalt  }
0x7d: {  	_ =	shalt  }
0x7e: {  	_ =	shalt  }
0x7f: {  	_ =	shalt  }
0x80: {  	_ =	shalt  }
0x81: {  	_ =	shalt  }
0x82: {  	_ =	shalt  }
0x83: {  	_ =	shalt  }
0x84: {  	_ =	shalt  }
0x85: {  	_ =	shalt  }
0x86: {  	_ =	shalt  }
0x87: {  	_ =	shalt  }
.Lfunc_end0:
.L_simem_size_0:
called_computation.1_lowered:
.L_overlay_start_0:
0x88: {  	s2 =	sld [smem:$0x3FD9]  }
0x89: {  	s3 =	sld [smem:$0x3FFE];
	_ =	sdelay $0x1  }
0x8a: {  	s1 =	srdreg.scid  }
0x8b: {  	s0 =	sand.u32 $0x1, s1  }
0x8c: {  	s16 =	sshll.u32 s0, $0xA;
	s2 =	sadd.s32 s3, s2  }
0x8d: {  	s2 =	sadd.s32 s2, s16  }
0x8e: {  	[smem:$0x3FBB] =	sst s2  }
0x8f: {  	_ = 	snop  }
0x90: {  	(tm) =	ssettm $0x1  }
0x91: {  	s17 =	sld [smem:$0x3FFB];
	_ =	sdelay $0x3  }
0x92: {  	_ =	strace s17  }
0x93: {  	s2 =	sld [smem:$0x3FFC];
	_ =	sdelay $0x3  }
0x94: {  	_ =	strace s2  }
0x95: {  	s2 =	sld [smem:$0x3FFD];
	_ =	sdelay $0x3  }
0x96: {  	_ =	strace s2  }
0x97: {  	_ =	strace $0x8FFFFFFF  }
0x98: {  	s18 =	sld [smem:$0x3FDB];
	_ =	sdelay $0x1  }
0x99: {  	s19 =	simm.s32 $_scs_section_size  }
0x9a: {  	s4 =	simm.s32 $_size__tile_overlayer_lowered;
	s5 =	simm.s32 $_tile_overlayer_lowered  }
0x9b: {  	s22 =	simm.s32 $0x1BFF;
	s21 =	sshll.u32 s5, $0x1;
	s2 =	sadd.s32 s19, s18  }
0x9c: {  	s6 =	simm.s32 $0x0;
	s20 =	sshll.u32 s4, $0x1;
	s4 =	sadd.s32 s21, s2  }
0x9d: {  	[timem:s6], [sflag:s22] =	dma.local [hbm:s4], s20  }
0x9e: {  	_ =	swait.ge [sflag:s22], s20  }
0x9f: {  	s3 =	ssub.s32 $0x0, s20;
	[sflag:s22] =	ssyncset.done $0x0  }
0xa0: {  	[sflag:s22] =	ssyncadd.s32 s3;
	_ =	sdelay $0x1  }
0xa1: {  	s23 =	simm.s32 $0x1B8B  }
0xa2: {  	_ =	swait.ge [sflag:s23], $0x1  }
0xa3: {  	[sflag:s23] =	ssyncset.done $0x0  }
0xa4: {  	s25 =	simm.s32 $0x1B8E;
	s24 =	sld [smem:$0x3FFE];
	[sflag:s23] =	ssyncadd.s32 $0xFFFFFFFF  }
0xa5: {  	s26 =	simm.s32 $execute0_lowered;
	[smem:$0x3FD2] =	sst s25  }
0xa6: {  	s4 =	sshll.u32 s26, $0x1;
	_ =	strace $0x80000049;
	[dreg:$0x1] =	wrdreg $0xFFFFFFFF  }
0xa7: {  	s28 =	simm.s32 $_size_execute0_lowered;
	s2 =	sadd.s32 s2, s4;
	[dreg:$0x0] =	wrdreg $0x0  }
0xa8: {  	s4 =	sshll.u32 s28, $0x1;
	[dreg:$0x2] =	wrdreg s2  }
0xa9: {  	[dreg:$0x3] =	wrdreg s4  }
0xaa: {  	[dreg:$0x4] =	wrdreg $0xC0  }
0xab: {  	_ =	task [dreg:s6], $0x5FFFF  }
0xac: {  	[dreg:$0x1] =	wrdreg $0xFFFFFFFF  }
0xad: {  	[dreg:$0x0] =	wrdreg $0x60  }
0xae: {  	[dreg:$0x2] =	wrdreg s24  }
0xaf: {  	[dreg:$0x3] =	wrdreg $0x0  }
0xb0: {  	[dreg:$0x4] =	wrdreg $0x9  }
0xb1: {  	_ =	task.clear_ibuf [dreg:s6], $0x5FFFF;
	_ =	strace $0x90000049  }
0xb2: {  	s29 =	simm.s32 $0x9;
	_ =	strace $0x8000004B  }
0xb3: {  	_ =	swait.ge [sflag:s29], $0x1  }
0xb4: {  	[sflag:s29] =	ssyncadd.s32 $0xFFFFFFFF  }
0xb5: {  	_ =	strace $0x9000004B  }
0xb6: {  	_ =	sfence  }
0xb7: {  	s30 =	sld [smem:$0x0];
	_ =	sdelay $0x2  }
0xb8: {  	s31 =	sshll.u32 s1, $0xD;
	s1 =	sshrl.u32 s1, $0x2  }
0xb9: {  	s3 =	sand.u32 $0x4000, s31;
	s1 =	sadd.s32 s1, s30  }
0xba: {  	s0 =	sor.u32 s3, s0;
	s1 =	sshll.u32 s1, $0x11  }
0xbb: {  	s0 =	sor.u32 s1, s0  }
0xbc: {  	s0 =	sadd.s32 $0x8F2B, s0  }
0xbd: {  	[sflag:s0] =	ssyncadd.remote.s32 $0x1  }
0xbe: {  	_ =	sfence.sel $0xFFFF  }
0xbf: {  	[dreg:$0x0] =	wrdreg $0xFFFFFFFF;
	(pc) =	sbr.abs _section_cstart, $3  }
0xc0: {  	[dreg:$0x1] =	wrdreg $0xFFFFFFFF  }
0xc1: {  	_ =	task.clear_ibuf [dreg:s6], $0x2FFFF;
	_ =	strace $0x9FFFFFFF  }
0xc2: {  	(tm) =	ssettm $0x7FFFFFFF  }
0xc3: {  	_ =	shalt  }
tec
execute0_lowered:
.L_overlay_start_1:
0x0: {  	(tag) =	ssettag $0x1  }
0x1: {  	s0 =	srdreg.scid;
	s3 =	rddreg [dreg:$0x0]  }
0x2: {  	s7 =	stileid.u32;
	s2 =	rddreg [dreg:$0x1]  }
0x3: {  	s4 =	simm.s32 $0x0;
	s28 =	simm.s32 $0x11620;
	s30 =	simm.s32 $0x12A20  }
0x4: {  	s31 =	simm.s32 $0x13E20;
	s29 =	simm.s32 $0x5;
	s12 =	simm.s32 $0x0  }
0x5: {  	s0 =	sand.u32 $0x1, s0;
	s5 =	smul.u32 $0xA000, s7;
	[smem:$0x7FF] =	sst s4  }
0x6: {  	s4 =	sadd.s32 $0x15E00, s3;
	s1 =	sshll.u32 s0, $0x4;
	s6 =	smul.u32 $0xA0000, s0  }
0x7: {  	s0 =	ssub.s32 $0x2, s0;
	s1 =	sor.u32 s7, s1;
	s7 =	smul.u32 $0x28000, s7  }
0x8: {  	_ =	strace $0x8000004A;
	s8 =	sshrl.u32 s0, $0x1;
	s1 =	smul.u32 $0x2710, s1  }
0x9: {  	s6 =	sadd.s32 s5, s6;
	s0 =	ssub.s32 s0, s8;
	s17 =	sshrl.u32 s7, $0x2  }
0xa: {  	s6 =	sshrl.u32 s6, $0x3;
	s0 =	smax.u32 s0, $0x1;
	s19 =	sadd.s32 s17, s2  }
0xb: {  	s7 =	sadd.s32 s5, s2;
	[dreg:$0xd] =	wrdreg s0;
	s20 =	sadd.s32 $0x1400, s19  }
0xc: {  	s1 =	sshrl.u32 s1, $0x3;
	s21 =	sadd.s32 $0x2800, s19;
	[dreg:$0x5] =	wrdreg s20  }
0xd: {  	s1 =	sadd.s32 s1, s3;
	s22 =	sadd.s32 $0x3C00, s19;
	[dreg:$0x6] =	wrdreg s21  }
0xe: {  	s3 =	sadd.s32 s6, s3;
	s23 =	sadd.s32 $0x5000, s19;
	[dreg:$0x7] =	wrdreg s22  }
0xf: {  	s24 =	sadd.s32 $0x6400, s19;
	s25 =	sadd.s32 $0x7800, s19;
	[dreg:$0x8] =	wrdreg s23  }
0x10: {  	s6 =	simm.s32 $0xA000;
	s18 =	sadd.s32 $0x2400, s1;
	[dreg:$0x9] =	wrdreg s24  }
0x11: {  	s1 =	sadd.s32 $0xC040, s1;
	[dreg:$0xa] =	wrdreg s25;
	s26 =	sadd.s32 $0x29800, s3  }
0x12: {  	s20 =	simm.s32 $0x12;
	s21 =	simm.s32 $0x11;
	s22 =	simm.s32 $0x50  }
0x13: {  	s23 =	simm.s32 $0xEE20;
	s25 =	simm.s32 $0x10220;
	[dreg:$0x3] =	wrdreg s18  }
0x14: {  	s24 =	simm.s32 $0x3;
	[dreg:$0x4] =	wrdreg s1;
	s1 =	sadd.s32 $0x8C00, s19  }
0x15: {  	[dreg:$0xc] =	wrdreg s26;
	s19 =	simm.s32 $0x18E20;
	s18 =	simm.s32 $0x2  }
0x16: {  	v0 =	vimm.f32 $0.0e+00;
	s26 =	simm.s32 $0x4;
	[dreg:$0xb] =	wrdreg s1;
	s1 =	simm.s32 $0x1  }
.LBB2_1:
0x17: {  	s0 =	simm.s32 $0x0;
	s3 =	rddreg [dreg:$0x3]  }
0x18: {  	[tilespmem:s6], [sflag:$0x11] =	stream.linear.gather [hbm4b:s3+s0], $0x2710, $0x38;
	[tilespmem:$0x1A220] =	vst v63  }
0x19: {  	s17 =	rddreg [dreg:$0x4];
	s5 =	simm.s32 $0xC710  }
0x1a: {  	[tilespmem:s5], [sflag:$0x11] =	stream.linear.gather [hbm4b:s17+s0], $0x2710, $0x38;
	[tilespmem:$0x1A220] =	vst v63  }
0x1b: {  	s3 =	simm.s32 $0x100;
	s0 =	simm.s32 $0x0  }
.LBB2_2:
0x1c: {  	p0 =	sne.s32 s3, $0x4F00;
	[tilespmem:s0+$0x18E50] =	vst v0;
	s5 =	smov.u32 s3;
	s3 =	sadd.s32 $0x100, s3  }
.Ltmp0:
0x1d: {  	[tilespmem:s0+$0x18E40] =	vst v0;
	(pc) =	sbr.rel @p0 .LBB2_2-.Ltmp0, $3  }
0x1e: {  	[tilespmem:s0+$0x18E20] =	vst v0  }
0x1f: {  	[tilespmem:s0+$0x18E30] =	vst v0;
	_ =	sdelay $0x1  }
0x20: {  	s0 =	sshra.s32 s5, $0x2  }
0x21: {  	[tilespmem:s0+$0x18E50] =	vst v0  }
0x22: {  	[tilespmem:s0+$0x18E40] =	vst v0  }
0x23: {  	[tilespmem:s0+$0x18E20] =	vst v0  }
0x24: {  	[tilespmem:s0+$0x18E30] =	vst v0  }
0x25: {  	[spmem:s7] =	stream.linear.scatter [tilespmem:s19], [sflag:$0x12], $0x1400, $0x38;
	[tilespmem:$0x1A220] =	vst v63  }
0x26: {  	s13 =	rddreg [dreg:$0x5]  }
0x27: {  	[spmem:s13] =	stream.linear.scatter [tilespmem:s19], [sflag:$0x12], $0x1400, $0x38;
	[tilespmem:$0x1A220] =	vst v63  }
0x28: {  	s14 =	rddreg [dreg:$0x6]  }
0x29: {  	[spmem:s14] =	stream.linear.scatter [tilespmem:s19], [sflag:$0x12], $0x1400, $0x38;
	[tilespmem:$0x1A220] =	vst v63  }
0x2a: {  	s15 =	rddreg [dreg:$0x7]  }
0x2b: {  	[spmem:s15] =	stream.linear.scatter [tilespmem:s19], [sflag:$0x12], $0x1400, $0x38;
	[tilespmem:$0x1A220] =	vst v63  }
0x2c: {  	s16 =	rddreg [dreg:$0x8]  }
0x2d: {  	[spmem:s16] =	stream.linear.scatter [tilespmem:s19], [sflag:$0x12], $0x1400, $0x38;
	[tilespmem:$0x1A220] =	vst v63  }
0x2e: {  	s17 =	rddreg [dreg:$0x9]  }
0x2f: {  	[spmem:s17] =	stream.linear.scatter [tilespmem:s19], [sflag:$0x12], $0x1400, $0x38;
	[tilespmem:$0x1A220] =	vst v63  }
0x30: {  	s3 =	rddreg [dreg:$0xa]  }
0x31: {  	[spmem:s3] =	stream.linear.scatter [tilespmem:s19], [sflag:$0x12], $0x1400, $0x38;
	[tilespmem:$0x1A220] =	vst v63  }
0x32: {  	s5 =	rddreg [dreg:$0xb]  }
0x33: {  	[spmem:s5] =	stream.linear.scatter [tilespmem:s19], [sflag:$0x12], $0x1400, $0x38;
	[tilespmem:$0x1A220] =	vst v63  }
0x34: {  	_ =	swait.ge [sflag:s20], $0x1400  }
0x35: {  	[sflag:s20] =	ssyncset.done $0x0  }
0x36: {  	[sflag:s20] =	ssyncadd.s32 $0xFFFFEC00  }
0x37: {  	_ =	swait.ge [sflag:s20], $0x1400  }
0x38: {  	[sflag:s20] =	ssyncset.done $0x0  }
0x39: {  	[sflag:s20] =	ssyncadd.s32 $0xFFFFEC00  }
0x3a: {  	_ =	swait.ge [sflag:s20], $0x1400  }
0x3b: {  	[sflag:s20] =	ssyncset.done $0x0  }
0x3c: {  	[sflag:s20] =	ssyncadd.s32 $0xFFFFEC00  }
0x3d: {  	_ =	swait.ge [sflag:s20], $0x1400  }
0x3e: {  	[sflag:s20] =	ssyncset.done $0x0  }
0x3f: {  	[sflag:s20] =	ssyncadd.s32 $0xFFFFEC00  }
0x40: {  	_ =	swait.ge [sflag:s20], $0x1400  }
0x41: {  	[sflag:s20] =	ssyncset.done $0x0  }
0x42: {  	[sflag:s20] =	ssyncadd.s32 $0xFFFFEC00  }
0x43: {  	_ =	swait.ge [sflag:s20], $0x1400  }
0x44: {  	[sflag:s20] =	ssyncset.done $0x0  }
0x45: {  	[sflag:s20] =	ssyncadd.s32 $0xFFFFEC00  }
0x46: {  	_ =	swait.ge [sflag:s20], $0x1400  }
0x47: {  	[sflag:s20] =	ssyncset.done $0x0  }
0x48: {  	[sflag:s20] =	ssyncadd.s32 $0xFFFFEC00  }
0x49: {  	_ =	swait.ge [sflag:s20], $0x1400  }
0x4a: {  	[sflag:s20] =	ssyncset.done $0x0  }
0x4b: {  	[sflag:s20] =	ssyncadd.s32 $0xFFFFEC00  }
0x4c: {  	_ =	swait.ge [sflag:s21], $0x2710  }
0x4d: {  	[sflag:s21] =	ssyncset.done $0x0  }
0x4e: {  	[sflag:s21] =	ssyncadd.s32 $0xFFFFD8F0  }
0x4f: {  	_ =	swait.ge [sflag:s21], $0x2710  }
0x50: {  	[sflag:s21] =	ssyncset.done $0x0  }
0x51: {  	[sflag:s21] =	ssyncadd.s32 $0xFFFFD8F0  }
0x52: {  	[bflag:$0x0] =	sbarrier.arrive $0xFFFF  }
0x53: {  	[tilespmem:s23], [sflag:$0x1] =	stream.indirect.gather [hbm4b:s4+s22], $0x40, s6, s22, $0xb8;
	[tilespmem:$0x1A220] =	vst v63  }
0x54: {  	s8 =	simm.s32 $0xA050;
	p0 =	por $0x1, $0x1  }
0x55: {  	[tilespmem:s25], [sflag:$0x2] =	stream.indirect.gather [hbm4b:s4+s22], $0x40, s8, s22, $0xb8;
	[tilespmem:$0x1A220] =	vst v63  }
0x56: {  	s9 =	simm.s32 $0xA0A0;
	p0 =	por p0, p0  }
0x57: {  	[tilespmem:s28], [sflag:$0x3] =	stream.indirect.gather [hbm4b:s4+s22], $0x40, s9, s22, $0xb8;
	[tilespmem:$0x1A220] =	vst v63  }
0x58: {  	s10 =	simm.s32 $0xA0F0;
	s0 =	simm.s32 @!p0 $0xD  }
0x59: {  	[tilespmem:s30], [sflag:$0x4] =	stream.indirect.gather [hbm4b:s4+s22], $0x40, s10, s22, $0xb8;
	[tilespmem:$0x1A220] =	vst v63  }
0x5a: {  	_ =	swait.ge @!p0 [sflag:s0], $0x1400  }
0x5b: {  	[sflag:s0] =	ssyncset.done @!p0 $0x0  }
0x5c: {  	s11 =	simm.s32 $0xA140;
	[sflag:s0] =	ssyncadd.s32 @!p0 $0xFFFFEC00;
	p0 =	por $0x0, $0x0  }
0x5d: {  	[tilespmem:s31], [sflag:$0x5] =	stream.indirect.gather [hbm4b:s4+s22], $0x40, s11, s22, $0xb8;
	[tilespmem:$0x1A220] =	vst v63  }
0x5e: {  	p1 =	por @!p0 $0x1, $0x1;
	_ =	swait.ge [sflag:s1], $0x1400  }
0x5f: {  	p1 =	por p1, p0;
	[sflag:s1] =	ssyncset.done $0x0  }
0x60: {  	s13 =	simm.s32 $0xC710;
	s5 =	simm.s32 @!p1 $0xE;
	[sflag:s1] =	ssyncadd.s32 $0xFFFFEC00  }
0x61: {  	[spmem:s2] =	stream.indirect.scatter.add.f32 [tilespmem:s23], [sflag:$0x9], $0x40, s13, s22, $0xb8;
	[tilespmem:$0x1A220] =	vst v63  }
0x62: {  	_ =	swait.ge @!p1 [sflag:s5], $0x1400  }
0x63: {  	s6 =	simm.s32 @!p0 $0xA190;
	s0 =	simm.s32 @!p0 $0x50;
	[sflag:s5] =	ssyncset.done @!p1 $0x0  }
0x64: {  	s3 =	simm.s32 @!p0 $0x15220;
	[sflag:s5] =	ssyncadd.s32 @!p1 $0xFFFFEC00;
	p1 =	por $0x0, $0x0  }
0x65: {  	[tilespmem:s3], [sflag:$0x6] =	stream.indirect.gather @!p0 [hbm4b:s4+s0], $0x40, s6, s0, $0xb8;
	[tilespmem:$0x1A220] =	vst v63  }
0x66: {  	p2 =	por @!p1 $0x1, $0x1;
	_ =	swait.ge [sflag:s18], $0x1400  }
0x67: {  	p2 =	por p2, p1;
	[sflag:s18] =	ssyncset.done $0x0  }
0x68: {  	s14 =	simm.s32 $0xC760;
	s6 =	simm.s32 @!p2 $0xF;
	[sflag:s18] =	ssyncadd.s32 $0xFFFFEC00  }
0x69: {  	[spmem:s2] =	stream.indirect.scatter.add.f32 [tilespmem:s25], [sflag:$0xA], $0x40, s14, s22, $0xb8;
	[tilespmem:$0x1A220] =	vst v63  }
0x6a: {  	_ =	swait.ge @!p2 [sflag:s6], $0x1400  }
0x6b: {  	s5 =	simm.s32 @!p1 $0xA1E0;
	s13 =	simm.s32 @!p1 $0x50;
	[sflag:s6] =	ssyncset.done @!p2 $0x0  }
0x6c: {  	s14 =	simm.s32 @!p1 $0x16620;
	[sflag:s6] =	ssyncadd.s32 @!p2 $0xFFFFEC00;
	p2 =	por $0x0, $0x0  }
0x6d: {  	[tilespmem:s14], [sflag:$0x7] =	stream.indirect.gather @!p1 [hbm4b:s4+s13], $0x40, s5, s13, $0xb8;
	[tilespmem:$0x1A220] =	vst v63  }
0x6e: {  	p1 =	por @!p2 $0x1, $0x1;
	_ =	swait.ge [sflag:s24], $0x1400  }
0x6f: {  	p1 =	por p1, p2;
	[sflag:s24] =	ssyncset.done $0x0  }
0x70: {  	s15 =	simm.s32 $0xC7B0;
	s6 =	simm.s32 @!p1 $0x10;
	[sflag:s24] =	ssyncadd.s32 $0xFFFFEC00  }
0x71: {  	[spmem:s2] =	stream.indirect.scatter.add.f32 [tilespmem:s28], [sflag:$0xB], $0x40, s15, s22, $0xb8;
	[tilespmem:$0x1A220] =	vst v63  }
0x72: {  	_ =	swait.ge @!p1 [sflag:s6], $0x1400  }
0x73: {  	s5 =	simm.s32 @!p2 $0xA230;
	[sflag:s6] =	ssyncset.done @!p1 $0x0  }
0x74: {  	s13 =	simm.s32 @!p2 $0x50;
	s14 =	simm.s32 @!p2 $0x17A20;
	[sflag:s6] =	ssyncadd.s32 @!p1 $0xFFFFEC00  }
0x75: {  	[tilespmem:s14], [sflag:$0x8] =	stream.indirect.gather @!p2 [hbm4b:s4+s13], $0x40, s5, s13, $0xb8;
	[tilespmem:$0x1A220] =	vst v63  }
0x76: {  	_ =	swait.ge [sflag:s26], $0x1400  }
0x77: {  	p1 =	por $0x0, $0x0;
	[sflag:s26] =	ssyncset.done $0x0  }
0x78: {  	s16 =	simm.s32 $0xC800;
	s6 =	simm.s32 @!p1 $0x9;
	[sflag:s26] =	ssyncadd.s32 $0xFFFFEC00  }
0x79: {  	[spmem:s2] =	stream.indirect.scatter.add.f32 [tilespmem:s30], [sflag:$0xC], $0x40, s16, s22, $0xb8;
	[tilespmem:$0x1A220] =	vst v63  }
0x7a: {  	_ =	swait.ge @!p1 [sflag:s6], $0x1400  }
0x7b: {  	s5 =	simm.s32 @!p1 $0xA280;
	[sflag:s6] =	ssyncset.done @!p1 $0x0  }
0x7c: {  	s13 =	simm.s32 @!p1 $0x50;
	s14 =	simm.s32 @!p1 $0xEE20;
	[sflag:s6] =	ssyncadd.s32 @!p1 $0xFFFFEC00  }
0x7d: {  	[tilespmem:s14], [sflag:$0x1] =	stream.indirect.gather @!p1 [hbm4b:s4+s13], $0x40, s5, s13, $0xb8;
	[tilespmem:$0x1A220] =	vst v63  }
0x7e: {  	_ =	swait.ge [sflag:s29], $0x1400  }
0x7f: {  	[sflag:s29] =	ssyncset.done $0x0  }
0x80: {  	s17 =	simm.s32 $0xC850;
	s6 =	simm.s32 @!p0 $0xA;
	[sflag:s29] =	ssyncadd.s32 $0xFFFFEC00  }
0x81: {  	[spmem:s2] =	stream.indirect.scatter.add.f32 [tilespmem:s31], [sflag:$0xD], $0x40, s17, s22, $0xb8;
	[tilespmem:$0x1A220] =	vst v63  }
0x82: {  	_ =	swait.ge @!p0 [sflag:s6], $0x1400  }
0x83: {  	s5 =	simm.s32 @!p0 $0xA2D0;
	[sflag:s6] =	ssyncset.done @!p0 $0x0  }
0x84: {  	s13 =	simm.s32 @!p0 $0x10220;
	[sflag:s6] =	ssyncadd.s32 @!p0 $0xFFFFEC00;
	s6 =	simm.s32 @!p0 $0x6  }
0x85: {  	[tilespmem:s13], [sflag:$0x2] =	stream.indirect.gather @!p0 [hbm4b:s4+s0], $0x40, s5, s0, $0xb8;
	[tilespmem:$0x1A220] =	vst v63  }
0x86: {  	p1 =	por @!p0 $0x0, $0x0;
	_ =	swait.ge @!p0 [sflag:s6], $0x1400  }
0x87: {  	p1 =	por p1, p0;
	[sflag:s6] =	ssyncset.done @!p0 $0x0  }
0x88: {  	s5 =	simm.s32 @!p0 $0xC8A0;
	[sflag:s6] =	ssyncadd.s32 @!p0 $0xFFFFEC00;
	s6 =	simm.s32 @!p1 $0xB  }
0x89: {  	[spmem:s2] =	stream.indirect.scatter.add.f32 @!p0 [tilespmem:s3], [sflag:$0xE], $0x40, s5, s0, $0xb8;
	[tilespmem:$0x1A220] =	vst v63  }
0x8a: {  	p3 =	por $0x0, $0x0;
	_ =	swait.ge @!p1 [sflag:s6], $0x1400  }
0x8b: {  	s0 =	simm.s32 @!p1 $0xA320;
	s3 =	simm.s32 @!p1 $0x50;
	[sflag:s6] =	ssyncset.done @!p1 $0x0  }
0x8c: {  	s5 =	simm.s32 @!p1 $0x11620;
	[sflag:s6] =	ssyncadd.s32 @!p1 $0xFFFFEC00;
	s6 =	simm.s32 @!p1 $0x7  }
0x8d: {  	[tilespmem:s5], [sflag:$0x3] =	stream.indirect.gather @!p1 [hbm4b:s4+s3], $0x40, s0, s3, $0xb8;
	[tilespmem:$0x1A220] =	vst v63  }
0x8e: {  	s15 =	simm.s32 $0x1400;
	p2 =	por @!p0 $0x0, $0x0;
	_ =	swait.ge @!p1 [sflag:s6], $0x1400  }
0x8f: {  	p2 =	por p2, p0;
	s0 =	simm.s32 @!p1 $0xC8F0;
	[sflag:s6] =	ssyncset.done @!p1 $0x0  }
0x90: {  	s5 =	simm.s32 @!p1 $0x16620;
	[sflag:s6] =	ssyncadd.s32 @!p1 $0xFFFFEC00;
	s6 =	simm.s32 @!p2 $0xC  }
0x91: {  	[spmem:s2] =	stream.indirect.scatter.add.f32 @!p1 [tilespmem:s5], [sflag:$0xF], $0x40, s0, s3, $0xb8;
	[tilespmem:$0x1A220] =	vst v63  }
0x92: {  	s14 =	simm.s32 $0xF;
	s17 =	simm.s32 @!p2 $0x17A20;
	_ =	swait.ge @!p2 [sflag:s6], $0x1400  }
0x93: {  	s3 =	simm.s32 @!p2 $0xA370;
	s0 =	simm.s32 @!p2 $0x50;
	[sflag:s6] =	ssyncset.done @!p2 $0x0  }
0x94: {  	s5 =	simm.s32 @!p2 $0x12A20;
	[sflag:s6] =	ssyncadd.s32 @!p2 $0xFFFFEC00;
	s6 =	simm.s32 @!p2 $0x8  }
0x95: {  	[tilespmem:s5], [sflag:$0x4] =	stream.indirect.gather @!p2 [hbm4b:s4+s0], $0x40, s3, s0, $0xb8;
	[tilespmem:$0x1A220] =	vst v63  }
0x96: {  	s13 =	simm.s32 $0xA00;
	p1 =	por p3, p3;
	_ =	swait.ge @!p2 [sflag:s6], $0x1400  }
0x97: {  	s3 =	simm.s32 @!p2 $0xC940;
	s5 =	simm.s32 @!p1 $0xD;
	[sflag:s6] =	ssyncset.done @!p2 $0x0  }
.LBB2_4:
0x98: {  	p5 =	seq.s32 s15, $0x0  }
0x99: {  	[sflag:s6] =	ssyncadd.s32 @!p2 $0xFFFFEC00;
	s16 =	smov.u32 s15;
	s15 =	sadd.s32 $0xA00, s15  }
0x9a: {  	[spmem:s2] =	stream.indirect.scatter.add.f32 @!p2 [tilespmem:s17], [sflag:$0x10], $0x40, s3, s0, $0xb8;
	[tilespmem:$0x1A220] =	vst v63  }
0x9b: {  	p0 =	sne.s32 s15, $0xA000  }
0x9c: {  	s0 =	simm.s32 @!p0 $0x0  }
0x9d: {  	s0 =	simm.s32 @p0 $0x1  }
0x9e: {  	[smem:$0x7FD] =	sst s0  }
0x9f: {  	_ =	swait.ge @!p1 [sflag:s5], $0x1400  }
0xa0: {  	s9 =	sadd.s32 $0xFFFFFFFE, s14;
	s0 =	sshra.s32 s13, $0x2;
	[sflag:s5] =	ssyncset.done @!p1 $0x0  }
0xa1: {  	p2 =	sgt.u32 s9, $0x7C;
	s8 =	sadd.s32 $0xA140, s0;
	[sflag:s5] =	ssyncadd.s32 @!p1 $0xFFFFEC00  }
0xa2: {  	[tilespmem:s31], [sflag:$0x5] =	stream.indirect.gather [hbm4b:s4+s22], $0x40, s8, s22, $0xb8;
	[tilespmem:$0x1A220] =	vst v63  }
0xa3: {  	p0 =	seq.s32 @!p2 s13, $0x0;
	_ =	swait.ge [sflag:s1], $0x1400  }
0xa4: {  	p1 =	por p0, p2;
	[sflag:s1] =	ssyncset.done $0x0  }
0xa5: {  	s10 =	sadd.s32 $0xC710, s0;
	s9 =	simm.s32 @!p1 $0xE;
	[sflag:s1] =	ssyncadd.s32 $0xFFFFEC00  }
0xa6: {  	[spmem:s2] =	stream.indirect.scatter.add.f32 [tilespmem:s23], [sflag:$0x9], $0x40, s10, s22, $0xb8;
	[tilespmem:$0x1A220] =	vst v63  }
0xa7: {  	s3 =	sshra.s32 @!p2 s13, $0x2;
	s6 =	simm.s32 @!p2 $0x15220;
	_ =	swait.ge @!p1 [sflag:s9], $0x1400  }
0xa8: {  	s5 =	simm.s32 @!p2 $0x50;
	s8 =	sadd.s32 $0xFFFFFFFF, s14;
	[sflag:s9] =	ssyncset.done @!p1 $0x0  }
0xa9: {  	p6 =	sgt.u32 s8, $0x7C;
	s10 =	sadd.s32 @!p2 $0xA190, s3;
	[sflag:s9] =	ssyncadd.s32 @!p1 $0xFFFFEC00  }
0xaa: {  	[tilespmem:s6], [sflag:$0x6] =	stream.indirect.gather @!p2 [hbm4b:s4+s5], $0x40, s10, s5, $0xb8;
	[tilespmem:$0x1A220] =	vst v63  }
0xab: {  	s11 =	sadd.s32 $0xC760, s0;
	p0 =	seq.s32 @!p6 s13, $0x0;
	_ =	swait.ge [sflag:s18], $0x1400  }
0xac: {  	p4 =	sgt.u32 @!p2 s8, $0x7C;
	p0 =	por p0, p6;
	[sflag:s18] =	ssyncset.done $0x0  }
0xad: {  	s8 =	sshra.s32 @!p6 s13, $0x2;
	s10 =	simm.s32 @!p0 $0xF;
	[sflag:s18] =	ssyncadd.s32 $0xFFFFEC00  }
0xae: {  	[spmem:s2] =	stream.indirect.scatter.add.f32 [tilespmem:s25], [sflag:$0xA], $0x40, s11, s22, $0xb8;
	[tilespmem:$0x1A220] =	vst v63  }
0xaf: {  	s8 =	sadd.s32 @!p6 $0xA1E0, s8;
	_ =	swait.ge @!p0 [sflag:s10], $0x1400  }
0xb0: {  	p1 =	por p5, p5;
	s9 =	simm.s32 @!p6 $0x50;
	[sflag:s10] =	ssyncset.done @!p0 $0x0  }
0xb1: {  	p5 =	sgt.u32 s14, $0x7C;
	s11 =	simm.s32 @!p6 $0x16620;
	[sflag:s10] =	ssyncadd.s32 @!p0 $0xFFFFEC00  }
0xb2: {  	[tilespmem:s11], [sflag:$0x7] =	stream.indirect.gather @!p6 [hbm4b:s4+s9], $0x40, s8, s9, $0xb8;
	[tilespmem:$0x1A220] =	vst v63  }
0xb3: {  	p0 =	seq.s32 @!p5 s13, $0x0;
	_ =	swait.ge [sflag:s24], $0x1400  }
0xb4: {  	p0 =	por p0, p5;
	[sflag:s24] =	ssyncset.done $0x0  }
0xb5: {  	s11 =	sadd.s32 $0xC7B0, s0;
	s10 =	simm.s32 @!p0 $0x10;
	[sflag:s24] =	ssyncadd.s32 $0xFFFFEC00  }
0xb6: {  	[spmem:s2] =	stream.indirect.scatter.add.f32 [tilespmem:s28], [sflag:$0xB], $0x40, s11, s22, $0xb8;
	[tilespmem:$0x1A220] =	vst v63  }
0xb7: {  	_ =	swait.ge @!p0 [sflag:s10], $0x1400  }
0xb8: {  	s8 =	sshra.s32 @!p5 s13, $0x2;
	s9 =	simm.s32 @!p5 $0x50;
	[sflag:s10] =	ssyncset.done @!p0 $0x0  }
0xb9: {  	s8 =	sadd.s32 @!p5 $0xA230, s8;
	s11 =	simm.s32 @!p5 $0x17A20;
	[sflag:s10] =	ssyncadd.s32 @!p0 $0xFFFFEC00  }
0xba: {  	[tilespmem:s11], [sflag:$0x8] =	stream.indirect.gather @!p5 [hbm4b:s4+s9], $0x40, s8, s9, $0xb8;
	[tilespmem:$0x1A220] =	vst v63  }
0xbb: {  	_ =	swait.ge [sflag:s26], $0x1400  }
0xbc: {  	p5 =	seq.s32 s13, $0x9600;
	[sflag:s26] =	ssyncset.done $0x0  }
0xbd: {  	s11 =	sadd.s32 $0xC800, s0;
	s9 =	simm.s32 @!p5 $0x9;
	[sflag:s26] =	ssyncadd.s32 $0xFFFFEC00  }
0xbe: {  	[spmem:s2] =	stream.indirect.scatter.add.f32 [tilespmem:s30], [sflag:$0xC], $0x40, s11, s22, $0xb8;
	[tilespmem:$0x1A220] =	vst v63  }
0xbf: {  	s10 =	sshra.s32 @!p5 s13, $0x2;
	_ =	swait.ge @!p5 [sflag:s9], $0x1400  }
0xc0: {  	s8 =	sadd.s32 @!p5 $0xA280, s10;
	[sflag:s9] =	ssyncset.done @!p5 $0x0  }
0xc1: {  	s10 =	simm.s32 @!p5 $0x50;
	s11 =	simm.s32 @!p5 $0xEE20;
	[sflag:s9] =	ssyncadd.s32 @!p5 $0xFFFFEC00  }
0xc2: {  	[tilespmem:s11], [sflag:$0x1] =	stream.indirect.gather @!p5 [hbm4b:s4+s10], $0x40, s8, s10, $0xb8;
	[tilespmem:$0x1A220] =	vst v63  }
0xc3: {  	_ =	swait.ge [sflag:s29], $0x1400  }
0xc4: {  	[sflag:s29] =	ssyncset.done $0x0  }
0xc5: {  	s0 =	sadd.s32 $0xC850, s0;
	s8 =	simm.s32 @!p2 $0xA;
	[sflag:s29] =	ssyncadd.s32 $0xFFFFEC00  }
0xc6: {  	[spmem:s2] =	stream.indirect.scatter.add.f32 [tilespmem:s31], [sflag:$0xD], $0x40, s0, s22, $0xb8;
	[tilespmem:$0x1A220] =	vst v63  }
0xc7: {  	_ =	swait.ge @!p2 [sflag:s8], $0x1400  }
0xc8: {  	s17 =	sadd.s32 @!p2 $0xA2D0, s3;
	[sflag:s8] =	ssyncset.done @!p2 $0x0  }
0xc9: {  	s0 =	simm.s32 @!p2 $0x10220;
	[sflag:s8] =	ssyncadd.s32 @!p2 $0xFFFFEC00;
	s8 =	simm.s32 @!p2 $0x6  }
0xca: {  	[tilespmem:s0], [sflag:$0x2] =	stream.indirect.gather @!p2 [hbm4b:s4+s5], $0x40, s17, s5, $0xb8;
	[tilespmem:$0x1A220] =	vst v63  }
0xcb: {  	_ =	swait.ge @!p2 [sflag:s8], $0x1400  }
0xcc: {  	p4 =	por p4, p2;
	s3 =	sadd.s32 @!p2 $0xC8A0, s3;
	[sflag:s8] =	ssyncset.done @!p2 $0x0  }
0xcd: {  	s0 =	simm.s32 @!p4 $0xB;
	[sflag:s8] =	ssyncadd.s32 @!p2 $0xFFFFEC00;
	s8 =	sshra.s32 @!p4 s13, $0x2  }
0xce: {  	[spmem:s2] =	stream.indirect.scatter.add.f32 @!p2 [tilespmem:s6], [sflag:$0xE], $0x40, s3, s5, $0xb8;
	[tilespmem:$0x1A220] =	vst v63  }
0xcf: {  	s3 =	sadd.s32 @!p4 $0xA320, s8;
	_ =	swait.ge @!p4 [sflag:s0], $0x1400  }
0xd0: {  	s5 =	sadd.s32 @!p4 $0xC8F0, s8;
	s6 =	simm.s32 @!p4 $0x50;
	[sflag:s0] =	ssyncset.done @!p4 $0x0  }
0xd1: {  	s8 =	simm.s32 @!p4 $0x11620;
	[sflag:s0] =	ssyncadd.s32 @!p4 $0xFFFFEC00;
	s0 =	simm.s32 @!p4 $0x7  }
0xd2: {  	[tilespmem:s8], [sflag:$0x3] =	stream.indirect.gather @!p4 [hbm4b:s4+s6], $0x40, s3, s6, $0xb8;
	[tilespmem:$0x1A220] =	vst v63  }
0xd3: {  	p3 =	sgt.u32 @!p2 s14, $0x7C;
	_ =	swait.ge @!p4 [sflag:s0], $0x1400  }
0xd4: {  	p2 =	por p3, p2;
	[sflag:s0] =	ssyncset.done @!p4 $0x0  }
0xd5: {  	s3 =	simm.s32 @!p4 $0x16620;
	s8 =	simm.s32 @!p2 $0xC;
	[sflag:s0] =	ssyncadd.s32 @!p4 $0xFFFFEC00  }
0xd6: {  	[spmem:s2] =	stream.indirect.scatter.add.f32 @!p4 [tilespmem:s3], [sflag:$0xF], $0x40, s5, s6, $0xb8;
	[tilespmem:$0x1A220] =	vst v63  }
0xd7: {  	s9 =	simm.s32 @!p2 $0x12A20;
	s0 =	sshra.s32 @!p2 s13, $0x2;
	_ =	swait.ge @!p2 [sflag:s8], $0x1400  }
0xd8: {  	s5 =	sadd.s32 @!p2 $0xA370, s0;
	s3 =	sadd.s32 @!p2 $0xC940, s0;
	[sflag:s8] =	ssyncset.done @!p2 $0x0  }
0xd9: {  	s0 =	simm.s32 @!p2 $0x50;
	s6 =	simm.s32 @!p2 $0x8;
	[sflag:s8] =	ssyncadd.s32 @!p2 $0xFFFFEC00  }
0xda: {  	[tilespmem:s9], [sflag:$0x4] =	stream.indirect.gather @!p2 [hbm4b:s4+s0], $0x40, s5, s0, $0xb8;
	[tilespmem:$0x1A220] =	vst v63  }
0xdb: {  	_ =	swait.ge @!p2 [sflag:s6], $0x1400  }
0xdc: {  	s13 =	smov.u32 s16;
	s16 =	sld [smem:$0x7FD];
	_ =	sdelay $0x2  }
0xdd: {  	p0 =	seq.s32 s16, $0x1  }
.Ltmp1:
0xde: {  	_ = 	snop;
	(pc) =	sbr.rel @p0 .LBB2_4-.Ltmp1, $3  }
0xdf: {  	_ =	sdelay $0x1  }
0xe0: {  	s14 =	sadd.s32 $0x8, s14  }
0xe1: {  	s17 =	simm.s32 @!p2 $0x17A20;
	s5 =	simm.s32 @!p1 $0xD;
	[sflag:s6] =	ssyncset.done @!p2 $0x0  }
0xe2: {  	[sflag:s6] =	ssyncadd.s32 @!p2 $0xFFFFEC00  }
0xe3: {  	[spmem:s2] =	stream.indirect.scatter.add.f32 @!p2 [tilespmem:s17], [sflag:$0x10], $0x40, s3, s0, $0xb8;
	[tilespmem:$0x1A220] =	vst v63  }
0xe4: {  	_ =	swait.ge @!p1 [sflag:s5], $0x1400  }
0xe5: {  	s8 =	sadd.s32 $0xFFFFFFFE, s14;
	s17 =	sshra.s32 s13, $0x2;
	[sflag:s5] =	ssyncset.done @!p1 $0x0  }
0xe6: {  	p0 =	sgt.u32 s8, $0x7C;
	s6 =	sadd.s32 $0xA140, s17;
	[sflag:s5] =	ssyncadd.s32 @!p1 $0xFFFFEC00  }
0xe7: {  	[tilespmem:s31], [sflag:$0x5] =	stream.indirect.gather [hbm4b:s4+s22], $0x40, s6, s22, $0xb8;
	[tilespmem:$0x1A220] =	vst v63  }
0xe8: {  	p1 =	seq.s32 @!p0 s13, $0x0;
	_ =	swait.ge [sflag:s1], $0x1400  }
0xe9: {  	p1 =	por p1, p0;
	[sflag:s1] =	ssyncset.done $0x0  }
0xea: {  	s9 =	sadd.s32 $0xC710, s17;
	s8 =	simm.s32 @!p1 $0xE;
	[sflag:s1] =	ssyncadd.s32 $0xFFFFEC00  }
0xeb: {  	[spmem:s2] =	stream.indirect.scatter.add.f32 [tilespmem:s23], [sflag:$0x9], $0x40, s9, s22, $0xb8;
	[tilespmem:$0x1A220] =	vst v63  }
0xec: {  	s15 =	sadd.s32 $0xFFFFFFFF, s14;
	s3 =	sshra.s32 @!p0 s13, $0x2;
	_ =	swait.ge @!p1 [sflag:s8], $0x1400  }
0xed: {  	s5 =	simm.s32 @!p0 $0x50;
	s6 =	simm.s32 @!p0 $0x15220;
	[sflag:s8] =	ssyncset.done @!p1 $0x0  }
0xee: {  	s9 =	sadd.s32 @!p0 $0xA190, s3;
	[sflag:s8] =	ssyncadd.s32 @!p1 $0xFFFFEC00;
	p1 =	sgt.u32 s15, $0x7C  }
0xef: {  	[tilespmem:s6], [sflag:$0x6] =	stream.indirect.gather @!p0 [hbm4b:s4+s5], $0x40, s9, s5, $0xb8;
	[tilespmem:$0x1A220] =	vst v63  }
0xf0: {  	p2 =	seq.s32 @!p1 s13, $0x0;
	_ =	swait.ge [sflag:s18], $0x1400  }
0xf1: {  	p2 =	por p2, p1;
	[sflag:s18] =	ssyncset.done $0x0  }
0xf2: {  	s10 =	sadd.s32 $0xC760, s17;
	s9 =	simm.s32 @!p2 $0xF;
	[sflag:s18] =	ssyncadd.s32 $0xFFFFEC00  }
0xf3: {  	[spmem:s2] =	stream.indirect.scatter.add.f32 [tilespmem:s25], [sflag:$0xA], $0x40, s10, s22, $0xb8;
	[tilespmem:$0x1A220] =	vst v63  }
0xf4: {  	s8 =	sshra.s32 @!p1 s13, $0x2;
	_ =	swait.ge @!p2 [sflag:s9], $0x1400  }
0xf5: {  	s8 =	sadd.s32 @!p1 $0xA1E0, s8;
	s10 =	simm.s32 @!p1 $0x50;
	[sflag:s9] =	ssyncset.done @!p2 $0x0  }
0xf6: {  	[sflag:s9] =	ssyncadd.s32 @!p2 $0xFFFFEC00;
	s9 =	simm.s32 @!p1 $0x16620;
	p2 =	sgt.u32 s14, $0x7C  }
0xf7: {  	[tilespmem:s9], [sflag:$0x7] =	stream.indirect.gather @!p1 [hbm4b:s4+s10], $0x40, s8, s10, $0xb8;
	[tilespmem:$0x1A220] =	vst v63  }
0xf8: {  	p1 =	seq.s32 @!p2 s13, $0x0;
	_ =	swait.ge [sflag:s24], $0x1400  }
0xf9: {  	p1 =	por p1, p2;
	[sflag:s24] =	ssyncset.done $0x0  }
0xfa: {  	s11 =	sadd.s32 $0xC7B0, s17;
	s9 =	simm.s32 @!p1 $0x10;
	[sflag:s24] =	ssyncadd.s32 $0xFFFFEC00  }
0xfb: {  	[spmem:s2] =	stream.indirect.scatter.add.f32 [tilespmem:s28], [sflag:$0xB], $0x40, s11, s22, $0xb8;
	[tilespmem:$0x1A220] =	vst v63  }
0xfc: {  	_ =	swait.ge @!p1 [sflag:s9], $0x1400  }
0xfd: {  	s8 =	sshra.s32 @!p2 s13, $0x2;
	s10 =	simm.s32 @!p2 $0x50;
	[sflag:s9] =	ssyncset.done @!p1 $0x0  }
0xfe: {  	s8 =	sadd.s32 @!p2 $0xA230, s8;
	[sflag:s9] =	ssyncadd.s32 @!p1 $0xFFFFEC00;
	s9 =	simm.s32 @!p2 $0x17A20  }
0xff: {  	[tilespmem:s9], [sflag:$0x8] =	stream.indirect.gather @!p2 [hbm4b:s4+s10], $0x40, s8, s10, $0xb8;
	[tilespmem:$0x1A220] =	vst v63  }
0x100: {  	_ =	swait.ge [sflag:s26], $0x1400  }
0x101: {  	p1 =	seq.s32 s13, $0x9600;
	[sflag:s26] =	ssyncset.done $0x0  }
0x102: {  	s16 =	sadd.s32 $0xC800, s17;
	s9 =	simm.s32 @!p1 $0x9;
	[sflag:s26] =	ssyncadd.s32 $0xFFFFEC00  }
0x103: {  	[spmem:s2] =	stream.indirect.scatter.add.f32 [tilespmem:s30], [sflag:$0xC], $0x40, s16, s22, $0xb8;
	[tilespmem:$0x1A220] =	vst v63  }
0x104: {  	_ =	swait.ge @!p1 [sflag:s9], $0x1400  }
0x105: {  	s8 =	sshra.s32 @!p1 s13, $0x2;
	s10 =	simm.s32 @!p1 $0x50;
	[sflag:s9] =	ssyncset.done @!p1 $0x0  }
0x106: {  	s8 =	sadd.s32 @!p1 $0xA280, s8;
	[sflag:s9] =	ssyncadd.s32 @!p1 $0xFFFFEC00;
	s9 =	simm.s32 @!p1 $0xEE20  }
0x107: {  	[tilespmem:s9], [sflag:$0x1] =	stream.indirect.gather @!p1 [hbm4b:s4+s10], $0x40, s8, s10, $0xb8;
	[tilespmem:$0x1A220] =	vst v63  }
0x108: {  	_ =	swait.ge [sflag:s29], $0x1400  }
0x109: {  	[sflag:s29] =	ssyncset.done $0x0  }
0x10a: {  	s0 =	sadd.s32 $0xC850, s17;
	s8 =	simm.s32 @!p0 $0xA;
	[sflag:s29] =	ssyncadd.s32 $0xFFFFEC00  }
0x10b: {  	[spmem:s2] =	stream.indirect.scatter.add.f32 [tilespmem:s31], [sflag:$0xD], $0x40, s0, s22, $0xb8;
	[tilespmem:$0x1A220] =	vst v63  }
0x10c: {  	_ =	swait.ge @!p0 [sflag:s8], $0x1400  }
0x10d: {  	[sflag:s8] =	ssyncset.done @!p0 $0x0  }
0x10e: {  	s0 =	sadd.s32 @!p0 $0xA2D0, s3;
	[sflag:s8] =	ssyncadd.s32 @!p0 $0xFFFFEC00;
	s8 =	simm.s32 @!p0 $0x10220  }
0x10f: {  	[tilespmem:s8], [sflag:$0x2] =	stream.indirect.gather @!p0 [hbm4b:s4+s5], $0x40, s0, s5, $0xb8;
	[tilespmem:$0x1A220] =	vst v63  }
0x110: {  	s0 =	simm.s32 @!p0 $0x6  }
0x111: {  	p1 =	sgt.u32 @!p0 s15, $0x7C;
	_ =	swait.ge @!p0 [sflag:s0], $0x1400  }
0x112: {  	p1 =	por p1, p0;
	[sflag:s0] =	ssyncset.done @!p0 $0x0  }
0x113: {  	s3 =	sadd.s32 @!p0 $0xC8A0, s3;
	[sflag:s0] =	ssyncadd.s32 @!p0 $0xFFFFEC00;
	s0 =	simm.s32 @!p1 $0xB  }
0x114: {  	[spmem:s2] =	stream.indirect.scatter.add.f32 @!p0 [tilespmem:s6], [sflag:$0xE], $0x40, s3, s5, $0xb8;
	[tilespmem:$0x1A220] =	vst v63  }
0x115: {  	_ =	swait.ge @!p1 [sflag:s0], $0x1400  }
0x116: {  	s3 =	sshra.s32 @!p1 s13, $0x2;
	s6 =	simm.s32 @!p1 $0x50;
	[sflag:s0] =	ssyncset.done @!p1 $0x0  }
0x117: {  	s5 =	sadd.s32 @!p1 $0xA320, s3;
	[sflag:s0] =	ssyncadd.s32 @!p1 $0xFFFFEC00;
	s0 =	simm.s32 @!p1 $0x11620  }
0x118: {  	[tilespmem:s0], [sflag:$0x3] =	stream.indirect.gather @!p1 [hbm4b:s4+s6], $0x40, s5, s6, $0xb8;
	[tilespmem:$0x1A220] =	vst v63  }
0x119: {  	s0 =	simm.s32 @!p1 $0x7  }
0x11a: {  	p2 =	sgt.u32 @!p0 s14, $0x7C;
	_ =	swait.ge @!p1 [sflag:s0], $0x1400  }
0x11b: {  	p0 =	por p2, p0;
	[sflag:s0] =	ssyncset.done @!p1 $0x0  }
0x11c: {  	s3 =	sadd.s32 @!p1 $0xC8F0, s3;
	[sflag:s0] =	ssyncadd.s32 @!p1 $0xFFFFEC00;
	s0 =	simm.s32 @!p1 $0x16620  }
0x11d: {  	[spmem:s2] =	stream.indirect.scatter.add.f32 @!p1 [tilespmem:s0], [sflag:$0xF], $0x40, s3, s6, $0xb8;
	[tilespmem:$0x1A220] =	vst v63  }
0x11e: {  	s0 =	simm.s32 @!p0 $0xC  }
0x11f: {  	_ =	swait.ge @!p0 [sflag:s0], $0x1400  }
0x120: {  	s3 =	sshra.s32 @!p0 s13, $0x2;
	s6 =	simm.s32 @!p0 $0x50;
	[sflag:s0] =	ssyncset.done @!p0 $0x0  }
0x121: {  	s5 =	sadd.s32 @!p0 $0xA370, s3;
	[sflag:s0] =	ssyncadd.s32 @!p0 $0xFFFFEC00;
	s0 =	simm.s32 @!p0 $0x12A20  }
0x122: {  	[tilespmem:s0], [sflag:$0x4] =	stream.indirect.gather @!p0 [hbm4b:s4+s6], $0x40, s5, s6, $0xb8;
	[tilespmem:$0x1A220] =	vst v63  }
0x123: {  	s0 =	simm.s32 @!p0 $0x8  }
0x124: {  	_ =	swait.ge @!p0 [sflag:s0], $0x1400  }
0x125: {  	s17 =	simm.s32 $0xE;
	[sflag:s0] =	ssyncset.done @!p0 $0x0  }
0x126: {  	s3 =	sadd.s32 @!p0 $0xC940, s3;
	[sflag:s0] =	ssyncadd.s32 @!p0 $0xFFFFEC00;
	s0 =	simm.s32 @!p0 $0x17A20  }
0x127: {  	[spmem:s2] =	stream.indirect.scatter.add.f32 @!p0 [tilespmem:s0], [sflag:$0x10], $0x40, s3, s6, $0xb8;
	[tilespmem:$0x1A220] =	vst v63  }
0x128: {  	_ =	swait.ge [sflag:s17], $0x1400  }
0x129: {  	[sflag:s17] =	ssyncset.done $0x0  }
0x12a: {  	s3 =	simm.s32 $0xF;
	[sflag:s17] =	ssyncadd.s32 $0xFFFFEC00  }
0x12b: {  	_ =	swait.ge [sflag:s3], $0x1400  }
0x12c: {  	[sflag:s3] =	ssyncset.done $0x0  }
0x12d: {  	s5 =	simm.s32 $0x10;
	[sflag:s3] =	ssyncadd.s32 $0xFFFFEC00  }
0x12e: {  	_ =	swait.ge [sflag:s5], $0x1400  }
0x12f: {  	[sflag:s5] =	ssyncset.done $0x0  }
0x130: {  	s6 =	simm.s32 $0x9;
	[sflag:s5] =	ssyncadd.s32 $0xFFFFEC00  }
0x131: {  	_ =	swait.ge [sflag:s6], $0x1400  }
0x132: {  	[sflag:s6] =	ssyncset.done $0x0  }
0x133: {  	s8 =	simm.s32 $0xA;
	[sflag:s6] =	ssyncadd.s32 $0xFFFFEC00  }
0x134: {  	_ =	swait.ge [sflag:s8], $0x1400  }
0x135: {  	[sflag:s8] =	ssyncset.done $0x0  }
0x136: {  	s9 =	simm.s32 $0xB;
	[sflag:s8] =	ssyncadd.s32 $0xFFFFEC00  }
0x137: {  	_ =	swait.ge [sflag:s9], $0x1400  }
0x138: {  	[sflag:s9] =	ssyncset.done $0x0  }
0x139: {  	s10 =	simm.s32 $0xC;
	[sflag:s9] =	ssyncadd.s32 $0xFFFFEC00  }
0x13a: {  	_ =	swait.ge [sflag:s10], $0x1400  }
0x13b: {  	[sflag:s10] =	ssyncset.done $0x0  }
0x13c: {  	s11 =	simm.s32 $0xD;
	[sflag:s10] =	ssyncadd.s32 $0xFFFFEC00  }
0x13d: {  	_ =	swait.ge [sflag:s11], $0x1400  }
0x13e: {  	[sflag:s11] =	ssyncset.done $0x0  }
0x13f: {  	s13 =	stileid.u32;
	[sflag:s11] =	ssyncadd.s32 $0xFFFFEC00  }
0x140: {  	s14 =	sshrl.u32 s7, $0x3;
	s0 =	sshll.u32 s13, $0x6;
	[bflag:$0x0] =	sbarrier.arrive $0xFFFF  }
0x141: {  	s16 =	simm.s32 $0x13;
	s0 =	sor.u32 $0x1C13, s0;
	s15 =	rddreg [dreg:$0xc]  }
0x142: {  	[hbm:s15], [sflag:s0] =	dma.local [spmem:s14], $0x1400  }
0x143: {  	_ =	swait.ge [sflag:s16], $0x1400  }
0x144: {  	s12 =	sadd.s32 $0x1, s12;
	s17 =	rddreg [dreg:$0xd]  }
0x145: {  	p0 =	sne.s32 s12, s17  }
.Ltmp2:
0x146: {  	_ = 	snop;
	(pc) =	sbr.rel @p0 .LBB2_1-.Ltmp2, $3  }
0x147: {  	_ =	sdelay $0x1  }
0x148: {  	[sflag:s16] =	ssyncset.done $0x0  }
0x149: {  	s6 =	simm.s32 $0xA000;
	[sflag:s16] =	ssyncadd.s32 $0xFFFFEC00  }
0x14a: {  	_ =	sfence.sel $0x180000  }
0x14b: {  	[bflag:$0x0] =	sbarrier.arrive $0xFFFF  }
0x14c: {  	_ =	strace $0x9000004A  }
0x14d: {  	s0 =	stileid.u32;
	[bflag:$0x2] =	sbarrier.arrive $0xFFFF  }
0x14e: {  	p0 =	sne.s32 s0, $0x0;
	s0 =	rddreg [dreg:$0x2]  }
0x14f: {  	s0 =	sadd.s32 @!p0 $0x100000, s0  }
0x150: {  	[sflag:s0] =	ssyncadd.tile.s32 @!p0 $0x1;
	_ =	shalt  }
.Lfunc_end2:
_tile_overlayer_lowered:
.L_overlay_start_2:
0x151: {  	(tag) =	ssettag $0x2  }
0x152: {  	s0 =	rddreg [dreg:$0x0];
	s2 =	stileid.u32  }
0x153: {  	s1 =	rddreg [dreg:$0x1];
	p0 =	sne.s32 s2, $0x0  }
0x154: {  	s3 =	rddreg [dreg:$0x2];
	[bflag:$0x3] =	sbarrier.arrive $0xFFFF;
	s2 =	simm.s32 @!p0 $0x1C13  }
0x155: {  	[timem:s3], [sflag:s2] =	dma.local @!p0 [hbm:s0], s1  }
0x156: {  	s0 =	simm.s32 @!p0 $0x13  }
0x157: {  	_ =	swait.ge @!p0 [sflag:s0], s1  }
0x158: {  	s1 =	ssub.s32 @!p0 $0x0, s1;
	[sflag:s0] =	ssyncset.done @!p0 $0x0  }
0x159: {  	[sflag:s0] =	ssyncadd.s32 @!p0 s1  }
0x15a: {  	[bflag:$0x3] =	sbarrier.arrive $0xFFFF  }
0x15b: {  	_ =	shalt  }

// kernel: kernel.15.cloned.1.call-start
scs
__scs_entry_jumppad:
0x0: {  	(pc) =	sbr.rel $0x88, $3  }
0x1: {  	(tag) =	ssettag $0x0;
	lr =	simm.s32 $0x1  }
0x2: {  	[smem:$0x3F94] =	sst lr;
	_ =	strace $0xD0000000  }
0x3: {  	_ = 	snop  }
0x4: {  	_ = 	snop  }
0x5: {  	_ = 	snop  }
0x6: {  	_ = 	snop  }
0x7: {  	_ = 	snop  }
__scs_overlays_trampoline_lowered:
0x8: {  	[smem:$0x3FA3] =	sst s0  }
0x9: {  	[smem:$0x3FA4] =	sst s1  }
0xa: {  	[smem:$0x3FA5] =	sst s2  }
0xb: {  	[smem:$0x3FA6] =	sst s3  }
0xc: {  	[smem:$0x3FA7] =	sst s4  }
0xd: {  	[smem:$0x3FA8] =	sst s5  }
0xe: {  	[smem:$0x3FA9] =	sst s6  }
0xf: {  	[smem:$0x3FAA] =	sst s7  }
0x10: {  	[smem:$0x3FAB] =	sst s8  }
0x11: {  	[smem:$0x3FAC] =	sst s9;
	s0 =	simm.s32 @!p0 $0x0  }
0x12: {  	s1 =	sld [smem:$0x3F92];
	s0 =	simm.s32 @p0 $0x1  }
0x13: {  	[smem:$0x3FAD] =	sst s0;
	s0 =	simm.s32 @!p1 $0x0  }
0x14: {  	s2 =	sld [smem:$0x3F91];
	s0 =	simm.s32 @p1 $0x1  }
0x15: {  	[smem:$0x3FAE] =	sst s0;
	s0 =	simm.s32 @!p2 $0x0  }
0x16: {  	s3 =	sld [smem:$0x3FDB];
	s0 =	simm.s32 @p2 $0x1  }
0x17: {  	s4 =	simm.s32 $0x1BF5;
	[smem:$0x3FB0] =	sst s0  }
0x18: {  	s0 =	sld [smem:$0x3F93];
	_ =	swait.ge [sflag:s4], $0x0  }
0x19: {  	s7 =	sld [smem:$0x3F94]  }
0x1a: {  	s8 =	sadd.s32 $0xFFFFE003, lr  }
0x1b: {  	s9 =	sadd.s32 $0xFFFFFEF7, lr;
	s5 =	simm.s32 $0xFFFFFFFF;
	p2 =	slt.u32 s8, $0xFFFFF086  }
0x1c: {  	p1 =	slt.u32 s9, $0xF7A;
	s5 =	simm.s32 @!p2 $0x0  }
0x1d: {  	s5 =	simm.s32 @p1 $0x1;
	p0 =	seq.s32 s7, s2  }
0x1e: {  	s7 =	smul.u32 @!p0 $0xF7A, s2;
	p2 =	seq.s32 @!p0 s5, $0x0  }
0x1f: {  	s9 =	smul.u32 $0xF7A, s1;
	s8 =	simm.s32 @!p0 $0x1BF5;
	p2 =	por !p2, p0  }
0x20: {  	[sflag:s8] =	ssyncset.s32 @!p0 $0xFFFFF086;
	s6 =	sadd.s32 @!p0 s3, s7;
	s7 =	simm.s32 @!p0 $0x108  }
0x21: {  	s3 =	sadd.s32 s3, s9;
	s6 =	sadd.s32 @!p0 $0x88, s6;
	s7 =	simm.s32 @p2 $0x1082  }
0x22: {  	[simem:s7], [sflag:s8] =	dma.local @!p0 [hbm:s6], $0xF7A  }
0x23: {  	s9 =	sor.u32 $0xD0000000, s2;
	s6 =	simm.s32 $0x108;
	_ =	swait.ge @!p0 [sflag:s8], $0x0  }
0x24: {  	s3 =	sadd.s32 $0x88, s3;
	s6 =	simm.s32 @!p1 $0x1082;
	[sflag:s4] =	ssyncset.s32 $0xFFFFF086  }
0x25: {  	[simem:s6], [sflag:s4] =	dma.local [hbm:s3], $0xF7A  }
0x26: {  	[smem:$0x3F94] =	sst s1;
	(tag) =	ssettag s2;
	_ =	strace s9  }
0x27: {  	s1 =	sld [smem:$0x3FA4]  }
0x28: {  	s2 =	sld [smem:$0x3FA5]  }
0x29: {  	s4 =	sld [smem:$0x3FA7]  }
0x2a: {  	p0 =	seq.s32 s5, $0x0;
	s5 =	sld [smem:$0x3FA8]  }
0x2b: {  	s6 =	sld [smem:$0x3FA9]  }
0x2c: {  	s7 =	sld [smem:$0x3FAA]  }
0x2d: {  	s3 =	simm.s32 $0x108;
	s8 =	sld [smem:$0x3FAB]  }
0x2e: {  	s3 =	simm.s32 @!p0 $0x1082;
	s9 =	sld [smem:$0x3FAC]  }
0x2f: {  	lr =	sadd.s32 s0, s3;
	s0 =	sld [smem:$0x3FA3]  }
0x30: {  	s3 =	sld [smem:$0x3FA6]  }
0x31: {  	[smem:$0x3FAF] =	sst s10  }
0x32: {  	s10 =	sld [smem:$0x3FAD];
	_ =	sdelay $0x3  }
0x33: {  	p0 =	seq.s32 s10, $0x1;
	s10 =	sld [smem:$0x3FAF];
	_ =	sdelay $0x3  }
0x34: {  	[smem:$0x3FAF] =	sst s10  }
0x35: {  	s10 =	sld [smem:$0x3FAE];
	_ =	sdelay $0x3  }
0x36: {  	p1 =	seq.s32 s10, $0x1;
	s10 =	sld [smem:$0x3FAF];
	_ =	sdelay $0x3  }
0x37: {  	[smem:$0x3FAF] =	sst s10  }
0x38: {  	s10 =	sld [smem:$0x3FB0]  }
0x39: {  	_ = 	snop;
	(pc) =	sbr.ind lr, $3  }
0x3a: {  	_ = 	snop  }
0x3b: {  	_ = 	snop  }
0x3c: {  	p2 =	seq.s32 s10, $0x1;
	s10 =	sld [smem:$0x3FAF]  }
0x3d: {  	_ =	shalt  }
0x3e: {  	_ =	shalt  }
0x3f: {  	_ =	shalt  }
0x40: {  	_ =	shalt  }
0x41: {  	_ =	shalt  }
0x42: {  	_ =	shalt  }
0x43: {  	_ =	shalt  }
0x44: {  	_ =	shalt  }
0x45: {  	_ =	shalt  }
0x46: {  	_ =	shalt  }
0x47: {  	_ =	shalt  }
0x48: {  	_ =	shalt  }
0x49: {  	_ =	shalt  }
0x4a: {  	_ =	shalt  }
0x4b: {  	_ =	shalt  }
0x4c: {  	_ =	shalt  }
0x4d: {  	_ =	shalt  }
0x4e: {  	_ =	shalt  }
0x4f: {  	_ =	shalt  }
0x50: {  	_ =	shalt  }
0x51: {  	_ =	shalt  }
0x52: {  	_ =	shalt  }
0x53: {  	_ =	shalt  }
0x54: {  	_ =	shalt  }
0x55: {  	_ =	shalt  }
0x56: {  	_ =	shalt  }
0x57: {  	_ =	shalt  }
0x58: {  	_ =	shalt  }
0x59: {  	_ =	shalt  }
0x5a: {  	_ =	shalt  }
0x5b: {  	_ =	shalt  }
0x5c: {  	_ =	shalt  }
0x5d: {  	_ =	shalt  }
0x5e: {  	_ =	shalt  }
0x5f: {  	_ =	shalt  }
0x60: {  	_ =	shalt  }
0x61: {  	_ =	shalt  }
0x62: {  	_ =	shalt  }
0x63: {  	_ =	shalt  }
0x64: {  	_ =	shalt  }
0x65: {  	_ =	shalt  }
0x66: {  	_ =	shalt  }
0x67: {  	_ =	shalt  }
0x68: {  	_ =	shalt  }
0x69: {  	_ =	shalt  }
0x6a: {  	_ =	shalt  }
0x6b: {  	_ =	shalt  }
0x6c: {  	_ =	shalt  }
0x6d: {  	_ =	shalt  }
0x6e: {  	_ =	shalt  }
0x6f: {  	_ =	shalt  }
0x70: {  	_ =	shalt  }
0x71: {  	_ =	shalt  }
0x72: {  	_ =	shalt  }
0x73: {  	_ =	shalt  }
0x74: {  	_ =	shalt  }
0x75: {  	_ =	shalt  }
0x76: {  	_ =	shalt  }
0x77: {  	_ =	shalt  }
0x78: {  	_ =	shalt  }
0x79: {  	_ =	shalt  }
0x7a: {  	_ =	shalt  }
0x7b: {  	_ =	shalt  }
0x7c: {  	_ =	shalt  }
0x7d: {  	_ =	shalt  }
0x7e: {  	_ =	shalt  }
0x7f: {  	_ =	shalt  }
0x80: {  	_ =	shalt  }
0x81: {  	_ =	shalt  }
0x82: {  	_ =	shalt  }
0x83: {  	_ =	shalt  }
0x84: {  	_ =	shalt  }
0x85: {  	_ =	shalt  }
0x86: {  	_ =	shalt  }
0x87: {  	_ =	shalt  }
.Lfunc_end0:
.L_simem_size_0:
called_computation.2_lowered:
.L_overlay_start_0:
0x88: {  	s2 =	sld [smem:$0x3FD9]  }
0x89: {  	s3 =	sld [smem:$0x3FFE];
	_ =	sdelay $0x1  }
0x8a: {  	s1 =	srdreg.scid  }
0x8b: {  	s0 =	sand.u32 $0x1, s1  }
0x8c: {  	s16 =	sshll.u32 s0, $0xA;
	s2 =	sadd.s32 s3, s2  }
0x8d: {  	s2 =	sadd.s32 s2, s16  }
0x8e: {  	[smem:$0x3FBB] =	sst s2  }
0x8f: {  	_ = 	snop  }
0x90: {  	(tm) =	ssettm $0x1  }
0x91: {  	s17 =	sld [smem:$0x3FFB];
	_ =	sdelay $0x3  }
0x92: {  	_ =	strace s17  }
0x93: {  	s2 =	sld [smem:$0x3FFC];
	_ =	sdelay $0x3  }
0x94: {  	_ =	strace s2  }
0x95: {  	s2 =	sld [smem:$0x3FFD];
	_ =	sdelay $0x3  }
0x96: {  	_ =	strace s2  }
0x97: {  	_ =	strace $0x8FFFFFFF  }
0x98: {  	s18 =	sld [smem:$0x3FDB];
	_ =	sdelay $0x1  }
0x99: {  	s19 =	simm.s32 $_scs_section_size  }
0x9a: {  	s4 =	simm.s32 $_size__tile_overlayer_lowered;
	s5 =	simm.s32 $_tile_overlayer_lowered  }
0x9b: {  	s22 =	simm.s32 $0x1BFF;
	s21 =	sshll.u32 s5, $0x1;
	s2 =	sadd.s32 s19, s18  }
0x9c: {  	s6 =	simm.s32 $0x0;
	s20 =	sshll.u32 s4, $0x1;
	s4 =	sadd.s32 s21, s2  }
0x9d: {  	[timem:s6], [sflag:s22] =	dma.local [hbm:s4], s20  }
0x9e: {  	_ =	swait.ge [sflag:s22], s20  }
0x9f: {  	s3 =	ssub.s32 $0x0, s20;
	[sflag:s22] =	ssyncset.done $0x0  }
0xa0: {  	[sflag:s22] =	ssyncadd.s32 s3;
	_ =	sdelay $0x1  }
0xa1: {  	s23 =	simm.s32 $0x1B8B  }
0xa2: {  	_ =	swait.ge [sflag:s23], $0x1  }
0xa3: {  	[sflag:s23] =	ssyncset.done $0x0  }
0xa4: {  	s25 =	simm.s32 $0x1B8E;
	s24 =	sld [smem:$0x3FFE];
	[sflag:s23] =	ssyncadd.s32 $0xFFFFFFFF  }
0xa5: {  	s26 =	simm.s32 $execute0_lowered;
	[smem:$0x3FD2] =	sst s25  }
0xa6: {  	s4 =	sshll.u32 s26, $0x1;
	_ =	strace $0x8000004C;
	[dreg:$0x1] =	wrdreg $0xFFFFFFFF  }
0xa7: {  	s28 =	simm.s32 $_size_execute0_lowered;
	s2 =	sadd.s32 s2, s4;
	[dreg:$0x0] =	wrdreg $0x0  }
0xa8: {  	s4 =	sshll.u32 s28, $0x1;
	[dreg:$0x2] =	wrdreg s2  }
0xa9: {  	[dreg:$0x3] =	wrdreg s4  }
0xaa: {  	[dreg:$0x4] =	wrdreg $0xC0  }
0xab: {  	_ =	task [dreg:s6], $0x5FFFF  }
0xac: {  	[dreg:$0x1] =	wrdreg $0xFFFFFFFF  }
0xad: {  	[dreg:$0x0] =	wrdreg $0x60  }
0xae: {  	[dreg:$0x2] =	wrdreg s24  }
0xaf: {  	[dreg:$0x3] =	wrdreg $0x0  }
0xb0: {  	[dreg:$0x4] =	wrdreg $0x9  }
0xb1: {  	_ =	task.clear_ibuf [dreg:s6], $0x5FFFF;
	_ =	strace $0x9000004C  }
0xb2: {  	s29 =	simm.s32 $0x9;
	_ =	strace $0x8000004E  }
0xb3: {  	_ =	swait.ge [sflag:s29], $0x1  }
0xb4: {  	[sflag:s29] =	ssyncadd.s32 $0xFFFFFFFF  }
0xb5: {  	_ =	strace $0x9000004E  }
0xb6: {  	_ =	sfence  }
0xb7: {  	s30 =	sld [smem:$0x0];
	_ =	sdelay $0x2  }
0xb8: {  	s31 =	sshll.u32 s1, $0xD;
	s1 =	sshrl.u32 s1, $0x2  }
0xb9: {  	s3 =	sand.u32 $0x4000, s31;
	s1 =	sadd.s32 s1, s30  }
0xba: {  	s0 =	sor.u32 s3, s0;
	s1 =	sshll.u32 s1, $0x11  }
0xbb: {  	s0 =	sor.u32 s1, s0  }
0xbc: {  	s0 =	sadd.s32 $0x8F2B, s0  }
0xbd: {  	[sflag:s0] =	ssyncadd.remote.s32 $0x1  }
0xbe: {  	_ =	sfence.sel $0xFFFF  }
0xbf: {  	[dreg:$0x0] =	wrdreg $0xFFFFFFFF;
	(pc) =	sbr.abs _section_cstart, $3  }
0xc0: {  	[dreg:$0x1] =	wrdreg $0xFFFFFFFF  }
0xc1: {  	_ =	task.clear_ibuf [dreg:s6], $0x2FFFF;
	_ =	strace $0x9FFFFFFF  }
0xc2: {  	(tm) =	ssettm $0x7FFFFFFF  }
0xc3: {  	_ =	shalt  }
tec
execute0_lowered:
.L_overlay_start_1:
0x0: {  	(tag) =	ssettag $0x1  }
0x1: {  	s0 =	srdreg.scid;
	s3 =	rddreg [dreg:$0x0]  }
0x2: {  	s7 =	stileid.u32;
	s2 =	rddreg [dreg:$0x1]  }
0x3: {  	s4 =	simm.s32 $0x0;
	s28 =	simm.s32 $0x11620;
	s30 =	simm.s32 $0x12A20  }
0x4: {  	s31 =	simm.s32 $0x13E20;
	s29 =	simm.s32 $0x5;
	s12 =	simm.s32 $0x0  }
0x5: {  	s0 =	sand.u32 $0x1, s0;
	s5 =	smul.u32 $0xA000, s7;
	[smem:$0x7FF] =	sst s4  }
0x6: {  	s4 =	sadd.s32 $0x15E00, s3;
	s1 =	sshll.u32 s0, $0x4;
	s6 =	smul.u32 $0xA0000, s0  }
0x7: {  	s0 =	ssub.s32 $0x2, s0;
	s1 =	sor.u32 s7, s1;
	s7 =	smul.u32 $0x28000, s7  }
0x8: {  	_ =	strace $0x8000004D;
	s8 =	sshrl.u32 s0, $0x1;
	s1 =	smul.u32 $0x2710, s1  }
0x9: {  	s6 =	sadd.s32 s5, s6;
	s0 =	ssub.s32 s0, s8;
	s17 =	sshrl.u32 s7, $0x2  }
0xa: {  	s6 =	sshrl.u32 s6, $0x3;
	s0 =	smax.u32 s0, $0x1;
	s19 =	sadd.s32 s17, s2  }
0xb: {  	s7 =	sadd.s32 s5, s2;
	[dreg:$0xd] =	wrdreg s0;
	s20 =	sadd.s32 $0x1400, s19  }
0xc: {  	s1 =	sshrl.u32 s1, $0x3;
	s21 =	sadd.s32 $0x2800, s19;
	[dreg:$0x5] =	wrdreg s20  }
0xd: {  	s1 =	sadd.s32 s1, s3;
	s22 =	sadd.s32 $0x3C00, s19;
	[dreg:$0x6] =	wrdreg s21  }
0xe: {  	s3 =	sadd.s32 s6, s3;
	s23 =	sadd.s32 $0x5000, s19;
	[dreg:$0x7] =	wrdreg s22  }
0xf: {  	s24 =	sadd.s32 $0x6400, s19;
	s25 =	sadd.s32 $0x7800, s19;
	[dreg:$0x8] =	wrdreg s23  }
0x10: {  	s6 =	simm.s32 $0xA000;
	s18 =	sadd.s32 $0x2400, s1;
	[dreg:$0x9] =	wrdreg s24  }
0x11: {  	s1 =	sadd.s32 $0xC040, s1;
	[dreg:$0xa] =	wrdreg s25;
	s26 =	sadd.s32 $0x29800, s3  }
0x12: {  	s20 =	simm.s32 $0x12;
	s21 =	simm.s32 $0x11;
	s22 =	simm.s32 $0x50  }
0x13: {  	s23 =	simm.s32 $0xEE20;
	s25 =	simm.s32 $0x10220;
	[dreg:$0x3] =	wrdreg s18  }
0x14: {  	s24 =	simm.s32 $0x3;
	[dreg:$0x4] =	wrdreg s1;
	s1 =	sadd.s32 $0x8C00, s19  }
0x15: {  	[dreg:$0xc] =	wrdreg s26;
	s19 =	simm.s32 $0x18E20;
	s18 =	simm.s32 $0x2  }
0x16: {  	v0 =	vimm.f32 $0.0e+00;
	s26 =	simm.s32 $0x4;
	[dreg:$0xb] =	wrdreg s1;
	s1 =	simm.s32 $0x1  }
.LBB2_1:
0x17: {  	s0 =	simm.s32 $0x0;
	s3 =	rddreg [dreg:$0x3]  }
0x18: {  	[tilespmem:s6], [sflag:$0x11] =	stream.linear.gather [hbm4b:s3+s0], $0x2710, $0x38;
	[tilespmem:$0x1A220] =	vst v63  }
0x19: {  	s17 =	rddreg [dreg:$0x4];
	s5 =	simm.s32 $0xC710  }
0x1a: {  	[tilespmem:s5], [sflag:$0x11] =	stream.linear.gather [hbm4b:s17+s0], $0x2710, $0x38;
	[tilespmem:$0x1A220] =	vst v63  }
0x1b: {  	s3 =	simm.s32 $0x100;
	s0 =	simm.s32 $0x0  }
.LBB2_2:
0x1c: {  	p0 =	sne.s32 s3, $0x4F00;
	[tilespmem:s0+$0x18E50] =	vst v0;
	s5 =	smov.u32 s3;
	s3 =	sadd.s32 $0x100, s3  }
.Ltmp0:
0x1d: {  	[tilespmem:s0+$0x18E40] =	vst v0;
	(pc) =	sbr.rel @p0 .LBB2_2-.Ltmp0, $3  }
0x1e: {  	[tilespmem:s0+$0x18E20] =	vst v0  }
0x1f: {  	[tilespmem:s0+$0x18E30] =	vst v0;
	_ =	sdelay $0x1  }
0x20: {  	s0 =	sshra.s32 s5, $0x2  }
0x21: {  	[tilespmem:s0+$0x18E50] =	vst v0  }
0x22: {  	[tilespmem:s0+$0x18E40] =	vst v0  }
0x23: {  	[tilespmem:s0+$0x18E20] =	vst v0  }
0x24: {  	[tilespmem:s0+$0x18E30] =	vst v0  }
0x25: {  	[spmem:s7] =	stream.linear.scatter [tilespmem:s19], [sflag:$0x12], $0x1400, $0x38;
	[tilespmem:$0x1A220] =	vst v63  }
0x26: {  	s13 =	rddreg [dreg:$0x5]  }
0x27: {  	[spmem:s13] =	stream.linear.scatter [tilespmem:s19], [sflag:$0x12], $0x1400, $0x38;
	[tilespmem:$0x1A220] =	vst v63  }
0x28: {  	s14 =	rddreg [dreg:$0x6]  }
0x29: {  	[spmem:s14] =	stream.linear.scatter [tilespmem:s19], [sflag:$0x12], $0x1400, $0x38;
	[tilespmem:$0x1A220] =	vst v63  }
0x2a: {  	s15 =	rddreg [dreg:$0x7]  }
0x2b: {  	[spmem:s15] =	stream.linear.scatter [tilespmem:s19], [sflag:$0x12], $0x1400, $0x38;
	[tilespmem:$0x1A220] =	vst v63  }
0x2c: {  	s16 =	rddreg [dreg:$0x8]  }
0x2d: {  	[spmem:s16] =	stream.linear.scatter [tilespmem:s19], [sflag:$0x12], $0x1400, $0x38;
	[tilespmem:$0x1A220] =	vst v63  }
0x2e: {  	s17 =	rddreg [dreg:$0x9]  }
0x2f: {  	[spmem:s17] =	stream.linear.scatter [tilespmem:s19], [sflag:$0x12], $0x1400, $0x38;
	[tilespmem:$0x1A220] =	vst v63  }
0x30: {  	s3 =	rddreg [dreg:$0xa]  }
0x31: {  	[spmem:s3] =	stream.linear.scatter [tilespmem:s19], [sflag:$0x12], $0x1400, $0x38;
	[tilespmem:$0x1A220] =	vst v63  }
0x32: {  	s5 =	rddreg [dreg:$0xb]  }
0x33: {  	[spmem:s5] =	stream.linear.scatter [tilespmem:s19], [sflag:$0x12], $0x1400, $0x38;
	[tilespmem:$0x1A220] =	vst v63  }
0x34: {  	_ =	swait.ge [sflag:s20], $0x1400  }
0x35: {  	[sflag:s20] =	ssyncset.done $0x0  }
0x36: {  	[sflag:s20] =	ssyncadd.s32 $0xFFFFEC00  }
0x37: {  	_ =	swait.ge [sflag:s20], $0x1400  }
0x38: {  	[sflag:s20] =	ssyncset.done $0x0  }
0x39: {  	[sflag:s20] =	ssyncadd.s32 $0xFFFFEC00  }
0x3a: {  	_ =	swait.ge [sflag:s20], $0x1400  }
0x3b: {  	[sflag:s20] =	ssyncset.done $0x0  }
0x3c: {  	[sflag:s20] =	ssyncadd.s32 $0xFFFFEC00  }
0x3d: {  	_ =	swait.ge [sflag:s20], $0x1400  }
0x3e: {  	[sflag:s20] =	ssyncset.done $0x0  }
0x3f: {  	[sflag:s20] =	ssyncadd.s32 $0xFFFFEC00  }
0x40: {  	_ =	swait.ge [sflag:s20], $0x1400  }
0x41: {  	[sflag:s20] =	ssyncset.done $0x0  }
0x42: {  	[sflag:s20] =	ssyncadd.s32 $0xFFFFEC00  }
0x43: {  	_ =	swait.ge [sflag:s20], $0x1400  }
0x44: {  	[sflag:s20] =	ssyncset.done $0x0  }
0x45: {  	[sflag:s20] =	ssyncadd.s32 $0xFFFFEC00  }
0x46: {  	_ =	swait.ge [sflag:s20], $0x1400  }
0x47: {  	[sflag:s20] =	ssyncset.done $0x0  }
0x48: {  	[sflag:s20] =	ssyncadd.s32 $0xFFFFEC00  }
0x49: {  	_ =	swait.ge [sflag:s20], $0x1400  }
0x4a: {  	[sflag:s20] =	ssyncset.done $0x0  }
0x4b: {  	[sflag:s20] =	ssyncadd.s32 $0xFFFFEC00  }
0x4c: {  	_ =	swait.ge [sflag:s21], $0x2710  }
0x4d: {  	[sflag:s21] =	ssyncset.done $0x0  }
0x4e: {  	[sflag:s21] =	ssyncadd.s32 $0xFFFFD8F0  }
0x4f: {  	_ =	swait.ge [sflag:s21], $0x2710  }
0x50: {  	[sflag:s21] =	ssyncset.done $0x0  }
0x51: {  	[sflag:s21] =	ssyncadd.s32 $0xFFFFD8F0  }
0x52: {  	[bflag:$0x0] =	sbarrier.arrive $0xFFFF  }
0x53: {  	[tilespmem:s23], [sflag:$0x1] =	stream.indirect.gather [hbm4b:s4+s22], $0x40, s6, s22, $0xb8;
	[tilespmem:$0x1A220] =	vst v63  }
0x54: {  	s8 =	simm.s32 $0xA050;
	p0 =	por $0x1, $0x1  }
0x55: {  	[tilespmem:s25], [sflag:$0x2] =	stream.indirect.gather [hbm4b:s4+s22], $0x40, s8, s22, $0xb8;
	[tilespmem:$0x1A220] =	vst v63  }
0x56: {  	s9 =	simm.s32 $0xA0A0;
	p0 =	por p0, p0  }
0x57: {  	[tilespmem:s28], [sflag:$0x3] =	stream.indirect.gather [hbm4b:s4+s22], $0x40, s9, s22, $0xb8;
	[tilespmem:$0x1A220] =	vst v63  }
0x58: {  	s10 =	simm.s32 $0xA0F0;
	s0 =	simm.s32 @!p0 $0xD  }
0x59: {  	[tilespmem:s30], [sflag:$0x4] =	stream.indirect.gather [hbm4b:s4+s22], $0x40, s10, s22, $0xb8;
	[tilespmem:$0x1A220] =	vst v63  }
0x5a: {  	_ =	swait.ge @!p0 [sflag:s0], $0x1400  }
0x5b: {  	[sflag:s0] =	ssyncset.done @!p0 $0x0  }
0x5c: {  	s11 =	simm.s32 $0xA140;
	[sflag:s0] =	ssyncadd.s32 @!p0 $0xFFFFEC00;
	p0 =	por $0x0, $0x0  }
0x5d: {  	[tilespmem:s31], [sflag:$0x5] =	stream.indirect.gather [hbm4b:s4+s22], $0x40, s11, s22, $0xb8;
	[tilespmem:$0x1A220] =	vst v63  }
0x5e: {  	p1 =	por @!p0 $0x1, $0x1;
	_ =	swait.ge [sflag:s1], $0x1400  }
0x5f: {  	p1 =	por p1, p0;
	[sflag:s1] =	ssyncset.done $0x0  }
0x60: {  	s13 =	simm.s32 $0xC710;
	s5 =	simm.s32 @!p1 $0xE;
	[sflag:s1] =	ssyncadd.s32 $0xFFFFEC00  }
0x61: {  	[spmem:s2] =	stream.indirect.scatter.add.f32 [tilespmem:s23], [sflag:$0x9], $0x40, s13, s22, $0xb8;
	[tilespmem:$0x1A220] =	vst v63  }
0x62: {  	_ =	swait.ge @!p1 [sflag:s5], $0x1400  }
0x63: {  	s6 =	simm.s32 @!p0 $0xA190;
	s0 =	simm.s32 @!p0 $0x50;
	[sflag:s5] =	ssyncset.done @!p1 $0x0  }
0x64: {  	s3 =	simm.s32 @!p0 $0x15220;
	[sflag:s5] =	ssyncadd.s32 @!p1 $0xFFFFEC00;
	p1 =	por $0x0, $0x0  }
0x65: {  	[tilespmem:s3], [sflag:$0x6] =	stream.indirect.gather @!p0 [hbm4b:s4+s0], $0x40, s6, s0, $0xb8;
	[tilespmem:$0x1A220] =	vst v63  }
0x66: {  	p2 =	por @!p1 $0x1, $0x1;
	_ =	swait.ge [sflag:s18], $0x1400  }
0x67: {  	p2 =	por p2, p1;
	[sflag:s18] =	ssyncset.done $0x0  }
0x68: {  	s14 =	simm.s32 $0xC760;
	s6 =	simm.s32 @!p2 $0xF;
	[sflag:s18] =	ssyncadd.s32 $0xFFFFEC00  }
0x69: {  	[spmem:s2] =	stream.indirect.scatter.add.f32 [tilespmem:s25], [sflag:$0xA], $0x40, s14, s22, $0xb8;
	[tilespmem:$0x1A220] =	vst v63  }
0x6a: {  	_ =	swait.ge @!p2 [sflag:s6], $0x1400  }
0x6b: {  	s5 =	simm.s32 @!p1 $0xA1E0;
	s13 =	simm.s32 @!p1 $0x50;
	[sflag:s6] =	ssyncset.done @!p2 $0x0  }
0x6c: {  	s14 =	simm.s32 @!p1 $0x16620;
	[sflag:s6] =	ssyncadd.s32 @!p2 $0xFFFFEC00;
	p2 =	por $0x0, $0x0  }
0x6d: {  	[tilespmem:s14], [sflag:$0x7] =	stream.indirect.gather @!p1 [hbm4b:s4+s13], $0x40, s5, s13, $0xb8;
	[tilespmem:$0x1A220] =	vst v63  }
0x6e: {  	p1 =	por @!p2 $0x1, $0x1;
	_ =	swait.ge [sflag:s24], $0x1400  }
0x6f: {  	p1 =	por p1, p2;
	[sflag:s24] =	ssyncset.done $0x0  }
0x70: {  	s15 =	simm.s32 $0xC7B0;
	s6 =	simm.s32 @!p1 $0x10;
	[sflag:s24] =	ssyncadd.s32 $0xFFFFEC00  }
0x71: {  	[spmem:s2] =	stream.indirect.scatter.add.f32 [tilespmem:s28], [sflag:$0xB], $0x40, s15, s22, $0xb8;
	[tilespmem:$0x1A220] =	vst v63  }
0x72: {  	_ =	swait.ge @!p1 [sflag:s6], $0x1400  }
0x73: {  	s5 =	simm.s32 @!p2 $0xA230;
	[sflag:s6] =	ssyncset.done @!p1 $0x0  }
0x74: {  	s13 =	simm.s32 @!p2 $0x50;
	s14 =	simm.s32 @!p2 $0x17A20;
	[sflag:s6] =	ssyncadd.s32 @!p1 $0xFFFFEC00  }
0x75: {  	[tilespmem:s14], [sflag:$0x8] =	stream.indirect.gather @!p2 [hbm4b:s4+s13], $0x40, s5, s13, $0xb8;
	[tilespmem:$0x1A220] =	vst v63  }
0x76: {  	_ =	swait.ge [sflag:s26], $0x1400  }
0x77: {  	p1 =	por $0x0, $0x0;
	[sflag:s26] =	ssyncset.done $0x0  }
0x78: {  	s16 =	simm.s32 $0xC800;
	s6 =	simm.s32 @!p1 $0x9;
	[sflag:s26] =	ssyncadd.s32 $0xFFFFEC00  }
0x79: {  	[spmem:s2] =	stream.indirect.scatter.add.f32 [tilespmem:s30], [sflag:$0xC], $0x40, s16, s22, $0xb8;
	[tilespmem:$0x1A220] =	vst v63  }
0x7a: {  	_ =	swait.ge @!p1 [sflag:s6], $0x1400  }
0x7b: {  	s5 =	simm.s32 @!p1 $0xA280;
	[sflag:s6] =	ssyncset.done @!p1 $0x0  }
0x7c: {  	s13 =	simm.s32 @!p1 $0x50;
	s14 =	simm.s32 @!p1 $0xEE20;
	[sflag:s6] =	ssyncadd.s32 @!p1 $0xFFFFEC00  }
0x7d: {  	[tilespmem:s14], [sflag:$0x1] =	stream.indirect.gather @!p1 [hbm4b:s4+s13], $0x40, s5, s13, $0xb8;
	[tilespmem:$0x1A220] =	vst v63  }
0x7e: {  	_ =	swait.ge [sflag:s29], $0x1400  }
0x7f: {  	[sflag:s29] =	ssyncset.done $0x0  }
0x80: {  	s17 =	simm.s32 $0xC850;
	s6 =	simm.s32 @!p0 $0xA;
	[sflag:s29] =	ssyncadd.s32 $0xFFFFEC00  }
0x81: {  	[spmem:s2] =	stream.indirect.scatter.add.f32 [tilespmem:s31], [sflag:$0xD], $0x40, s17, s22, $0xb8;
	[tilespmem:$0x1A220] =	vst v63  }
0x82: {  	_ =	swait.ge @!p0 [sflag:s6], $0x1400  }
0x83: {  	s5 =	simm.s32 @!p0 $0xA2D0;
	[sflag:s6] =	ssyncset.done @!p0 $0x0  }
0x84: {  	s13 =	simm.s32 @!p0 $0x10220;
	[sflag:s6] =	ssyncadd.s32 @!p0 $0xFFFFEC00;
	s6 =	simm.s32 @!p0 $0x6  }
0x85: {  	[tilespmem:s13], [sflag:$0x2] =	stream.indirect.gather @!p0 [hbm4b:s4+s0], $0x40, s5, s0, $0xb8;
	[tilespmem:$0x1A220] =	vst v63  }
0x86: {  	p1 =	por @!p0 $0x0, $0x0;
	_ =	swait.ge @!p0 [sflag:s6], $0x1400  }
0x87: {  	p1 =	por p1, p0;
	[sflag:s6] =	ssyncset.done @!p0 $0x0  }
0x88: {  	s5 =	simm.s32 @!p0 $0xC8A0;
	[sflag:s6] =	ssyncadd.s32 @!p0 $0xFFFFEC00;
	s6 =	simm.s32 @!p1 $0xB  }
0x89: {  	[spmem:s2] =	stream.indirect.scatter.add.f32 @!p0 [tilespmem:s3], [sflag:$0xE], $0x40, s5, s0, $0xb8;
	[tilespmem:$0x1A220] =	vst v63  }
0x8a: {  	p3 =	por $0x0, $0x0;
	_ =	swait.ge @!p1 [sflag:s6], $0x1400  }
0x8b: {  	s0 =	simm.s32 @!p1 $0xA320;
	s3 =	simm.s32 @!p1 $0x50;
	[sflag:s6] =	ssyncset.done @!p1 $0x0  }
0x8c: {  	s5 =	simm.s32 @!p1 $0x11620;
	[sflag:s6] =	ssyncadd.s32 @!p1 $0xFFFFEC00;
	s6 =	simm.s32 @!p1 $0x7  }
0x8d: {  	[tilespmem:s5], [sflag:$0x3] =	stream.indirect.gather @!p1 [hbm4b:s4+s3], $0x40, s0, s3, $0xb8;
	[tilespmem:$0x1A220] =	vst v63  }
0x8e: {  	s15 =	simm.s32 $0x1400;
	p2 =	por @!p0 $0x0, $0x0;
	_ =	swait.ge @!p1 [sflag:s6], $0x1400  }
0x8f: {  	p2 =	por p2, p0;
	s0 =	simm.s32 @!p1 $0xC8F0;
	[sflag:s6] =	ssyncset.done @!p1 $0x0  }
0x90: {  	s5 =	simm.s32 @!p1 $0x16620;
	[sflag:s6] =	ssyncadd.s32 @!p1 $0xFFFFEC00;
	s6 =	simm.s32 @!p2 $0xC  }
0x91: {  	[spmem:s2] =	stream.indirect.scatter.add.f32 @!p1 [tilespmem:s5], [sflag:$0xF], $0x40, s0, s3, $0xb8;
	[tilespmem:$0x1A220] =	vst v63  }
0x92: {  	s14 =	simm.s32 $0xF;
	s17 =	simm.s32 @!p2 $0x17A20;
	_ =	swait.ge @!p2 [sflag:s6], $0x1400  }
0x93: {  	s3 =	simm.s32 @!p2 $0xA370;
	s0 =	simm.s32 @!p2 $0x50;
	[sflag:s6] =	ssyncset.done @!p2 $0x0  }
0x94: {  	s5 =	simm.s32 @!p2 $0x12A20;
	[sflag:s6] =	ssyncadd.s32 @!p2 $0xFFFFEC00;
	s6 =	simm.s32 @!p2 $0x8  }
0x95: {  	[tilespmem:s5], [sflag:$0x4] =	stream.indirect.gather @!p2 [hbm4b:s4+s0], $0x40, s3, s0, $0xb8;
	[tilespmem:$0x1A220] =	vst v63  }
0x96: {  	s13 =	simm.s32 $0xA00;
	p1 =	por p3, p3;
	_ =	swait.ge @!p2 [sflag:s6], $0x1400  }
0x97: {  	s3 =	simm.s32 @!p2 $0xC940;
	s5 =	simm.s32 @!p1 $0xD;
	[sflag:s6] =	ssyncset.done @!p2 $0x0  }
.LBB2_4:
0x98: {  	p5 =	seq.s32 s15, $0x0  }
0x99: {  	[sflag:s6] =	ssyncadd.s32 @!p2 $0xFFFFEC00;
	s16 =	smov.u32 s15;
	s15 =	sadd.s32 $0xA00, s15  }
0x9a: {  	[spmem:s2] =	stream.indirect.scatter.add.f32 @!p2 [tilespmem:s17], [sflag:$0x10], $0x40, s3, s0, $0xb8;
	[tilespmem:$0x1A220] =	vst v63  }
0x9b: {  	p0 =	sne.s32 s15, $0xA000  }
0x9c: {  	s0 =	simm.s32 @!p0 $0x0  }
0x9d: {  	s0 =	simm.s32 @p0 $0x1  }
0x9e: {  	[smem:$0x7FD] =	sst s0  }
0x9f: {  	_ =	swait.ge @!p1 [sflag:s5], $0x1400  }
0xa0: {  	s9 =	sadd.s32 $0xFFFFFFFE, s14;
	s0 =	sshra.s32 s13, $0x2;
	[sflag:s5] =	ssyncset.done @!p1 $0x0  }
0xa1: {  	p2 =	sgt.u32 s9, $0x7C;
	s8 =	sadd.s32 $0xA140, s0;
	[sflag:s5] =	ssyncadd.s32 @!p1 $0xFFFFEC00  }
0xa2: {  	[tilespmem:s31], [sflag:$0x5] =	stream.indirect.gather [hbm4b:s4+s22], $0x40, s8, s22, $0xb8;
	[tilespmem:$0x1A220] =	vst v63  }
0xa3: {  	p0 =	seq.s32 @!p2 s13, $0x0;
	_ =	swait.ge [sflag:s1], $0x1400  }
0xa4: {  	p1 =	por p0, p2;
	[sflag:s1] =	ssyncset.done $0x0  }
0xa5: {  	s10 =	sadd.s32 $0xC710, s0;
	s9 =	simm.s32 @!p1 $0xE;
	[sflag:s1] =	ssyncadd.s32 $0xFFFFEC00  }
0xa6: {  	[spmem:s2] =	stream.indirect.scatter.add.f32 [tilespmem:s23], [sflag:$0x9], $0x40, s10, s22, $0xb8;
	[tilespmem:$0x1A220] =	vst v63  }
0xa7: {  	s3 =	sshra.s32 @!p2 s13, $0x2;
	s6 =	simm.s32 @!p2 $0x15220;
	_ =	swait.ge @!p1 [sflag:s9], $0x1400  }
0xa8: {  	s5 =	simm.s32 @!p2 $0x50;
	s8 =	sadd.s32 $0xFFFFFFFF, s14;
	[sflag:s9] =	ssyncset.done @!p1 $0x0  }
0xa9: {  	p6 =	sgt.u32 s8, $0x7C;
	s10 =	sadd.s32 @!p2 $0xA190, s3;
	[sflag:s9] =	ssyncadd.s32 @!p1 $0xFFFFEC00  }
0xaa: {  	[tilespmem:s6], [sflag:$0x6] =	stream.indirect.gather @!p2 [hbm4b:s4+s5], $0x40, s10, s5, $0xb8;
	[tilespmem:$0x1A220] =	vst v63  }
0xab: {  	s11 =	sadd.s32 $0xC760, s0;
	p0 =	seq.s32 @!p6 s13, $0x0;
	_ =	swait.ge [sflag:s18], $0x1400  }
0xac: {  	p4 =	sgt.u32 @!p2 s8, $0x7C;
	p0 =	por p0, p6;
	[sflag:s18] =	ssyncset.done $0x0  }
0xad: {  	s8 =	sshra.s32 @!p6 s13, $0x2;
	s10 =	simm.s32 @!p0 $0xF;
	[sflag:s18] =	ssyncadd.s32 $0xFFFFEC00  }
0xae: {  	[spmem:s2] =	stream.indirect.scatter.add.f32 [tilespmem:s25], [sflag:$0xA], $0x40, s11, s22, $0xb8;
	[tilespmem:$0x1A220] =	vst v63  }
0xaf: {  	s8 =	sadd.s32 @!p6 $0xA1E0, s8;
	_ =	swait.ge @!p0 [sflag:s10], $0x1400  }
0xb0: {  	p1 =	por p5, p5;
	s9 =	simm.s32 @!p6 $0x50;
	[sflag:s10] =	ssyncset.done @!p0 $0x0  }
0xb1: {  	p5 =	sgt.u32 s14, $0x7C;
	s11 =	simm.s32 @!p6 $0x16620;
	[sflag:s10] =	ssyncadd.s32 @!p0 $0xFFFFEC00  }
0xb2: {  	[tilespmem:s11], [sflag:$0x7] =	stream.indirect.gather @!p6 [hbm4b:s4+s9], $0x40, s8, s9, $0xb8;
	[tilespmem:$0x1A220] =	vst v63  }
0xb3: {  	p0 =	seq.s32 @!p5 s13, $0x0;
	_ =	swait.ge [sflag:s24], $0x1400  }
0xb4: {  	p0 =	por p0, p5;
	[sflag:s24] =	ssyncset.done $0x0  }
0xb5: {  	s11 =	sadd.s32 $0xC7B0, s0;
	s10 =	simm.s32 @!p0 $0x10;
	[sflag:s24] =	ssyncadd.s32 $0xFFFFEC00  }
0xb6: {  	[spmem:s2] =	stream.indirect.scatter.add.f32 [tilespmem:s28], [sflag:$0xB], $0x40, s11, s22, $0xb8;
	[tilespmem:$0x1A220] =	vst v63  }
0xb7: {  	_ =	swait.ge @!p0 [sflag:s10], $0x1400  }
0xb8: {  	s8 =	sshra.s32 @!p5 s13, $0x2;
	s9 =	simm.s32 @!p5 $0x50;
	[sflag:s10] =	ssyncset.done @!p0 $0x0  }
0xb9: {  	s8 =	sadd.s32 @!p5 $0xA230, s8;
	s11 =	simm.s32 @!p5 $0x17A20;
	[sflag:s10] =	ssyncadd.s32 @!p0 $0xFFFFEC00  }
0xba: {  	[tilespmem:s11], [sflag:$0x8] =	stream.indirect.gather @!p5 [hbm4b:s4+s9], $0x40, s8, s9, $0xb8;
	[tilespmem:$0x1A220] =	vst v63  }
0xbb: {  	_ =	swait.ge [sflag:s26], $0x1400  }
0xbc: {  	p5 =	seq.s32 s13, $0x9600;
	[sflag:s26] =	ssyncset.done $0x0  }
0xbd: {  	s11 =	sadd.s32 $0xC800, s0;
	s9 =	simm.s32 @!p5 $0x9;
	[sflag:s26] =	ssyncadd.s32 $0xFFFFEC00  }
0xbe: {  	[spmem:s2] =	stream.indirect.scatter.add.f32 [tilespmem:s30], [sflag:$0xC], $0x40, s11, s22, $0xb8;
	[tilespmem:$0x1A220] =	vst v63  }
0xbf: {  	s10 =	sshra.s32 @!p5 s13, $0x2;
	_ =	swait.ge @!p5 [sflag:s9], $0x1400  }
0xc0: {  	s8 =	sadd.s32 @!p5 $0xA280, s10;
	[sflag:s9] =	ssyncset.done @!p5 $0x0  }
0xc1: {  	s10 =	simm.s32 @!p5 $0x50;
	s11 =	simm.s32 @!p5 $0xEE20;
	[sflag:s9] =	ssyncadd.s32 @!p5 $0xFFFFEC00  }
0xc2: {  	[tilespmem:s11], [sflag:$0x1] =	stream.indirect.gather @!p5 [hbm4b:s4+s10], $0x40, s8, s10, $0xb8;
	[tilespmem:$0x1A220] =	vst v63  }
0xc3: {  	_ =	swait.ge [sflag:s29], $0x1400  }
0xc4: {  	[sflag:s29] =	ssyncset.done $0x0  }
0xc5: {  	s0 =	sadd.s32 $0xC850, s0;
	s8 =	simm.s32 @!p2 $0xA;
	[sflag:s29] =	ssyncadd.s32 $0xFFFFEC00  }
0xc6: {  	[spmem:s2] =	stream.indirect.scatter.add.f32 [tilespmem:s31], [sflag:$0xD], $0x40, s0, s22, $0xb8;
	[tilespmem:$0x1A220] =	vst v63  }
0xc7: {  	_ =	swait.ge @!p2 [sflag:s8], $0x1400  }
0xc8: {  	s17 =	sadd.s32 @!p2 $0xA2D0, s3;
	[sflag:s8] =	ssyncset.done @!p2 $0x0  }
0xc9: {  	s0 =	simm.s32 @!p2 $0x10220;
	[sflag:s8] =	ssyncadd.s32 @!p2 $0xFFFFEC00;
	s8 =	simm.s32 @!p2 $0x6  }
0xca: {  	[tilespmem:s0], [sflag:$0x2] =	stream.indirect.gather @!p2 [hbm4b:s4+s5], $0x40, s17, s5, $0xb8;
	[tilespmem:$0x1A220] =	vst v63  }
0xcb: {  	_ =	swait.ge @!p2 [sflag:s8], $0x1400  }
0xcc: {  	p4 =	por p4, p2;
	s3 =	sadd.s32 @!p2 $0xC8A0, s3;
	[sflag:s8] =	ssyncset.done @!p2 $0x0  }
0xcd: {  	s0 =	simm.s32 @!p4 $0xB;
	[sflag:s8] =	ssyncadd.s32 @!p2 $0xFFFFEC00;
	s8 =	sshra.s32 @!p4 s13, $0x2  }
0xce: {  	[spmem:s2] =	stream.indirect.scatter.add.f32 @!p2 [tilespmem:s6], [sflag:$0xE], $0x40, s3, s5, $0xb8;
	[tilespmem:$0x1A220] =	vst v63  }
0xcf: {  	s3 =	sadd.s32 @!p4 $0xA320, s8;
	_ =	swait.ge @!p4 [sflag:s0], $0x1400  }
0xd0: {  	s5 =	sadd.s32 @!p4 $0xC8F0, s8;
	s6 =	simm.s32 @!p4 $0x50;
	[sflag:s0] =	ssyncset.done @!p4 $0x0  }
0xd1: {  	s8 =	simm.s32 @!p4 $0x11620;
	[sflag:s0] =	ssyncadd.s32 @!p4 $0xFFFFEC00;
	s0 =	simm.s32 @!p4 $0x7  }
0xd2: {  	[tilespmem:s8], [sflag:$0x3] =	stream.indirect.gather @!p4 [hbm4b:s4+s6], $0x40, s3, s6, $0xb8;
	[tilespmem:$0x1A220] =	vst v63  }
0xd3: {  	p3 =	sgt.u32 @!p2 s14, $0x7C;
	_ =	swait.ge @!p4 [sflag:s0], $0x1400  }
0xd4: {  	p2 =	por p3, p2;
	[sflag:s0] =	ssyncset.done @!p4 $0x0  }
0xd5: {  	s3 =	simm.s32 @!p4 $0x16620;
	s8 =	simm.s32 @!p2 $0xC;
	[sflag:s0] =	ssyncadd.s32 @!p4 $0xFFFFEC00  }
0xd6: {  	[spmem:s2] =	stream.indirect.scatter.add.f32 @!p4 [tilespmem:s3], [sflag:$0xF], $0x40, s5, s6, $0xb8;
	[tilespmem:$0x1A220] =	vst v63  }
0xd7: {  	s9 =	simm.s32 @!p2 $0x12A20;
	s0 =	sshra.s32 @!p2 s13, $0x2;
	_ =	swait.ge @!p2 [sflag:s8], $0x1400  }
0xd8: {  	s5 =	sadd.s32 @!p2 $0xA370, s0;
	s3 =	sadd.s32 @!p2 $0xC940, s0;
	[sflag:s8] =	ssyncset.done @!p2 $0x0  }
0xd9: {  	s0 =	simm.s32 @!p2 $0x50;
	s6 =	simm.s32 @!p2 $0x8;
	[sflag:s8] =	ssyncadd.s32 @!p2 $0xFFFFEC00  }
0xda: {  	[tilespmem:s9], [sflag:$0x4] =	stream.indirect.gather @!p2 [hbm4b:s4+s0], $0x40, s5, s0, $0xb8;
	[tilespmem:$0x1A220] =	vst v63  }
0xdb: {  	_ =	swait.ge @!p2 [sflag:s6], $0x1400  }
0xdc: {  	s13 =	smov.u32 s16;
	s16 =	sld [smem:$0x7FD];
	_ =	sdelay $0x2  }
0xdd: {  	p0 =	seq.s32 s16, $0x1  }
.Ltmp1:
0xde: {  	_ = 	snop;
	(pc) =	sbr.rel @p0 .LBB2_4-.Ltmp1, $3  }
0xdf: {  	_ =	sdelay $0x1  }
0xe0: {  	s14 =	sadd.s32 $0x8, s14  }
0xe1: {  	s17 =	simm.s32 @!p2 $0x17A20;
	s5 =	simm.s32 @!p1 $0xD;
	[sflag:s6] =	ssyncset.done @!p2 $0x0  }
0xe2: {  	[sflag:s6] =	ssyncadd.s32 @!p2 $0xFFFFEC00  }
0xe3: {  	[spmem:s2] =	stream.indirect.scatter.add.f32 @!p2 [tilespmem:s17], [sflag:$0x10], $0x40, s3, s0, $0xb8;
	[tilespmem:$0x1A220] =	vst v63  }
0xe4: {  	_ =	swait.ge @!p1 [sflag:s5], $0x1400  }
0xe5: {  	s8 =	sadd.s32 $0xFFFFFFFE, s14;
	s17 =	sshra.s32 s13, $0x2;
	[sflag:s5] =	ssyncset.done @!p1 $0x0  }
0xe6: {  	p0 =	sgt.u32 s8, $0x7C;
	s6 =	sadd.s32 $0xA140, s17;
	[sflag:s5] =	ssyncadd.s32 @!p1 $0xFFFFEC00  }
0xe7: {  	[tilespmem:s31], [sflag:$0x5] =	stream.indirect.gather [hbm4b:s4+s22], $0x40, s6, s22, $0xb8;
	[tilespmem:$0x1A220] =	vst v63  }
0xe8: {  	p1 =	seq.s32 @!p0 s13, $0x0;
	_ =	swait.ge [sflag:s1], $0x1400  }
0xe9: {  	p1 =	por p1, p0;
	[sflag:s1] =	ssyncset.done $0x0  }
0xea: {  	s9 =	sadd.s32 $0xC710, s17;
	s8 =	simm.s32 @!p1 $0xE;
	[sflag:s1] =	ssyncadd.s32 $0xFFFFEC00  }
0xeb: {  	[spmem:s2] =	stream.indirect.scatter.add.f32 [tilespmem:s23], [sflag:$0x9], $0x40, s9, s22, $0xb8;
	[tilespmem:$0x1A220] =	vst v63  }
0xec: {  	s15 =	sadd.s32 $0xFFFFFFFF, s14;
	s3 =	sshra.s32 @!p0 s13, $0x2;
	_ =	swait.ge @!p1 [sflag:s8], $0x1400  }
0xed: {  	s5 =	simm.s32 @!p0 $0x50;
	s6 =	simm.s32 @!p0 $0x15220;
	[sflag:s8] =	ssyncset.done @!p1 $0x0  }
0xee: {  	s9 =	sadd.s32 @!p0 $0xA190, s3;
	[sflag:s8] =	ssyncadd.s32 @!p1 $0xFFFFEC00;
	p1 =	sgt.u32 s15, $0x7C  }
0xef: {  	[tilespmem:s6], [sflag:$0x6] =	stream.indirect.gather @!p0 [hbm4b:s4+s5], $0x40, s9, s5, $0xb8;
	[tilespmem:$0x1A220] =	vst v63  }
0xf0: {  	p2 =	seq.s32 @!p1 s13, $0x0;
	_ =	swait.ge [sflag:s18], $0x1400  }
0xf1: {  	p2 =	por p2, p1;
	[sflag:s18] =	ssyncset.done $0x0  }
0xf2: {  	s10 =	sadd.s32 $0xC760, s17;
	s9 =	simm.s32 @!p2 $0xF;
	[sflag:s18] =	ssyncadd.s32 $0xFFFFEC00  }
0xf3: {  	[spmem:s2] =	stream.indirect.scatter.add.f32 [tilespmem:s25], [sflag:$0xA], $0x40, s10, s22, $0xb8;
	[tilespmem:$0x1A220] =	vst v63  }
0xf4: {  	s8 =	sshra.s32 @!p1 s13, $0x2;
	_ =	swait.ge @!p2 [sflag:s9], $0x1400  }
0xf5: {  	s8 =	sadd.s32 @!p1 $0xA1E0, s8;
	s10 =	simm.s32 @!p1 $0x50;
	[sflag:s9] =	ssyncset.done @!p2 $0x0  }
0xf6: {  	[sflag:s9] =	ssyncadd.s32 @!p2 $0xFFFFEC00;
	s9 =	simm.s32 @!p1 $0x16620;
	p2 =	sgt.u32 s14, $0x7C  }
0xf7: {  	[tilespmem:s9], [sflag:$0x7] =	stream.indirect.gather @!p1 [hbm4b:s4+s10], $0x40, s8, s10, $0xb8;
	[tilespmem:$0x1A220] =	vst v63  }
0xf8: {  	p1 =	seq.s32 @!p2 s13, $0x0;
	_ =	swait.ge [sflag:s24], $0x1400  }
0xf9: {  	p1 =	por p1, p2;
	[sflag:s24] =	ssyncset.done $0x0  }
0xfa: {  	s11 =	sadd.s32 $0xC7B0, s17;
	s9 =	simm.s32 @!p1 $0x10;
	[sflag:s24] =	ssyncadd.s32 $0xFFFFEC00  }
0xfb: {  	[spmem:s2] =	stream.indirect.scatter.add.f32 [tilespmem:s28], [sflag:$0xB], $0x40, s11, s22, $0xb8;
	[tilespmem:$0x1A220] =	vst v63  }
0xfc: {  	_ =	swait.ge @!p1 [sflag:s9], $0x1400  }
0xfd: {  	s8 =	sshra.s32 @!p2 s13, $0x2;
	s10 =	simm.s32 @!p2 $0x50;
	[sflag:s9] =	ssyncset.done @!p1 $0x0  }
0xfe: {  	s8 =	sadd.s32 @!p2 $0xA230, s8;
	[sflag:s9] =	ssyncadd.s32 @!p1 $0xFFFFEC00;
	s9 =	simm.s32 @!p2 $0x17A20  }
0xff: {  	[tilespmem:s9], [sflag:$0x8] =	stream.indirect.gather @!p2 [hbm4b:s4+s10], $0x40, s8, s10, $0xb8;
	[tilespmem:$0x1A220] =	vst v63  }
0x100: {  	_ =	swait.ge [sflag:s26], $0x1400  }
0x101: {  	p1 =	seq.s32 s13, $0x9600;
	[sflag:s26] =	ssyncset.done $0x0  }
0x102: {  	s16 =	sadd.s32 $0xC800, s17;
	s9 =	simm.s32 @!p1 $0x9;
	[sflag:s26] =	ssyncadd.s32 $0xFFFFEC00  }
0x103: {  	[spmem:s2] =	stream.indirect.scatter.add.f32 [tilespmem:s30], [sflag:$0xC], $0x40, s16, s22, $0xb8;
	[tilespmem:$0x1A220] =	vst v63  }
0x104: {  	_ =	swait.ge @!p1 [sflag:s9], $0x1400  }
0x105: {  	s8 =	sshra.s32 @!p1 s13, $0x2;
	s10 =	simm.s32 @!p1 $0x50;
	[sflag:s9] =	ssyncset.done @!p1 $0x0  }
0x106: {  	s8 =	sadd.s32 @!p1 $0xA280, s8;
	[sflag:s9] =	ssyncadd.s32 @!p1 $0xFFFFEC00;
	s9 =	simm.s32 @!p1 $0xEE20  }
0x107: {  	[tilespmem:s9], [sflag:$0x1] =	stream.indirect.gather @!p1 [hbm4b:s4+s10], $0x40, s8, s10, $0xb8;
	[tilespmem:$0x1A220] =	vst v63  }
0x108: {  	_ =	swait.ge [sflag:s29], $0x1400  }
0x109: {  	[sflag:s29] =	ssyncset.done $0x0  }
0x10a: {  	s0 =	sadd.s32 $0xC850, s17;
	s8 =	simm.s32 @!p0 $0xA;
	[sflag:s29] =	ssyncadd.s32 $0xFFFFEC00  }
0x10b: {  	[spmem:s2] =	stream.indirect.scatter.add.f32 [tilespmem:s31], [sflag:$0xD], $0x40, s0, s22, $0xb8;
	[tilespmem:$0x1A220] =	vst v63  }
0x10c: {  	_ =	swait.ge @!p0 [sflag:s8], $0x1400  }
0x10d: {  	[sflag:s8] =	ssyncset.done @!p0 $0x0  }
0x10e: {  	s0 =	sadd.s32 @!p0 $0xA2D0, s3;
	[sflag:s8] =	ssyncadd.s32 @!p0 $0xFFFFEC00;
	s8 =	simm.s32 @!p0 $0x10220  }
0x10f: {  	[tilespmem:s8], [sflag:$0x2] =	stream.indirect.gather @!p0 [hbm4b:s4+s5], $0x40, s0, s5, $0xb8;
	[tilespmem:$0x1A220] =	vst v63  }
0x110: {  	s0 =	simm.s32 @!p0 $0x6  }
0x111: {  	p1 =	sgt.u32 @!p0 s15, $0x7C;
	_ =	swait.ge @!p0 [sflag:s0], $0x1400  }
0x112: {  	p1 =	por p1, p0;
	[sflag:s0] =	ssyncset.done @!p0 $0x0  }
0x113: {  	s3 =	sadd.s32 @!p0 $0xC8A0, s3;
	[sflag:s0] =	ssyncadd.s32 @!p0 $0xFFFFEC00;
	s0 =	simm.s32 @!p1 $0xB  }
0x114: {  	[spmem:s2] =	stream.indirect.scatter.add.f32 @!p0 [tilespmem:s6], [sflag:$0xE], $0x40, s3, s5, $0xb8;
	[tilespmem:$0x1A220] =	vst v63  }
0x115: {  	_ =	swait.ge @!p1 [sflag:s0], $0x1400  }
0x116: {  	s3 =	sshra.s32 @!p1 s13, $0x2;
	s6 =	simm.s32 @!p1 $0x50;
	[sflag:s0] =	ssyncset.done @!p1 $0x0  }
0x117: {  	s5 =	sadd.s32 @!p1 $0xA320, s3;
	[sflag:s0] =	ssyncadd.s32 @!p1 $0xFFFFEC00;
	s0 =	simm.s32 @!p1 $0x11620  }
0x118: {  	[tilespmem:s0], [sflag:$0x3] =	stream.indirect.gather @!p1 [hbm4b:s4+s6], $0x40, s5, s6, $0xb8;
	[tilespmem:$0x1A220] =	vst v63  }
0x119: {  	s0 =	simm.s32 @!p1 $0x7  }
0x11a: {  	p2 =	sgt.u32 @!p0 s14, $0x7C;
	_ =	swait.ge @!p1 [sflag:s0], $0x1400  }
0x11b: {  	p0 =	por p2, p0;
	[sflag:s0] =	ssyncset.done @!p1 $0x0  }
0x11c: {  	s3 =	sadd.s32 @!p1 $0xC8F0, s3;
	[sflag:s0] =	ssyncadd.s32 @!p1 $0xFFFFEC00;
	s0 =	simm.s32 @!p1 $0x16620  }
0x11d: {  	[spmem:s2] =	stream.indirect.scatter.add.f32 @!p1 [tilespmem:s0], [sflag:$0xF], $0x40, s3, s6, $0xb8;
	[tilespmem:$0x1A220] =	vst v63  }
0x11e: {  	s0 =	simm.s32 @!p0 $0xC  }
0x11f: {  	_ =	swait.ge @!p0 [sflag:s0], $0x1400  }
0x120: {  	s3 =	sshra.s32 @!p0 s13, $0x2;
	s6 =	simm.s32 @!p0 $0x50;
	[sflag:s0] =	ssyncset.done @!p0 $0x0  }
0x121: {  	s5 =	sadd.s32 @!p0 $0xA370, s3;
	[sflag:s0] =	ssyncadd.s32 @!p0 $0xFFFFEC00;
	s0 =	simm.s32 @!p0 $0x12A20  }
0x122: {  	[tilespmem:s0], [sflag:$0x4] =	stream.indirect.gather @!p0 [hbm4b:s4+s6], $0x40, s5, s6, $0xb8;
	[tilespmem:$0x1A220] =	vst v63  }
0x123: {  	s0 =	simm.s32 @!p0 $0x8  }
0x124: {  	_ =	swait.ge @!p0 [sflag:s0], $0x1400  }
0x125: {  	s17 =	simm.s32 $0xE;
	[sflag:s0] =	ssyncset.done @!p0 $0x0  }
0x126: {  	s3 =	sadd.s32 @!p0 $0xC940, s3;
	[sflag:s0] =	ssyncadd.s32 @!p0 $0xFFFFEC00;
	s0 =	simm.s32 @!p0 $0x17A20  }
0x127: {  	[spmem:s2] =	stream.indirect.scatter.add.f32 @!p0 [tilespmem:s0], [sflag:$0x10], $0x40, s3, s6, $0xb8;
	[tilespmem:$0x1A220] =	vst v63  }
0x128: {  	_ =	swait.ge [sflag:s17], $0x1400  }
0x129: {  	[sflag:s17] =	ssyncset.done $0x0  }
0x12a: {  	s3 =	simm.s32 $0xF;
	[sflag:s17] =	ssyncadd.s32 $0xFFFFEC00  }
0x12b: {  	_ =	swait.ge [sflag:s3], $0x1400  }
0x12c: {  	[sflag:s3] =	ssyncset.done $0x0  }
0x12d: {  	s5 =	simm.s32 $0x10;
	[sflag:s3] =	ssyncadd.s32 $0xFFFFEC00  }
0x12e: {  	_ =	swait.ge [sflag:s5], $0x1400  }
0x12f: {  	[sflag:s5] =	ssyncset.done $0x0  }
0x130: {  	s6 =	simm.s32 $0x9;
	[sflag:s5] =	ssyncadd.s32 $0xFFFFEC00  }
0x131: {  	_ =	swait.ge [sflag:s6], $0x1400  }
0x132: {  	[sflag:s6] =	ssyncset.done $0x0  }
0x133: {  	s8 =	simm.s32 $0xA;
	[sflag:s6] =	ssyncadd.s32 $0xFFFFEC00  }
0x134: {  	_ =	swait.ge [sflag:s8], $0x1400  }
0x135: {  	[sflag:s8] =	ssyncset.done $0x0  }
0x136: {  	s9 =	simm.s32 $0xB;
	[sflag:s8] =	ssyncadd.s32 $0xFFFFEC00  }
0x137: {  	_ =	swait.ge [sflag:s9], $0x1400  }
0x138: {  	[sflag:s9] =	ssyncset.done $0x0  }
0x139: {  	s10 =	simm.s32 $0xC;
	[sflag:s9] =	ssyncadd.s32 $0xFFFFEC00  }
0x13a: {  	_ =	swait.ge [sflag:s10], $0x1400  }
0x13b: {  	[sflag:s10] =	ssyncset.done $0x0  }
0x13c: {  	s11 =	simm.s32 $0xD;
	[sflag:s10] =	ssyncadd.s32 $0xFFFFEC00  }
0x13d: {  	_ =	swait.ge [sflag:s11], $0x1400  }
0x13e: {  	[sflag:s11] =	ssyncset.done $0x0  }
0x13f: {  	s13 =	stileid.u32;
	[sflag:s11] =	ssyncadd.s32 $0xFFFFEC00  }
0x140: {  	s14 =	sshrl.u32 s7, $0x3;
	s0 =	sshll.u32 s13, $0x6;
	[bflag:$0x0] =	sbarrier.arrive $0xFFFF  }
0x141: {  	s16 =	simm.s32 $0x13;
	s0 =	sor.u32 $0x1C13, s0;
	s15 =	rddreg [dreg:$0xc]  }
0x142: {  	[hbm:s15], [sflag:s0] =	dma.local [spmem:s14], $0x1400  }
0x143: {  	_ =	swait.ge [sflag:s16], $0x1400  }
0x144: {  	s12 =	sadd.s32 $0x1, s12;
	s17 =	rddreg [dreg:$0xd]  }
0x145: {  	p0 =	sne.s32 s12, s17  }
.Ltmp2:
0x146: {  	_ = 	snop;
	(pc) =	sbr.rel @p0 .LBB2_1-.Ltmp2, $3  }
0x147: {  	_ =	sdelay $0x1  }
0x148: {  	[sflag:s16] =	ssyncset.done $0x0  }
0x149: {  	s6 =	simm.s32 $0xA000;
	[sflag:s16] =	ssyncadd.s32 $0xFFFFEC00  }
0x14a: {  	_ =	sfence.sel $0x180000  }
0x14b: {  	[bflag:$0x0] =	sbarrier.arrive $0xFFFF  }
0x14c: {  	_ =	strace $0x9000004D  }
0x14d: {  	s0 =	stileid.u32;
	[bflag:$0x2] =	sbarrier.arrive $0xFFFF  }
0x14e: {  	p0 =	sne.s32 s0, $0x0;
	s0 =	rddreg [dreg:$0x2]  }
0x14f: {  	s0 =	sadd.s32 @!p0 $0x100000, s0  }
0x150: {  	[sflag:s0] =	ssyncadd.tile.s32 @!p0 $0x1;
	_ =	shalt  }
.Lfunc_end2:
_tile_overlayer_lowered:
.L_overlay_start_2:
0x151: {  	(tag) =	ssettag $0x2  }
0x152: {  	s0 =	rddreg [dreg:$0x0];
	s2 =	stileid.u32  }
0x153: {  	s1 =	rddreg [dreg:$0x1];
	p0 =	sne.s32 s2, $0x0  }
0x154: {  	s3 =	rddreg [dreg:$0x2];
	[bflag:$0x3] =	sbarrier.arrive $0xFFFF;
	s2 =	simm.s32 @!p0 $0x1C13  }
0x155: {  	[timem:s3], [sflag:s2] =	dma.local @!p0 [hbm:s0], s1  }
0x156: {  	s0 =	simm.s32 @!p0 $0x13  }
0x157: {  	_ =	swait.ge @!p0 [sflag:s0], s1  }
0x158: {  	s1 =	ssub.s32 @!p0 $0x0, s1;
	[sflag:s0] =	ssyncset.done @!p0 $0x0  }
0x159: {  	[sflag:s0] =	ssyncadd.s32 @!p0 s1  }
0x15a: {  	[bflag:$0x3] =	sbarrier.arrive $0xFFFF  }
0x15b: {  	_ =	shalt  }

// kernel: kernel.9.cloned.1.call-start
scs
__scs_entry_jumppad:
0x0: {  	(pc) =	sbr.rel $0x88, $3  }
0x1: {  	(tag) =	ssettag $0x0;
	lr =	simm.s32 $0x1  }
0x2: {  	[smem:$0x3F94] =	sst lr;
	_ =	strace $0xD0000000  }
0x3: {  	_ = 	snop  }
0x4: {  	_ = 	snop  }
0x5: {  	_ = 	snop  }
0x6: {  	_ = 	snop  }
0x7: {  	_ = 	snop  }
__scs_overlays_trampoline_lowered:
0x8: {  	[smem:$0x3FA3] =	sst s0  }
0x9: {  	[smem:$0x3FA4] =	sst s1  }
0xa: {  	[smem:$0x3FA5] =	sst s2  }
0xb: {  	[smem:$0x3FA6] =	sst s3  }
0xc: {  	[smem:$0x3FA7] =	sst s4  }
0xd: {  	[smem:$0x3FA8] =	sst s5  }
0xe: {  	[smem:$0x3FA9] =	sst s6  }
0xf: {  	[smem:$0x3FAA] =	sst s7  }
0x10: {  	[smem:$0x3FAB] =	sst s8  }
0x11: {  	[smem:$0x3FAC] =	sst s9;
	s0 =	simm.s32 @!p0 $0x0  }
0x12: {  	s1 =	sld [smem:$0x3F92];
	s0 =	simm.s32 @p0 $0x1  }
0x13: {  	[smem:$0x3FAD] =	sst s0;
	s0 =	simm.s32 @!p1 $0x0  }
0x14: {  	s2 =	sld [smem:$0x3F91];
	s0 =	simm.s32 @p1 $0x1  }
0x15: {  	[smem:$0x3FAE] =	sst s0;
	s0 =	simm.s32 @!p2 $0x0  }
0x16: {  	s3 =	sld [smem:$0x3FDB];
	s0 =	simm.s32 @p2 $0x1  }
0x17: {  	s4 =	simm.s32 $0x1BF5;
	[smem:$0x3FB0] =	sst s0  }
0x18: {  	s0 =	sld [smem:$0x3F93];
	_ =	swait.ge [sflag:s4], $0x0  }
0x19: {  	s7 =	sld [smem:$0x3F94]  }
0x1a: {  	s8 =	sadd.s32 $0xFFFFE003, lr  }
0x1b: {  	s9 =	sadd.s32 $0xFFFFFEF7, lr;
	s5 =	simm.s32 $0xFFFFFFFF;
	p2 =	slt.u32 s8, $0xFFFFF086  }
0x1c: {  	p1 =	slt.u32 s9, $0xF7A;
	s5 =	simm.s32 @!p2 $0x0  }
0x1d: {  	s5 =	simm.s32 @p1 $0x1;
	p0 =	seq.s32 s7, s2  }
0x1e: {  	s7 =	smul.u32 @!p0 $0xF7A, s2;
	p2 =	seq.s32 @!p0 s5, $0x0  }
0x1f: {  	s9 =	smul.u32 $0xF7A, s1;
	s8 =	simm.s32 @!p0 $0x1BF5;
	p2 =	por !p2, p0  }
0x20: {  	[sflag:s8] =	ssyncset.s32 @!p0 $0xFFFFF086;
	s6 =	sadd.s32 @!p0 s3, s7;
	s7 =	simm.s32 @!p0 $0x108  }
0x21: {  	s3 =	sadd.s32 s3, s9;
	s6 =	sadd.s32 @!p0 $0x88, s6;
	s7 =	simm.s32 @p2 $0x1082  }
0x22: {  	[simem:s7], [sflag:s8] =	dma.local @!p0 [hbm:s6], $0xF7A  }
0x23: {  	s9 =	sor.u32 $0xD0000000, s2;
	s6 =	simm.s32 $0x108;
	_ =	swait.ge @!p0 [sflag:s8], $0x0  }
0x24: {  	s3 =	sadd.s32 $0x88, s3;
	s6 =	simm.s32 @!p1 $0x1082;
	[sflag:s4] =	ssyncset.s32 $0xFFFFF086  }
0x25: {  	[simem:s6], [sflag:s4] =	dma.local [hbm:s3], $0xF7A  }
0x26: {  	[smem:$0x3F94] =	sst s1;
	(tag) =	ssettag s2;
	_ =	strace s9  }
0x27: {  	s1 =	sld [smem:$0x3FA4]  }
0x28: {  	s2 =	sld [smem:$0x3FA5]  }
0x29: {  	s4 =	sld [smem:$0x3FA7]  }
0x2a: {  	p0 =	seq.s32 s5, $0x0;
	s5 =	sld [smem:$0x3FA8]  }
0x2b: {  	s6 =	sld [smem:$0x3FA9]  }
0x2c: {  	s7 =	sld [smem:$0x3FAA]  }
0x2d: {  	s3 =	simm.s32 $0x108;
	s8 =	sld [smem:$0x3FAB]  }
0x2e: {  	s3 =	simm.s32 @!p0 $0x1082;
	s9 =	sld [smem:$0x3FAC]  }
0x2f: {  	lr =	sadd.s32 s0, s3;
	s0 =	sld [smem:$0x3FA3]  }
0x30: {  	s3 =	sld [smem:$0x3FA6]  }
0x31: {  	[smem:$0x3FAF] =	sst s10  }
0x32: {  	s10 =	sld [smem:$0x3FAD];
	_ =	sdelay $0x3  }
0x33: {  	p0 =	seq.s32 s10, $0x1;
	s10 =	sld [smem:$0x3FAF];
	_ =	sdelay $0x3  }
0x34: {  	[smem:$0x3FAF] =	sst s10  }
0x35: {  	s10 =	sld [smem:$0x3FAE];
	_ =	sdelay $0x3  }
0x36: {  	p1 =	seq.s32 s10, $0x1;
	s10 =	sld [smem:$0x3FAF];
	_ =	sdelay $0x3  }
0x37: {  	[smem:$0x3FAF] =	sst s10  }
0x38: {  	s10 =	sld [smem:$0x3FB0]  }
0x39: {  	_ = 	snop;
	(pc) =	sbr.ind lr, $3  }
0x3a: {  	_ = 	snop  }
0x3b: {  	_ = 	snop  }
0x3c: {  	p2 =	seq.s32 s10, $0x1;
	s10 =	sld [smem:$0x3FAF]  }
0x3d: {  	_ =	shalt  }
0x3e: {  	_ =	shalt  }
0x3f: {  	_ =	shalt  }
0x40: {  	_ =	shalt  }
0x41: {  	_ =	shalt  }
0x42: {  	_ =	shalt  }
0x43: {  	_ =	shalt  }
0x44: {  	_ =	shalt  }
0x45: {  	_ =	shalt  }
0x46: {  	_ =	shalt  }
0x47: {  	_ =	shalt  }
0x48: {  	_ =	shalt  }
0x49: {  	_ =	shalt  }
0x4a: {  	_ =	shalt  }
0x4b: {  	_ =	shalt  }
0x4c: {  	_ =	shalt  }
0x4d: {  	_ =	shalt  }
0x4e: {  	_ =	shalt  }
0x4f: {  	_ =	shalt  }
0x50: {  	_ =	shalt  }
0x51: {  	_ =	shalt  }
0x52: {  	_ =	shalt  }
0x53: {  	_ =	shalt  }
0x54: {  	_ =	shalt  }
0x55: {  	_ =	shalt  }
0x56: {  	_ =	shalt  }
0x57: {  	_ =	shalt  }
0x58: {  	_ =	shalt  }
0x59: {  	_ =	shalt  }
0x5a: {  	_ =	shalt  }
0x5b: {  	_ =	shalt  }
0x5c: {  	_ =	shalt  }
0x5d: {  	_ =	shalt  }
0x5e: {  	_ =	shalt  }
0x5f: {  	_ =	shalt  }
0x60: {  	_ =	shalt  }
0x61: {  	_ =	shalt  }
0x62: {  	_ =	shalt  }
0x63: {  	_ =	shalt  }
0x64: {  	_ =	shalt  }
0x65: {  	_ =	shalt  }
0x66: {  	_ =	shalt  }
0x67: {  	_ =	shalt  }
0x68: {  	_ =	shalt  }
0x69: {  	_ =	shalt  }
0x6a: {  	_ =	shalt  }
0x6b: {  	_ =	shalt  }
0x6c: {  	_ =	shalt  }
0x6d: {  	_ =	shalt  }
0x6e: {  	_ =	shalt  }
0x6f: {  	_ =	shalt  }
0x70: {  	_ =	shalt  }
0x71: {  	_ =	shalt  }
0x72: {  	_ =	shalt  }
0x73: {  	_ =	shalt  }
0x74: {  	_ =	shalt  }
0x75: {  	_ =	shalt  }
0x76: {  	_ =	shalt  }
0x77: {  	_ =	shalt  }
0x78: {  	_ =	shalt  }
0x79: {  	_ =	shalt  }
0x7a: {  	_ =	shalt  }
0x7b: {  	_ =	shalt  }
0x7c: {  	_ =	shalt  }
0x7d: {  	_ =	shalt  }
0x7e: {  	_ =	shalt  }
0x7f: {  	_ =	shalt  }
0x80: {  	_ =	shalt  }
0x81: {  	_ =	shalt  }
0x82: {  	_ =	shalt  }
0x83: {  	_ =	shalt  }
0x84: {  	_ =	shalt  }
0x85: {  	_ =	shalt  }
0x86: {  	_ =	shalt  }
0x87: {  	_ =	shalt  }
.Lfunc_end0:
.L_simem_size_0:
called_computation_lowered:
.L_overlay_start_0:
0x88: {  	s2 =	sld [smem:$0x3FD9]  }
0x89: {  	s3 =	sld [smem:$0x3FFE];
	_ =	sdelay $0x1  }
0x8a: {  	s1 =	srdreg.scid  }
0x8b: {  	s0 =	sand.u32 $0x1, s1  }
0x8c: {  	s16 =	sshll.u32 s0, $0xA;
	s2 =	sadd.s32 s3, s2  }
0x8d: {  	s2 =	sadd.s32 s2, s16  }
0x8e: {  	[smem:$0x3FBB] =	sst s2  }
0x8f: {  	_ = 	snop  }
0x90: {  	(tm) =	ssettm $0x1  }
0x91: {  	s17 =	sld [smem:$0x3FFB];
	_ =	sdelay $0x3  }
0x92: {  	_ =	strace s17  }
0x93: {  	s2 =	sld [smem:$0x3FFC];
	_ =	sdelay $0x3  }
0x94: {  	_ =	strace s2  }
0x95: {  	s2 =	sld [smem:$0x3FFD];
	_ =	sdelay $0x3  }
0x96: {  	_ =	strace s2  }
0x97: {  	_ =	strace $0x8FFFFFFF  }
0x98: {  	s18 =	sld [smem:$0x3FDB];
	_ =	sdelay $0x1  }
0x99: {  	s19 =	simm.s32 $_scs_section_size  }
0x9a: {  	s4 =	simm.s32 $_size__tile_overlayer_lowered;
	s5 =	simm.s32 $_tile_overlayer_lowered  }
0x9b: {  	s22 =	simm.s32 $0x1BFF;
	s21 =	sshll.u32 s5, $0x1;
	s2 =	sadd.s32 s19, s18  }
0x9c: {  	s6 =	simm.s32 $0x0;
	s20 =	sshll.u32 s4, $0x1;
	s4 =	sadd.s32 s21, s2  }
0x9d: {  	[timem:s6], [sflag:s22] =	dma.local [hbm:s4], s20  }
0x9e: {  	_ =	swait.ge [sflag:s22], s20  }
0x9f: {  	s3 =	ssub.s32 $0x0, s20;
	[sflag:s22] =	ssyncset.done $0x0  }
0xa0: {  	[sflag:s22] =	ssyncadd.s32 s3;
	_ =	sdelay $0x1  }
0xa1: {  	s23 =	simm.s32 $0x1B8B  }
0xa2: {  	_ =	swait.ge [sflag:s23], $0x1  }
0xa3: {  	[sflag:s23] =	ssyncset.done $0x0  }
0xa4: {  	s25 =	simm.s32 $0x1B8E;
	s24 =	sld [smem:$0x3FFE];
	[sflag:s23] =	ssyncadd.s32 $0xFFFFFFFF  }
0xa5: {  	s26 =	simm.s32 $execute0_lowered;
	[smem:$0x3FD2] =	sst s25  }
0xa6: {  	s4 =	sshll.u32 s26, $0x1;
	_ =	strace $0x80000046;
	[dreg:$0x1] =	wrdreg $0xFFFFFFFF  }
0xa7: {  	s28 =	simm.s32 $_size_execute0_lowered;
	s2 =	sadd.s32 s2, s4;
	[dreg:$0x0] =	wrdreg $0x0  }
0xa8: {  	s4 =	sshll.u32 s28, $0x1;
	[dreg:$0x2] =	wrdreg s2  }
0xa9: {  	[dreg:$0x3] =	wrdreg s4  }
0xaa: {  	[dreg:$0x4] =	wrdreg $0xC0  }
0xab: {  	_ =	task [dreg:s6], $0x5FFFF  }
0xac: {  	[dreg:$0x1] =	wrdreg $0xFFFFFFFF  }
0xad: {  	[dreg:$0x0] =	wrdreg $0x60  }
0xae: {  	[dreg:$0x2] =	wrdreg s24  }
0xaf: {  	[dreg:$0x3] =	wrdreg $0x0  }
0xb0: {  	[dreg:$0x4] =	wrdreg $0x9  }
0xb1: {  	_ =	task.clear_ibuf [dreg:s6], $0x5FFFF;
	_ =	strace $0x90000046  }
0xb2: {  	s29 =	simm.s32 $0x9;
	_ =	strace $0x80000048  }
0xb3: {  	_ =	swait.ge [sflag:s29], $0x1  }
0xb4: {  	[sflag:s29] =	ssyncadd.s32 $0xFFFFFFFF  }
0xb5: {  	_ =	strace $0x90000048  }
0xb6: {  	_ =	sfence  }
0xb7: {  	s30 =	sld [smem:$0x0];
	_ =	sdelay $0x2  }
0xb8: {  	s31 =	sshll.u32 s1, $0xD;
	s1 =	sshrl.u32 s1, $0x2  }
0xb9: {  	s3 =	sand.u32 $0x4000, s31;
	s1 =	sadd.s32 s1, s30  }
0xba: {  	s0 =	sor.u32 s3, s0;
	s1 =	sshll.u32 s1, $0x11  }
0xbb: {  	s0 =	sor.u32 s1, s0  }
0xbc: {  	s0 =	sadd.s32 $0x8F2B, s0  }
0xbd: {  	[sflag:s0] =	ssyncadd.remote.s32 $0x1  }
0xbe: {  	_ =	sfence.sel $0xFFFF  }
0xbf: {  	[dreg:$0x0] =	wrdreg $0xFFFFFFFF;
	(pc) =	sbr.abs _section_cstart, $3  }
0xc0: {  	[dreg:$0x1] =	wrdreg $0xFFFFFFFF  }
0xc1: {  	_ =	task.clear_ibuf [dreg:s6], $0x2FFFF;
	_ =	strace $0x9FFFFFFF  }
0xc2: {  	(tm) =	ssettm $0x7FFFFFFF  }
0xc3: {  	_ =	shalt  }
tec
execute0_lowered:
.L_overlay_start_1:
0x0: {  	(tag) =	ssettag $0x1  }
0x1: {  	s0 =	srdreg.scid;
	s3 =	rddreg [dreg:$0x0]  }
0x2: {  	s7 =	stileid.u32;
	s2 =	rddreg [dreg:$0x1]  }
0x3: {  	s4 =	simm.s32 $0x0;
	s28 =	simm.s32 $0x14820;
	s30 =	simm.s32 $0x16120  }
0x4: {  	s31 =	simm.s32 $0x17A20;
	s29 =	simm.s32 $0x5;
	s12 =	simm.s32 $0x0  }
0x5: {  	s0 =	sand.u32 $0x1, s0;
	s5 =	smul.u32 $0xC800, s7;
	[smem:$0x7FF] =	sst s4  }
0x6: {  	s4 =	sadd.s32 $0x15E00, s3;
	s1 =	sshll.u32 s0, $0x4;
	s6 =	smul.u32 $0xC8000, s0  }
0x7: {  	s0 =	ssub.s32 $0x2, s0;
	s1 =	sor.u32 s7, s1;
	s7 =	smul.u32 $0x32000, s7  }
0x8: {  	_ =	strace $0x80000047;
	s8 =	sshrl.u32 s0, $0x1;
	s1 =	smul.u32 $0x2710, s1  }
0x9: {  	s6 =	sadd.s32 s5, s6;
	s0 =	ssub.s32 s0, s8;
	s17 =	sshrl.u32 s7, $0x2  }
0xa: {  	s6 =	sshrl.u32 s6, $0x3;
	s0 =	smax.u32 s0, $0x1;
	s19 =	sadd.s32 s17, s2  }
0xb: {  	s7 =	sadd.s32 s5, s2;
	[dreg:$0xd] =	wrdreg s0;
	s20 =	sadd.s32 $0x1900, s19  }
0xc: {  	s1 =	sshrl.u32 s1, $0x3;
	s21 =	sadd.s32 $0x3200, s19;
	[dreg:$0x5] =	wrdreg s20  }
0xd: {  	s1 =	sadd.s32 s1, s3;
	s22 =	sadd.s32 $0x4B00, s19;
	[dreg:$0x6] =	wrdreg s21  }
0xe: {  	s3 =	sadd.s32 s6, s3;
	s23 =	sadd.s32 $0x6400, s19;
	[dreg:$0x7] =	wrdreg s22  }
0xf: {  	s24 =	sadd.s32 $0x7D00, s19;
	s25 =	sadd.s32 $0x9600, s19;
	[dreg:$0x8] =	wrdreg s23  }
0x10: {  	s6 =	simm.s32 $0xC800;
	s18 =	sadd.s32 $0x2400, s1;
	[dreg:$0x9] =	wrdreg s24  }
0x11: {  	s1 =	sadd.s32 $0xC040, s1;
	[dreg:$0xa] =	wrdreg s25;
	s26 =	sadd.s32 $0x2E600, s3  }
0x12: {  	s20 =	simm.s32 $0x12;
	s21 =	simm.s32 $0x11;
	s22 =	simm.s32 $0x50  }
0x13: {  	s23 =	simm.s32 $0x11620;
	s25 =	simm.s32 $0x12F20;
	[dreg:$0x3] =	wrdreg s18  }
0x14: {  	s24 =	simm.s32 $0x3;
	[dreg:$0x4] =	wrdreg s1;
	s1 =	sadd.s32 $0xAF00, s19  }
0x15: {  	[dreg:$0xc] =	wrdreg s26;
	s19 =	simm.s32 $0x1DE20;
	s18 =	simm.s32 $0x2  }
0x16: {  	v0 =	vimm.f32 $0.0e+00;
	s26 =	simm.s32 $0x4;
	[dreg:$0xb] =	wrdreg s1;
	s1 =	simm.s32 $0x1  }
.LBB2_1:
0x17: {  	s0 =	simm.s32 $0x0;
	s3 =	rddreg [dreg:$0x3]  }
0x18: {  	[tilespmem:s6], [sflag:$0x11] =	stream.linear.gather [hbm4b:s3+s0], $0x2710, $0x38;
	[tilespmem:$0x1F720] =	vst v63  }
0x19: {  	s17 =	rddreg [dreg:$0x4];
	s5 =	simm.s32 $0xEF10  }
0x1a: {  	[tilespmem:s5], [sflag:$0x11] =	stream.linear.gather [hbm4b:s17+s0], $0x2710, $0x38;
	[tilespmem:$0x1F720] =	vst v63  }
0x1b: {  	s3 =	simm.s32 $0x140;
	s0 =	simm.s32 $0x0  }
.LBB2_2:
0x1c: {  	p0 =	sne.s32 s3, $0x62C0;
	[tilespmem:s0+$0x1DE60] =	vst v0;
	s5 =	smov.u32 s3;
	s3 =	sadd.s32 $0x140, s3  }
.Ltmp0:
0x1d: {  	[tilespmem:s0+$0x1DE50] =	vst v0;
	(pc) =	sbr.rel @p0 .LBB2_2-.Ltmp0, $4  }
0x1e: {  	[tilespmem:s0+$0x1DE40] =	vst v0  }
0x1f: {  	[tilespmem:s0+$0x1DE20] =	vst v0  }
0x20: {  	[tilespmem:s0+$0x1DE30] =	vst v0  }
0x21: {  	s0 =	sshra.s32 s5, $0x2  }
0x22: {  	[tilespmem:s0+$0x1DE60] =	vst v0  }
0x23: {  	[tilespmem:s0+$0x1DE50] =	vst v0  }
0x24: {  	[tilespmem:s0+$0x1DE40] =	vst v0  }
0x25: {  	[tilespmem:s0+$0x1DE20] =	vst v0  }
0x26: {  	[tilespmem:s0+$0x1DE30] =	vst v0  }
0x27: {  	[spmem:s7] =	stream.linear.scatter [tilespmem:s19], [sflag:$0x12], $0x1900, $0x38;
	[tilespmem:$0x1F720] =	vst v63  }
0x28: {  	s13 =	rddreg [dreg:$0x5]  }
0x29: {  	[spmem:s13] =	stream.linear.scatter [tilespmem:s19], [sflag:$0x12], $0x1900, $0x38;
	[tilespmem:$0x1F720] =	vst v63  }
0x2a: {  	s14 =	rddreg [dreg:$0x6]  }
0x2b: {  	[spmem:s14] =	stream.linear.scatter [tilespmem:s19], [sflag:$0x12], $0x1900, $0x38;
	[tilespmem:$0x1F720] =	vst v63  }
0x2c: {  	s15 =	rddreg [dreg:$0x7]  }
0x2d: {  	[spmem:s15] =	stream.linear.scatter [tilespmem:s19], [sflag:$0x12], $0x1900, $0x38;
	[tilespmem:$0x1F720] =	vst v63  }
0x2e: {  	s16 =	rddreg [dreg:$0x8]  }
0x2f: {  	[spmem:s16] =	stream.linear.scatter [tilespmem:s19], [sflag:$0x12], $0x1900, $0x38;
	[tilespmem:$0x1F720] =	vst v63  }
0x30: {  	s17 =	rddreg [dreg:$0x9]  }
0x31: {  	[spmem:s17] =	stream.linear.scatter [tilespmem:s19], [sflag:$0x12], $0x1900, $0x38;
	[tilespmem:$0x1F720] =	vst v63  }
0x32: {  	s3 =	rddreg [dreg:$0xa]  }
0x33: {  	[spmem:s3] =	stream.linear.scatter [tilespmem:s19], [sflag:$0x12], $0x1900, $0x38;
	[tilespmem:$0x1F720] =	vst v63  }
0x34: {  	s5 =	rddreg [dreg:$0xb]  }
0x35: {  	[spmem:s5] =	stream.linear.scatter [tilespmem:s19], [sflag:$0x12], $0x1900, $0x38;
	[tilespmem:$0x1F720] =	vst v63  }
0x36: {  	_ =	swait.ge [sflag:s20], $0x1900  }
0x37: {  	[sflag:s20] =	ssyncset.done $0x0  }
0x38: {  	[sflag:s20] =	ssyncadd.s32 $0xFFFFE700  }
0x39: {  	_ =	swait.ge [sflag:s20], $0x1900  }
0x3a: {  	[sflag:s20] =	ssyncset.done $0x0  }
0x3b: {  	[sflag:s20] =	ssyncadd.s32 $0xFFFFE700  }
0x3c: {  	_ =	swait.ge [sflag:s20], $0x1900  }
0x3d: {  	[sflag:s20] =	ssyncset.done $0x0  }
0x3e: {  	[sflag:s20] =	ssyncadd.s32 $0xFFFFE700  }
0x3f: {  	_ =	swait.ge [sflag:s20], $0x1900  }
0x40: {  	[sflag:s20] =	ssyncset.done $0x0  }
0x41: {  	[sflag:s20] =	ssyncadd.s32 $0xFFFFE700  }
0x42: {  	_ =	swait.ge [sflag:s20], $0x1900  }
0x43: {  	[sflag:s20] =	ssyncset.done $0x0  }
0x44: {  	[sflag:s20] =	ssyncadd.s32 $0xFFFFE700  }
0x45: {  	_ =	swait.ge [sflag:s20], $0x1900  }
0x46: {  	[sflag:s20] =	ssyncset.done $0x0  }
0x47: {  	[sflag:s20] =	ssyncadd.s32 $0xFFFFE700  }
0x48: {  	_ =	swait.ge [sflag:s20], $0x1900  }
0x49: {  	[sflag:s20] =	ssyncset.done $0x0  }
0x4a: {  	[sflag:s20] =	ssyncadd.s32 $0xFFFFE700  }
0x4b: {  	_ =	swait.ge [sflag:s20], $0x1900  }
0x4c: {  	[sflag:s20] =	ssyncset.done $0x0  }
0x4d: {  	[sflag:s20] =	ssyncadd.s32 $0xFFFFE700  }
0x4e: {  	_ =	swait.ge [sflag:s21], $0x2710  }
0x4f: {  	[sflag:s21] =	ssyncset.done $0x0  }
0x50: {  	[sflag:s21] =	ssyncadd.s32 $0xFFFFD8F0  }
0x51: {  	_ =	swait.ge [sflag:s21], $0x2710  }
0x52: {  	[sflag:s21] =	ssyncset.done $0x0  }
0x53: {  	[sflag:s21] =	ssyncadd.s32 $0xFFFFD8F0  }
0x54: {  	[bflag:$0x0] =	sbarrier.arrive $0xFFFF  }
0x55: {  	[tilespmem:s23], [sflag:$0x1] =	stream.indirect.gather [hbm4b:s4+s22], $0x50, s6, s22, $0xb8;
	[tilespmem:$0x1F720] =	vst v63  }
0x56: {  	s8 =	simm.s32 $0xC850;
	p0 =	por $0x1, $0x1  }
0x57: {  	[tilespmem:s25], [sflag:$0x2] =	stream.indirect.gather [hbm4b:s4+s22], $0x50, s8, s22, $0xb8;
	[tilespmem:$0x1F720] =	vst v63  }
0x58: {  	s9 =	simm.s32 $0xC8A0;
	p0 =	por p0, p0  }
0x59: {  	[tilespmem:s28], [sflag:$0x3] =	stream.indirect.gather [hbm4b:s4+s22], $0x50, s9, s22, $0xb8;
	[tilespmem:$0x1F720] =	vst v63  }
0x5a: {  	s10 =	simm.s32 $0xC8F0;
	s0 =	simm.s32 @!p0 $0xD  }
0x5b: {  	[tilespmem:s30], [sflag:$0x4] =	stream.indirect.gather [hbm4b:s4+s22], $0x50, s10, s22, $0xb8;
	[tilespmem:$0x1F720] =	vst v63  }
0x5c: {  	_ =	swait.ge @!p0 [sflag:s0], $0x1900  }
0x5d: {  	[sflag:s0] =	ssyncset.done @!p0 $0x0  }
0x5e: {  	s11 =	simm.s32 $0xC940;
	[sflag:s0] =	ssyncadd.s32 @!p0 $0xFFFFE700;
	p0 =	por $0x0, $0x0  }
0x5f: {  	[tilespmem:s31], [sflag:$0x5] =	stream.indirect.gather [hbm4b:s4+s22], $0x50, s11, s22, $0xb8;
	[tilespmem:$0x1F720] =	vst v63  }
0x60: {  	p1 =	por @!p0 $0x1, $0x1;
	_ =	swait.ge [sflag:s1], $0x1900  }
0x61: {  	p1 =	por p1, p0;
	[sflag:s1] =	ssyncset.done $0x0  }
0x62: {  	s13 =	simm.s32 $0xEF10;
	s5 =	simm.s32 @!p1 $0xE;
	[sflag:s1] =	ssyncadd.s32 $0xFFFFE700  }
0x63: {  	[spmem:s2] =	stream.indirect.scatter.add.f32 [tilespmem:s23], [sflag:$0x9], $0x50, s13, s22, $0xb8;
	[tilespmem:$0x1F720] =	vst v63  }
0x64: {  	_ =	swait.ge @!p1 [sflag:s5], $0x1900  }
0x65: {  	s6 =	simm.s32 @!p0 $0xC990;
	s0 =	simm.s32 @!p0 $0x50;
	[sflag:s5] =	ssyncset.done @!p1 $0x0  }
0x66: {  	s3 =	simm.s32 @!p0 $0x19320;
	[sflag:s5] =	ssyncadd.s32 @!p1 $0xFFFFE700;
	p1 =	por $0x0, $0x0  }
0x67: {  	[tilespmem:s3], [sflag:$0x6] =	stream.indirect.gather @!p0 [hbm4b:s4+s0], $0x50, s6, s0, $0xb8;
	[tilespmem:$0x1F720] =	vst v63  }
0x68: {  	p2 =	por @!p1 $0x1, $0x1;
	_ =	swait.ge [sflag:s18], $0x1900  }
0x69: {  	p2 =	por p2, p1;
	[sflag:s18] =	ssyncset.done $0x0  }
0x6a: {  	s14 =	simm.s32 $0xEF60;
	s6 =	simm.s32 @!p2 $0xF;
	[sflag:s18] =	ssyncadd.s32 $0xFFFFE700  }
0x6b: {  	[spmem:s2] =	stream.indirect.scatter.add.f32 [tilespmem:s25], [sflag:$0xA], $0x50, s14, s22, $0xb8;
	[tilespmem:$0x1F720] =	vst v63  }
0x6c: {  	_ =	swait.ge @!p2 [sflag:s6], $0x1900  }
0x6d: {  	s5 =	simm.s32 @!p1 $0xC9E0;
	s13 =	simm.s32 @!p1 $0x50;
	[sflag:s6] =	ssyncset.done @!p2 $0x0  }
0x6e: {  	s14 =	simm.s32 @!p1 $0x1AC20;
	[sflag:s6] =	ssyncadd.s32 @!p2 $0xFFFFE700;
	p2 =	por $0x0, $0x0  }
0x6f: {  	[tilespmem:s14], [sflag:$0x7] =	stream.indirect.gather @!p1 [hbm4b:s4+s13], $0x50, s5, s13, $0xb8;
	[tilespmem:$0x1F720] =	vst v63  }
0x70: {  	p1 =	por @!p2 $0x1, $0x1;
	_ =	swait.ge [sflag:s24], $0x1900  }
0x71: {  	p1 =	por p1, p2;
	[sflag:s24] =	ssyncset.done $0x0  }
0x72: {  	s15 =	simm.s32 $0xEFB0;
	s6 =	simm.s32 @!p1 $0x10;
	[sflag:s24] =	ssyncadd.s32 $0xFFFFE700  }
0x73: {  	[spmem:s2] =	stream.indirect.scatter.add.f32 [tilespmem:s28], [sflag:$0xB], $0x50, s15, s22, $0xb8;
	[tilespmem:$0x1F720] =	vst v63  }
0x74: {  	_ =	swait.ge @!p1 [sflag:s6], $0x1900  }
0x75: {  	s5 =	simm.s32 @!p2 $0xCA30;
	[sflag:s6] =	ssyncset.done @!p1 $0x0  }
0x76: {  	s13 =	simm.s32 @!p2 $0x50;
	s14 =	simm.s32 @!p2 $0x1C520;
	[sflag:s6] =	ssyncadd.s32 @!p1 $0xFFFFE700  }
0x77: {  	[tilespmem:s14], [sflag:$0x8] =	stream.indirect.gather @!p2 [hbm4b:s4+s13], $0x50, s5, s13, $0xb8;
	[tilespmem:$0x1F720] =	vst v63  }
0x78: {  	_ =	swait.ge [sflag:s26], $0x1900  }
0x79: {  	p1 =	por $0x0, $0x0;
	[sflag:s26] =	ssyncset.done $0x0  }
0x7a: {  	s16 =	simm.s32 $0xF000;
	s6 =	simm.s32 @!p1 $0x9;
	[sflag:s26] =	ssyncadd.s32 $0xFFFFE700  }
0x7b: {  	[spmem:s2] =	stream.indirect.scatter.add.f32 [tilespmem:s30], [sflag:$0xC], $0x50, s16, s22, $0xb8;
	[tilespmem:$0x1F720] =	vst v63  }
0x7c: {  	_ =	swait.ge @!p1 [sflag:s6], $0x1900  }
0x7d: {  	s5 =	simm.s32 @!p1 $0xCA80;
	[sflag:s6] =	ssyncset.done @!p1 $0x0  }
0x7e: {  	s13 =	simm.s32 @!p1 $0x50;
	s14 =	simm.s32 @!p1 $0x11620;
	[sflag:s6] =	ssyncadd.s32 @!p1 $0xFFFFE700  }
0x7f: {  	[tilespmem:s14], [sflag:$0x1] =	stream.indirect.gather @!p1 [hbm4b:s4+s13], $0x50, s5, s13, $0xb8;
	[tilespmem:$0x1F720] =	vst v63  }
0x80: {  	_ =	swait.ge [sflag:s29], $0x1900  }
0x81: {  	[sflag:s29] =	ssyncset.done $0x0  }
0x82: {  	s17 =	simm.s32 $0xF050;
	s6 =	simm.s32 @!p0 $0xA;
	[sflag:s29] =	ssyncadd.s32 $0xFFFFE700  }
0x83: {  	[spmem:s2] =	stream.indirect.scatter.add.f32 [tilespmem:s31], [sflag:$0xD], $0x50, s17, s22, $0xb8;
	[tilespmem:$0x1F720] =	vst v63  }
0x84: {  	_ =	swait.ge @!p0 [sflag:s6], $0x1900  }
0x85: {  	s5 =	simm.s32 @!p0 $0xCAD0;
	[sflag:s6] =	ssyncset.done @!p0 $0x0  }
0x86: {  	s13 =	simm.s32 @!p0 $0x12F20;
	[sflag:s6] =	ssyncadd.s32 @!p0 $0xFFFFE700;
	s6 =	simm.s32 @!p0 $0x6  }
0x87: {  	[tilespmem:s13], [sflag:$0x2] =	stream.indirect.gather @!p0 [hbm4b:s4+s0], $0x50, s5, s0, $0xb8;
	[tilespmem:$0x1F720] =	vst v63  }
0x88: {  	p1 =	por @!p0 $0x0, $0x0;
	_ =	swait.ge @!p0 [sflag:s6], $0x1900  }
0x89: {  	p1 =	por p1, p0;
	[sflag:s6] =	ssyncset.done @!p0 $0x0  }
0x8a: {  	s5 =	simm.s32 @!p0 $0xF0A0;
	[sflag:s6] =	ssyncadd.s32 @!p0 $0xFFFFE700;
	s6 =	simm.s32 @!p1 $0xB  }
0x8b: {  	[spmem:s2] =	stream.indirect.scatter.add.f32 @!p0 [tilespmem:s3], [sflag:$0xE], $0x50, s5, s0, $0xb8;
	[tilespmem:$0x1F720] =	vst v63  }
0x8c: {  	p3 =	por $0x0, $0x0;
	_ =	swait.ge @!p1 [sflag:s6], $0x1900  }
0x8d: {  	s0 =	simm.s32 @!p1 $0xCB20;
	s3 =	simm.s32 @!p1 $0x50;
	[sflag:s6] =	ssyncset.done @!p1 $0x0  }
0x8e: {  	s5 =	simm.s32 @!p1 $0x14820;
	[sflag:s6] =	ssyncadd.s32 @!p1 $0xFFFFE700;
	s6 =	simm.s32 @!p1 $0x7  }
0x8f: {  	[tilespmem:s5], [sflag:$0x3] =	stream.indirect.gather @!p1 [hbm4b:s4+s3], $0x50, s0, s3, $0xb8;
	[tilespmem:$0x1F720] =	vst v63  }
0x90: {  	s15 =	simm.s32 $0x1400;
	p2 =	por @!p0 $0x0, $0x0;
	_ =	swait.ge @!p1 [sflag:s6], $0x1900  }
0x91: {  	p2 =	por p2, p0;
	s0 =	simm.s32 @!p1 $0xF0F0;
	[sflag:s6] =	ssyncset.done @!p1 $0x0  }
0x92: {  	s5 =	simm.s32 @!p1 $0x1AC20;
	[sflag:s6] =	ssyncadd.s32 @!p1 $0xFFFFE700;
	s6 =	simm.s32 @!p2 $0xC  }
0x93: {  	[spmem:s2] =	stream.indirect.scatter.add.f32 @!p1 [tilespmem:s5], [sflag:$0xF], $0x50, s0, s3, $0xb8;
	[tilespmem:$0x1F720] =	vst v63  }
0x94: {  	s14 =	simm.s32 $0xF;
	s17 =	simm.s32 @!p2 $0x1C520;
	_ =	swait.ge @!p2 [sflag:s6], $0x1900  }
0x95: {  	s3 =	simm.s32 @!p2 $0xCB70;
	s0 =	simm.s32 @!p2 $0x50;
	[sflag:s6] =	ssyncset.done @!p2 $0x0  }
0x96: {  	s5 =	simm.s32 @!p2 $0x16120;
	[sflag:s6] =	ssyncadd.s32 @!p2 $0xFFFFE700;
	s6 =	simm.s32 @!p2 $0x8  }
0x97: {  	[tilespmem:s5], [sflag:$0x4] =	stream.indirect.gather @!p2 [hbm4b:s4+s0], $0x50, s3, s0, $0xb8;
	[tilespmem:$0x1F720] =	vst v63  }
0x98: {  	s13 =	simm.s32 $0xA00;
	p1 =	por p3, p3;
	_ =	swait.ge @!p2 [sflag:s6], $0x1900  }
0x99: {  	s3 =	simm.s32 @!p2 $0xF140;
	s5 =	simm.s32 @!p1 $0xD;
	[sflag:s6] =	ssyncset.done @!p2 $0x0  }
.LBB2_4:
0x9a: {  	p5 =	seq.s32 s15, $0x0  }
0x9b: {  	[sflag:s6] =	ssyncadd.s32 @!p2 $0xFFFFE700;
	s16 =	smov.u32 s15;
	s15 =	sadd.s32 $0xA00, s15  }
0x9c: {  	[spmem:s2] =	stream.indirect.scatter.add.f32 @!p2 [tilespmem:s17], [sflag:$0x10], $0x50, s3, s0, $0xb8;
	[tilespmem:$0x1F720] =	vst v63  }
0x9d: {  	p0 =	sne.s32 s15, $0xA000  }
0x9e: {  	s0 =	simm.s32 @!p0 $0x0  }
0x9f: {  	s0 =	simm.s32 @p0 $0x1  }
0xa0: {  	[smem:$0x7FD] =	sst s0  }
0xa1: {  	_ =	swait.ge @!p1 [sflag:s5], $0x1900  }
0xa2: {  	s9 =	sadd.s32 $0xFFFFFFFE, s14;
	s0 =	sshra.s32 s13, $0x2;
	[sflag:s5] =	ssyncset.done @!p1 $0x0  }
0xa3: {  	p2 =	sgt.u32 s9, $0x7C;
	s8 =	sadd.s32 $0xC940, s0;
	[sflag:s5] =	ssyncadd.s32 @!p1 $0xFFFFE700  }
0xa4: {  	[tilespmem:s31], [sflag:$0x5] =	stream.indirect.gather [hbm4b:s4+s22], $0x50, s8, s22, $0xb8;
	[tilespmem:$0x1F720] =	vst v63  }
0xa5: {  	p0 =	seq.s32 @!p2 s13, $0x0;
	_ =	swait.ge [sflag:s1], $0x1900  }
0xa6: {  	p1 =	por p0, p2;
	[sflag:s1] =	ssyncset.done $0x0  }
0xa7: {  	s10 =	sadd.s32 $0xEF10, s0;
	s9 =	simm.s32 @!p1 $0xE;
	[sflag:s1] =	ssyncadd.s32 $0xFFFFE700  }
0xa8: {  	[spmem:s2] =	stream.indirect.scatter.add.f32 [tilespmem:s23], [sflag:$0x9], $0x50, s10, s22, $0xb8;
	[tilespmem:$0x1F720] =	vst v63  }
0xa9: {  	s3 =	sshra.s32 @!p2 s13, $0x2;
	s6 =	simm.s32 @!p2 $0x19320;
	_ =	swait.ge @!p1 [sflag:s9], $0x1900  }
0xaa: {  	s5 =	simm.s32 @!p2 $0x50;
	s8 =	sadd.s32 $0xFFFFFFFF, s14;
	[sflag:s9] =	ssyncset.done @!p1 $0x0  }
0xab: {  	p6 =	sgt.u32 s8, $0x7C;
	s10 =	sadd.s32 @!p2 $0xC990, s3;
	[sflag:s9] =	ssyncadd.s32 @!p1 $0xFFFFE700  }
0xac: {  	[tilespmem:s6], [sflag:$0x6] =	stream.indirect.gather @!p2 [hbm4b:s4+s5], $0x50, s10, s5, $0xb8;
	[tilespmem:$0x1F720] =	vst v63  }
0xad: {  	s11 =	sadd.s32 $0xEF60, s0;
	p0 =	seq.s32 @!p6 s13, $0x0;
	_ =	swait.ge [sflag:s18], $0x1900  }
0xae: {  	p4 =	sgt.u32 @!p2 s8, $0x7C;
	p0 =	por p0, p6;
	[sflag:s18] =	ssyncset.done $0x0  }
0xaf: {  	s8 =	sshra.s32 @!p6 s13, $0x2;
	s10 =	simm.s32 @!p0 $0xF;
	[sflag:s18] =	ssyncadd.s32 $0xFFFFE700  }
0xb0: {  	[spmem:s2] =	stream.indirect.scatter.add.f32 [tilespmem:s25], [sflag:$0xA], $0x50, s11, s22, $0xb8;
	[tilespmem:$0x1F720] =	vst v63  }
0xb1: {  	s8 =	sadd.s32 @!p6 $0xC9E0, s8;
	_ =	swait.ge @!p0 [sflag:s10], $0x1900  }
0xb2: {  	p1 =	por p5, p5;
	s9 =	simm.s32 @!p6 $0x50;
	[sflag:s10] =	ssyncset.done @!p0 $0x0  }
0xb3: {  	p5 =	sgt.u32 s14, $0x7C;
	s11 =	simm.s32 @!p6 $0x1AC20;
	[sflag:s10] =	ssyncadd.s32 @!p0 $0xFFFFE700  }
0xb4: {  	[tilespmem:s11], [sflag:$0x7] =	stream.indirect.gather @!p6 [hbm4b:s4+s9], $0x50, s8, s9, $0xb8;
	[tilespmem:$0x1F720] =	vst v63  }
0xb5: {  	p0 =	seq.s32 @!p5 s13, $0x0;
	_ =	swait.ge [sflag:s24], $0x1900  }
0xb6: {  	p0 =	por p0, p5;
	[sflag:s24] =	ssyncset.done $0x0  }
0xb7: {  	s11 =	sadd.s32 $0xEFB0, s0;
	s10 =	simm.s32 @!p0 $0x10;
	[sflag:s24] =	ssyncadd.s32 $0xFFFFE700  }
0xb8: {  	[spmem:s2] =	stream.indirect.scatter.add.f32 [tilespmem:s28], [sflag:$0xB], $0x50, s11, s22, $0xb8;
	[tilespmem:$0x1F720] =	vst v63  }
0xb9: {  	_ =	swait.ge @!p0 [sflag:s10], $0x1900  }
0xba: {  	s8 =	sshra.s32 @!p5 s13, $0x2;
	s9 =	simm.s32 @!p5 $0x50;
	[sflag:s10] =	ssyncset.done @!p0 $0x0  }
0xbb: {  	s8 =	sadd.s32 @!p5 $0xCA30, s8;
	s11 =	simm.s32 @!p5 $0x1C520;
	[sflag:s10] =	ssyncadd.s32 @!p0 $0xFFFFE700  }
0xbc: {  	[tilespmem:s11], [sflag:$0x8] =	stream.indirect.gather @!p5 [hbm4b:s4+s9], $0x50, s8, s9, $0xb8;
	[tilespmem:$0x1F720] =	vst v63  }
0xbd: {  	_ =	swait.ge [sflag:s26], $0x1900  }
0xbe: {  	p5 =	seq.s32 s13, $0x9600;
	[sflag:s26] =	ssyncset.done $0x0  }
0xbf: {  	s11 =	sadd.s32 $0xF000, s0;
	s9 =	simm.s32 @!p5 $0x9;
	[sflag:s26] =	ssyncadd.s32 $0xFFFFE700  }
0xc0: {  	[spmem:s2] =	stream.indirect.scatter.add.f32 [tilespmem:s30], [sflag:$0xC], $0x50, s11, s22, $0xb8;
	[tilespmem:$0x1F720] =	vst v63  }
0xc1: {  	s10 =	sshra.s32 @!p5 s13, $0x2;
	_ =	swait.ge @!p5 [sflag:s9], $0x1900  }
0xc2: {  	s8 =	sadd.s32 @!p5 $0xCA80, s10;
	[sflag:s9] =	ssyncset.done @!p5 $0x0  }
0xc3: {  	s10 =	simm.s32 @!p5 $0x50;
	s11 =	simm.s32 @!p5 $0x11620;
	[sflag:s9] =	ssyncadd.s32 @!p5 $0xFFFFE700  }
0xc4: {  	[tilespmem:s11], [sflag:$0x1] =	stream.indirect.gather @!p5 [hbm4b:s4+s10], $0x50, s8, s10, $0xb8;
	[tilespmem:$0x1F720] =	vst v63  }
0xc5: {  	_ =	swait.ge [sflag:s29], $0x1900  }
0xc6: {  	[sflag:s29] =	ssyncset.done $0x0  }
0xc7: {  	s0 =	sadd.s32 $0xF050, s0;
	s8 =	simm.s32 @!p2 $0xA;
	[sflag:s29] =	ssyncadd.s32 $0xFFFFE700  }
0xc8: {  	[spmem:s2] =	stream.indirect.scatter.add.f32 [tilespmem:s31], [sflag:$0xD], $0x50, s0, s22, $0xb8;
	[tilespmem:$0x1F720] =	vst v63  }
0xc9: {  	_ =	swait.ge @!p2 [sflag:s8], $0x1900  }
0xca: {  	s17 =	sadd.s32 @!p2 $0xCAD0, s3;
	[sflag:s8] =	ssyncset.done @!p2 $0x0  }
0xcb: {  	s0 =	simm.s32 @!p2 $0x12F20;
	[sflag:s8] =	ssyncadd.s32 @!p2 $0xFFFFE700;
	s8 =	simm.s32 @!p2 $0x6  }
0xcc: {  	[tilespmem:s0], [sflag:$0x2] =	stream.indirect.gather @!p2 [hbm4b:s4+s5], $0x50, s17, s5, $0xb8;
	[tilespmem:$0x1F720] =	vst v63  }
0xcd: {  	_ =	swait.ge @!p2 [sflag:s8], $0x1900  }
0xce: {  	p4 =	por p4, p2;
	s3 =	sadd.s32 @!p2 $0xF0A0, s3;
	[sflag:s8] =	ssyncset.done @!p2 $0x0  }
0xcf: {  	s0 =	simm.s32 @!p4 $0xB;
	[sflag:s8] =	ssyncadd.s32 @!p2 $0xFFFFE700;
	s8 =	sshra.s32 @!p4 s13, $0x2  }
0xd0: {  	[spmem:s2] =	stream.indirect.scatter.add.f32 @!p2 [tilespmem:s6], [sflag:$0xE], $0x50, s3, s5, $0xb8;
	[tilespmem:$0x1F720] =	vst v63  }
0xd1: {  	s3 =	sadd.s32 @!p4 $0xCB20, s8;
	_ =	swait.ge @!p4 [sflag:s0], $0x1900  }
0xd2: {  	s5 =	sadd.s32 @!p4 $0xF0F0, s8;
	s6 =	simm.s32 @!p4 $0x50;
	[sflag:s0] =	ssyncset.done @!p4 $0x0  }
0xd3: {  	s8 =	simm.s32 @!p4 $0x14820;
	[sflag:s0] =	ssyncadd.s32 @!p4 $0xFFFFE700;
	s0 =	simm.s32 @!p4 $0x7  }
0xd4: {  	[tilespmem:s8], [sflag:$0x3] =	stream.indirect.gather @!p4 [hbm4b:s4+s6], $0x50, s3, s6, $0xb8;
	[tilespmem:$0x1F720] =	vst v63  }
0xd5: {  	p3 =	sgt.u32 @!p2 s14, $0x7C;
	_ =	swait.ge @!p4 [sflag:s0], $0x1900  }
0xd6: {  	p2 =	por p3, p2;
	[sflag:s0] =	ssyncset.done @!p4 $0x0  }
0xd7: {  	s3 =	simm.s32 @!p4 $0x1AC20;
	s8 =	simm.s32 @!p2 $0xC;
	[sflag:s0] =	ssyncadd.s32 @!p4 $0xFFFFE700  }
0xd8: {  	[spmem:s2] =	stream.indirect.scatter.add.f32 @!p4 [tilespmem:s3], [sflag:$0xF], $0x50, s5, s6, $0xb8;
	[tilespmem:$0x1F720] =	vst v63  }
0xd9: {  	s9 =	simm.s32 @!p2 $0x16120;
	s0 =	sshra.s32 @!p2 s13, $0x2;
	_ =	swait.ge @!p2 [sflag:s8], $0x1900  }
0xda: {  	s5 =	sadd.s32 @!p2 $0xCB70, s0;
	s3 =	sadd.s32 @!p2 $0xF140, s0;
	[sflag:s8] =	ssyncset.done @!p2 $0x0  }
0xdb: {  	s0 =	simm.s32 @!p2 $0x50;
	s6 =	simm.s32 @!p2 $0x8;
	[sflag:s8] =	ssyncadd.s32 @!p2 $0xFFFFE700  }
0xdc: {  	[tilespmem:s9], [sflag:$0x4] =	stream.indirect.gather @!p2 [hbm4b:s4+s0], $0x50, s5, s0, $0xb8;
	[tilespmem:$0x1F720] =	vst v63  }
0xdd: {  	_ =	swait.ge @!p2 [sflag:s6], $0x1900  }
0xde: {  	s13 =	smov.u32 s16;
	s16 =	sld [smem:$0x7FD];
	_ =	sdelay $0x2  }
0xdf: {  	p0 =	seq.s32 s16, $0x1  }
.Ltmp1:
0xe0: {  	_ = 	snop;
	(pc) =	sbr.rel @p0 .LBB2_4-.Ltmp1, $3  }
0xe1: {  	_ =	sdelay $0x1  }
0xe2: {  	s14 =	sadd.s32 $0x8, s14  }
0xe3: {  	s17 =	simm.s32 @!p2 $0x1C520;
	s5 =	simm.s32 @!p1 $0xD;
	[sflag:s6] =	ssyncset.done @!p2 $0x0  }
0xe4: {  	[sflag:s6] =	ssyncadd.s32 @!p2 $0xFFFFE700  }
0xe5: {  	[spmem:s2] =	stream.indirect.scatter.add.f32 @!p2 [tilespmem:s17], [sflag:$0x10], $0x50, s3, s0, $0xb8;
	[tilespmem:$0x1F720] =	vst v63  }
0xe6: {  	_ =	swait.ge @!p1 [sflag:s5], $0x1900  }
0xe7: {  	s8 =	sadd.s32 $0xFFFFFFFE, s14;
	s17 =	sshra.s32 s13, $0x2;
	[sflag:s5] =	ssyncset.done @!p1 $0x0  }
0xe8: {  	p0 =	sgt.u32 s8, $0x7C;
	s6 =	sadd.s32 $0xC940, s17;
	[sflag:s5] =	ssyncadd.s32 @!p1 $0xFFFFE700  }
0xe9: {  	[tilespmem:s31], [sflag:$0x5] =	stream.indirect.gather [hbm4b:s4+s22], $0x50, s6, s22, $0xb8;
	[tilespmem:$0x1F720] =	vst v63  }
0xea: {  	p1 =	seq.s32 @!p0 s13, $0x0;
	_ =	swait.ge [sflag:s1], $0x1900  }
0xeb: {  	p1 =	por p1, p0;
	[sflag:s1] =	ssyncset.done $0x0  }
0xec: {  	s9 =	sadd.s32 $0xEF10, s17;
	s8 =	simm.s32 @!p1 $0xE;
	[sflag:s1] =	ssyncadd.s32 $0xFFFFE700  }
0xed: {  	[spmem:s2] =	stream.indirect.scatter.add.f32 [tilespmem:s23], [sflag:$0x9], $0x50, s9, s22, $0xb8;
	[tilespmem:$0x1F720] =	vst v63  }
0xee: {  	s15 =	sadd.s32 $0xFFFFFFFF, s14;
	s3 =	sshra.s32 @!p0 s13, $0x2;
	_ =	swait.ge @!p1 [sflag:s8], $0x1900  }
0xef: {  	s5 =	simm.s32 @!p0 $0x50;
	s6 =	simm.s32 @!p0 $0x19320;
	[sflag:s8] =	ssyncset.done @!p1 $0x0  }
0xf0: {  	s9 =	sadd.s32 @!p0 $0xC990, s3;
	[sflag:s8] =	ssyncadd.s32 @!p1 $0xFFFFE700;
	p1 =	sgt.u32 s15, $0x7C  }
0xf1: {  	[tilespmem:s6], [sflag:$0x6] =	stream.indirect.gather @!p0 [hbm4b:s4+s5], $0x50, s9, s5, $0xb8;
	[tilespmem:$0x1F720] =	vst v63  }
0xf2: {  	p2 =	seq.s32 @!p1 s13, $0x0;
	_ =	swait.ge [sflag:s18], $0x1900  }
0xf3: {  	p2 =	por p2, p1;
	[sflag:s18] =	ssyncset.done $0x0  }
0xf4: {  	s10 =	sadd.s32 $0xEF60, s17;
	s9 =	simm.s32 @!p2 $0xF;
	[sflag:s18] =	ssyncadd.s32 $0xFFFFE700  }
0xf5: {  	[spmem:s2] =	stream.indirect.scatter.add.f32 [tilespmem:s25], [sflag:$0xA], $0x50, s10, s22, $0xb8;
	[tilespmem:$0x1F720] =	vst v63  }
0xf6: {  	s8 =	sshra.s32 @!p1 s13, $0x2;
	_ =	swait.ge @!p2 [sflag:s9], $0x1900  }
0xf7: {  	s8 =	sadd.s32 @!p1 $0xC9E0, s8;
	s10 =	simm.s32 @!p1 $0x50;
	[sflag:s9] =	ssyncset.done @!p2 $0x0  }
0xf8: {  	[sflag:s9] =	ssyncadd.s32 @!p2 $0xFFFFE700;
	s9 =	simm.s32 @!p1 $0x1AC20;
	p2 =	sgt.u32 s14, $0x7C  }
0xf9: {  	[tilespmem:s9], [sflag:$0x7] =	stream.indirect.gather @!p1 [hbm4b:s4+s10], $0x50, s8, s10, $0xb8;
	[tilespmem:$0x1F720] =	vst v63  }
0xfa: {  	p1 =	seq.s32 @!p2 s13, $0x0;
	_ =	swait.ge [sflag:s24], $0x1900  }
0xfb: {  	p1 =	por p1, p2;
	[sflag:s24] =	ssyncset.done $0x0  }
0xfc: {  	s11 =	sadd.s32 $0xEFB0, s17;
	s9 =	simm.s32 @!p1 $0x10;
	[sflag:s24] =	ssyncadd.s32 $0xFFFFE700  }
0xfd: {  	[spmem:s2] =	stream.indirect.scatter.add.f32 [tilespmem:s28], [sflag:$0xB], $0x50, s11, s22, $0xb8;
	[tilespmem:$0x1F720] =	vst v63  }
0xfe: {  	_ =	swait.ge @!p1 [sflag:s9], $0x1900  }
0xff: {  	s8 =	sshra.s32 @!p2 s13, $0x2;
	s10 =	simm.s32 @!p2 $0x50;
	[sflag:s9] =	ssyncset.done @!p1 $0x0  }
0x100: {  	s8 =	sadd.s32 @!p2 $0xCA30, s8;
	[sflag:s9] =	ssyncadd.s32 @!p1 $0xFFFFE700;
	s9 =	simm.s32 @!p2 $0x1C520  }
0x101: {  	[tilespmem:s9], [sflag:$0x8] =	stream.indirect.gather @!p2 [hbm4b:s4+s10], $0x50, s8, s10, $0xb8;
	[tilespmem:$0x1F720] =	vst v63  }
0x102: {  	_ =	swait.ge [sflag:s26], $0x1900  }
0x103: {  	p1 =	seq.s32 s13, $0x9600;
	[sflag:s26] =	ssyncset.done $0x0  }
0x104: {  	s16 =	sadd.s32 $0xF000, s17;
	s9 =	simm.s32 @!p1 $0x9;
	[sflag:s26] =	ssyncadd.s32 $0xFFFFE700  }
0x105: {  	[spmem:s2] =	stream.indirect.scatter.add.f32 [tilespmem:s30], [sflag:$0xC], $0x50, s16, s22, $0xb8;
	[tilespmem:$0x1F720] =	vst v63  }
0x106: {  	_ =	swait.ge @!p1 [sflag:s9], $0x1900  }
0x107: {  	s8 =	sshra.s32 @!p1 s13, $0x2;
	s10 =	simm.s32 @!p1 $0x50;
	[sflag:s9] =	ssyncset.done @!p1 $0x0  }
0x108: {  	s8 =	sadd.s32 @!p1 $0xCA80, s8;
	[sflag:s9] =	ssyncadd.s32 @!p1 $0xFFFFE700;
	s9 =	simm.s32 @!p1 $0x11620  }
0x109: {  	[tilespmem:s9], [sflag:$0x1] =	stream.indirect.gather @!p1 [hbm4b:s4+s10], $0x50, s8, s10, $0xb8;
	[tilespmem:$0x1F720] =	vst v63  }
0x10a: {  	_ =	swait.ge [sflag:s29], $0x1900  }
0x10b: {  	[sflag:s29] =	ssyncset.done $0x0  }
0x10c: {  	s0 =	sadd.s32 $0xF050, s17;
	s8 =	simm.s32 @!p0 $0xA;
	[sflag:s29] =	ssyncadd.s32 $0xFFFFE700  }
0x10d: {  	[spmem:s2] =	stream.indirect.scatter.add.f32 [tilespmem:s31], [sflag:$0xD], $0x50, s0, s22, $0xb8;
	[tilespmem:$0x1F720] =	vst v63  }
0x10e: {  	_ =	swait.ge @!p0 [sflag:s8], $0x1900  }
0x10f: {  	[sflag:s8] =	ssyncset.done @!p0 $0x0  }
0x110: {  	s0 =	sadd.s32 @!p0 $0xCAD0, s3;
	[sflag:s8] =	ssyncadd.s32 @!p0 $0xFFFFE700;
	s8 =	simm.s32 @!p0 $0x12F20  }
0x111: {  	[tilespmem:s8], [sflag:$0x2] =	stream.indirect.gather @!p0 [hbm4b:s4+s5], $0x50, s0, s5, $0xb8;
	[tilespmem:$0x1F720] =	vst v63  }
0x112: {  	s0 =	simm.s32 @!p0 $0x6  }
0x113: {  	p1 =	sgt.u32 @!p0 s15, $0x7C;
	_ =	swait.ge @!p0 [sflag:s0], $0x1900  }
0x114: {  	p1 =	por p1, p0;
	[sflag:s0] =	ssyncset.done @!p0 $0x0  }
0x115: {  	s3 =	sadd.s32 @!p0 $0xF0A0, s3;
	[sflag:s0] =	ssyncadd.s32 @!p0 $0xFFFFE700;
	s0 =	simm.s32 @!p1 $0xB  }
0x116: {  	[spmem:s2] =	stream.indirect.scatter.add.f32 @!p0 [tilespmem:s6], [sflag:$0xE], $0x50, s3, s5, $0xb8;
	[tilespmem:$0x1F720] =	vst v63  }
0x117: {  	_ =	swait.ge @!p1 [sflag:s0], $0x1900  }
0x118: {  	s3 =	sshra.s32 @!p1 s13, $0x2;
	s6 =	simm.s32 @!p1 $0x50;
	[sflag:s0] =	ssyncset.done @!p1 $0x0  }
0x119: {  	s5 =	sadd.s32 @!p1 $0xCB20, s3;
	[sflag:s0] =	ssyncadd.s32 @!p1 $0xFFFFE700;
	s0 =	simm.s32 @!p1 $0x14820  }
0x11a: {  	[tilespmem:s0], [sflag:$0x3] =	stream.indirect.gather @!p1 [hbm4b:s4+s6], $0x50, s5, s6, $0xb8;
	[tilespmem:$0x1F720] =	vst v63  }
0x11b: {  	s0 =	simm.s32 @!p1 $0x7  }
0x11c: {  	p2 =	sgt.u32 @!p0 s14, $0x7C;
	_ =	swait.ge @!p1 [sflag:s0], $0x1900  }
0x11d: {  	p0 =	por p2, p0;
	[sflag:s0] =	ssyncset.done @!p1 $0x0  }
0x11e: {  	s3 =	sadd.s32 @!p1 $0xF0F0, s3;
	[sflag:s0] =	ssyncadd.s32 @!p1 $0xFFFFE700;
	s0 =	simm.s32 @!p1 $0x1AC20  }
0x11f: {  	[spmem:s2] =	stream.indirect.scatter.add.f32 @!p1 [tilespmem:s0], [sflag:$0xF], $0x50, s3, s6, $0xb8;
	[tilespmem:$0x1F720] =	vst v63  }
0x120: {  	s0 =	simm.s32 @!p0 $0xC  }
0x121: {  	_ =	swait.ge @!p0 [sflag:s0], $0x1900  }
0x122: {  	s3 =	sshra.s32 @!p0 s13, $0x2;
	s6 =	simm.s32 @!p0 $0x50;
	[sflag:s0] =	ssyncset.done @!p0 $0x0  }
0x123: {  	s5 =	sadd.s32 @!p0 $0xCB70, s3;
	[sflag:s0] =	ssyncadd.s32 @!p0 $0xFFFFE700;
	s0 =	simm.s32 @!p0 $0x16120  }
0x124: {  	[tilespmem:s0], [sflag:$0x4] =	stream.indirect.gather @!p0 [hbm4b:s4+s6], $0x50, s5, s6, $0xb8;
	[tilespmem:$0x1F720] =	vst v63  }
0x125: {  	s0 =	simm.s32 @!p0 $0x8  }
0x126: {  	_ =	swait.ge @!p0 [sflag:s0], $0x1900  }
0x127: {  	s17 =	simm.s32 $0xE;
	[sflag:s0] =	ssyncset.done @!p0 $0x0  }
0x128: {  	s3 =	sadd.s32 @!p0 $0xF140, s3;
	[sflag:s0] =	ssyncadd.s32 @!p0 $0xFFFFE700;
	s0 =	simm.s32 @!p0 $0x1C520  }
0x129: {  	[spmem:s2] =	stream.indirect.scatter.add.f32 @!p0 [tilespmem:s0], [sflag:$0x10], $0x50, s3, s6, $0xb8;
	[tilespmem:$0x1F720] =	vst v63  }
0x12a: {  	_ =	swait.ge [sflag:s17], $0x1900  }
0x12b: {  	[sflag:s17] =	ssyncset.done $0x0  }
0x12c: {  	s3 =	simm.s32 $0xF;
	[sflag:s17] =	ssyncadd.s32 $0xFFFFE700  }
0x12d: {  	_ =	swait.ge [sflag:s3], $0x1900  }
0x12e: {  	[sflag:s3] =	ssyncset.done $0x0  }
0x12f: {  	s5 =	simm.s32 $0x10;
	[sflag:s3] =	ssyncadd.s32 $0xFFFFE700  }
0x130: {  	_ =	swait.ge [sflag:s5], $0x1900  }
0x131: {  	[sflag:s5] =	ssyncset.done $0x0  }
0x132: {  	s6 =	simm.s32 $0x9;
	[sflag:s5] =	ssyncadd.s32 $0xFFFFE700  }
0x133: {  	_ =	swait.ge [sflag:s6], $0x1900  }
0x134: {  	[sflag:s6] =	ssyncset.done $0x0  }
0x135: {  	s8 =	simm.s32 $0xA;
	[sflag:s6] =	ssyncadd.s32 $0xFFFFE700  }
0x136: {  	_ =	swait.ge [sflag:s8], $0x1900  }
0x137: {  	[sflag:s8] =	ssyncset.done $0x0  }
0x138: {  	s9 =	simm.s32 $0xB;
	[sflag:s8] =	ssyncadd.s32 $0xFFFFE700  }
0x139: {  	_ =	swait.ge [sflag:s9], $0x1900  }
0x13a: {  	[sflag:s9] =	ssyncset.done $0x0  }
0x13b: {  	s10 =	simm.s32 $0xC;
	[sflag:s9] =	ssyncadd.s32 $0xFFFFE700  }
0x13c: {  	_ =	swait.ge [sflag:s10], $0x1900  }
0x13d: {  	[sflag:s10] =	ssyncset.done $0x0  }
0x13e: {  	s11 =	simm.s32 $0xD;
	[sflag:s10] =	ssyncadd.s32 $0xFFFFE700  }
0x13f: {  	_ =	swait.ge [sflag:s11], $0x1900  }
0x140: {  	[sflag:s11] =	ssyncset.done $0x0  }
0x141: {  	s13 =	stileid.u32;
	[sflag:s11] =	ssyncadd.s32 $0xFFFFE700  }
0x142: {  	s14 =	sshrl.u32 s7, $0x3;
	s0 =	sshll.u32 s13, $0x6;
	[bflag:$0x0] =	sbarrier.arrive $0xFFFF  }
0x143: {  	s16 =	simm.s32 $0x13;
	s0 =	sor.u32 $0x1C13, s0;
	s15 =	rddreg [dreg:$0xc]  }
0x144: {  	[hbm:s15], [sflag:s0] =	dma.local [spmem:s14], $0x1900  }
0x145: {  	_ =	swait.ge [sflag:s16], $0x1900  }
0x146: {  	s12 =	sadd.s32 $0x1, s12;
	s17 =	rddreg [dreg:$0xd]  }
0x147: {  	p0 =	sne.s32 s12, s17  }
.Ltmp2:
0x148: {  	_ = 	snop;
	(pc) =	sbr.rel @p0 .LBB2_1-.Ltmp2, $3  }
0x149: {  	_ =	sdelay $0x1  }
0x14a: {  	[sflag:s16] =	ssyncset.done $0x0  }
0x14b: {  	s6 =	simm.s32 $0xC800;
	[sflag:s16] =	ssyncadd.s32 $0xFFFFE700  }
0x14c: {  	_ =	sfence.sel $0x180000  }
0x14d: {  	[bflag:$0x0] =	sbarrier.arrive $0xFFFF  }
0x14e: {  	_ =	strace $0x90000047  }
0x14f: {  	s0 =	stileid.u32;
	[bflag:$0x2] =	sbarrier.arrive $0xFFFF  }
0x150: {  	p0 =	sne.s32 s0, $0x0;
	s0 =	rddreg [dreg:$0x2]  }
0x151: {  	s0 =	sadd.s32 @!p0 $0x100000, s0  }
0x152: {  	[sflag:s0] =	ssyncadd.tile.s32 @!p0 $0x1;
	_ =	shalt  }
.Lfunc_end2:
_tile_overlayer_lowered:
.L_overlay_start_2:
0x153: {  	(tag) =	ssettag $0x2  }
0x154: {  	s0 =	rddreg [dreg:$0x0];
	s2 =	stileid.u32  }
0x155: {  	s1 =	rddreg [dreg:$0x1];
	p0 =	sne.s32 s2, $0x0  }
0x156: {  	s3 =	rddreg [dreg:$0x2];
	[bflag:$0x3] =	sbarrier.arrive $0xFFFF;
	s2 =	simm.s32 @!p0 $0x1C13  }
0x157: {  	[timem:s3], [sflag:s2] =	dma.local @!p0 [hbm:s0], s1  }
0x158: {  	s0 =	simm.s32 @!p0 $0x13  }
0x159: {  	_ =	swait.ge @!p0 [sflag:s0], s1  }
0x15a: {  	s1 =	ssub.s32 @!p0 $0x0, s1;
	[sflag:s0] =	ssyncset.done @!p0 $0x0  }
0x15b: {  	[sflag:s0] =	ssyncadd.s32 @!p0 s1  }
0x15c: {  	[bflag:$0x3] =	sbarrier.arrive $0xFFFF  }
0x15d: {  	_ =	shalt  }

</sc_bundles>
